<compile_context>
chip_gen: v7x
topology: tpu7x:2x2x1
jax: 0.10.2.dev20260603
libtpu: 0.0.44.dev20260713+nightly
codegen_flags: <defaults>
</compile_context>

<pallas_src>
import dataclasses
import functools

import jax
import jax.numpy as jnp
from jax import lax
from jax.experimental import pallas as pl
from jax.experimental.pallas import tpu as pltpu
from jax.experimental.pallas import tpu_sc as plsc

B = 4096
C = 6
E = 128
L = 16
NC = 2
NS = 16
NW = NC * NS
BPW = B // NW
NCH = 4
RPC = BPW // NCH
CPC = RPC * C
HALF = CPC // 2


def _dots_sc(target, ctx_flat, target_table, context_table):
  mesh = plsc.VectorSubcoreMesh(core_axis_name="c", subcore_axis_name="s")

  cp = pltpu.CompilerParams()
  if "needs_layout_passes" in pltpu.CompilerParams.__dataclass_fields__:
    cp = dataclasses.replace(cp, needs_layout_passes=False)

  @functools.partial(
      pl.kernel,
      compiler_params=cp,
      out_type=jax.ShapeDtypeStruct((C, B), jnp.float32),
      mesh=mesh,
      scratch_types=[
          pltpu.VMEM((BPW,), jnp.int32),
          pltpu.VMEM((BPW * C,), jnp.int32),
          pltpu.VMEM((2, RPC, E), jnp.float32),
          pltpu.VMEM((2, C, RPC, E), jnp.float32),
          pltpu.VMEM((C, BPW), jnp.float32),
          pltpu.SemaphoreType.DMA,
          pltpu.SemaphoreType.DMA,
      ],
  )
  def k(tgt_hbm, ctx_hbm, ttab_hbm, ctab_hbm, out_hbm,
        tidx_v, cidx_v, trows_v, crows_v, out_v, sem0, sem1):
    wid = lax.axis_index("c") * NS + lax.axis_index("s")
    base = wid * BPW
    sems = (sem0, sem1)

    pltpu.sync_copy(tgt_hbm.at[pl.ds(base, BPW)], tidx_v)
    for c in range(C):
      pltpu.sync_copy(ctx_hbm.at[c].at[pl.ds(base, BPW)],
                      cidx_v.at[pl.ds(c * BPW, BPW)])

    def fire(g, p):
      return [
          pltpu.async_copy(
              ttab_hbm.at[tidx_v.at[pl.ds(g * RPC, RPC)]],
              trows_v.at[p], sems[p]),
      ] + [
          pltpu.async_copy(
              ctab_hbm.at[cidx_v.at[pl.ds(c * BPW + g * RPC, RPC)]],
              crows_v.at[p].at[c], sems[p])
          for c in range(C)
      ]

    lanes = jax.lax.iota(jnp.int32, L)
    lane_mask = lanes < C

    inflight = fire(0, 0)
    for g in range(NCH):
      p = g % 2
      cur = inflight
      if g + 1 < NCH:
        inflight = fire(g + 1, (g + 1) % 2)
      for cpy in cur:
        cpy.wait()

      tbuf = trows_v.at[p]
      cbuf = crows_v.at[p]

      @pl.loop(0, RPC)
      def _(i):
        t = [tbuf[i, pl.ds(kk * L, L)] for kk in range(E // L)]
        res = jnp.zeros((L,), jnp.float32)
        for c in range(C):
          acc = t[0] * cbuf[c, i, pl.ds(0, L)]
          for kk in range(1, E // L):
            acc = acc + t[kk] * cbuf[c, i, pl.ds(kk * L, L)]
          res = jnp.where(lanes == c, jnp.sum(acc), res)
        orow = jnp.full((L,), g * RPC, jnp.int32) + i
        plsc.store_scatter(out_v, [lanes, orow], res, mask=lane_mask)

    pltpu.sync_copy(out_v, out_hbm.at[pl.ds(0, C), pl.ds(base, BPW)])

  return k(target, ctx_flat, target_table, context_table)


def kernel(target, context, target_table, context_table):
  return _dots_sc(target, context.T, target_table, context_table).T

# --- scband reference (transcript-rebuilt; emitter-appended) ---
"""Pipeline reference for scband-word2-vec-38122129719442 (READ-ONLY COPY).

The authoritative reference and input builder live on the scoring server;
editing this copy changes nothing except your own understanding.
"""

import jax, jax.numpy as jnp
import numpy as np

VOCAB = 100000
EMBED = 128
BATCH = 4096
CTX = 6  # num_neg_samples + 1

def setup_inputs(seed: int = 0) -> dict:
    key = jax.random.key(seed)
    k1, k2, k3, k4 = jax.random.split(key, 4)
    target = jax.random.randint(k1, (BATCH,), 0, VOCAB, dtype=jnp.int64 if jax.config.jax_enable_x64 else jnp.int32)
    context = jax.random.randint(k2, (BATCH, CTX), 0, VOCAB, dtype=jnp.int64 if jax.config.jax_enable_x64 else jnp.int32)
    # learned parameters: two embedding tables (keras default uniform init)
    target_table = jax.random.uniform(k3, (VOCAB, EMBED), dtype=jnp.float32, minval=-0.05, maxval=0.05)
    context_table = jax.random.uniform(k4, (VOCAB, EMBED), dtype=jnp.float32, minval=-0.05, maxval=0.05)
    return {"target": target, "context": context, "target_table": target_table, "context_table": context_table}

def reference(target, context, target_table, context_table):
    # target embedding lookup: [B] -> [B, E]
    target_embedding = jnp.take(target_table, target, axis=0)
    # context embedding lookup: [B, C] -> [B, C, E]
    context_embedding = jnp.take(context_table, context, axis=0)
    # dots: einsum 'be,bce->bc'
    dots = jnp.einsum('be,bce->bc', target_embedding, context_embedding)
    return dots

if __name__ == "__main__":
    import jax
    _d = setup_inputs()
    print(jax.jit(kernel)(*tuple(_d.values())))

</pallas_src>

<mosaic_0001>
#map = affine_map<(d0, d1) -> (0)>
#map1 = affine_map<(d0, d1) -> (0, 0)>
module attributes {stable_mosaic.version = 14 : i64} {
  func.func @k(%arg0: i32, %arg1: i32, %arg2: memref<4096xi32, #tpu.memory_space<hbm>>, %arg3: memref<6x4096xi32, #tpu.memory_space<hbm>>, %arg4: memref<100000x128xf32, #tpu.memory_space<hbm>>, %arg5: memref<100000x128xf32, #tpu.memory_space<hbm>>, %arg6: memref<6x4096xf32, #tpu.memory_space<hbm>>, %arg7: memref<128xi32, #tpu.memory_space<vmem>>, %arg8: memref<768xi32, #tpu.memory_space<vmem>>, %arg9: memref<2x32x128xf32, #tpu.memory_space<vmem>>, %arg10: memref<2x6x32x128xf32, #tpu.memory_space<vmem>>, %arg11: memref<6x128xf32, #tpu.memory_space<vmem>>, %arg12: memref<!tpu.dma_semaphore, #tpu.memory_space<semaphore_mem>>, %arg13: memref<!tpu.dma_semaphore, #tpu.memory_space<semaphore_mem>>) attributes {dimension_semantics = [#tpu.dimension_semantics<core_parallel>, #tpu.dimension_semantics<subcore_parallel>], iteration_bounds = array<i64: 2, 16>, scalar_prefetch = 0 : i64, scratch_operands = 7 : i64, tpu.core_type = #tpu.core_type<sc_vector_subcore>, window_params = [{transform_indices = #map}, {transform_indices = #map1}, {transform_indices = #map1}, {transform_indices = #map1}, {transform_indices = #map1}]} {
    %mul3A = arith.constant 16 : i32
    %mul3A_0 = arith.muli %arg0, %mul3A : i32
    %add3A = arith.addi %mul3A_0, %arg1 : i32
    %mul3A_1 = arith.constant 128 : i32
    %mul3A_2 = arith.muli %add3A, %mul3A_1 : i32
    "tpu.region"() ({
      %run_scoped3A_883 = tpu.sem_alloc : memref<!tpu.dma_semaphore, #tpu.memory_space<semaphore_mem>>
      %dma_start3A_884 = tpu.memref_slice %arg2[%mul3A_2] : memref<4096xi32, #tpu.memory_space<hbm>> -> memref<128xi32, #tpu.memory_space<hbm>>
      %dma_start3A_885 = tpu.memref_slice %arg2[%mul3A_2] : memref<4096xi32, #tpu.memory_space<hbm>> -> memref<128xi32, #tpu.memory_space<hbm>>
      tpu.enqueue_dma source(%dma_start3A_885 : memref<128xi32, #tpu.memory_space<hbm>>) target(%arg7 : memref<128xi32, #tpu.memory_space<vmem>>) target_semaphore(%run_scoped3A_883 : memref<!tpu.dma_semaphore, #tpu.memory_space<semaphore_mem>>)
      %dma_wait3A_886 = tpu.memref_slice %arg2[%mul3A_2] : memref<4096xi32, #tpu.memory_space<hbm>> -> memref<128xi32, #tpu.memory_space<hbm>>
      %dma_wait3A_887 = tpu.memref_slice %arg2[%mul3A_2] : memref<4096xi32, #tpu.memory_space<hbm>> -> memref<128xi32, #tpu.memory_space<hbm>>
      tpu.wait_dma2 semaphore(%run_scoped3A_883 : memref<!tpu.dma_semaphore, #tpu.memory_space<semaphore_mem>>) src(%dma_wait3A_887 : memref<128xi32, #tpu.memory_space<hbm>>) dst(%arg7 : memref<128xi32, #tpu.memory_space<vmem>>)
      tpu.yield
    }) : () -> ()
    %run_scoped3A = arith.constant 0 : i32
    "tpu.region"() ({
      %run_scoped3A_883 = tpu.sem_alloc : memref<!tpu.dma_semaphore, #tpu.memory_space<semaphore_mem>>
      %dma_start3A_884 = arith.constant 0 : i32
      %dma_start3A_885 = tpu.memref_slice %arg8[%dma_start3A_884] : memref<768xi32, #tpu.memory_space<vmem>> -> memref<128xi32, #tpu.memory_space<vmem>>
      %dma_start3A_886 = arith.constant 0 : i32
      %dma_start3A_887 = tpu.memref_slice %arg3[%run_scoped3A, %dma_start3A_886] : memref<6x4096xi32, #tpu.memory_space<hbm>> -> memref<1x4096xi32, #tpu.memory_space<hbm>>
      %dma_start3A_888 = tpu.memref_squeeze %dma_start3A_887 : memref<1x4096xi32, #tpu.memory_space<hbm>> -> memref<4096xi32, #tpu.memory_space<hbm>>
      %dma_start3A_889 = tpu.memref_slice %dma_start3A_888[%mul3A_2] : memref<4096xi32, #tpu.memory_space<hbm>> -> memref<128xi32, #tpu.memory_space<hbm>>
      %dma_start3A_890 = arith.constant 0 : i32
      %dma_start3A_891 = tpu.memref_slice %arg8[%dma_start3A_890] : memref<768xi32, #tpu.memory_space<vmem>> -> memref<128xi32, #tpu.memory_space<vmem>>
      %dma_start3A_892 = arith.constant 0 : i32
      %dma_start3A_893 = tpu.memref_slice %arg3[%run_scoped3A, %dma_start3A_892] : memref<6x4096xi32, #tpu.memory_space<hbm>> -> memref<1x4096xi32, #tpu.memory_space<hbm>>
      %dma_start3A_894 = tpu.memref_squeeze %dma_start3A_893 : memref<1x4096xi32, #tpu.memory_space<hbm>> -> memref<4096xi32, #tpu.memory_space<hbm>>
      %dma_start3A_895 = tpu.memref_slice %dma_start3A_894[%mul3A_2] : memref<4096xi32, #tpu.memory_space<hbm>> -> memref<128xi32, #tpu.memory_space<hbm>>
      tpu.enqueue_dma source(%dma_start3A_895 : memref<128xi32, #tpu.memory_space<hbm>>) target(%dma_start3A_891 : memref<128xi32, #tpu.memory_space<vmem>>) target_semaphore(%run_scoped3A_883 : memref<!tpu.dma_semaphore, #tpu.memory_space<semaphore_mem>>)
      %dma_wait3A_896 = arith.constant 0 : i32
      %dma_wait3A_897 = tpu.memref_slice %arg8[%dma_wait3A_896] : memref<768xi32, #tpu.memory_space<vmem>> -> memref<128xi32, #tpu.memory_space<vmem>>
      %dma_wait3A_898 = arith.constant 0 : i32
      %dma_wait3A_899 = tpu.memref_slice %arg3[%run_scoped3A, %dma_wait3A_898] : memref<6x4096xi32, #tpu.memory_space<hbm>> -> memref<1x4096xi32, #tpu.memory_space<hbm>>
      %dma_wait3A_900 = tpu.memref_squeeze %dma_wait3A_899 : memref<1x4096xi32, #tpu.memory_space<hbm>> -> memref<4096xi32, #tpu.memory_space<hbm>>
      %dma_wait3A_901 = tpu.memref_slice %dma_wait3A_900[%mul3A_2] : memref<4096xi32, #tpu.memory_space<hbm>> -> memref<128xi32, #tpu.memory_space<hbm>>
      %dma_wait3A_902 = arith.constant 0 : i32
      %dma_wait3A_903 = tpu.memref_slice %arg8[%dma_wait3A_902] : memref<768xi32, #tpu.memory_space<vmem>> -> memref<128xi32, #tpu.memory_space<vmem>>
      %dma_wait3A_904 = arith.constant 0 : i32
      %dma_wait3A_905 = tpu.memref_slice %arg3[%run_scoped3A, %dma_wait3A_904] : memref<6x4096xi32, #tpu.memory_space<hbm>> -> memref<1x4096xi32, #tpu.memory_space<hbm>>
      %dma_wait3A_906 = tpu.memref_squeeze %dma_wait3A_905 : memref<1x4096xi32, #tpu.memory_space<hbm>> -> memref<4096xi32, #tpu.memory_space<hbm>>
      %dma_wait3A_907 = tpu.memref_slice %dma_wait3A_906[%mul3A_2] : memref<4096xi32, #tpu.memory_space<hbm>> -> memref<128xi32, #tpu.memory_space<hbm>>
      tpu.wait_dma2 semaphore(%run_scoped3A_883 : memref<!tpu.dma_semaphore, #tpu.memory_space<semaphore_mem>>) src(%dma_wait3A_907 : memref<128xi32, #tpu.memory_space<hbm>>) dst(%dma_wait3A_903 : memref<128xi32, #tpu.memory_space<vmem>>)
      tpu.yield
    }) : () -> ()
    %run_scoped3A_3 = arith.constant 1 : i32
    "tpu.region"() ({
      %run_scoped3A_883 = tpu.sem_alloc : memref<!tpu.dma_semaphore, #tpu.memory_space<semaphore_mem>>
      %dma_start3A_884 = arith.constant 128 : i32
      %dma_start3A_885 = tpu.memref_slice %arg8[%dma_start3A_884] : memref<768xi32, #tpu.memory_space<vmem>> -> memref<128xi32, #tpu.memory_space<vmem>>
      %dma_start3A_886 = arith.constant 0 : i32
      %dma_start3A_887 = tpu.memref_slice %arg3[%run_scoped3A_3, %dma_start3A_886] : memref<6x4096xi32, #tpu.memory_space<hbm>> -> memref<1x4096xi32, #tpu.memory_space<hbm>>
      %dma_start3A_888 = tpu.memref_squeeze %dma_start3A_887 : memref<1x4096xi32, #tpu.memory_space<hbm>> -> memref<4096xi32, #tpu.memory_space<hbm>>
      %dma_start3A_889 = tpu.memref_slice %dma_start3A_888[%mul3A_2] : memref<4096xi32, #tpu.memory_space<hbm>> -> memref<128xi32, #tpu.memory_space<hbm>>
      %dma_start3A_890 = arith.constant 128 : i32
      %dma_start3A_891 = tpu.memref_slice %arg8[%dma_start3A_890] : memref<768xi32, #tpu.memory_space<vmem>> -> memref<128xi32, #tpu.memory_space<vmem>>
      %dma_start3A_892 = arith.constant 0 : i32
      %dma_start3A_893 = tpu.memref_slice %arg3[%run_scoped3A_3, %dma_start3A_892] : memref<6x4096xi32, #tpu.memory_space<hbm>> -> memref<1x4096xi32, #tpu.memory_space<hbm>>
      %dma_start3A_894 = tpu.memref_squeeze %dma_start3A_893 : memref<1x4096xi32, #tpu.memory_space<hbm>> -> memref<4096xi32, #tpu.memory_space<hbm>>
      %dma_start3A_895 = tpu.memref_slice %dma_start3A_894[%mul3A_2] : memref<4096xi32, #tpu.memory_space<hbm>> -> memref<128xi32, #tpu.memory_space<hbm>>
      tpu.enqueue_dma source(%dma_start3A_895 : memref<128xi32, #tpu.memory_space<hbm>>) target(%dma_start3A_891 : memref<128xi32, #tpu.memory_space<vmem>>) target_semaphore(%run_scoped3A_883 : memref<!tpu.dma_semaphore, #tpu.memory_space<semaphore_mem>>)
      %dma_wait3A_896 = arith.constant 128 : i32
      %dma_wait3A_897 = tpu.memref_slice %arg8[%dma_wait3A_896] : memref<768xi32, #tpu.memory_space<vmem>> -> memref<128xi32, #tpu.memory_space<vmem>>
      %dma_wait3A_898 = arith.constant 0 : i32
      %dma_wait3A_899 = tpu.memref_slice %arg3[%run_scoped3A_3, %dma_wait3A_898] : memref<6x4096xi32, #tpu.memory_space<hbm>> -> memref<1x4096xi32, #tpu.memory_space<hbm>>
      %dma_wait3A_900 = tpu.memref_squeeze %dma_wait3A_899 : memref<1x4096xi32, #tpu.memory_space<hbm>> -> memref<4096xi32, #tpu.memory_space<hbm>>
      %dma_wait3A_901 = tpu.memref_slice %dma_wait3A_900[%mul3A_2] : memref<4096xi32, #tpu.memory_space<hbm>> -> memref<128xi32, #tpu.memory_space<hbm>>
      %dma_wait3A_902 = arith.constant 128 : i32
      %dma_wait3A_903 = tpu.memref_slice %arg8[%dma_wait3A_902] : memref<768xi32, #tpu.memory_space<vmem>> -> memref<128xi32, #tpu.memory_space<vmem>>
      %dma_wait3A_904 = arith.constant 0 : i32
      %dma_wait3A_905 = tpu.memref_slice %arg3[%run_scoped3A_3, %dma_wait3A_904] : memref<6x4096xi32, #tpu.memory_space<hbm>> -> memref<1x4096xi32, #tpu.memory_space<hbm>>
      %dma_wait3A_906 = tpu.memref_squeeze %dma_wait3A_905 : memref<1x4096xi32, #tpu.memory_space<hbm>> -> memref<4096xi32, #tpu.memory_space<hbm>>
      %dma_wait3A_907 = tpu.memref_slice %dma_wait3A_906[%mul3A_2] : memref<4096xi32, #tpu.memory_space<hbm>> -> memref<128xi32, #tpu.memory_space<hbm>>
      tpu.wait_dma2 semaphore(%run_scoped3A_883 : memref<!tpu.dma_semaphore, #tpu.memory_space<semaphore_mem>>) src(%dma_wait3A_907 : memref<128xi32, #tpu.memory_space<hbm>>) dst(%dma_wait3A_903 : memref<128xi32, #tpu.memory_space<vmem>>)
      tpu.yield
    }) : () -> ()
    %run_scoped3A_4 = arith.constant 2 : i32
    "tpu.region"() ({
      %run_scoped3A_883 = tpu.sem_alloc : memref<!tpu.dma_semaphore, #tpu.memory_space<semaphore_mem>>
      %dma_start3A_884 = arith.constant 256 : i32
      %dma_start3A_885 = tpu.memref_slice %arg8[%dma_start3A_884] : memref<768xi32, #tpu.memory_space<vmem>> -> memref<128xi32, #tpu.memory_space<vmem>>
      %dma_start3A_886 = arith.constant 0 : i32
      %dma_start3A_887 = tpu.memref_slice %arg3[%run_scoped3A_4, %dma_start3A_886] : memref<6x4096xi32, #tpu.memory_space<hbm>> -> memref<1x4096xi32, #tpu.memory_space<hbm>>
      %dma_start3A_888 = tpu.memref_squeeze %dma_start3A_887 : memref<1x4096xi32, #tpu.memory_space<hbm>> -> memref<4096xi32, #tpu.memory_space<hbm>>
      %dma_start3A_889 = tpu.memref_slice %dma_start3A_888[%mul3A_2] : memref<4096xi32, #tpu.memory_space<hbm>> -> memref<128xi32, #tpu.memory_space<hbm>>
      %dma_start3A_890 = arith.constant 256 : i32
      %dma_start3A_891 = tpu.memref_slice %arg8[%dma_start3A_890] : memref<768xi32, #tpu.memory_space<vmem>> -> memref<128xi32, #tpu.memory_space<vmem>>
      %dma_start3A_892 = arith.constant 0 : i32
      %dma_start3A_893 = tpu.memref_slice %arg3[%run_scoped3A_4, %dma_start3A_892] : memref<6x4096xi32, #tpu.memory_space<hbm>> -> memref<1x4096xi32, #tpu.memory_space<hbm>>
      %dma_start3A_894 = tpu.memref_squeeze %dma_start3A_893 : memref<1x4096xi32, #tpu.memory_space<hbm>> -> memref<4096xi32, #tpu.memory_space<hbm>>
      %dma_start3A_895 = tpu.memref_slice %dma_start3A_894[%mul3A_2] : memref<4096xi32, #tpu.memory_space<hbm>> -> memref<128xi32, #tpu.memory_space<hbm>>
      tpu.enqueue_dma source(%dma_start3A_895 : memref<128xi32, #tpu.memory_space<hbm>>) target(%dma_start3A_891 : memref<128xi32, #tpu.memory_space<vmem>>) target_semaphore(%run_scoped3A_883 : memref<!tpu.dma_semaphore, #tpu.memory_space<semaphore_mem>>)
      %dma_wait3A_896 = arith.constant 256 : i32
      %dma_wait3A_897 = tpu.memref_slice %arg8[%dma_wait3A_896] : memref<768xi32, #tpu.memory_space<vmem>> -> memref<128xi32, #tpu.memory_space<vmem>>
      %dma_wait3A_898 = arith.constant 0 : i32
      %dma_wait3A_899 = tpu.memref_slice %arg3[%run_scoped3A_4, %dma_wait3A_898] : memref<6x4096xi32, #tpu.memory_space<hbm>> -> memref<1x4096xi32, #tpu.memory_space<hbm>>
      %dma_wait3A_900 = tpu.memref_squeeze %dma_wait3A_899 : memref<1x4096xi32, #tpu.memory_space<hbm>> -> memref<4096xi32, #tpu.memory_space<hbm>>
      %dma_wait3A_901 = tpu.memref_slice %dma_wait3A_900[%mul3A_2] : memref<4096xi32, #tpu.memory_space<hbm>> -> memref<128xi32, #tpu.memory_space<hbm>>
      %dma_wait3A_902 = arith.constant 256 : i32
      %dma_wait3A_903 = tpu.memref_slice %arg8[%dma_wait3A_902] : memref<768xi32, #tpu.memory_space<vmem>> -> memref<128xi32, #tpu.memory_space<vmem>>
      %dma_wait3A_904 = arith.constant 0 : i32
      %dma_wait3A_905 = tpu.memref_slice %arg3[%run_scoped3A_4, %dma_wait3A_904] : memref<6x4096xi32, #tpu.memory_space<hbm>> -> memref<1x4096xi32, #tpu.memory_space<hbm>>
      %dma_wait3A_906 = tpu.memref_squeeze %dma_wait3A_905 : memref<1x4096xi32, #tpu.memory_space<hbm>> -> memref<4096xi32, #tpu.memory_space<hbm>>
      %dma_wait3A_907 = tpu.memref_slice %dma_wait3A_906[%mul3A_2] : memref<4096xi32, #tpu.memory_space<hbm>> -> memref<128xi32, #tpu.memory_space<hbm>>
      tpu.wait_dma2 semaphore(%run_scoped3A_883 : memref<!tpu.dma_semaphore, #tpu.memory_space<semaphore_mem>>) src(%dma_wait3A_907 : memref<128xi32, #tpu.memory_space<hbm>>) dst(%dma_wait3A_903 : memref<128xi32, #tpu.memory_space<vmem>>)
      tpu.yield
    }) : () -> ()
    %run_scoped3A_5 = arith.constant 3 : i32
    "tpu.region"() ({
      %run_scoped3A_883 = tpu.sem_alloc : memref<!tpu.dma_semaphore, #tpu.memory_space<semaphore_mem>>
      %dma_start3A_884 = arith.constant 384 : i32
      %dma_start3A_885 = tpu.memref_slice %arg8[%dma_start3A_884] : memref<768xi32, #tpu.memory_space<vmem>> -> memref<128xi32, #tpu.memory_space<vmem>>
      %dma_start3A_886 = arith.constant 0 : i32
      %dma_start3A_887 = tpu.memref_slice %arg3[%run_scoped3A_5, %dma_start3A_886] : memref<6x4096xi32, #tpu.memory_space<hbm>> -> memref<1x4096xi32, #tpu.memory_space<hbm>>
      %dma_start3A_888 = tpu.memref_squeeze %dma_start3A_887 : memref<1x4096xi32, #tpu.memory_space<hbm>> -> memref<4096xi32, #tpu.memory_space<hbm>>
      %dma_start3A_889 = tpu.memref_slice %dma_start3A_888[%mul3A_2] : memref<4096xi32, #tpu.memory_space<hbm>> -> memref<128xi32, #tpu.memory_space<hbm>>
      %dma_start3A_890 = arith.constant 384 : i32
      %dma_start3A_891 = tpu.memref_slice %arg8[%dma_start3A_890] : memref<768xi32, #tpu.memory_space<vmem>> -> memref<128xi32, #tpu.memory_space<vmem>>
      %dma_start3A_892 = arith.constant 0 : i32
      %dma_start3A_893 = tpu.memref_slice %arg3[%run_scoped3A_5, %dma_start3A_892] : memref<6x4096xi32, #tpu.memory_space<hbm>> -> memref<1x4096xi32, #tpu.memory_space<hbm>>
      %dma_start3A_894 = tpu.memref_squeeze %dma_start3A_893 : memref<1x4096xi32, #tpu.memory_space<hbm>> -> memref<4096xi32, #tpu.memory_space<hbm>>
      %dma_start3A_895 = tpu.memref_slice %dma_start3A_894[%mul3A_2] : memref<4096xi32, #tpu.memory_space<hbm>> -> memref<128xi32, #tpu.memory_space<hbm>>
      tpu.enqueue_dma source(%dma_start3A_895 : memref<128xi32, #tpu.memory_space<hbm>>) target(%dma_start3A_891 : memref<128xi32, #tpu.memory_space<vmem>>) target_semaphore(%run_scoped3A_883 : memref<!tpu.dma_semaphore, #tpu.memory_space<semaphore_mem>>)
      %dma_wait3A_896 = arith.constant 384 : i32
      %dma_wait3A_897 = tpu.memref_slice %arg8[%dma_wait3A_896] : memref<768xi32, #tpu.memory_space<vmem>> -> memref<128xi32, #tpu.memory_space<vmem>>
      %dma_wait3A_898 = arith.constant 0 : i32
      %dma_wait3A_899 = tpu.memref_slice %arg3[%run_scoped3A_5, %dma_wait3A_898] : memref<6x4096xi32, #tpu.memory_space<hbm>> -> memref<1x4096xi32, #tpu.memory_space<hbm>>
      %dma_wait3A_900 = tpu.memref_squeeze %dma_wait3A_899 : memref<1x4096xi32, #tpu.memory_space<hbm>> -> memref<4096xi32, #tpu.memory_space<hbm>>
      %dma_wait3A_901 = tpu.memref_slice %dma_wait3A_900[%mul3A_2] : memref<4096xi32, #tpu.memory_space<hbm>> -> memref<128xi32, #tpu.memory_space<hbm>>
      %dma_wait3A_902 = arith.constant 384 : i32
      %dma_wait3A_903 = tpu.memref_slice %arg8[%dma_wait3A_902] : memref<768xi32, #tpu.memory_space<vmem>> -> memref<128xi32, #tpu.memory_space<vmem>>
      %dma_wait3A_904 = arith.constant 0 : i32
      %dma_wait3A_905 = tpu.memref_slice %arg3[%run_scoped3A_5, %dma_wait3A_904] : memref<6x4096xi32, #tpu.memory_space<hbm>> -> memref<1x4096xi32, #tpu.memory_space<hbm>>
      %dma_wait3A_906 = tpu.memref_squeeze %dma_wait3A_905 : memref<1x4096xi32, #tpu.memory_space<hbm>> -> memref<4096xi32, #tpu.memory_space<hbm>>
      %dma_wait3A_907 = tpu.memref_slice %dma_wait3A_906[%mul3A_2] : memref<4096xi32, #tpu.memory_space<hbm>> -> memref<128xi32, #tpu.memory_space<hbm>>
      tpu.wait_dma2 semaphore(%run_scoped3A_883 : memref<!tpu.dma_semaphore, #tpu.memory_space<semaphore_mem>>) src(%dma_wait3A_907 : memref<128xi32, #tpu.memory_space<hbm>>) dst(%dma_wait3A_903 : memref<128xi32, #tpu.memory_space<vmem>>)
      tpu.yield
    }) : () -> ()
    %run_scoped3A_6 = arith.constant 4 : i32
    "tpu.region"() ({
      %run_scoped3A_883 = tpu.sem_alloc : memref<!tpu.dma_semaphore, #tpu.memory_space<semaphore_mem>>
      %dma_start3A_884 = arith.constant 512 : i32
      %dma_start3A_885 = tpu.memref_slice %arg8[%dma_start3A_884] : memref<768xi32, #tpu.memory_space<vmem>> -> memref<128xi32, #tpu.memory_space<vmem>>
      %dma_start3A_886 = arith.constant 0 : i32
      %dma_start3A_887 = tpu.memref_slice %arg3[%run_scoped3A_6, %dma_start3A_886] : memref<6x4096xi32, #tpu.memory_space<hbm>> -> memref<1x4096xi32, #tpu.memory_space<hbm>>
      %dma_start3A_888 = tpu.memref_squeeze %dma_start3A_887 : memref<1x4096xi32, #tpu.memory_space<hbm>> -> memref<4096xi32, #tpu.memory_space<hbm>>
      %dma_start3A_889 = tpu.memref_slice %dma_start3A_888[%mul3A_2] : memref<4096xi32, #tpu.memory_space<hbm>> -> memref<128xi32, #tpu.memory_space<hbm>>
      %dma_start3A_890 = arith.constant 512 : i32
      %dma_start3A_891 = tpu.memref_slice %arg8[%dma_start3A_890] : memref<768xi32, #tpu.memory_space<vmem>> -> memref<128xi32, #tpu.memory_space<vmem>>
      %dma_start3A_892 = arith.constant 0 : i32
      %dma_start3A_893 = tpu.memref_slice %arg3[%run_scoped3A_6, %dma_start3A_892] : memref<6x4096xi32, #tpu.memory_space<hbm>> -> memref<1x4096xi32, #tpu.memory_space<hbm>>
      %dma_start3A_894 = tpu.memref_squeeze %dma_start3A_893 : memref<1x4096xi32, #tpu.memory_space<hbm>> -> memref<4096xi32, #tpu.memory_space<hbm>>
      %dma_start3A_895 = tpu.memref_slice %dma_start3A_894[%mul3A_2] : memref<4096xi32, #tpu.memory_space<hbm>> -> memref<128xi32, #tpu.memory_space<hbm>>
      tpu.enqueue_dma source(%dma_start3A_895 : memref<128xi32, #tpu.memory_space<hbm>>) target(%dma_start3A_891 : memref<128xi32, #tpu.memory_space<vmem>>) target_semaphore(%run_scoped3A_883 : memref<!tpu.dma_semaphore, #tpu.memory_space<semaphore_mem>>)
      %dma_wait3A_896 = arith.constant 512 : i32
      %dma_wait3A_897 = tpu.memref_slice %arg8[%dma_wait3A_896] : memref<768xi32, #tpu.memory_space<vmem>> -> memref<128xi32, #tpu.memory_space<vmem>>
      %dma_wait3A_898 = arith.constant 0 : i32
      %dma_wait3A_899 = tpu.memref_slice %arg3[%run_scoped3A_6, %dma_wait3A_898] : memref<6x4096xi32, #tpu.memory_space<hbm>> -> memref<1x4096xi32, #tpu.memory_space<hbm>>
      %dma_wait3A_900 = tpu.memref_squeeze %dma_wait3A_899 : memref<1x4096xi32, #tpu.memory_space<hbm>> -> memref<4096xi32, #tpu.memory_space<hbm>>
      %dma_wait3A_901 = tpu.memref_slice %dma_wait3A_900[%mul3A_2] : memref<4096xi32, #tpu.memory_space<hbm>> -> memref<128xi32, #tpu.memory_space<hbm>>
      %dma_wait3A_902 = arith.constant 512 : i32
      %dma_wait3A_903 = tpu.memref_slice %arg8[%dma_wait3A_902] : memref<768xi32, #tpu.memory_space<vmem>> -> memref<128xi32, #tpu.memory_space<vmem>>
      %dma_wait3A_904 = arith.constant 0 : i32
      %dma_wait3A_905 = tpu.memref_slice %arg3[%run_scoped3A_6, %dma_wait3A_904] : memref<6x4096xi32, #tpu.memory_space<hbm>> -> memref<1x4096xi32, #tpu.memory_space<hbm>>
      %dma_wait3A_906 = tpu.memref_squeeze %dma_wait3A_905 : memref<1x4096xi32, #tpu.memory_space<hbm>> -> memref<4096xi32, #tpu.memory_space<hbm>>
      %dma_wait3A_907 = tpu.memref_slice %dma_wait3A_906[%mul3A_2] : memref<4096xi32, #tpu.memory_space<hbm>> -> memref<128xi32, #tpu.memory_space<hbm>>
      tpu.wait_dma2 semaphore(%run_scoped3A_883 : memref<!tpu.dma_semaphore, #tpu.memory_space<semaphore_mem>>) src(%dma_wait3A_907 : memref<128xi32, #tpu.memory_space<hbm>>) dst(%dma_wait3A_903 : memref<128xi32, #tpu.memory_space<vmem>>)
      tpu.yield
    }) : () -> ()
    %run_scoped3A_7 = arith.constant 5 : i32
    "tpu.region"() ({
      %run_scoped3A_883 = tpu.sem_alloc : memref<!tpu.dma_semaphore, #tpu.memory_space<semaphore_mem>>
      %dma_start3A_884 = arith.constant 640 : i32
      %dma_start3A_885 = tpu.memref_slice %arg8[%dma_start3A_884] : memref<768xi32, #tpu.memory_space<vmem>> -> memref<128xi32, #tpu.memory_space<vmem>>
      %dma_start3A_886 = arith.constant 0 : i32
      %dma_start3A_887 = tpu.memref_slice %arg3[%run_scoped3A_7, %dma_start3A_886] : memref<6x4096xi32, #tpu.memory_space<hbm>> -> memref<1x4096xi32, #tpu.memory_space<hbm>>
      %dma_start3A_888 = tpu.memref_squeeze %dma_start3A_887 : memref<1x4096xi32, #tpu.memory_space<hbm>> -> memref<4096xi32, #tpu.memory_space<hbm>>
      %dma_start3A_889 = tpu.memref_slice %dma_start3A_888[%mul3A_2] : memref<4096xi32, #tpu.memory_space<hbm>> -> memref<128xi32, #tpu.memory_space<hbm>>
      %dma_start3A_890 = arith.constant 640 : i32
      %dma_start3A_891 = tpu.memref_slice %arg8[%dma_start3A_890] : memref<768xi32, #tpu.memory_space<vmem>> -> memref<128xi32, #tpu.memory_space<vmem>>
      %dma_start3A_892 = arith.constant 0 : i32
      %dma_start3A_893 = tpu.memref_slice %arg3[%run_scoped3A_7, %dma_start3A_892] : memref<6x4096xi32, #tpu.memory_space<hbm>> -> memref<1x4096xi32, #tpu.memory_space<hbm>>
      %dma_start3A_894 = tpu.memref_squeeze %dma_start3A_893 : memref<1x4096xi32, #tpu.memory_space<hbm>> -> memref<4096xi32, #tpu.memory_space<hbm>>
      %dma_start3A_895 = tpu.memref_slice %dma_start3A_894[%mul3A_2] : memref<4096xi32, #tpu.memory_space<hbm>> -> memref<128xi32, #tpu.memory_space<hbm>>
      tpu.enqueue_dma source(%dma_start3A_895 : memref<128xi32, #tpu.memory_space<hbm>>) target(%dma_start3A_891 : memref<128xi32, #tpu.memory_space<vmem>>) target_semaphore(%run_scoped3A_883 : memref<!tpu.dma_semaphore, #tpu.memory_space<semaphore_mem>>)
      %dma_wait3A_896 = arith.constant 640 : i32
      %dma_wait3A_897 = tpu.memref_slice %arg8[%dma_wait3A_896] : memref<768xi32, #tpu.memory_space<vmem>> -> memref<128xi32, #tpu.memory_space<vmem>>
      %dma_wait3A_898 = arith.constant 0 : i32
      %dma_wait3A_899 = tpu.memref_slice %arg3[%run_scoped3A_7, %dma_wait3A_898] : memref<6x4096xi32, #tpu.memory_space<hbm>> -> memref<1x4096xi32, #tpu.memory_space<hbm>>
      %dma_wait3A_900 = tpu.memref_squeeze %dma_wait3A_899 : memref<1x4096xi32, #tpu.memory_space<hbm>> -> memref<4096xi32, #tpu.memory_space<hbm>>
      %dma_wait3A_901 = tpu.memref_slice %dma_wait3A_900[%mul3A_2] : memref<4096xi32, #tpu.memory_space<hbm>> -> memref<128xi32, #tpu.memory_space<hbm>>
      %dma_wait3A_902 = arith.constant 640 : i32
      %dma_wait3A_903 = tpu.memref_slice %arg8[%dma_wait3A_902] : memref<768xi32, #tpu.memory_space<vmem>> -> memref<128xi32, #tpu.memory_space<vmem>>
      %dma_wait3A_904 = arith.constant 0 : i32
      %dma_wait3A_905 = tpu.memref_slice %arg3[%run_scoped3A_7, %dma_wait3A_904] : memref<6x4096xi32, #tpu.memory_space<hbm>> -> memref<1x4096xi32, #tpu.memory_space<hbm>>
      %dma_wait3A_906 = tpu.memref_squeeze %dma_wait3A_905 : memref<1x4096xi32, #tpu.memory_space<hbm>> -> memref<4096xi32, #tpu.memory_space<hbm>>
      %dma_wait3A_907 = tpu.memref_slice %dma_wait3A_906[%mul3A_2] : memref<4096xi32, #tpu.memory_space<hbm>> -> memref<128xi32, #tpu.memory_space<hbm>>
      tpu.wait_dma2 semaphore(%run_scoped3A_883 : memref<!tpu.dma_semaphore, #tpu.memory_space<semaphore_mem>>) src(%dma_wait3A_907 : memref<128xi32, #tpu.memory_space<hbm>>) dst(%dma_wait3A_903 : memref<128xi32, #tpu.memory_space<vmem>>)
      tpu.yield
    }) : () -> ()
    %iota3A = tpu.iota {dimensions = array<i32: 0>} : vector<16xi32>
    %lt3A = arith.constant 6 : i32
    %lt3A_8 = vector.broadcast %lt3A : i32 to vector<16xi32>
    %lt3A_9 = arith.cmpi slt, %iota3A, %lt3A_8 : vector<16xi32>
    %dma_start3A = arith.constant 0 : i32
    %dma_start3A_10 = arith.constant 0 : i32
    %dma_start3A_11 = arith.constant 0 : i32
    %dma_start3A_12 = tpu.memref_slice %arg9[%dma_start3A, %dma_start3A_10, %dma_start3A_11] : memref<2x32x128xf32, #tpu.memory_space<vmem>> -> memref<1x32x128xf32, #tpu.memory_space<vmem>>
    %dma_start3A_13 = tpu.memref_squeeze %dma_start3A_12 : memref<1x32x128xf32, #tpu.memory_space<vmem>> -> memref<32x128xf32, #tpu.memory_space<vmem>>
    %dma_start3A_14 = arith.constant 0 : i32
    %dma_start3A_15 = tpu.memref_slice %arg7[%dma_start3A_14] : memref<128xi32, #tpu.memory_space<vmem>> -> memref<32xi32, #tpu.memory_space<vmem>>
    %dma_start3A_16 = arith.constant 0 : i32
    %dma_start3A_17 = arith.constant 0 : i32
    %dma_start3A_18 = tpu.memref_slice %arg4[%dma_start3A_16, %dma_start3A_17] : memref<100000x128xf32, #tpu.memory_space<hbm>> -> memref<100000x128xf32, #tpu.memory_space<hbm>>
    tpu.enqueue_indirect_dma source(%dma_start3A_18 : memref<100000x128xf32, #tpu.memory_space<hbm>>) target(%dma_start3A_13 : memref<32x128xf32, #tpu.memory_space<vmem>>) offsets(%dma_start3A_15 : memref<32xi32, #tpu.memory_space<vmem>>) semaphore(%arg12 : memref<!tpu.dma_semaphore, #tpu.memory_space<semaphore_mem>>)
    %dma_start3A_19 = arith.constant 0 : i32
    %dma_start3A_20 = arith.constant 0 : i32
    %dma_start3A_21 = arith.constant 0 : i32
    %dma_start3A_22 = arith.constant 0 : i32
    %dma_start3A_23 = arith.constant 0 : i32
    %dma_start3A_24 = tpu.memref_slice %arg10[%dma_start3A_19, %dma_start3A_21, %dma_start3A_22, %dma_start3A_23] : memref<2x6x32x128xf32, #tpu.memory_space<vmem>> -> memref<1x6x32x128xf32, #tpu.memory_space<vmem>>
    %dma_start3A_25 = tpu.memref_squeeze %dma_start3A_24 : memref<1x6x32x128xf32, #tpu.memory_space<vmem>> -> memref<6x32x128xf32, #tpu.memory_space<vmem>>
    %dma_start3A_26 = arith.constant 0 : i32
    %dma_start3A_27 = arith.constant 0 : i32
    %dma_start3A_28 = tpu.memref_slice %dma_start3A_25[%dma_start3A_20, %dma_start3A_26, %dma_start3A_27] : memref<6x32x128xf32, #tpu.memory_space<vmem>> -> memref<1x32x128xf32, #tpu.memory_space<vmem>>
    %dma_start3A_29 = tpu.memref_squeeze %dma_start3A_28 : memref<1x32x128xf32, #tpu.memory_space<vmem>> -> memref<32x128xf32, #tpu.memory_space<vmem>>
    %dma_start3A_30 = arith.constant 0 : i32
    %dma_start3A_31 = tpu.memref_slice %arg8[%dma_start3A_30] : memref<768xi32, #tpu.memory_space<vmem>> -> memref<32xi32, #tpu.memory_space<vmem>>
    %dma_start3A_32 = arith.constant 0 : i32
    %dma_start3A_33 = arith.constant 0 : i32
    %dma_start3A_34 = tpu.memref_slice %arg5[%dma_start3A_32, %dma_start3A_33] : memref<100000x128xf32, #tpu.memory_space<hbm>> -> memref<100000x128xf32, #tpu.memory_space<hbm>>
    tpu.enqueue_indirect_dma source(%dma_start3A_34 : memref<100000x128xf32, #tpu.memory_space<hbm>>) target(%dma_start3A_29 : memref<32x128xf32, #tpu.memory_space<vmem>>) offsets(%dma_start3A_31 : memref<32xi32, #tpu.memory_space<vmem>>) semaphore(%arg12 : memref<!tpu.dma_semaphore, #tpu.memory_space<semaphore_mem>>)
    %dma_start3A_35 = arith.constant 0 : i32
    %dma_start3A_36 = arith.constant 1 : i32
    %dma_start3A_37 = arith.constant 0 : i32
    %dma_start3A_38 = arith.constant 0 : i32
    %dma_start3A_39 = arith.constant 0 : i32
    %dma_start3A_40 = tpu.memref_slice %arg10[%dma_start3A_35, %dma_start3A_37, %dma_start3A_38, %dma_start3A_39] : memref<2x6x32x128xf32, #tpu.memory_space<vmem>> -> memref<1x6x32x128xf32, #tpu.memory_space<vmem>>
    %dma_start3A_41 = tpu.memref_squeeze %dma_start3A_40 : memref<1x6x32x128xf32, #tpu.memory_space<vmem>> -> memref<6x32x128xf32, #tpu.memory_space<vmem>>
    %dma_start3A_42 = arith.constant 0 : i32
    %dma_start3A_43 = arith.constant 0 : i32
    %dma_start3A_44 = tpu.memref_slice %dma_start3A_41[%dma_start3A_36, %dma_start3A_42, %dma_start3A_43] : memref<6x32x128xf32, #tpu.memory_space<vmem>> -> memref<1x32x128xf32, #tpu.memory_space<vmem>>
    %dma_start3A_45 = tpu.memref_squeeze %dma_start3A_44 : memref<1x32x128xf32, #tpu.memory_space<vmem>> -> memref<32x128xf32, #tpu.memory_space<vmem>>
    %dma_start3A_46 = arith.constant 128 : i32
    %dma_start3A_47 = tpu.memref_slice %arg8[%dma_start3A_46] : memref<768xi32, #tpu.memory_space<vmem>> -> memref<32xi32, #tpu.memory_space<vmem>>
    %dma_start3A_48 = arith.constant 0 : i32
    %dma_start3A_49 = arith.constant 0 : i32
    %dma_start3A_50 = tpu.memref_slice %arg5[%dma_start3A_48, %dma_start3A_49] : memref<100000x128xf32, #tpu.memory_space<hbm>> -> memref<100000x128xf32, #tpu.memory_space<hbm>>
    tpu.enqueue_indirect_dma source(%dma_start3A_50 : memref<100000x128xf32, #tpu.memory_space<hbm>>) target(%dma_start3A_45 : memref<32x128xf32, #tpu.memory_space<vmem>>) offsets(%dma_start3A_47 : memref<32xi32, #tpu.memory_space<vmem>>) semaphore(%arg12 : memref<!tpu.dma_semaphore, #tpu.memory_space<semaphore_mem>>)
    %dma_start3A_51 = arith.constant 0 : i32
    %dma_start3A_52 = arith.constant 2 : i32
    %dma_start3A_53 = arith.constant 0 : i32
    %dma_start3A_54 = arith.constant 0 : i32
    %dma_start3A_55 = arith.constant 0 : i32
    %dma_start3A_56 = tpu.memref_slice %arg10[%dma_start3A_51, %dma_start3A_53, %dma_start3A_54, %dma_start3A_55] : memref<2x6x32x128xf32, #tpu.memory_space<vmem>> -> memref<1x6x32x128xf32, #tpu.memory_space<vmem>>
    %dma_start3A_57 = tpu.memref_squeeze %dma_start3A_56 : memref<1x6x32x128xf32, #tpu.memory_space<vmem>> -> memref<6x32x128xf32, #tpu.memory_space<vmem>>
    %dma_start3A_58 = arith.constant 0 : i32
    %dma_start3A_59 = arith.constant 0 : i32
    %dma_start3A_60 = tpu.memref_slice %dma_start3A_57[%dma_start3A_52, %dma_start3A_58, %dma_start3A_59] : memref<6x32x128xf32, #tpu.memory_space<vmem>> -> memref<1x32x128xf32, #tpu.memory_space<vmem>>
    %dma_start3A_61 = tpu.memref_squeeze %dma_start3A_60 : memref<1x32x128xf32, #tpu.memory_space<vmem>> -> memref<32x128xf32, #tpu.memory_space<vmem>>
    %dma_start3A_62 = arith.constant 256 : i32
    %dma_start3A_63 = tpu.memref_slice %arg8[%dma_start3A_62] : memref<768xi32, #tpu.memory_space<vmem>> -> memref<32xi32, #tpu.memory_space<vmem>>
    %dma_start3A_64 = arith.constant 0 : i32
    %dma_start3A_65 = arith.constant 0 : i32
    %dma_start3A_66 = tpu.memref_slice %arg5[%dma_start3A_64, %dma_start3A_65] : memref<100000x128xf32, #tpu.memory_space<hbm>> -> memref<100000x128xf32, #tpu.memory_space<hbm>>
    tpu.enqueue_indirect_dma source(%dma_start3A_66 : memref<100000x128xf32, #tpu.memory_space<hbm>>) target(%dma_start3A_61 : memref<32x128xf32, #tpu.memory_space<vmem>>) offsets(%dma_start3A_63 : memref<32xi32, #tpu.memory_space<vmem>>) semaphore(%arg12 : memref<!tpu.dma_semaphore, #tpu.memory_space<semaphore_mem>>)
    %dma_start3A_67 = arith.constant 0 : i32
    %dma_start3A_68 = arith.constant 3 : i32
    %dma_start3A_69 = arith.constant 0 : i32
    %dma_start3A_70 = arith.constant 0 : i32
    %dma_start3A_71 = arith.constant 0 : i32
    %dma_start3A_72 = tpu.memref_slice %arg10[%dma_start3A_67, %dma_start3A_69, %dma_start3A_70, %dma_start3A_71] : memref<2x6x32x128xf32, #tpu.memory_space<vmem>> -> memref<1x6x32x128xf32, #tpu.memory_space<vmem>>
    %dma_start3A_73 = tpu.memref_squeeze %dma_start3A_72 : memref<1x6x32x128xf32, #tpu.memory_space<vmem>> -> memref<6x32x128xf32, #tpu.memory_space<vmem>>
    %dma_start3A_74 = arith.constant 0 : i32
    %dma_start3A_75 = arith.constant 0 : i32
    %dma_start3A_76 = tpu.memref_slice %dma_start3A_73[%dma_start3A_68, %dma_start3A_74, %dma_start3A_75] : memref<6x32x128xf32, #tpu.memory_space<vmem>> -> memref<1x32x128xf32, #tpu.memory_space<vmem>>
    %dma_start3A_77 = tpu.memref_squeeze %dma_start3A_76 : memref<1x32x128xf32, #tpu.memory_space<vmem>> -> memref<32x128xf32, #tpu.memory_space<vmem>>
    %dma_start3A_78 = arith.constant 384 : i32
    %dma_start3A_79 = tpu.memref_slice %arg8[%dma_start3A_78] : memref<768xi32, #tpu.memory_space<vmem>> -> memref<32xi32, #tpu.memory_space<vmem>>
    %dma_start3A_80 = arith.constant 0 : i32
    %dma_start3A_81 = arith.constant 0 : i32
    %dma_start3A_82 = tpu.memref_slice %arg5[%dma_start3A_80, %dma_start3A_81] : memref<100000x128xf32, #tpu.memory_space<hbm>> -> memref<100000x128xf32, #tpu.memory_space<hbm>>
    tpu.enqueue_indirect_dma source(%dma_start3A_82 : memref<100000x128xf32, #tpu.memory_space<hbm>>) target(%dma_start3A_77 : memref<32x128xf32, #tpu.memory_space<vmem>>) offsets(%dma_start3A_79 : memref<32xi32, #tpu.memory_space<vmem>>) semaphore(%arg12 : memref<!tpu.dma_semaphore, #tpu.memory_space<semaphore_mem>>)
    %dma_start3A_83 = arith.constant 0 : i32
    %dma_start3A_84 = arith.constant 4 : i32
    %dma_start3A_85 = arith.constant 0 : i32
    %dma_start3A_86 = arith.constant 0 : i32
    %dma_start3A_87 = arith.constant 0 : i32
    %dma_start3A_88 = tpu.memref_slice %arg10[%dma_start3A_83, %dma_start3A_85, %dma_start3A_86, %dma_start3A_87] : memref<2x6x32x128xf32, #tpu.memory_space<vmem>> -> memref<1x6x32x128xf32, #tpu.memory_space<vmem>>
    %dma_start3A_89 = tpu.memref_squeeze %dma_start3A_88 : memref<1x6x32x128xf32, #tpu.memory_space<vmem>> -> memref<6x32x128xf32, #tpu.memory_space<vmem>>
    %dma_start3A_90 = arith.constant 0 : i32
    %dma_start3A_91 = arith.constant 0 : i32
    %dma_start3A_92 = tpu.memref_slice %dma_start3A_89[%dma_start3A_84, %dma_start3A_90, %dma_start3A_91] : memref<6x32x128xf32, #tpu.memory_space<vmem>> -> memref<1x32x128xf32, #tpu.memory_space<vmem>>
    %dma_start3A_93 = tpu.memref_squeeze %dma_start3A_92 : memref<1x32x128xf32, #tpu.memory_space<vmem>> -> memref<32x128xf32, #tpu.memory_space<vmem>>
    %dma_start3A_94 = arith.constant 512 : i32
    %dma_start3A_95 = tpu.memref_slice %arg8[%dma_start3A_94] : memref<768xi32, #tpu.memory_space<vmem>> -> memref<32xi32, #tpu.memory_space<vmem>>
    %dma_start3A_96 = arith.constant 0 : i32
    %dma_start3A_97 = arith.constant 0 : i32
    %dma_start3A_98 = tpu.memref_slice %arg5[%dma_start3A_96, %dma_start3A_97] : memref<100000x128xf32, #tpu.memory_space<hbm>> -> memref<100000x128xf32, #tpu.memory_space<hbm>>
    tpu.enqueue_indirect_dma source(%dma_start3A_98 : memref<100000x128xf32, #tpu.memory_space<hbm>>) target(%dma_start3A_93 : memref<32x128xf32, #tpu.memory_space<vmem>>) offsets(%dma_start3A_95 : memref<32xi32, #tpu.memory_space<vmem>>) semaphore(%arg12 : memref<!tpu.dma_semaphore, #tpu.memory_space<semaphore_mem>>)
    %dma_start3A_99 = arith.constant 0 : i32
    %dma_start3A_100 = arith.constant 5 : i32
    %dma_start3A_101 = arith.constant 0 : i32
    %dma_start3A_102 = arith.constant 0 : i32
    %dma_start3A_103 = arith.constant 0 : i32
    %dma_start3A_104 = tpu.memref_slice %arg10[%dma_start3A_99, %dma_start3A_101, %dma_start3A_102, %dma_start3A_103] : memref<2x6x32x128xf32, #tpu.memory_space<vmem>> -> memref<1x6x32x128xf32, #tpu.memory_space<vmem>>
    %dma_start3A_105 = tpu.memref_squeeze %dma_start3A_104 : memref<1x6x32x128xf32, #tpu.memory_space<vmem>> -> memref<6x32x128xf32, #tpu.memory_space<vmem>>
    %dma_start3A_106 = arith.constant 0 : i32
    %dma_start3A_107 = arith.constant 0 : i32
    %dma_start3A_108 = tpu.memref_slice %dma_start3A_105[%dma_start3A_100, %dma_start3A_106, %dma_start3A_107] : memref<6x32x128xf32, #tpu.memory_space<vmem>> -> memref<1x32x128xf32, #tpu.memory_space<vmem>>
    %dma_start3A_109 = tpu.memref_squeeze %dma_start3A_108 : memref<1x32x128xf32, #tpu.memory_space<vmem>> -> memref<32x128xf32, #tpu.memory_space<vmem>>
    %dma_start3A_110 = arith.constant 640 : i32
    %dma_start3A_111 = tpu.memref_slice %arg8[%dma_start3A_110] : memref<768xi32, #tpu.memory_space<vmem>> -> memref<32xi32, #tpu.memory_space<vmem>>
    %dma_start3A_112 = arith.constant 0 : i32
    %dma_start3A_113 = arith.constant 0 : i32
    %dma_start3A_114 = tpu.memref_slice %arg5[%dma_start3A_112, %dma_start3A_113] : memref<100000x128xf32, #tpu.memory_space<hbm>> -> memref<100000x128xf32, #tpu.memory_space<hbm>>
    tpu.enqueue_indirect_dma source(%dma_start3A_114 : memref<100000x128xf32, #tpu.memory_space<hbm>>) target(%dma_start3A_109 : memref<32x128xf32, #tpu.memory_space<vmem>>) offsets(%dma_start3A_111 : memref<32xi32, #tpu.memory_space<vmem>>) semaphore(%arg12 : memref<!tpu.dma_semaphore, #tpu.memory_space<semaphore_mem>>)
    %dma_start3A_115 = arith.constant 1 : i32
    %dma_start3A_116 = arith.constant 0 : i32
    %dma_start3A_117 = arith.constant 0 : i32
    %dma_start3A_118 = tpu.memref_slice %arg9[%dma_start3A_115, %dma_start3A_116, %dma_start3A_117] : memref<2x32x128xf32, #tpu.memory_space<vmem>> -> memref<1x32x128xf32, #tpu.memory_space<vmem>>
    %dma_start3A_119 = tpu.memref_squeeze %dma_start3A_118 : memref<1x32x128xf32, #tpu.memory_space<vmem>> -> memref<32x128xf32, #tpu.memory_space<vmem>>
    %dma_start3A_120 = arith.constant 32 : i32
    %dma_start3A_121 = tpu.memref_slice %arg7[%dma_start3A_120] : memref<128xi32, #tpu.memory_space<vmem>> -> memref<32xi32, #tpu.memory_space<vmem>>
    %dma_start3A_122 = arith.constant 0 : i32
    %dma_start3A_123 = arith.constant 0 : i32
    %dma_start3A_124 = tpu.memref_slice %arg4[%dma_start3A_122, %dma_start3A_123] : memref<100000x128xf32, #tpu.memory_space<hbm>> -> memref<100000x128xf32, #tpu.memory_space<hbm>>
    tpu.enqueue_indirect_dma source(%dma_start3A_124 : memref<100000x128xf32, #tpu.memory_space<hbm>>) target(%dma_start3A_119 : memref<32x128xf32, #tpu.memory_space<vmem>>) offsets(%dma_start3A_121 : memref<32xi32, #tpu.memory_space<vmem>>) semaphore(%arg13 : memref<!tpu.dma_semaphore, #tpu.memory_space<semaphore_mem>>)
    %dma_start3A_125 = arith.constant 1 : i32
    %dma_start3A_126 = arith.constant 0 : i32
    %dma_start3A_127 = arith.constant 0 : i32
    %dma_start3A_128 = arith.constant 0 : i32
    %dma_start3A_129 = arith.constant 0 : i32
    %dma_start3A_130 = tpu.memref_slice %arg10[%dma_start3A_125, %dma_start3A_127, %dma_start3A_128, %dma_start3A_129] : memref<2x6x32x128xf32, #tpu.memory_space<vmem>> -> memref<1x6x32x128xf32, #tpu.memory_space<vmem>>
    %dma_start3A_131 = tpu.memref_squeeze %dma_start3A_130 : memref<1x6x32x128xf32, #tpu.memory_space<vmem>> -> memref<6x32x128xf32, #tpu.memory_space<vmem>>
    %dma_start3A_132 = arith.constant 0 : i32
    %dma_start3A_133 = arith.constant 0 : i32
    %dma_start3A_134 = tpu.memref_slice %dma_start3A_131[%dma_start3A_126, %dma_start3A_132, %dma_start3A_133] : memref<6x32x128xf32, #tpu.memory_space<vmem>> -> memref<1x32x128xf32, #tpu.memory_space<vmem>>
    %dma_start3A_135 = tpu.memref_squeeze %dma_start3A_134 : memref<1x32x128xf32, #tpu.memory_space<vmem>> -> memref<32x128xf32, #tpu.memory_space<vmem>>
    %dma_start3A_136 = arith.constant 32 : i32
    %dma_start3A_137 = tpu.memref_slice %arg8[%dma_start3A_136] : memref<768xi32, #tpu.memory_space<vmem>> -> memref<32xi32, #tpu.memory_space<vmem>>
    %dma_start3A_138 = arith.constant 0 : i32
    %dma_start3A_139 = arith.constant 0 : i32
    %dma_start3A_140 = tpu.memref_slice %arg5[%dma_start3A_138, %dma_start3A_139] : memref<100000x128xf32, #tpu.memory_space<hbm>> -> memref<100000x128xf32, #tpu.memory_space<hbm>>
    tpu.enqueue_indirect_dma source(%dma_start3A_140 : memref<100000x128xf32, #tpu.memory_space<hbm>>) target(%dma_start3A_135 : memref<32x128xf32, #tpu.memory_space<vmem>>) offsets(%dma_start3A_137 : memref<32xi32, #tpu.memory_space<vmem>>) semaphore(%arg13 : memref<!tpu.dma_semaphore, #tpu.memory_space<semaphore_mem>>)
    %dma_start3A_141 = arith.constant 1 : i32
    %dma_start3A_142 = arith.constant 1 : i32
    %dma_start3A_143 = arith.constant 0 : i32
    %dma_start3A_144 = arith.constant 0 : i32
    %dma_start3A_145 = arith.constant 0 : i32
    %dma_start3A_146 = tpu.memref_slice %arg10[%dma_start3A_141, %dma_start3A_143, %dma_start3A_144, %dma_start3A_145] : memref<2x6x32x128xf32, #tpu.memory_space<vmem>> -> memref<1x6x32x128xf32, #tpu.memory_space<vmem>>
    %dma_start3A_147 = tpu.memref_squeeze %dma_start3A_146 : memref<1x6x32x128xf32, #tpu.memory_space<vmem>> -> memref<6x32x128xf32, #tpu.memory_space<vmem>>
    %dma_start3A_148 = arith.constant 0 : i32
    %dma_start3A_149 = arith.constant 0 : i32
    %dma_start3A_150 = tpu.memref_slice %dma_start3A_147[%dma_start3A_142, %dma_start3A_148, %dma_start3A_149] : memref<6x32x128xf32, #tpu.memory_space<vmem>> -> memref<1x32x128xf32, #tpu.memory_space<vmem>>
    %dma_start3A_151 = tpu.memref_squeeze %dma_start3A_150 : memref<1x32x128xf32, #tpu.memory_space<vmem>> -> memref<32x128xf32, #tpu.memory_space<vmem>>
    %dma_start3A_152 = arith.constant 160 : i32
    %dma_start3A_153 = tpu.memref_slice %arg8[%dma_start3A_152] : memref<768xi32, #tpu.memory_space<vmem>> -> memref<32xi32, #tpu.memory_space<vmem>>
    %dma_start3A_154 = arith.constant 0 : i32
    %dma_start3A_155 = arith.constant 0 : i32
    %dma_start3A_156 = tpu.memref_slice %arg5[%dma_start3A_154, %dma_start3A_155] : memref<100000x128xf32, #tpu.memory_space<hbm>> -> memref<100000x128xf32, #tpu.memory_space<hbm>>
    tpu.enqueue_indirect_dma source(%dma_start3A_156 : memref<100000x128xf32, #tpu.memory_space<hbm>>) target(%dma_start3A_151 : memref<32x128xf32, #tpu.memory_space<vmem>>) offsets(%dma_start3A_153 : memref<32xi32, #tpu.memory_space<vmem>>) semaphore(%arg13 : memref<!tpu.dma_semaphore, #tpu.memory_space<semaphore_mem>>)
    %dma_start3A_157 = arith.constant 1 : i32
    %dma_start3A_158 = arith.constant 2 : i32
    %dma_start3A_159 = arith.constant 0 : i32
    %dma_start3A_160 = arith.constant 0 : i32
    %dma_start3A_161 = arith.constant 0 : i32
    %dma_start3A_162 = tpu.memref_slice %arg10[%dma_start3A_157, %dma_start3A_159, %dma_start3A_160, %dma_start3A_161] : memref<2x6x32x128xf32, #tpu.memory_space<vmem>> -> memref<1x6x32x128xf32, #tpu.memory_space<vmem>>
    %dma_start3A_163 = tpu.memref_squeeze %dma_start3A_162 : memref<1x6x32x128xf32, #tpu.memory_space<vmem>> -> memref<6x32x128xf32, #tpu.memory_space<vmem>>
    %dma_start3A_164 = arith.constant 0 : i32
    %dma_start3A_165 = arith.constant 0 : i32
    %dma_start3A_166 = tpu.memref_slice %dma_start3A_163[%dma_start3A_158, %dma_start3A_164, %dma_start3A_165] : memref<6x32x128xf32, #tpu.memory_space<vmem>> -> memref<1x32x128xf32, #tpu.memory_space<vmem>>
    %dma_start3A_167 = tpu.memref_squeeze %dma_start3A_166 : memref<1x32x128xf32, #tpu.memory_space<vmem>> -> memref<32x128xf32, #tpu.memory_space<vmem>>
    %dma_start3A_168 = arith.constant 288 : i32
    %dma_start3A_169 = tpu.memref_slice %arg8[%dma_start3A_168] : memref<768xi32, #tpu.memory_space<vmem>> -> memref<32xi32, #tpu.memory_space<vmem>>
    %dma_start3A_170 = arith.constant 0 : i32
    %dma_start3A_171 = arith.constant 0 : i32
    %dma_start3A_172 = tpu.memref_slice %arg5[%dma_start3A_170, %dma_start3A_171] : memref<100000x128xf32, #tpu.memory_space<hbm>> -> memref<100000x128xf32, #tpu.memory_space<hbm>>
    tpu.enqueue_indirect_dma source(%dma_start3A_172 : memref<100000x128xf32, #tpu.memory_space<hbm>>) target(%dma_start3A_167 : memref<32x128xf32, #tpu.memory_space<vmem>>) offsets(%dma_start3A_169 : memref<32xi32, #tpu.memory_space<vmem>>) semaphore(%arg13 : memref<!tpu.dma_semaphore, #tpu.memory_space<semaphore_mem>>)
    %dma_start3A_173 = arith.constant 1 : i32
    %dma_start3A_174 = arith.constant 3 : i32
    %dma_start3A_175 = arith.constant 0 : i32
    %dma_start3A_176 = arith.constant 0 : i32
    %dma_start3A_177 = arith.constant 0 : i32
    %dma_start3A_178 = tpu.memref_slice %arg10[%dma_start3A_173, %dma_start3A_175, %dma_start3A_176, %dma_start3A_177] : memref<2x6x32x128xf32, #tpu.memory_space<vmem>> -> memref<1x6x32x128xf32, #tpu.memory_space<vmem>>
    %dma_start3A_179 = tpu.memref_squeeze %dma_start3A_178 : memref<1x6x32x128xf32, #tpu.memory_space<vmem>> -> memref<6x32x128xf32, #tpu.memory_space<vmem>>
    %dma_start3A_180 = arith.constant 0 : i32
    %dma_start3A_181 = arith.constant 0 : i32
    %dma_start3A_182 = tpu.memref_slice %dma_start3A_179[%dma_start3A_174, %dma_start3A_180, %dma_start3A_181] : memref<6x32x128xf32, #tpu.memory_space<vmem>> -> memref<1x32x128xf32, #tpu.memory_space<vmem>>
    %dma_start3A_183 = tpu.memref_squeeze %dma_start3A_182 : memref<1x32x128xf32, #tpu.memory_space<vmem>> -> memref<32x128xf32, #tpu.memory_space<vmem>>
    %dma_start3A_184 = arith.constant 416 : i32
    %dma_start3A_185 = tpu.memref_slice %arg8[%dma_start3A_184] : memref<768xi32, #tpu.memory_space<vmem>> -> memref<32xi32, #tpu.memory_space<vmem>>
    %dma_start3A_186 = arith.constant 0 : i32
    %dma_start3A_187 = arith.constant 0 : i32
    %dma_start3A_188 = tpu.memref_slice %arg5[%dma_start3A_186, %dma_start3A_187] : memref<100000x128xf32, #tpu.memory_space<hbm>> -> memref<100000x128xf32, #tpu.memory_space<hbm>>
    tpu.enqueue_indirect_dma source(%dma_start3A_188 : memref<100000x128xf32, #tpu.memory_space<hbm>>) target(%dma_start3A_183 : memref<32x128xf32, #tpu.memory_space<vmem>>) offsets(%dma_start3A_185 : memref<32xi32, #tpu.memory_space<vmem>>) semaphore(%arg13 : memref<!tpu.dma_semaphore, #tpu.memory_space<semaphore_mem>>)
    %dma_start3A_189 = arith.constant 1 : i32
    %dma_start3A_190 = arith.constant 4 : i32
    %dma_start3A_191 = arith.constant 0 : i32
    %dma_start3A_192 = arith.constant 0 : i32
    %dma_start3A_193 = arith.constant 0 : i32
    %dma_start3A_194 = tpu.memref_slice %arg10[%dma_start3A_189, %dma_start3A_191, %dma_start3A_192, %dma_start3A_193] : memref<2x6x32x128xf32, #tpu.memory_space<vmem>> -> memref<1x6x32x128xf32, #tpu.memory_space<vmem>>
    %dma_start3A_195 = tpu.memref_squeeze %dma_start3A_194 : memref<1x6x32x128xf32, #tpu.memory_space<vmem>> -> memref<6x32x128xf32, #tpu.memory_space<vmem>>
    %dma_start3A_196 = arith.constant 0 : i32
    %dma_start3A_197 = arith.constant 0 : i32
    %dma_start3A_198 = tpu.memref_slice %dma_start3A_195[%dma_start3A_190, %dma_start3A_196, %dma_start3A_197] : memref<6x32x128xf32, #tpu.memory_space<vmem>> -> memref<1x32x128xf32, #tpu.memory_space<vmem>>
    %dma_start3A_199 = tpu.memref_squeeze %dma_start3A_198 : memref<1x32x128xf32, #tpu.memory_space<vmem>> -> memref<32x128xf32, #tpu.memory_space<vmem>>
    %dma_start3A_200 = arith.constant 544 : i32
    %dma_start3A_201 = tpu.memref_slice %arg8[%dma_start3A_200] : memref<768xi32, #tpu.memory_space<vmem>> -> memref<32xi32, #tpu.memory_space<vmem>>
    %dma_start3A_202 = arith.constant 0 : i32
    %dma_start3A_203 = arith.constant 0 : i32
    %dma_start3A_204 = tpu.memref_slice %arg5[%dma_start3A_202, %dma_start3A_203] : memref<100000x128xf32, #tpu.memory_space<hbm>> -> memref<100000x128xf32, #tpu.memory_space<hbm>>
    tpu.enqueue_indirect_dma source(%dma_start3A_204 : memref<100000x128xf32, #tpu.memory_space<hbm>>) target(%dma_start3A_199 : memref<32x128xf32, #tpu.memory_space<vmem>>) offsets(%dma_start3A_201 : memref<32xi32, #tpu.memory_space<vmem>>) semaphore(%arg13 : memref<!tpu.dma_semaphore, #tpu.memory_space<semaphore_mem>>)
    %dma_start3A_205 = arith.constant 1 : i32
    %dma_start3A_206 = arith.constant 5 : i32
    %dma_start3A_207 = arith.constant 0 : i32
    %dma_start3A_208 = arith.constant 0 : i32
    %dma_start3A_209 = arith.constant 0 : i32
    %dma_start3A_210 = tpu.memref_slice %arg10[%dma_start3A_205, %dma_start3A_207, %dma_start3A_208, %dma_start3A_209] : memref<2x6x32x128xf32, #tpu.memory_space<vmem>> -> memref<1x6x32x128xf32, #tpu.memory_space<vmem>>
    %dma_start3A_211 = tpu.memref_squeeze %dma_start3A_210 : memref<1x6x32x128xf32, #tpu.memory_space<vmem>> -> memref<6x32x128xf32, #tpu.memory_space<vmem>>
    %dma_start3A_212 = arith.constant 0 : i32
    %dma_start3A_213 = arith.constant 0 : i32
    %dma_start3A_214 = tpu.memref_slice %dma_start3A_211[%dma_start3A_206, %dma_start3A_212, %dma_start3A_213] : memref<6x32x128xf32, #tpu.memory_space<vmem>> -> memref<1x32x128xf32, #tpu.memory_space<vmem>>
    %dma_start3A_215 = tpu.memref_squeeze %dma_start3A_214 : memref<1x32x128xf32, #tpu.memory_space<vmem>> -> memref<32x128xf32, #tpu.memory_space<vmem>>
    %dma_start3A_216 = arith.constant 672 : i32
    %dma_start3A_217 = tpu.memref_slice %arg8[%dma_start3A_216] : memref<768xi32, #tpu.memory_space<vmem>> -> memref<32xi32, #tpu.memory_space<vmem>>
    %dma_start3A_218 = arith.constant 0 : i32
    %dma_start3A_219 = arith.constant 0 : i32
    %dma_start3A_220 = tpu.memref_slice %arg5[%dma_start3A_218, %dma_start3A_219] : memref<100000x128xf32, #tpu.memory_space<hbm>> -> memref<100000x128xf32, #tpu.memory_space<hbm>>
    tpu.enqueue_indirect_dma source(%dma_start3A_220 : memref<100000x128xf32, #tpu.memory_space<hbm>>) target(%dma_start3A_215 : memref<32x128xf32, #tpu.memory_space<vmem>>) offsets(%dma_start3A_217 : memref<32xi32, #tpu.memory_space<vmem>>) semaphore(%arg13 : memref<!tpu.dma_semaphore, #tpu.memory_space<semaphore_mem>>)
    %dma_wait3A = arith.constant 0 : i32
    %dma_wait3A_221 = arith.constant 0 : i32
    %dma_wait3A_222 = arith.constant 0 : i32
    %dma_wait3A_223 = tpu.memref_slice %arg9[%dma_wait3A, %dma_wait3A_221, %dma_wait3A_222] : memref<2x32x128xf32, #tpu.memory_space<vmem>> -> memref<1x32x128xf32, #tpu.memory_space<vmem>>
    %dma_wait3A_224 = tpu.memref_squeeze %dma_wait3A_223 : memref<1x32x128xf32, #tpu.memory_space<vmem>> -> memref<32x128xf32, #tpu.memory_space<vmem>>
    %dma_wait3A_225 = arith.constant 0 : i32
    %dma_wait3A_226 = tpu.memref_slice %arg7[%dma_wait3A_225] : memref<128xi32, #tpu.memory_space<vmem>> -> memref<32xi32, #tpu.memory_space<vmem>>
    %dma_wait3A_227 = arith.constant 0 : i32
    %dma_wait3A_228 = arith.constant 0 : i32
    %dma_wait3A_229 = tpu.memref_slice %arg4[%dma_wait3A_227, %dma_wait3A_228] : memref<100000x128xf32, #tpu.memory_space<hbm>> -> memref<100000x128xf32, #tpu.memory_space<hbm>>
    tpu.wait_indirect_dma semaphore(%arg12 : memref<!tpu.dma_semaphore, #tpu.memory_space<semaphore_mem>>) src(%dma_wait3A_229 : memref<100000x128xf32, #tpu.memory_space<hbm>>) dst(%dma_wait3A_224 : memref<32x128xf32, #tpu.memory_space<vmem>>)
    %dma_wait3A_230 = arith.constant 0 : i32
    %dma_wait3A_231 = arith.constant 0 : i32
    %dma_wait3A_232 = arith.constant 0 : i32
    %dma_wait3A_233 = arith.constant 0 : i32
    %dma_wait3A_234 = arith.constant 0 : i32
    %dma_wait3A_235 = tpu.memref_slice %arg10[%dma_wait3A_230, %dma_wait3A_232, %dma_wait3A_233, %dma_wait3A_234] : memref<2x6x32x128xf32, #tpu.memory_space<vmem>> -> memref<1x6x32x128xf32, #tpu.memory_space<vmem>>
    %dma_wait3A_236 = tpu.memref_squeeze %dma_wait3A_235 : memref<1x6x32x128xf32, #tpu.memory_space<vmem>> -> memref<6x32x128xf32, #tpu.memory_space<vmem>>
    %dma_wait3A_237 = arith.constant 0 : i32
    %dma_wait3A_238 = arith.constant 0 : i32
    %dma_wait3A_239 = tpu.memref_slice %dma_wait3A_236[%dma_wait3A_231, %dma_wait3A_237, %dma_wait3A_238] : memref<6x32x128xf32, #tpu.memory_space<vmem>> -> memref<1x32x128xf32, #tpu.memory_space<vmem>>
    %dma_wait3A_240 = tpu.memref_squeeze %dma_wait3A_239 : memref<1x32x128xf32, #tpu.memory_space<vmem>> -> memref<32x128xf32, #tpu.memory_space<vmem>>
    %dma_wait3A_241 = arith.constant 0 : i32
    %dma_wait3A_242 = tpu.memref_slice %arg8[%dma_wait3A_241] : memref<768xi32, #tpu.memory_space<vmem>> -> memref<32xi32, #tpu.memory_space<vmem>>
    %dma_wait3A_243 = arith.constant 0 : i32
    %dma_wait3A_244 = arith.constant 0 : i32
    %dma_wait3A_245 = tpu.memref_slice %arg5[%dma_wait3A_243, %dma_wait3A_244] : memref<100000x128xf32, #tpu.memory_space<hbm>> -> memref<100000x128xf32, #tpu.memory_space<hbm>>
    tpu.wait_indirect_dma semaphore(%arg12 : memref<!tpu.dma_semaphore, #tpu.memory_space<semaphore_mem>>) src(%dma_wait3A_245 : memref<100000x128xf32, #tpu.memory_space<hbm>>) dst(%dma_wait3A_240 : memref<32x128xf32, #tpu.memory_space<vmem>>)
    %dma_wait3A_246 = arith.constant 0 : i32
    %dma_wait3A_247 = arith.constant 1 : i32
    %dma_wait3A_248 = arith.constant 0 : i32
    %dma_wait3A_249 = arith.constant 0 : i32
    %dma_wait3A_250 = arith.constant 0 : i32
    %dma_wait3A_251 = tpu.memref_slice %arg10[%dma_wait3A_246, %dma_wait3A_248, %dma_wait3A_249, %dma_wait3A_250] : memref<2x6x32x128xf32, #tpu.memory_space<vmem>> -> memref<1x6x32x128xf32, #tpu.memory_space<vmem>>
    %dma_wait3A_252 = tpu.memref_squeeze %dma_wait3A_251 : memref<1x6x32x128xf32, #tpu.memory_space<vmem>> -> memref<6x32x128xf32, #tpu.memory_space<vmem>>
    %dma_wait3A_253 = arith.constant 0 : i32
    %dma_wait3A_254 = arith.constant 0 : i32
    %dma_wait3A_255 = tpu.memref_slice %dma_wait3A_252[%dma_wait3A_247, %dma_wait3A_253, %dma_wait3A_254] : memref<6x32x128xf32, #tpu.memory_space<vmem>> -> memref<1x32x128xf32, #tpu.memory_space<vmem>>
    %dma_wait3A_256 = tpu.memref_squeeze %dma_wait3A_255 : memref<1x32x128xf32, #tpu.memory_space<vmem>> -> memref<32x128xf32, #tpu.memory_space<vmem>>
    %dma_wait3A_257 = arith.constant 128 : i32
    %dma_wait3A_258 = tpu.memref_slice %arg8[%dma_wait3A_257] : memref<768xi32, #tpu.memory_space<vmem>> -> memref<32xi32, #tpu.memory_space<vmem>>
    %dma_wait3A_259 = arith.constant 0 : i32
    %dma_wait3A_260 = arith.constant 0 : i32
    %dma_wait3A_261 = tpu.memref_slice %arg5[%dma_wait3A_259, %dma_wait3A_260] : memref<100000x128xf32, #tpu.memory_space<hbm>> -> memref<100000x128xf32, #tpu.memory_space<hbm>>
    tpu.wait_indirect_dma semaphore(%arg12 : memref<!tpu.dma_semaphore, #tpu.memory_space<semaphore_mem>>) src(%dma_wait3A_261 : memref<100000x128xf32, #tpu.memory_space<hbm>>) dst(%dma_wait3A_256 : memref<32x128xf32, #tpu.memory_space<vmem>>)
    %dma_wait3A_262 = arith.constant 0 : i32
    %dma_wait3A_263 = arith.constant 2 : i32
    %dma_wait3A_264 = arith.constant 0 : i32
    %dma_wait3A_265 = arith.constant 0 : i32
    %dma_wait3A_266 = arith.constant 0 : i32
    %dma_wait3A_267 = tpu.memref_slice %arg10[%dma_wait3A_262, %dma_wait3A_264, %dma_wait3A_265, %dma_wait3A_266] : memref<2x6x32x128xf32, #tpu.memory_space<vmem>> -> memref<1x6x32x128xf32, #tpu.memory_space<vmem>>
    %dma_wait3A_268 = tpu.memref_squeeze %dma_wait3A_267 : memref<1x6x32x128xf32, #tpu.memory_space<vmem>> -> memref<6x32x128xf32, #tpu.memory_space<vmem>>
    %dma_wait3A_269 = arith.constant 0 : i32
    %dma_wait3A_270 = arith.constant 0 : i32
    %dma_wait3A_271 = tpu.memref_slice %dma_wait3A_268[%dma_wait3A_263, %dma_wait3A_269, %dma_wait3A_270] : memref<6x32x128xf32, #tpu.memory_space<vmem>> -> memref<1x32x128xf32, #tpu.memory_space<vmem>>
    %dma_wait3A_272 = tpu.memref_squeeze %dma_wait3A_271 : memref<1x32x128xf32, #tpu.memory_space<vmem>> -> memref<32x128xf32, #tpu.memory_space<vmem>>
    %dma_wait3A_273 = arith.constant 256 : i32
    %dma_wait3A_274 = tpu.memref_slice %arg8[%dma_wait3A_273] : memref<768xi32, #tpu.memory_space<vmem>> -> memref<32xi32, #tpu.memory_space<vmem>>
    %dma_wait3A_275 = arith.constant 0 : i32
    %dma_wait3A_276 = arith.constant 0 : i32
    %dma_wait3A_277 = tpu.memref_slice %arg5[%dma_wait3A_275, %dma_wait3A_276] : memref<100000x128xf32, #tpu.memory_space<hbm>> -> memref<100000x128xf32, #tpu.memory_space<hbm>>
    tpu.wait_indirect_dma semaphore(%arg12 : memref<!tpu.dma_semaphore, #tpu.memory_space<semaphore_mem>>) src(%dma_wait3A_277 : memref<100000x128xf32, #tpu.memory_space<hbm>>) dst(%dma_wait3A_272 : memref<32x128xf32, #tpu.memory_space<vmem>>)
    %dma_wait3A_278 = arith.constant 0 : i32
    %dma_wait3A_279 = arith.constant 3 : i32
    %dma_wait3A_280 = arith.constant 0 : i32
    %dma_wait3A_281 = arith.constant 0 : i32
    %dma_wait3A_282 = arith.constant 0 : i32
    %dma_wait3A_283 = tpu.memref_slice %arg10[%dma_wait3A_278, %dma_wait3A_280, %dma_wait3A_281, %dma_wait3A_282] : memref<2x6x32x128xf32, #tpu.memory_space<vmem>> -> memref<1x6x32x128xf32, #tpu.memory_space<vmem>>
    %dma_wait3A_284 = tpu.memref_squeeze %dma_wait3A_283 : memref<1x6x32x128xf32, #tpu.memory_space<vmem>> -> memref<6x32x128xf32, #tpu.memory_space<vmem>>
    %dma_wait3A_285 = arith.constant 0 : i32
    %dma_wait3A_286 = arith.constant 0 : i32
    %dma_wait3A_287 = tpu.memref_slice %dma_wait3A_284[%dma_wait3A_279, %dma_wait3A_285, %dma_wait3A_286] : memref<6x32x128xf32, #tpu.memory_space<vmem>> -> memref<1x32x128xf32, #tpu.memory_space<vmem>>
    %dma_wait3A_288 = tpu.memref_squeeze %dma_wait3A_287 : memref<1x32x128xf32, #tpu.memory_space<vmem>> -> memref<32x128xf32, #tpu.memory_space<vmem>>
    %dma_wait3A_289 = arith.constant 384 : i32
    %dma_wait3A_290 = tpu.memref_slice %arg8[%dma_wait3A_289] : memref<768xi32, #tpu.memory_space<vmem>> -> memref<32xi32, #tpu.memory_space<vmem>>
    %dma_wait3A_291 = arith.constant 0 : i32
    %dma_wait3A_292 = arith.constant 0 : i32
    %dma_wait3A_293 = tpu.memref_slice %arg5[%dma_wait3A_291, %dma_wait3A_292] : memref<100000x128xf32, #tpu.memory_space<hbm>> -> memref<100000x128xf32, #tpu.memory_space<hbm>>
    tpu.wait_indirect_dma semaphore(%arg12 : memref<!tpu.dma_semaphore, #tpu.memory_space<semaphore_mem>>) src(%dma_wait3A_293 : memref<100000x128xf32, #tpu.memory_space<hbm>>) dst(%dma_wait3A_288 : memref<32x128xf32, #tpu.memory_space<vmem>>)
    %dma_wait3A_294 = arith.constant 0 : i32
    %dma_wait3A_295 = arith.constant 4 : i32
    %dma_wait3A_296 = arith.constant 0 : i32
    %dma_wait3A_297 = arith.constant 0 : i32
    %dma_wait3A_298 = arith.constant 0 : i32
    %dma_wait3A_299 = tpu.memref_slice %arg10[%dma_wait3A_294, %dma_wait3A_296, %dma_wait3A_297, %dma_wait3A_298] : memref<2x6x32x128xf32, #tpu.memory_space<vmem>> -> memref<1x6x32x128xf32, #tpu.memory_space<vmem>>
    %dma_wait3A_300 = tpu.memref_squeeze %dma_wait3A_299 : memref<1x6x32x128xf32, #tpu.memory_space<vmem>> -> memref<6x32x128xf32, #tpu.memory_space<vmem>>
    %dma_wait3A_301 = arith.constant 0 : i32
    %dma_wait3A_302 = arith.constant 0 : i32
    %dma_wait3A_303 = tpu.memref_slice %dma_wait3A_300[%dma_wait3A_295, %dma_wait3A_301, %dma_wait3A_302] : memref<6x32x128xf32, #tpu.memory_space<vmem>> -> memref<1x32x128xf32, #tpu.memory_space<vmem>>
    %dma_wait3A_304 = tpu.memref_squeeze %dma_wait3A_303 : memref<1x32x128xf32, #tpu.memory_space<vmem>> -> memref<32x128xf32, #tpu.memory_space<vmem>>
    %dma_wait3A_305 = arith.constant 512 : i32
    %dma_wait3A_306 = tpu.memref_slice %arg8[%dma_wait3A_305] : memref<768xi32, #tpu.memory_space<vmem>> -> memref<32xi32, #tpu.memory_space<vmem>>
    %dma_wait3A_307 = arith.constant 0 : i32
    %dma_wait3A_308 = arith.constant 0 : i32
    %dma_wait3A_309 = tpu.memref_slice %arg5[%dma_wait3A_307, %dma_wait3A_308] : memref<100000x128xf32, #tpu.memory_space<hbm>> -> memref<100000x128xf32, #tpu.memory_space<hbm>>
    tpu.wait_indirect_dma semaphore(%arg12 : memref<!tpu.dma_semaphore, #tpu.memory_space<semaphore_mem>>) src(%dma_wait3A_309 : memref<100000x128xf32, #tpu.memory_space<hbm>>) dst(%dma_wait3A_304 : memref<32x128xf32, #tpu.memory_space<vmem>>)
    %dma_wait3A_310 = arith.constant 0 : i32
    %dma_wait3A_311 = arith.constant 5 : i32
    %dma_wait3A_312 = arith.constant 0 : i32
    %dma_wait3A_313 = arith.constant 0 : i32
    %dma_wait3A_314 = arith.constant 0 : i32
    %dma_wait3A_315 = tpu.memref_slice %arg10[%dma_wait3A_310, %dma_wait3A_312, %dma_wait3A_313, %dma_wait3A_314] : memref<2x6x32x128xf32, #tpu.memory_space<vmem>> -> memref<1x6x32x128xf32, #tpu.memory_space<vmem>>
    %dma_wait3A_316 = tpu.memref_squeeze %dma_wait3A_315 : memref<1x6x32x128xf32, #tpu.memory_space<vmem>> -> memref<6x32x128xf32, #tpu.memory_space<vmem>>
    %dma_wait3A_317 = arith.constant 0 : i32
    %dma_wait3A_318 = arith.constant 0 : i32
    %dma_wait3A_319 = tpu.memref_slice %dma_wait3A_316[%dma_wait3A_311, %dma_wait3A_317, %dma_wait3A_318] : memref<6x32x128xf32, #tpu.memory_space<vmem>> -> memref<1x32x128xf32, #tpu.memory_space<vmem>>
    %dma_wait3A_320 = tpu.memref_squeeze %dma_wait3A_319 : memref<1x32x128xf32, #tpu.memory_space<vmem>> -> memref<32x128xf32, #tpu.memory_space<vmem>>
    %dma_wait3A_321 = arith.constant 640 : i32
    %dma_wait3A_322 = tpu.memref_slice %arg8[%dma_wait3A_321] : memref<768xi32, #tpu.memory_space<vmem>> -> memref<32xi32, #tpu.memory_space<vmem>>
    %dma_wait3A_323 = arith.constant 0 : i32
    %dma_wait3A_324 = arith.constant 0 : i32
    %dma_wait3A_325 = tpu.memref_slice %arg5[%dma_wait3A_323, %dma_wait3A_324] : memref<100000x128xf32, #tpu.memory_space<hbm>> -> memref<100000x128xf32, #tpu.memory_space<hbm>>
    tpu.wait_indirect_dma semaphore(%arg12 : memref<!tpu.dma_semaphore, #tpu.memory_space<semaphore_mem>>) src(%dma_wait3A_325 : memref<100000x128xf32, #tpu.memory_space<hbm>>) dst(%dma_wait3A_320 : memref<32x128xf32, #tpu.memory_space<vmem>>)
    %scan3A = arith.constant 0 : i32
    %scan3A_326 = arith.constant 0 : i32
    %scan3A_327 = arith.constant 0 : i32
    %scan3A_328 = arith.constant 32 : i32
    %scan3A_329 = arith.addi %scan3A_327, %scan3A_328 : i32
    %scan3A_330 = arith.constant 1 : i32
    scf.for %scan3A_883 = %scan3A_327 to %scan3A_329 step %scan3A_330  : i32 {
      %mul3A_884 = arith.constant 1 : i32
      %mul3A_885 = arith.muli %scan3A_883, %mul3A_884 : i32
      %add3A_886 = arith.constant 0 : i32
      %add3A_887 = arith.addi %add3A_886, %mul3A_885 : i32
      %get3A = arith.constant 0 : i32
      %get3A_888 = arith.constant 0 : i32
      %get3A_889 = tpu.memref_slice %arg9[%scan3A, %get3A, %get3A_888] : memref<2x32x128xf32, #tpu.memory_space<vmem>> -> memref<1x32x128xf32, #tpu.memory_space<vmem>>
      %get3A_890 = tpu.memref_squeeze %get3A_889 : memref<1x32x128xf32, #tpu.memory_space<vmem>> -> memref<32x128xf32, #tpu.memory_space<vmem>>
      %get3A_891 = arith.index_cast %add3A_887 : i32 to index
      %get3A_892 = arith.constant 0 : index
      %get3A_893 = tpu.vector_load %get3A_890[%get3A_891, %get3A_892] {strides = array<i32>} : memref<32x128xf32, #tpu.memory_space<vmem>>, vector<16xf32>,
      %get3A_894 = arith.constant 0 : i32
      %get3A_895 = arith.constant 0 : i32
      %get3A_896 = tpu.memref_slice %arg9[%scan3A, %get3A_894, %get3A_895] : memref<2x32x128xf32, #tpu.memory_space<vmem>> -> memref<1x32x128xf32, #tpu.memory_space<vmem>>
      %get3A_897 = tpu.memref_squeeze %get3A_896 : memref<1x32x128xf32, #tpu.memory_space<vmem>> -> memref<32x128xf32, #tpu.memory_space<vmem>>
      %get3A_898 = arith.index_cast %add3A_887 : i32 to index
      %get3A_899 = arith.constant 16 : index
      %get3A_900 = tpu.vector_load %get3A_897[%get3A_898, %get3A_899] {strides = array<i32>} : memref<32x128xf32, #tpu.memory_space<vmem>>, vector<16xf32>,
      %get3A_901 = arith.constant 0 : i32
      %get3A_902 = arith.constant 0 : i32
      %get3A_903 = tpu.memref_slice %arg9[%scan3A, %get3A_901, %get3A_902] : memref<2x32x128xf32, #tpu.memory_space<vmem>> -> memref<1x32x128xf32, #tpu.memory_space<vmem>>
      %get3A_904 = tpu.memref_squeeze %get3A_903 : memref<1x32x128xf32, #tpu.memory_space<vmem>> -> memref<32x128xf32, #tpu.memory_space<vmem>>
      %get3A_905 = arith.index_cast %add3A_887 : i32 to index
      %get3A_906 = arith.constant 32 : index
      %get3A_907 = tpu.vector_load %get3A_904[%get3A_905, %get3A_906] {strides = array<i32>} : memref<32x128xf32, #tpu.memory_space<vmem>>, vector<16xf32>,
      %get3A_908 = arith.constant 0 : i32
      %get3A_909 = arith.constant 0 : i32
      %get3A_910 = tpu.memref_slice %arg9[%scan3A, %get3A_908, %get3A_909] : memref<2x32x128xf32, #tpu.memory_space<vmem>> -> memref<1x32x128xf32, #tpu.memory_space<vmem>>
      %get3A_911 = tpu.memref_squeeze %get3A_910 : memref<1x32x128xf32, #tpu.memory_space<vmem>> -> memref<32x128xf32, #tpu.memory_space<vmem>>
      %get3A_912 = arith.index_cast %add3A_887 : i32 to index
      %get3A_913 = arith.constant 48 : index
      %get3A_914 = tpu.vector_load %get3A_911[%get3A_912, %get3A_913] {strides = array<i32>} : memref<32x128xf32, #tpu.memory_space<vmem>>, vector<16xf32>,
      %get3A_915 = arith.constant 0 : i32
      %get3A_916 = arith.constant 0 : i32
      %get3A_917 = tpu.memref_slice %arg9[%scan3A, %get3A_915, %get3A_916] : memref<2x32x128xf32, #tpu.memory_space<vmem>> -> memref<1x32x128xf32, #tpu.memory_space<vmem>>
      %get3A_918 = tpu.memref_squeeze %get3A_917 : memref<1x32x128xf32, #tpu.memory_space<vmem>> -> memref<32x128xf32, #tpu.memory_space<vmem>>
      %get3A_919 = arith.index_cast %add3A_887 : i32 to index
      %get3A_920 = arith.constant 64 : index
      %get3A_921 = tpu.vector_load %get3A_918[%get3A_919, %get3A_920] {strides = array<i32>} : memref<32x128xf32, #tpu.memory_space<vmem>>, vector<16xf32>,
      %get3A_922 = arith.constant 0 : i32
      %get3A_923 = arith.constant 0 : i32
      %get3A_924 = tpu.memref_slice %arg9[%scan3A, %get3A_922, %get3A_923] : memref<2x32x128xf32, #tpu.memory_space<vmem>> -> memref<1x32x128xf32, #tpu.memory_space<vmem>>
      %get3A_925 = tpu.memref_squeeze %get3A_924 : memref<1x32x128xf32, #tpu.memory_space<vmem>> -> memref<32x128xf32, #tpu.memory_space<vmem>>
      %get3A_926 = arith.index_cast %add3A_887 : i32 to index
      %get3A_927 = arith.constant 80 : index
      %get3A_928 = tpu.vector_load %get3A_925[%get3A_926, %get3A_927] {strides = array<i32>} : memref<32x128xf32, #tpu.memory_space<vmem>>, vector<16xf32>,
      %get3A_929 = arith.constant 0 : i32
      %get3A_930 = arith.constant 0 : i32
      %get3A_931 = tpu.memref_slice %arg9[%scan3A, %get3A_929, %get3A_930] : memref<2x32x128xf32, #tpu.memory_space<vmem>> -> memref<1x32x128xf32, #tpu.memory_space<vmem>>
      %get3A_932 = tpu.memref_squeeze %get3A_931 : memref<1x32x128xf32, #tpu.memory_space<vmem>> -> memref<32x128xf32, #tpu.memory_space<vmem>>
      %get3A_933 = arith.index_cast %add3A_887 : i32 to index
      %get3A_934 = arith.constant 96 : index
      %get3A_935 = tpu.vector_load %get3A_932[%get3A_933, %get3A_934] {strides = array<i32>} : memref<32x128xf32, #tpu.memory_space<vmem>>, vector<16xf32>,
      %get3A_936 = arith.constant 0 : i32
      %get3A_937 = arith.constant 0 : i32
      %get3A_938 = tpu.memref_slice %arg9[%scan3A, %get3A_936, %get3A_937] : memref<2x32x128xf32, #tpu.memory_space<vmem>> -> memref<1x32x128xf32, #tpu.memory_space<vmem>>
      %get3A_939 = tpu.memref_squeeze %get3A_938 : memref<1x32x128xf32, #tpu.memory_space<vmem>> -> memref<32x128xf32, #tpu.memory_space<vmem>>
      %get3A_940 = arith.index_cast %add3A_887 : i32 to index
      %get3A_941 = arith.constant 112 : index
      %get3A_942 = tpu.vector_load %get3A_939[%get3A_940, %get3A_941] {strides = array<i32>} : memref<32x128xf32, #tpu.memory_space<vmem>>, vector<16xf32>,
      %broadcast_in_dim3A = arith.constant 0.000000e+00 : f32
      %broadcast_in_dim3A_943 = vector.broadcast %broadcast_in_dim3A : f32 to vector<16xf32>
      %get3A_944 = arith.constant 0 : i32
      %get3A_945 = arith.constant 0 : i32
      %get3A_946 = arith.constant 0 : i32
      %get3A_947 = arith.constant 0 : i32
      %get3A_948 = tpu.memref_slice %arg10[%scan3A_326, %get3A_945, %get3A_946, %get3A_947] : memref<2x6x32x128xf32, #tpu.memory_space<vmem>> -> memref<1x6x32x128xf32, #tpu.memory_space<vmem>>
      %get3A_949 = tpu.memref_squeeze %get3A_948 : memref<1x6x32x128xf32, #tpu.memory_space<vmem>> -> memref<6x32x128xf32, #tpu.memory_space<vmem>>
      %get3A_950 = arith.index_cast %get3A_944 : i32 to index
      %get3A_951 = arith.index_cast %add3A_887 : i32 to index
      %get3A_952 = arith.constant 0 : index
      %get3A_953 = tpu.vector_load %get3A_949[%get3A_950, %get3A_951, %get3A_952] {strides = array<i32>} : memref<6x32x128xf32, #tpu.memory_space<vmem>>, vector<16xf32>,
      %mul3A_954 = arith.mulf %get3A_893, %get3A_953 : vector<16xf32>
      %get3A_955 = arith.constant 0 : i32
      %get3A_956 = arith.constant 0 : i32
      %get3A_957 = arith.constant 0 : i32
      %get3A_958 = arith.constant 0 : i32
      %get3A_959 = tpu.memref_slice %arg10[%scan3A_326, %get3A_956, %get3A_957, %get3A_958] : memref<2x6x32x128xf32, #tpu.memory_space<vmem>> -> memref<1x6x32x128xf32, #tpu.memory_space<vmem>>
      %get3A_960 = tpu.memref_squeeze %get3A_959 : memref<1x6x32x128xf32, #tpu.memory_space<vmem>> -> memref<6x32x128xf32, #tpu.memory_space<vmem>>
      %get3A_961 = arith.index_cast %get3A_955 : i32 to index
      %get3A_962 = arith.index_cast %add3A_887 : i32 to index
      %get3A_963 = arith.constant 16 : index
      %get3A_964 = tpu.vector_load %get3A_960[%get3A_961, %get3A_962, %get3A_963] {strides = array<i32>} : memref<6x32x128xf32, #tpu.memory_space<vmem>>, vector<16xf32>,
      %mul3A_965 = arith.mulf %get3A_900, %get3A_964 : vector<16xf32>
      %add3A_966 = arith.addf %mul3A_954, %mul3A_965 : vector<16xf32>
      %get3A_967 = arith.constant 0 : i32
      %get3A_968 = arith.constant 0 : i32
      %get3A_969 = arith.constant 0 : i32
      %get3A_970 = arith.constant 0 : i32
      %get3A_971 = tpu.memref_slice %arg10[%scan3A_326, %get3A_968, %get3A_969, %get3A_970] : memref<2x6x32x128xf32, #tpu.memory_space<vmem>> -> memref<1x6x32x128xf32, #tpu.memory_space<vmem>>
      %get3A_972 = tpu.memref_squeeze %get3A_971 : memref<1x6x32x128xf32, #tpu.memory_space<vmem>> -> memref<6x32x128xf32, #tpu.memory_space<vmem>>
      %get3A_973 = arith.index_cast %get3A_967 : i32 to index
      %get3A_974 = arith.index_cast %add3A_887 : i32 to index
      %get3A_975 = arith.constant 32 : index
      %get3A_976 = tpu.vector_load %get3A_972[%get3A_973, %get3A_974, %get3A_975] {strides = array<i32>} : memref<6x32x128xf32, #tpu.memory_space<vmem>>, vector<16xf32>,
      %mul3A_977 = arith.mulf %get3A_907, %get3A_976 : vector<16xf32>
      %add3A_978 = arith.addf %add3A_966, %mul3A_977 : vector<16xf32>
      %get3A_979 = arith.constant 0 : i32
      %get3A_980 = arith.constant 0 : i32
      %get3A_981 = arith.constant 0 : i32
      %get3A_982 = arith.constant 0 : i32
      %get3A_983 = tpu.memref_slice %arg10[%scan3A_326, %get3A_980, %get3A_981, %get3A_982] : memref<2x6x32x128xf32, #tpu.memory_space<vmem>> -> memref<1x6x32x128xf32, #tpu.memory_space<vmem>>
      %get3A_984 = tpu.memref_squeeze %get3A_983 : memref<1x6x32x128xf32, #tpu.memory_space<vmem>> -> memref<6x32x128xf32, #tpu.memory_space<vmem>>
      %get3A_985 = arith.index_cast %get3A_979 : i32 to index
      %get3A_986 = arith.index_cast %add3A_887 : i32 to index
      %get3A_987 = arith.constant 48 : index
      %get3A_988 = tpu.vector_load %get3A_984[%get3A_985, %get3A_986, %get3A_987] {strides = array<i32>} : memref<6x32x128xf32, #tpu.memory_space<vmem>>, vector<16xf32>,
      %mul3A_989 = arith.mulf %get3A_914, %get3A_988 : vector<16xf32>
      %add3A_990 = arith.addf %add3A_978, %mul3A_989 : vector<16xf32>
      %get3A_991 = arith.constant 0 : i32
      %get3A_992 = arith.constant 0 : i32
      %get3A_993 = arith.constant 0 : i32
      %get3A_994 = arith.constant 0 : i32
      %get3A_995 = tpu.memref_slice %arg10[%scan3A_326, %get3A_992, %get3A_993, %get3A_994] : memref<2x6x32x128xf32, #tpu.memory_space<vmem>> -> memref<1x6x32x128xf32, #tpu.memory_space<vmem>>
      %get3A_996 = tpu.memref_squeeze %get3A_995 : memref<1x6x32x128xf32, #tpu.memory_space<vmem>> -> memref<6x32x128xf32, #tpu.memory_space<vmem>>
      %get3A_997 = arith.index_cast %get3A_991 : i32 to index
      %get3A_998 = arith.index_cast %add3A_887 : i32 to index
      %get3A_999 = arith.constant 64 : index
      %get3A_1000 = tpu.vector_load %get3A_996[%get3A_997, %get3A_998, %get3A_999] {strides = array<i32>} : memref<6x32x128xf32, #tpu.memory_space<vmem>>, vector<16xf32>,
      %mul3A_1001 = arith.mulf %get3A_921, %get3A_1000 : vector<16xf32>
      %add3A_1002 = arith.addf %add3A_990, %mul3A_1001 : vector<16xf32>
      %get3A_1003 = arith.constant 0 : i32
      %get3A_1004 = arith.constant 0 : i32
      %get3A_1005 = arith.constant 0 : i32
      %get3A_1006 = arith.constant 0 : i32
      %get3A_1007 = tpu.memref_slice %arg10[%scan3A_326, %get3A_1004, %get3A_1005, %get3A_1006] : memref<2x6x32x128xf32, #tpu.memory_space<vmem>> -> memref<1x6x32x128xf32, #tpu.memory_space<vmem>>
      %get3A_1008 = tpu.memref_squeeze %get3A_1007 : memref<1x6x32x128xf32, #tpu.memory_space<vmem>> -> memref<6x32x128xf32, #tpu.memory_space<vmem>>
      %get3A_1009 = arith.index_cast %get3A_1003 : i32 to index
      %get3A_1010 = arith.index_cast %add3A_887 : i32 to index
      %get3A_1011 = arith.constant 80 : index
      %get3A_1012 = tpu.vector_load %get3A_1008[%get3A_1009, %get3A_1010, %get3A_1011] {strides = array<i32>} : memref<6x32x128xf32, #tpu.memory_space<vmem>>, vector<16xf32>,
      %mul3A_1013 = arith.mulf %get3A_928, %get3A_1012 : vector<16xf32>
      %add3A_1014 = arith.addf %add3A_1002, %mul3A_1013 : vector<16xf32>
      %get3A_1015 = arith.constant 0 : i32
      %get3A_1016 = arith.constant 0 : i32
      %get3A_1017 = arith.constant 0 : i32
      %get3A_1018 = arith.constant 0 : i32
      %get3A_1019 = tpu.memref_slice %arg10[%scan3A_326, %get3A_1016, %get3A_1017, %get3A_1018] : memref<2x6x32x128xf32, #tpu.memory_space<vmem>> -> memref<1x6x32x128xf32, #tpu.memory_space<vmem>>
      %get3A_1020 = tpu.memref_squeeze %get3A_1019 : memref<1x6x32x128xf32, #tpu.memory_space<vmem>> -> memref<6x32x128xf32, #tpu.memory_space<vmem>>
      %get3A_1021 = arith.index_cast %get3A_1015 : i32 to index
      %get3A_1022 = arith.index_cast %add3A_887 : i32 to index
      %get3A_1023 = arith.constant 96 : index
      %get3A_1024 = tpu.vector_load %get3A_1020[%get3A_1021, %get3A_1022, %get3A_1023] {strides = array<i32>} : memref<6x32x128xf32, #tpu.memory_space<vmem>>, vector<16xf32>,
      %mul3A_1025 = arith.mulf %get3A_935, %get3A_1024 : vector<16xf32>
      %add3A_1026 = arith.addf %add3A_1014, %mul3A_1025 : vector<16xf32>
      %get3A_1027 = arith.constant 0 : i32
      %get3A_1028 = arith.constant 0 : i32
      %get3A_1029 = arith.constant 0 : i32
      %get3A_1030 = arith.constant 0 : i32
      %get3A_1031 = tpu.memref_slice %arg10[%scan3A_326, %get3A_1028, %get3A_1029, %get3A_1030] : memref<2x6x32x128xf32, #tpu.memory_space<vmem>> -> memref<1x6x32x128xf32, #tpu.memory_space<vmem>>
      %get3A_1032 = tpu.memref_squeeze %get3A_1031 : memref<1x6x32x128xf32, #tpu.memory_space<vmem>> -> memref<6x32x128xf32, #tpu.memory_space<vmem>>
      %get3A_1033 = arith.index_cast %get3A_1027 : i32 to index
      %get3A_1034 = arith.index_cast %add3A_887 : i32 to index
      %get3A_1035 = arith.constant 112 : index
      %get3A_1036 = tpu.vector_load %get3A_1032[%get3A_1033, %get3A_1034, %get3A_1035] {strides = array<i32>} : memref<6x32x128xf32, #tpu.memory_space<vmem>>, vector<16xf32>,
      %mul3A_1037 = arith.mulf %get3A_942, %get3A_1036 : vector<16xf32>
      %add3A_1038 = arith.addf %add3A_1026, %mul3A_1037 : vector<16xf32>
      %eq3A = arith.constant 0 : i32
      %eq3A_1039 = vector.broadcast %eq3A : i32 to vector<16xi32>
      %eq3A_1040 = arith.cmpi eq, %iota3A, %eq3A_1039 : vector<16xi32>
      %reduce_sum3A = arith.constant true
      %reduce_sum3A_1041 = vector.broadcast %reduce_sum3A : i1 to vector<16xi1>
      %reduce_sum3A_1042 = tpu.scan <sum>, %add3A_1038 masked %reduce_sum3A_1041 : vector<16xf32>, vector<16xi1> -> vector<16xf32>
      %reduce_sum3A_1043 = vector.extract %reduce_sum3A_1042[15] : f32 from vector<16xf32>
      %broadcast_in_dim3A_1044 = vector.broadcast %reduce_sum3A_1043 : f32 to vector<16xf32>
      %select_n3A = arith.select %eq3A_1040, %broadcast_in_dim3A_1044, %broadcast_in_dim3A_943 : vector<16xi1>, vector<16xf32>
      %get3A_1045 = arith.constant 1 : i32
      %get3A_1046 = arith.constant 0 : i32
      %get3A_1047 = arith.constant 0 : i32
      %get3A_1048 = arith.constant 0 : i32
      %get3A_1049 = tpu.memref_slice %arg10[%scan3A_326, %get3A_1046, %get3A_1047, %get3A_1048] : memref<2x6x32x128xf32, #tpu.memory_space<vmem>> -> memref<1x6x32x128xf32, #tpu.memory_space<vmem>>
      %get3A_1050 = tpu.memref_squeeze %get3A_1049 : memref<1x6x32x128xf32, #tpu.memory_space<vmem>> -> memref<6x32x128xf32, #tpu.memory_space<vmem>>
      %get3A_1051 = arith.index_cast %get3A_1045 : i32 to index
      %get3A_1052 = arith.index_cast %add3A_887 : i32 to index
      %get3A_1053 = arith.constant 0 : index
      %get3A_1054 = tpu.vector_load %get3A_1050[%get3A_1051, %get3A_1052, %get3A_1053] {strides = array<i32>} : memref<6x32x128xf32, #tpu.memory_space<vmem>>, vector<16xf32>,
      %mul3A_1055 = arith.mulf %get3A_893, %get3A_1054 : vector<16xf32>
      %get3A_1056 = arith.constant 1 : i32
      %get3A_1057 = arith.constant 0 : i32
      %get3A_1058 = arith.constant 0 : i32
      %get3A_1059 = arith.constant 0 : i32
      %get3A_1060 = tpu.memref_slice %arg10[%scan3A_326, %get3A_1057, %get3A_1058, %get3A_1059] : memref<2x6x32x128xf32, #tpu.memory_space<vmem>> -> memref<1x6x32x128xf32, #tpu.memory_space<vmem>>
      %get3A_1061 = tpu.memref_squeeze %get3A_1060 : memref<1x6x32x128xf32, #tpu.memory_space<vmem>> -> memref<6x32x128xf32, #tpu.memory_space<vmem>>
      %get3A_1062 = arith.index_cast %get3A_1056 : i32 to index
      %get3A_1063 = arith.index_cast %add3A_887 : i32 to index
      %get3A_1064 = arith.constant 16 : index
      %get3A_1065 = tpu.vector_load %get3A_1061[%get3A_1062, %get3A_1063, %get3A_1064] {strides = array<i32>} : memref<6x32x128xf32, #tpu.memory_space<vmem>>, vector<16xf32>,
      %mul3A_1066 = arith.mulf %get3A_900, %get3A_1065 : vector<16xf32>
      %add3A_1067 = arith.addf %mul3A_1055, %mul3A_1066 : vector<16xf32>
      %get3A_1068 = arith.constant 1 : i32
      %get3A_1069 = arith.constant 0 : i32
      %get3A_1070 = arith.constant 0 : i32
      %get3A_1071 = arith.constant 0 : i32
      %get3A_1072 = tpu.memref_slice %arg10[%scan3A_326, %get3A_1069, %get3A_1070, %get3A_1071] : memref<2x6x32x128xf32, #tpu.memory_space<vmem>> -> memref<1x6x32x128xf32, #tpu.memory_space<vmem>>
      %get3A_1073 = tpu.memref_squeeze %get3A_1072 : memref<1x6x32x128xf32, #tpu.memory_space<vmem>> -> memref<6x32x128xf32, #tpu.memory_space<vmem>>
      %get3A_1074 = arith.index_cast %get3A_1068 : i32 to index
      %get3A_1075 = arith.index_cast %add3A_887 : i32 to index
      %get3A_1076 = arith.constant 32 : index
      %get3A_1077 = tpu.vector_load %get3A_1073[%get3A_1074, %get3A_1075, %get3A_1076] {strides = array<i32>} : memref<6x32x128xf32, #tpu.memory_space<vmem>>, vector<16xf32>,
      %mul3A_1078 = arith.mulf %get3A_907, %get3A_1077 : vector<16xf32>
      %add3A_1079 = arith.addf %add3A_1067, %mul3A_1078 : vector<16xf32>
      %get3A_1080 = arith.constant 1 : i32
      %get3A_1081 = arith.constant 0 : i32
      %get3A_1082 = arith.constant 0 : i32
      %get3A_1083 = arith.constant 0 : i32
      %get3A_1084 = tpu.memref_slice %arg10[%scan3A_326, %get3A_1081, %get3A_1082, %get3A_1083] : memref<2x6x32x128xf32, #tpu.memory_space<vmem>> -> memref<1x6x32x128xf32, #tpu.memory_space<vmem>>
      %get3A_1085 = tpu.memref_squeeze %get3A_1084 : memref<1x6x32x128xf32, #tpu.memory_space<vmem>> -> memref<6x32x128xf32, #tpu.memory_space<vmem>>
      %get3A_1086 = arith.index_cast %get3A_1080 : i32 to index
      %get3A_1087 = arith.index_cast %add3A_887 : i32 to index
      %get3A_1088 = arith.constant 48 : index
      %get3A_1089 = tpu.vector_load %get3A_1085[%get3A_1086, %get3A_1087, %get3A_1088] {strides = array<i32>} : memref<6x32x128xf32, #tpu.memory_space<vmem>>, vector<16xf32>,
      %mul3A_1090 = arith.mulf %get3A_914, %get3A_1089 : vector<16xf32>
      %add3A_1091 = arith.addf %add3A_1079, %mul3A_1090 : vector<16xf32>
      %get3A_1092 = arith.constant 1 : i32
      %get3A_1093 = arith.constant 0 : i32
      %get3A_1094 = arith.constant 0 : i32
      %get3A_1095 = arith.constant 0 : i32
      %get3A_1096 = tpu.memref_slice %arg10[%scan3A_326, %get3A_1093, %get3A_1094, %get3A_1095] : memref<2x6x32x128xf32, #tpu.memory_space<vmem>> -> memref<1x6x32x128xf32, #tpu.memory_space<vmem>>
      %get3A_1097 = tpu.memref_squeeze %get3A_1096 : memref<1x6x32x128xf32, #tpu.memory_space<vmem>> -> memref<6x32x128xf32, #tpu.memory_space<vmem>>
      %get3A_1098 = arith.index_cast %get3A_1092 : i32 to index
      %get3A_1099 = arith.index_cast %add3A_887 : i32 to index
      %get3A_1100 = arith.constant 64 : index
      %get3A_1101 = tpu.vector_load %get3A_1097[%get3A_1098, %get3A_1099, %get3A_1100] {strides = array<i32>} : memref<6x32x128xf32, #tpu.memory_space<vmem>>, vector<16xf32>,
      %mul3A_1102 = arith.mulf %get3A_921, %get3A_1101 : vector<16xf32>
      %add3A_1103 = arith.addf %add3A_1091, %mul3A_1102 : vector<16xf32>
      %get3A_1104 = arith.constant 1 : i32
      %get3A_1105 = arith.constant 0 : i32
      %get3A_1106 = arith.constant 0 : i32
      %get3A_1107 = arith.constant 0 : i32
      %get3A_1108 = tpu.memref_slice %arg10[%scan3A_326, %get3A_1105, %get3A_1106, %get3A_1107] : memref<2x6x32x128xf32, #tpu.memory_space<vmem>> -> memref<1x6x32x128xf32, #tpu.memory_space<vmem>>
      %get3A_1109 = tpu.memref_squeeze %get3A_1108 : memref<1x6x32x128xf32, #tpu.memory_space<vmem>> -> memref<6x32x128xf32, #tpu.memory_space<vmem>>
      %get3A_1110 = arith.index_cast %get3A_1104 : i32 to index
      %get3A_1111 = arith.index_cast %add3A_887 : i32 to index
      %get3A_1112 = arith.constant 80 : index
      %get3A_1113 = tpu.vector_load %get3A_1109[%get3A_1110, %get3A_1111, %get3A_1112] {strides = array<i32>} : memref<6x32x128xf32, #tpu.memory_space<vmem>>, vector<16xf32>,
      %mul3A_1114 = arith.mulf %get3A_928, %get3A_1113 : vector<16xf32>
      %add3A_1115 = arith.addf %add3A_1103, %mul3A_1114 : vector<16xf32>
      %get3A_1116 = arith.constant 1 : i32
      %get3A_1117 = arith.constant 0 : i32
      %get3A_1118 = arith.constant 0 : i32
      %get3A_1119 = arith.constant 0 : i32
      %get3A_1120 = tpu.memref_slice %arg10[%scan3A_326, %get3A_1117, %get3A_1118, %get3A_1119] : memref<2x6x32x128xf32, #tpu.memory_space<vmem>> -> memref<1x6x32x128xf32, #tpu.memory_space<vmem>>
      %get3A_1121 = tpu.memref_squeeze %get3A_1120 : memref<1x6x32x128xf32, #tpu.memory_space<vmem>> -> memref<6x32x128xf32, #tpu.memory_space<vmem>>
      %get3A_1122 = arith.index_cast %get3A_1116 : i32 to index
      %get3A_1123 = arith.index_cast %add3A_887 : i32 to index
      %get3A_1124 = arith.constant 96 : index
      %get3A_1125 = tpu.vector_load %get3A_1121[%get3A_1122, %get3A_1123, %get3A_1124] {strides = array<i32>} : memref<6x32x128xf32, #tpu.memory_space<vmem>>, vector<16xf32>,
      %mul3A_1126 = arith.mulf %get3A_935, %get3A_1125 : vector<16xf32>
      %add3A_1127 = arith.addf %add3A_1115, %mul3A_1126 : vector<16xf32>
      %get3A_1128 = arith.constant 1 : i32
      %get3A_1129 = arith.constant 0 : i32
      %get3A_1130 = arith.constant 0 : i32
      %get3A_1131 = arith.constant 0 : i32
      %get3A_1132 = tpu.memref_slice %arg10[%scan3A_326, %get3A_1129, %get3A_1130, %get3A_1131] : memref<2x6x32x128xf32, #tpu.memory_space<vmem>> -> memref<1x6x32x128xf32, #tpu.memory_space<vmem>>
      %get3A_1133 = tpu.memref_squeeze %get3A_1132 : memref<1x6x32x128xf32, #tpu.memory_space<vmem>> -> memref<6x32x128xf32, #tpu.memory_space<vmem>>
      %get3A_1134 = arith.index_cast %get3A_1128 : i32 to index
      %get3A_1135 = arith.index_cast %add3A_887 : i32 to index
      %get3A_1136 = arith.constant 112 : index
      %get3A_1137 = tpu.vector_load %get3A_1133[%get3A_1134, %get3A_1135, %get3A_1136] {strides = array<i32>} : memref<6x32x128xf32, #tpu.memory_space<vmem>>, vector<16xf32>,
      %mul3A_1138 = arith.mulf %get3A_942, %get3A_1137 : vector<16xf32>
      %add3A_1139 = arith.addf %add3A_1127, %mul3A_1138 : vector<16xf32>
      %eq3A_1140 = arith.constant 1 : i32
      %eq3A_1141 = vector.broadcast %eq3A_1140 : i32 to vector<16xi32>
      %eq3A_1142 = arith.cmpi eq, %iota3A, %eq3A_1141 : vector<16xi32>
      %reduce_sum3A_1143 = arith.constant true
      %reduce_sum3A_1144 = vector.broadcast %reduce_sum3A_1143 : i1 to vector<16xi1>
      %reduce_sum3A_1145 = tpu.scan <sum>, %add3A_1139 masked %reduce_sum3A_1144 : vector<16xf32>, vector<16xi1> -> vector<16xf32>
      %reduce_sum3A_1146 = vector.extract %reduce_sum3A_1145[15] : f32 from vector<16xf32>
      %broadcast_in_dim3A_1147 = vector.broadcast %reduce_sum3A_1146 : f32 to vector<16xf32>
      %select_n3A_1148 = arith.select %eq3A_1142, %broadcast_in_dim3A_1147, %select_n3A : vector<16xi1>, vector<16xf32>
      %get3A_1149 = arith.constant 2 : i32
      %get3A_1150 = arith.constant 0 : i32
      %get3A_1151 = arith.constant 0 : i32
      %get3A_1152 = arith.constant 0 : i32
      %get3A_1153 = tpu.memref_slice %arg10[%scan3A_326, %get3A_1150, %get3A_1151, %get3A_1152] : memref<2x6x32x128xf32, #tpu.memory_space<vmem>> -> memref<1x6x32x128xf32, #tpu.memory_space<vmem>>
      %get3A_1154 = tpu.memref_squeeze %get3A_1153 : memref<1x6x32x128xf32, #tpu.memory_space<vmem>> -> memref<6x32x128xf32, #tpu.memory_space<vmem>>
      %get3A_1155 = arith.index_cast %get3A_1149 : i32 to index
      %get3A_1156 = arith.index_cast %add3A_887 : i32 to index
      %get3A_1157 = arith.constant 0 : index
      %get3A_1158 = tpu.vector_load %get3A_1154[%get3A_1155, %get3A_1156, %get3A_1157] {strides = array<i32>} : memref<6x32x128xf32, #tpu.memory_space<vmem>>, vector<16xf32>,
      %mul3A_1159 = arith.mulf %get3A_893, %get3A_1158 : vector<16xf32>
      %get3A_1160 = arith.constant 2 : i32
      %get3A_1161 = arith.constant 0 : i32
      %get3A_1162 = arith.constant 0 : i32
      %get3A_1163 = arith.constant 0 : i32
      %get3A_1164 = tpu.memref_slice %arg10[%scan3A_326, %get3A_1161, %get3A_1162, %get3A_1163] : memref<2x6x32x128xf32, #tpu.memory_space<vmem>> -> memref<1x6x32x128xf32, #tpu.memory_space<vmem>>
      %get3A_1165 = tpu.memref_squeeze %get3A_1164 : memref<1x6x32x128xf32, #tpu.memory_space<vmem>> -> memref<6x32x128xf32, #tpu.memory_space<vmem>>
      %get3A_1166 = arith.index_cast %get3A_1160 : i32 to index
      %get3A_1167 = arith.index_cast %add3A_887 : i32 to index
      %get3A_1168 = arith.constant 16 : index
      %get3A_1169 = tpu.vector_load %get3A_1165[%get3A_1166, %get3A_1167, %get3A_1168] {strides = array<i32>} : memref<6x32x128xf32, #tpu.memory_space<vmem>>, vector<16xf32>,
      %mul3A_1170 = arith.mulf %get3A_900, %get3A_1169 : vector<16xf32>
      %add3A_1171 = arith.addf %mul3A_1159, %mul3A_1170 : vector<16xf32>
      %get3A_1172 = arith.constant 2 : i32
      %get3A_1173 = arith.constant 0 : i32
      %get3A_1174 = arith.constant 0 : i32
      %get3A_1175 = arith.constant 0 : i32
      %get3A_1176 = tpu.memref_slice %arg10[%scan3A_326, %get3A_1173, %get3A_1174, %get3A_1175] : memref<2x6x32x128xf32, #tpu.memory_space<vmem>> -> memref<1x6x32x128xf32, #tpu.memory_space<vmem>>
      %get3A_1177 = tpu.memref_squeeze %get3A_1176 : memref<1x6x32x128xf32, #tpu.memory_space<vmem>> -> memref<6x32x128xf32, #tpu.memory_space<vmem>>
      %get3A_1178 = arith.index_cast %get3A_1172 : i32 to index
      %get3A_1179 = arith.index_cast %add3A_887 : i32 to index
      %get3A_1180 = arith.constant 32 : index
      %get3A_1181 = tpu.vector_load %get3A_1177[%get3A_1178, %get3A_1179, %get3A_1180] {strides = array<i32>} : memref<6x32x128xf32, #tpu.memory_space<vmem>>, vector<16xf32>,
      %mul3A_1182 = arith.mulf %get3A_907, %get3A_1181 : vector<16xf32>
      %add3A_1183 = arith.addf %add3A_1171, %mul3A_1182 : vector<16xf32>
      %get3A_1184 = arith.constant 2 : i32
      %get3A_1185 = arith.constant 0 : i32
      %get3A_1186 = arith.constant 0 : i32
      %get3A_1187 = arith.constant 0 : i32
      %get3A_1188 = tpu.memref_slice %arg10[%scan3A_326, %get3A_1185, %get3A_1186, %get3A_1187] : memref<2x6x32x128xf32, #tpu.memory_space<vmem>> -> memref<1x6x32x128xf32, #tpu.memory_space<vmem>>
      %get3A_1189 = tpu.memref_squeeze %get3A_1188 : memref<1x6x32x128xf32, #tpu.memory_space<vmem>> -> memref<6x32x128xf32, #tpu.memory_space<vmem>>
      %get3A_1190 = arith.index_cast %get3A_1184 : i32 to index
      %get3A_1191 = arith.index_cast %add3A_887 : i32 to index
      %get3A_1192 = arith.constant 48 : index
      %get3A_1193 = tpu.vector_load %get3A_1189[%get3A_1190, %get3A_1191, %get3A_1192] {strides = array<i32>} : memref<6x32x128xf32, #tpu.memory_space<vmem>>, vector<16xf32>,
      %mul3A_1194 = arith.mulf %get3A_914, %get3A_1193 : vector<16xf32>
      %add3A_1195 = arith.addf %add3A_1183, %mul3A_1194 : vector<16xf32>
      %get3A_1196 = arith.constant 2 : i32
      %get3A_1197 = arith.constant 0 : i32
      %get3A_1198 = arith.constant 0 : i32
      %get3A_1199 = arith.constant 0 : i32
      %get3A_1200 = tpu.memref_slice %arg10[%scan3A_326, %get3A_1197, %get3A_1198, %get3A_1199] : memref<2x6x32x128xf32, #tpu.memory_space<vmem>> -> memref<1x6x32x128xf32, #tpu.memory_space<vmem>>
      %get3A_1201 = tpu.memref_squeeze %get3A_1200 : memref<1x6x32x128xf32, #tpu.memory_space<vmem>> -> memref<6x32x128xf32, #tpu.memory_space<vmem>>
      %get3A_1202 = arith.index_cast %get3A_1196 : i32 to index
      %get3A_1203 = arith.index_cast %add3A_887 : i32 to index
      %get3A_1204 = arith.constant 64 : index
      %get3A_1205 = tpu.vector_load %get3A_1201[%get3A_1202, %get3A_1203, %get3A_1204] {strides = array<i32>} : memref<6x32x128xf32, #tpu.memory_space<vmem>>, vector<16xf32>,
      %mul3A_1206 = arith.mulf %get3A_921, %get3A_1205 : vector<16xf32>
      %add3A_1207 = arith.addf %add3A_1195, %mul3A_1206 : vector<16xf32>
      %get3A_1208 = arith.constant 2 : i32
      %get3A_1209 = arith.constant 0 : i32
      %get3A_1210 = arith.constant 0 : i32
      %get3A_1211 = arith.constant 0 : i32
      %get3A_1212 = tpu.memref_slice %arg10[%scan3A_326, %get3A_1209, %get3A_1210, %get3A_1211] : memref<2x6x32x128xf32, #tpu.memory_space<vmem>> -> memref<1x6x32x128xf32, #tpu.memory_space<vmem>>
      %get3A_1213 = tpu.memref_squeeze %get3A_1212 : memref<1x6x32x128xf32, #tpu.memory_space<vmem>> -> memref<6x32x128xf32, #tpu.memory_space<vmem>>
      %get3A_1214 = arith.index_cast %get3A_1208 : i32 to index
      %get3A_1215 = arith.index_cast %add3A_887 : i32 to index
      %get3A_1216 = arith.constant 80 : index
      %get3A_1217 = tpu.vector_load %get3A_1213[%get3A_1214, %get3A_1215, %get3A_1216] {strides = array<i32>} : memref<6x32x128xf32, #tpu.memory_space<vmem>>, vector<16xf32>,
      %mul3A_1218 = arith.mulf %get3A_928, %get3A_1217 : vector<16xf32>
      %add3A_1219 = arith.addf %add3A_1207, %mul3A_1218 : vector<16xf32>
      %get3A_1220 = arith.constant 2 : i32
      %get3A_1221 = arith.constant 0 : i32
      %get3A_1222 = arith.constant 0 : i32
      %get3A_1223 = arith.constant 0 : i32
      %get3A_1224 = tpu.memref_slice %arg10[%scan3A_326, %get3A_1221, %get3A_1222, %get3A_1223] : memref<2x6x32x128xf32, #tpu.memory_space<vmem>> -> memref<1x6x32x128xf32, #tpu.memory_space<vmem>>
      %get3A_1225 = tpu.memref_squeeze %get3A_1224 : memref<1x6x32x128xf32, #tpu.memory_space<vmem>> -> memref<6x32x128xf32, #tpu.memory_space<vmem>>
      %get3A_1226 = arith.index_cast %get3A_1220 : i32 to index
      %get3A_1227 = arith.index_cast %add3A_887 : i32 to index
      %get3A_1228 = arith.constant 96 : index
      %get3A_1229 = tpu.vector_load %get3A_1225[%get3A_1226, %get3A_1227, %get3A_1228] {strides = array<i32>} : memref<6x32x128xf32, #tpu.memory_space<vmem>>, vector<16xf32>,
      %mul3A_1230 = arith.mulf %get3A_935, %get3A_1229 : vector<16xf32>
      %add3A_1231 = arith.addf %add3A_1219, %mul3A_1230 : vector<16xf32>
      %get3A_1232 = arith.constant 2 : i32
      %get3A_1233 = arith.constant 0 : i32
      %get3A_1234 = arith.constant 0 : i32
      %get3A_1235 = arith.constant 0 : i32
      %get3A_1236 = tpu.memref_slice %arg10[%scan3A_326, %get3A_1233, %get3A_1234, %get3A_1235] : memref<2x6x32x128xf32, #tpu.memory_space<vmem>> -> memref<1x6x32x128xf32, #tpu.memory_space<vmem>>
      %get3A_1237 = tpu.memref_squeeze %get3A_1236 : memref<1x6x32x128xf32, #tpu.memory_space<vmem>> -> memref<6x32x128xf32, #tpu.memory_space<vmem>>
      %get3A_1238 = arith.index_cast %get3A_1232 : i32 to index
      %get3A_1239 = arith.index_cast %add3A_887 : i32 to index
      %get3A_1240 = arith.constant 112 : index
      %get3A_1241 = tpu.vector_load %get3A_1237[%get3A_1238, %get3A_1239, %get3A_1240] {strides = array<i32>} : memref<6x32x128xf32, #tpu.memory_space<vmem>>, vector<16xf32>,
      %mul3A_1242 = arith.mulf %get3A_942, %get3A_1241 : vector<16xf32>
      %add3A_1243 = arith.addf %add3A_1231, %mul3A_1242 : vector<16xf32>
      %eq3A_1244 = arith.constant 2 : i32
      %eq3A_1245 = vector.broadcast %eq3A_1244 : i32 to vector<16xi32>
      %eq3A_1246 = arith.cmpi eq, %iota3A, %eq3A_1245 : vector<16xi32>
      %reduce_sum3A_1247 = arith.constant true
      %reduce_sum3A_1248 = vector.broadcast %reduce_sum3A_1247 : i1 to vector<16xi1>
      %reduce_sum3A_1249 = tpu.scan <sum>, %add3A_1243 masked %reduce_sum3A_1248 : vector<16xf32>, vector<16xi1> -> vector<16xf32>
      %reduce_sum3A_1250 = vector.extract %reduce_sum3A_1249[15] : f32 from vector<16xf32>
      %broadcast_in_dim3A_1251 = vector.broadcast %reduce_sum3A_1250 : f32 to vector<16xf32>
      %select_n3A_1252 = arith.select %eq3A_1246, %broadcast_in_dim3A_1251, %select_n3A_1148 : vector<16xi1>, vector<16xf32>
      %get3A_1253 = arith.constant 3 : i32
      %get3A_1254 = arith.constant 0 : i32
      %get3A_1255 = arith.constant 0 : i32
      %get3A_1256 = arith.constant 0 : i32
      %get3A_1257 = tpu.memref_slice %arg10[%scan3A_326, %get3A_1254, %get3A_1255, %get3A_1256] : memref<2x6x32x128xf32, #tpu.memory_space<vmem>> -> memref<1x6x32x128xf32, #tpu.memory_space<vmem>>
      %get3A_1258 = tpu.memref_squeeze %get3A_1257 : memref<1x6x32x128xf32, #tpu.memory_space<vmem>> -> memref<6x32x128xf32, #tpu.memory_space<vmem>>
      %get3A_1259 = arith.index_cast %get3A_1253 : i32 to index
      %get3A_1260 = arith.index_cast %add3A_887 : i32 to index
      %get3A_1261 = arith.constant 0 : index
      %get3A_1262 = tpu.vector_load %get3A_1258[%get3A_1259, %get3A_1260, %get3A_1261] {strides = array<i32>} : memref<6x32x128xf32, #tpu.memory_space<vmem>>, vector<16xf32>,
      %mul3A_1263 = arith.mulf %get3A_893, %get3A_1262 : vector<16xf32>
      %get3A_1264 = arith.constant 3 : i32
      %get3A_1265 = arith.constant 0 : i32
      %get3A_1266 = arith.constant 0 : i32
      %get3A_1267 = arith.constant 0 : i32
      %get3A_1268 = tpu.memref_slice %arg10[%scan3A_326, %get3A_1265, %get3A_1266, %get3A_1267] : memref<2x6x32x128xf32, #tpu.memory_space<vmem>> -> memref<1x6x32x128xf32, #tpu.memory_space<vmem>>
      %get3A_1269 = tpu.memref_squeeze %get3A_1268 : memref<1x6x32x128xf32, #tpu.memory_space<vmem>> -> memref<6x32x128xf32, #tpu.memory_space<vmem>>
      %get3A_1270 = arith.index_cast %get3A_1264 : i32 to index
      %get3A_1271 = arith.index_cast %add3A_887 : i32 to index
      %get3A_1272 = arith.constant 16 : index
      %get3A_1273 = tpu.vector_load %get3A_1269[%get3A_1270, %get3A_1271, %get3A_1272] {strides = array<i32>} : memref<6x32x128xf32, #tpu.memory_space<vmem>>, vector<16xf32>,
      %mul3A_1274 = arith.mulf %get3A_900, %get3A_1273 : vector<16xf32>
      %add3A_1275 = arith.addf %mul3A_1263, %mul3A_1274 : vector<16xf32>
      %get3A_1276 = arith.constant 3 : i32
      %get3A_1277 = arith.constant 0 : i32
      %get3A_1278 = arith.constant 0 : i32
      %get3A_1279 = arith.constant 0 : i32
      %get3A_1280 = tpu.memref_slice %arg10[%scan3A_326, %get3A_1277, %get3A_1278, %get3A_1279] : memref<2x6x32x128xf32, #tpu.memory_space<vmem>> -> memref<1x6x32x128xf32, #tpu.memory_space<vmem>>
      %get3A_1281 = tpu.memref_squeeze %get3A_1280 : memref<1x6x32x128xf32, #tpu.memory_space<vmem>> -> memref<6x32x128xf32, #tpu.memory_space<vmem>>
      %get3A_1282 = arith.index_cast %get3A_1276 : i32 to index
      %get3A_1283 = arith.index_cast %add3A_887 : i32 to index
      %get3A_1284 = arith.constant 32 : index
      %get3A_1285 = tpu.vector_load %get3A_1281[%get3A_1282, %get3A_1283, %get3A_1284] {strides = array<i32>} : memref<6x32x128xf32, #tpu.memory_space<vmem>>, vector<16xf32>,
      %mul3A_1286 = arith.mulf %get3A_907, %get3A_1285 : vector<16xf32>
      %add3A_1287 = arith.addf %add3A_1275, %mul3A_1286 : vector<16xf32>
      %get3A_1288 = arith.constant 3 : i32
      %get3A_1289 = arith.constant 0 : i32
      %get3A_1290 = arith.constant 0 : i32
      %get3A_1291 = arith.constant 0 : i32
      %get3A_1292 = tpu.memref_slice %arg10[%scan3A_326, %get3A_1289, %get3A_1290, %get3A_1291] : memref<2x6x32x128xf32, #tpu.memory_space<vmem>> -> memref<1x6x32x128xf32, #tpu.memory_space<vmem>>
      %get3A_1293 = tpu.memref_squeeze %get3A_1292 : memref<1x6x32x128xf32, #tpu.memory_space<vmem>> -> memref<6x32x128xf32, #tpu.memory_space<vmem>>
      %get3A_1294 = arith.index_cast %get3A_1288 : i32 to index
      %get3A_1295 = arith.index_cast %add3A_887 : i32 to index
      %get3A_1296 = arith.constant 48 : index
      %get3A_1297 = tpu.vector_load %get3A_1293[%get3A_1294, %get3A_1295, %get3A_1296] {strides = array<i32>} : memref<6x32x128xf32, #tpu.memory_space<vmem>>, vector<16xf32>,
      %mul3A_1298 = arith.mulf %get3A_914, %get3A_1297 : vector<16xf32>
      %add3A_1299 = arith.addf %add3A_1287, %mul3A_1298 : vector<16xf32>
      %get3A_1300 = arith.constant 3 : i32
      %get3A_1301 = arith.constant 0 : i32
      %get3A_1302 = arith.constant 0 : i32
      %get3A_1303 = arith.constant 0 : i32
      %get3A_1304 = tpu.memref_slice %arg10[%scan3A_326, %get3A_1301, %get3A_1302, %get3A_1303] : memref<2x6x32x128xf32, #tpu.memory_space<vmem>> -> memref<1x6x32x128xf32, #tpu.memory_space<vmem>>
      %get3A_1305 = tpu.memref_squeeze %get3A_1304 : memref<1x6x32x128xf32, #tpu.memory_space<vmem>> -> memref<6x32x128xf32, #tpu.memory_space<vmem>>
      %get3A_1306 = arith.index_cast %get3A_1300 : i32 to index
      %get3A_1307 = arith.index_cast %add3A_887 : i32 to index
      %get3A_1308 = arith.constant 64 : index
      %get3A_1309 = tpu.vector_load %get3A_1305[%get3A_1306, %get3A_1307, %get3A_1308] {strides = array<i32>} : memref<6x32x128xf32, #tpu.memory_space<vmem>>, vector<16xf32>,
      %mul3A_1310 = arith.mulf %get3A_921, %get3A_1309 : vector<16xf32>
      %add3A_1311 = arith.addf %add3A_1299, %mul3A_1310 : vector<16xf32>
      %get3A_1312 = arith.constant 3 : i32
      %get3A_1313 = arith.constant 0 : i32
      %get3A_1314 = arith.constant 0 : i32
      %get3A_1315 = arith.constant 0 : i32
      %get3A_1316 = tpu.memref_slice %arg10[%scan3A_326, %get3A_1313, %get3A_1314, %get3A_1315] : memref<2x6x32x128xf32, #tpu.memory_space<vmem>> -> memref<1x6x32x128xf32, #tpu.memory_space<vmem>>
      %get3A_1317 = tpu.memref_squeeze %get3A_1316 : memref<1x6x32x128xf32, #tpu.memory_space<vmem>> -> memref<6x32x128xf32, #tpu.memory_space<vmem>>
      %get3A_1318 = arith.index_cast %get3A_1312 : i32 to index
      %get3A_1319 = arith.index_cast %add3A_887 : i32 to index
      %get3A_1320 = arith.constant 80 : index
      %get3A_1321 = tpu.vector_load %get3A_1317[%get3A_1318, %get3A_1319, %get3A_1320] {strides = array<i32>} : memref<6x32x128xf32, #tpu.memory_space<vmem>>, vector<16xf32>,
      %mul3A_1322 = arith.mulf %get3A_928, %get3A_1321 : vector<16xf32>
      %add3A_1323 = arith.addf %add3A_1311, %mul3A_1322 : vector<16xf32>
      %get3A_1324 = arith.constant 3 : i32
      %get3A_1325 = arith.constant 0 : i32
      %get3A_1326 = arith.constant 0 : i32
      %get3A_1327 = arith.constant 0 : i32
      %get3A_1328 = tpu.memref_slice %arg10[%scan3A_326, %get3A_1325, %get3A_1326, %get3A_1327] : memref<2x6x32x128xf32, #tpu.memory_space<vmem>> -> memref<1x6x32x128xf32, #tpu.memory_space<vmem>>
      %get3A_1329 = tpu.memref_squeeze %get3A_1328 : memref<1x6x32x128xf32, #tpu.memory_space<vmem>> -> memref<6x32x128xf32, #tpu.memory_space<vmem>>
      %get3A_1330 = arith.index_cast %get3A_1324 : i32 to index
      %get3A_1331 = arith.index_cast %add3A_887 : i32 to index
      %get3A_1332 = arith.constant 96 : index
      %get3A_1333 = tpu.vector_load %get3A_1329[%get3A_1330, %get3A_1331, %get3A_1332] {strides = array<i32>} : memref<6x32x128xf32, #tpu.memory_space<vmem>>, vector<16xf32>,
      %mul3A_1334 = arith.mulf %get3A_935, %get3A_1333 : vector<16xf32>
      %add3A_1335 = arith.addf %add3A_1323, %mul3A_1334 : vector<16xf32>
      %get3A_1336 = arith.constant 3 : i32
      %get3A_1337 = arith.constant 0 : i32
      %get3A_1338 = arith.constant 0 : i32
      %get3A_1339 = arith.constant 0 : i32
      %get3A_1340 = tpu.memref_slice %arg10[%scan3A_326, %get3A_1337, %get3A_1338, %get3A_1339] : memref<2x6x32x128xf32, #tpu.memory_space<vmem>> -> memref<1x6x32x128xf32, #tpu.memory_space<vmem>>
      %get3A_1341 = tpu.memref_squeeze %get3A_1340 : memref<1x6x32x128xf32, #tpu.memory_space<vmem>> -> memref<6x32x128xf32, #tpu.memory_space<vmem>>
      %get3A_1342 = arith.index_cast %get3A_1336 : i32 to index
      %get3A_1343 = arith.index_cast %add3A_887 : i32 to index
      %get3A_1344 = arith.constant 112 : index
      %get3A_1345 = tpu.vector_load %get3A_1341[%get3A_1342, %get3A_1343, %get3A_1344] {strides = array<i32>} : memref<6x32x128xf32, #tpu.memory_space<vmem>>, vector<16xf32>,
      %mul3A_1346 = arith.mulf %get3A_942, %get3A_1345 : vector<16xf32>
      %add3A_1347 = arith.addf %add3A_1335, %mul3A_1346 : vector<16xf32>
      %eq3A_1348 = arith.constant 3 : i32
      %eq3A_1349 = vector.broadcast %eq3A_1348 : i32 to vector<16xi32>
      %eq3A_1350 = arith.cmpi eq, %iota3A, %eq3A_1349 : vector<16xi32>
      %reduce_sum3A_1351 = arith.constant true
      %reduce_sum3A_1352 = vector.broadcast %reduce_sum3A_1351 : i1 to vector<16xi1>
      %reduce_sum3A_1353 = tpu.scan <sum>, %add3A_1347 masked %reduce_sum3A_1352 : vector<16xf32>, vector<16xi1> -> vector<16xf32>
      %reduce_sum3A_1354 = vector.extract %reduce_sum3A_1353[15] : f32 from vector<16xf32>
      %broadcast_in_dim3A_1355 = vector.broadcast %reduce_sum3A_1354 : f32 to vector<16xf32>
      %select_n3A_1356 = arith.select %eq3A_1350, %broadcast_in_dim3A_1355, %select_n3A_1252 : vector<16xi1>, vector<16xf32>
      %get3A_1357 = arith.constant 4 : i32
      %get3A_1358 = arith.constant 0 : i32
      %get3A_1359 = arith.constant 0 : i32
      %get3A_1360 = arith.constant 0 : i32
      %get3A_1361 = tpu.memref_slice %arg10[%scan3A_326, %get3A_1358, %get3A_1359, %get3A_1360] : memref<2x6x32x128xf32, #tpu.memory_space<vmem>> -> memref<1x6x32x128xf32, #tpu.memory_space<vmem>>
      %get3A_1362 = tpu.memref_squeeze %get3A_1361 : memref<1x6x32x128xf32, #tpu.memory_space<vmem>> -> memref<6x32x128xf32, #tpu.memory_space<vmem>>
      %get3A_1363 = arith.index_cast %get3A_1357 : i32 to index
      %get3A_1364 = arith.index_cast %add3A_887 : i32 to index
      %get3A_1365 = arith.constant 0 : index
      %get3A_1366 = tpu.vector_load %get3A_1362[%get3A_1363, %get3A_1364, %get3A_1365] {strides = array<i32>} : memref<6x32x128xf32, #tpu.memory_space<vmem>>, vector<16xf32>,
      %mul3A_1367 = arith.mulf %get3A_893, %get3A_1366 : vector<16xf32>
      %get3A_1368 = arith.constant 4 : i32
      %get3A_1369 = arith.constant 0 : i32
      %get3A_1370 = arith.constant 0 : i32
      %get3A_1371 = arith.constant 0 : i32
      %get3A_1372 = tpu.memref_slice %arg10[%scan3A_326, %get3A_1369, %get3A_1370, %get3A_1371] : memref<2x6x32x128xf32, #tpu.memory_space<vmem>> -> memref<1x6x32x128xf32, #tpu.memory_space<vmem>>
      %get3A_1373 = tpu.memref_squeeze %get3A_1372 : memref<1x6x32x128xf32, #tpu.memory_space<vmem>> -> memref<6x32x128xf32, #tpu.memory_space<vmem>>
      %get3A_1374 = arith.index_cast %get3A_1368 : i32 to index
      %get3A_1375 = arith.index_cast %add3A_887 : i32 to index
      %get3A_1376 = arith.constant 16 : index
      %get3A_1377 = tpu.vector_load %get3A_1373[%get3A_1374, %get3A_1375, %get3A_1376] {strides = array<i32>} : memref<6x32x128xf32, #tpu.memory_space<vmem>>, vector<16xf32>,
      %mul3A_1378 = arith.mulf %get3A_900, %get3A_1377 : vector<16xf32>
      %add3A_1379 = arith.addf %mul3A_1367, %mul3A_1378 : vector<16xf32>
      %get3A_1380 = arith.constant 4 : i32
      %get3A_1381 = arith.constant 0 : i32
      %get3A_1382 = arith.constant 0 : i32
      %get3A_1383 = arith.constant 0 : i32
      %get3A_1384 = tpu.memref_slice %arg10[%scan3A_326, %get3A_1381, %get3A_1382, %get3A_1383] : memref<2x6x32x128xf32, #tpu.memory_space<vmem>> -> memref<1x6x32x128xf32, #tpu.memory_space<vmem>>
      %get3A_1385 = tpu.memref_squeeze %get3A_1384 : memref<1x6x32x128xf32, #tpu.memory_space<vmem>> -> memref<6x32x128xf32, #tpu.memory_space<vmem>>
      %get3A_1386 = arith.index_cast %get3A_1380 : i32 to index
      %get3A_1387 = arith.index_cast %add3A_887 : i32 to index
      %get3A_1388 = arith.constant 32 : index
      %get3A_1389 = tpu.vector_load %get3A_1385[%get3A_1386, %get3A_1387, %get3A_1388] {strides = array<i32>} : memref<6x32x128xf32, #tpu.memory_space<vmem>>, vector<16xf32>,
      %mul3A_1390 = arith.mulf %get3A_907, %get3A_1389 : vector<16xf32>
      %add3A_1391 = arith.addf %add3A_1379, %mul3A_1390 : vector<16xf32>
      %get3A_1392 = arith.constant 4 : i32
      %get3A_1393 = arith.constant 0 : i32
      %get3A_1394 = arith.constant 0 : i32
      %get3A_1395 = arith.constant 0 : i32
      %get3A_1396 = tpu.memref_slice %arg10[%scan3A_326, %get3A_1393, %get3A_1394, %get3A_1395] : memref<2x6x32x128xf32, #tpu.memory_space<vmem>> -> memref<1x6x32x128xf32, #tpu.memory_space<vmem>>
      %get3A_1397 = tpu.memref_squeeze %get3A_1396 : memref<1x6x32x128xf32, #tpu.memory_space<vmem>> -> memref<6x32x128xf32, #tpu.memory_space<vmem>>
      %get3A_1398 = arith.index_cast %get3A_1392 : i32 to index
      %get3A_1399 = arith.index_cast %add3A_887 : i32 to index
      %get3A_1400 = arith.constant 48 : index
      %get3A_1401 = tpu.vector_load %get3A_1397[%get3A_1398, %get3A_1399, %get3A_1400] {strides = array<i32>} : memref<6x32x128xf32, #tpu.memory_space<vmem>>, vector<16xf32>,
      %mul3A_1402 = arith.mulf %get3A_914, %get3A_1401 : vector<16xf32>
      %add3A_1403 = arith.addf %add3A_1391, %mul3A_1402 : vector<16xf32>
      %get3A_1404 = arith.constant 4 : i32
      %get3A_1405 = arith.constant 0 : i32
      %get3A_1406 = arith.constant 0 : i32
      %get3A_1407 = arith.constant 0 : i32
      %get3A_1408 = tpu.memref_slice %arg10[%scan3A_326, %get3A_1405, %get3A_1406, %get3A_1407] : memref<2x6x32x128xf32, #tpu.memory_space<vmem>> -> memref<1x6x32x128xf32, #tpu.memory_space<vmem>>
      %get3A_1409 = tpu.memref_squeeze %get3A_1408 : memref<1x6x32x128xf32, #tpu.memory_space<vmem>> -> memref<6x32x128xf32, #tpu.memory_space<vmem>>
      %get3A_1410 = arith.index_cast %get3A_1404 : i32 to index
      %get3A_1411 = arith.index_cast %add3A_887 : i32 to index
      %get3A_1412 = arith.constant 64 : index
      %get3A_1413 = tpu.vector_load %get3A_1409[%get3A_1410, %get3A_1411, %get3A_1412] {strides = array<i32>} : memref<6x32x128xf32, #tpu.memory_space<vmem>>, vector<16xf32>,
      %mul3A_1414 = arith.mulf %get3A_921, %get3A_1413 : vector<16xf32>
      %add3A_1415 = arith.addf %add3A_1403, %mul3A_1414 : vector<16xf32>
      %get3A_1416 = arith.constant 4 : i32
      %get3A_1417 = arith.constant 0 : i32
      %get3A_1418 = arith.constant 0 : i32
      %get3A_1419 = arith.constant 0 : i32
      %get3A_1420 = tpu.memref_slice %arg10[%scan3A_326, %get3A_1417, %get3A_1418, %get3A_1419] : memref<2x6x32x128xf32, #tpu.memory_space<vmem>> -> memref<1x6x32x128xf32, #tpu.memory_space<vmem>>
      %get3A_1421 = tpu.memref_squeeze %get3A_1420 : memref<1x6x32x128xf32, #tpu.memory_space<vmem>> -> memref<6x32x128xf32, #tpu.memory_space<vmem>>
      %get3A_1422 = arith.index_cast %get3A_1416 : i32 to index
      %get3A_1423 = arith.index_cast %add3A_887 : i32 to index
      %get3A_1424 = arith.constant 80 : index
      %get3A_1425 = tpu.vector_load %get3A_1421[%get3A_1422, %get3A_1423, %get3A_1424] {strides = array<i32>} : memref<6x32x128xf32, #tpu.memory_space<vmem>>, vector<16xf32>,
      %mul3A_1426 = arith.mulf %get3A_928, %get3A_1425 : vector<16xf32>
      %add3A_1427 = arith.addf %add3A_1415, %mul3A_1426 : vector<16xf32>
      %get3A_1428 = arith.constant 4 : i32
      %get3A_1429 = arith.constant 0 : i32
      %get3A_1430 = arith.constant 0 : i32
      %get3A_1431 = arith.constant 0 : i32
      %get3A_1432 = tpu.memref_slice %arg10[%scan3A_326, %get3A_1429, %get3A_1430, %get3A_1431] : memref<2x6x32x128xf32, #tpu.memory_space<vmem>> -> memref<1x6x32x128xf32, #tpu.memory_space<vmem>>
      %get3A_1433 = tpu.memref_squeeze %get3A_1432 : memref<1x6x32x128xf32, #tpu.memory_space<vmem>> -> memref<6x32x128xf32, #tpu.memory_space<vmem>>
      %get3A_1434 = arith.index_cast %get3A_1428 : i32 to index
      %get3A_1435 = arith.index_cast %add3A_887 : i32 to index
      %get3A_1436 = arith.constant 96 : index
      %get3A_1437 = tpu.vector_load %get3A_1433[%get3A_1434, %get3A_1435, %get3A_1436] {strides = array<i32>} : memref<6x32x128xf32, #tpu.memory_space<vmem>>, vector<16xf32>,
      %mul3A_1438 = arith.mulf %get3A_935, %get3A_1437 : vector<16xf32>
      %add3A_1439 = arith.addf %add3A_1427, %mul3A_1438 : vector<16xf32>
      %get3A_1440 = arith.constant 4 : i32
      %get3A_1441 = arith.constant 0 : i32
      %get3A_1442 = arith.constant 0 : i32
      %get3A_1443 = arith.constant 0 : i32
      %get3A_1444 = tpu.memref_slice %arg10[%scan3A_326, %get3A_1441, %get3A_1442, %get3A_1443] : memref<2x6x32x128xf32, #tpu.memory_space<vmem>> -> memref<1x6x32x128xf32, #tpu.memory_space<vmem>>
      %get3A_1445 = tpu.memref_squeeze %get3A_1444 : memref<1x6x32x128xf32, #tpu.memory_space<vmem>> -> memref<6x32x128xf32, #tpu.memory_space<vmem>>
      %get3A_1446 = arith.index_cast %get3A_1440 : i32 to index
      %get3A_1447 = arith.index_cast %add3A_887 : i32 to index
      %get3A_1448 = arith.constant 112 : index
      %get3A_1449 = tpu.vector_load %get3A_1445[%get3A_1446, %get3A_1447, %get3A_1448] {strides = array<i32>} : memref<6x32x128xf32, #tpu.memory_space<vmem>>, vector<16xf32>,
      %mul3A_1450 = arith.mulf %get3A_942, %get3A_1449 : vector<16xf32>
      %add3A_1451 = arith.addf %add3A_1439, %mul3A_1450 : vector<16xf32>
      %eq3A_1452 = arith.constant 4 : i32
      %eq3A_1453 = vector.broadcast %eq3A_1452 : i32 to vector<16xi32>
      %eq3A_1454 = arith.cmpi eq, %iota3A, %eq3A_1453 : vector<16xi32>
      %reduce_sum3A_1455 = arith.constant true
      %reduce_sum3A_1456 = vector.broadcast %reduce_sum3A_1455 : i1 to vector<16xi1>
      %reduce_sum3A_1457 = tpu.scan <sum>, %add3A_1451 masked %reduce_sum3A_1456 : vector<16xf32>, vector<16xi1> -> vector<16xf32>
      %reduce_sum3A_1458 = vector.extract %reduce_sum3A_1457[15] : f32 from vector<16xf32>
      %broadcast_in_dim3A_1459 = vector.broadcast %reduce_sum3A_1458 : f32 to vector<16xf32>
      %select_n3A_1460 = arith.select %eq3A_1454, %broadcast_in_dim3A_1459, %select_n3A_1356 : vector<16xi1>, vector<16xf32>
      %get3A_1461 = arith.constant 5 : i32
      %get3A_1462 = arith.constant 0 : i32
      %get3A_1463 = arith.constant 0 : i32
      %get3A_1464 = arith.constant 0 : i32
      %get3A_1465 = tpu.memref_slice %arg10[%scan3A_326, %get3A_1462, %get3A_1463, %get3A_1464] : memref<2x6x32x128xf32, #tpu.memory_space<vmem>> -> memref<1x6x32x128xf32, #tpu.memory_space<vmem>>
      %get3A_1466 = tpu.memref_squeeze %get3A_1465 : memref<1x6x32x128xf32, #tpu.memory_space<vmem>> -> memref<6x32x128xf32, #tpu.memory_space<vmem>>
      %get3A_1467 = arith.index_cast %get3A_1461 : i32 to index
      %get3A_1468 = arith.index_cast %add3A_887 : i32 to index
      %get3A_1469 = arith.constant 0 : index
      %get3A_1470 = tpu.vector_load %get3A_1466[%get3A_1467, %get3A_1468, %get3A_1469] {strides = array<i32>} : memref<6x32x128xf32, #tpu.memory_space<vmem>>, vector<16xf32>,
      %mul3A_1471 = arith.mulf %get3A_893, %get3A_1470 : vector<16xf32>
      %get3A_1472 = arith.constant 5 : i32
      %get3A_1473 = arith.constant 0 : i32
      %get3A_1474 = arith.constant 0 : i32
      %get3A_1475 = arith.constant 0 : i32
      %get3A_1476 = tpu.memref_slice %arg10[%scan3A_326, %get3A_1473, %get3A_1474, %get3A_1475] : memref<2x6x32x128xf32, #tpu.memory_space<vmem>> -> memref<1x6x32x128xf32, #tpu.memory_space<vmem>>
      %get3A_1477 = tpu.memref_squeeze %get3A_1476 : memref<1x6x32x128xf32, #tpu.memory_space<vmem>> -> memref<6x32x128xf32, #tpu.memory_space<vmem>>
      %get3A_1478 = arith.index_cast %get3A_1472 : i32 to index
      %get3A_1479 = arith.index_cast %add3A_887 : i32 to index
      %get3A_1480 = arith.constant 16 : index
      %get3A_1481 = tpu.vector_load %get3A_1477[%get3A_1478, %get3A_1479, %get3A_1480] {strides = array<i32>} : memref<6x32x128xf32, #tpu.memory_space<vmem>>, vector<16xf32>,
      %mul3A_1482 = arith.mulf %get3A_900, %get3A_1481 : vector<16xf32>
      %add3A_1483 = arith.addf %mul3A_1471, %mul3A_1482 : vector<16xf32>
      %get3A_1484 = arith.constant 5 : i32
      %get3A_1485 = arith.constant 0 : i32
      %get3A_1486 = arith.constant 0 : i32
      %get3A_1487 = arith.constant 0 : i32
      %get3A_1488 = tpu.memref_slice %arg10[%scan3A_326, %get3A_1485, %get3A_1486, %get3A_1487] : memref<2x6x32x128xf32, #tpu.memory_space<vmem>> -> memref<1x6x32x128xf32, #tpu.memory_space<vmem>>
      %get3A_1489 = tpu.memref_squeeze %get3A_1488 : memref<1x6x32x128xf32, #tpu.memory_space<vmem>> -> memref<6x32x128xf32, #tpu.memory_space<vmem>>
      %get3A_1490 = arith.index_cast %get3A_1484 : i32 to index
      %get3A_1491 = arith.index_cast %add3A_887 : i32 to index
      %get3A_1492 = arith.constant 32 : index
      %get3A_1493 = tpu.vector_load %get3A_1489[%get3A_1490, %get3A_1491, %get3A_1492] {strides = array<i32>} : memref<6x32x128xf32, #tpu.memory_space<vmem>>, vector<16xf32>,
      %mul3A_1494 = arith.mulf %get3A_907, %get3A_1493 : vector<16xf32>
      %add3A_1495 = arith.addf %add3A_1483, %mul3A_1494 : vector<16xf32>
      %get3A_1496 = arith.constant 5 : i32
      %get3A_1497 = arith.constant 0 : i32
      %get3A_1498 = arith.constant 0 : i32
      %get3A_1499 = arith.constant 0 : i32
      %get3A_1500 = tpu.memref_slice %arg10[%scan3A_326, %get3A_1497, %get3A_1498, %get3A_1499] : memref<2x6x32x128xf32, #tpu.memory_space<vmem>> -> memref<1x6x32x128xf32, #tpu.memory_space<vmem>>
      %get3A_1501 = tpu.memref_squeeze %get3A_1500 : memref<1x6x32x128xf32, #tpu.memory_space<vmem>> -> memref<6x32x128xf32, #tpu.memory_space<vmem>>
      %get3A_1502 = arith.index_cast %get3A_1496 : i32 to index
      %get3A_1503 = arith.index_cast %add3A_887 : i32 to index
      %get3A_1504 = arith.constant 48 : index
      %get3A_1505 = tpu.vector_load %get3A_1501[%get3A_1502, %get3A_1503, %get3A_1504] {strides = array<i32>} : memref<6x32x128xf32, #tpu.memory_space<vmem>>, vector<16xf32>,
      %mul3A_1506 = arith.mulf %get3A_914, %get3A_1505 : vector<16xf32>
      %add3A_1507 = arith.addf %add3A_1495, %mul3A_1506 : vector<16xf32>
      %get3A_1508 = arith.constant 5 : i32
      %get3A_1509 = arith.constant 0 : i32
      %get3A_1510 = arith.constant 0 : i32
      %get3A_1511 = arith.constant 0 : i32
      %get3A_1512 = tpu.memref_slice %arg10[%scan3A_326, %get3A_1509, %get3A_1510, %get3A_1511] : memref<2x6x32x128xf32, #tpu.memory_space<vmem>> -> memref<1x6x32x128xf32, #tpu.memory_space<vmem>>
      %get3A_1513 = tpu.memref_squeeze %get3A_1512 : memref<1x6x32x128xf32, #tpu.memory_space<vmem>> -> memref<6x32x128xf32, #tpu.memory_space<vmem>>
      %get3A_1514 = arith.index_cast %get3A_1508 : i32 to index
      %get3A_1515 = arith.index_cast %add3A_887 : i32 to index
      %get3A_1516 = arith.constant 64 : index
      %get3A_1517 = tpu.vector_load %get3A_1513[%get3A_1514, %get3A_1515, %get3A_1516] {strides = array<i32>} : memref<6x32x128xf32, #tpu.memory_space<vmem>>, vector<16xf32>,
      %mul3A_1518 = arith.mulf %get3A_921, %get3A_1517 : vector<16xf32>
      %add3A_1519 = arith.addf %add3A_1507, %mul3A_1518 : vector<16xf32>
      %get3A_1520 = arith.constant 5 : i32
      %get3A_1521 = arith.constant 0 : i32
      %get3A_1522 = arith.constant 0 : i32
      %get3A_1523 = arith.constant 0 : i32
      %get3A_1524 = tpu.memref_slice %arg10[%scan3A_326, %get3A_1521, %get3A_1522, %get3A_1523] : memref<2x6x32x128xf32, #tpu.memory_space<vmem>> -> memref<1x6x32x128xf32, #tpu.memory_space<vmem>>
      %get3A_1525 = tpu.memref_squeeze %get3A_1524 : memref<1x6x32x128xf32, #tpu.memory_space<vmem>> -> memref<6x32x128xf32, #tpu.memory_space<vmem>>
      %get3A_1526 = arith.index_cast %get3A_1520 : i32 to index
      %get3A_1527 = arith.index_cast %add3A_887 : i32 to index
      %get3A_1528 = arith.constant 80 : index
      %get3A_1529 = tpu.vector_load %get3A_1525[%get3A_1526, %get3A_1527, %get3A_1528] {strides = array<i32>} : memref<6x32x128xf32, #tpu.memory_space<vmem>>, vector<16xf32>,
      %mul3A_1530 = arith.mulf %get3A_928, %get3A_1529 : vector<16xf32>
      %add3A_1531 = arith.addf %add3A_1519, %mul3A_1530 : vector<16xf32>
      %get3A_1532 = arith.constant 5 : i32
      %get3A_1533 = arith.constant 0 : i32
      %get3A_1534 = arith.constant 0 : i32
      %get3A_1535 = arith.constant 0 : i32
      %get3A_1536 = tpu.memref_slice %arg10[%scan3A_326, %get3A_1533, %get3A_1534, %get3A_1535] : memref<2x6x32x128xf32, #tpu.memory_space<vmem>> -> memref<1x6x32x128xf32, #tpu.memory_space<vmem>>
      %get3A_1537 = tpu.memref_squeeze %get3A_1536 : memref<1x6x32x128xf32, #tpu.memory_space<vmem>> -> memref<6x32x128xf32, #tpu.memory_space<vmem>>
      %get3A_1538 = arith.index_cast %get3A_1532 : i32 to index
      %get3A_1539 = arith.index_cast %add3A_887 : i32 to index
      %get3A_1540 = arith.constant 96 : index
      %get3A_1541 = tpu.vector_load %get3A_1537[%get3A_1538, %get3A_1539, %get3A_1540] {strides = array<i32>} : memref<6x32x128xf32, #tpu.memory_space<vmem>>, vector<16xf32>,
      %mul3A_1542 = arith.mulf %get3A_935, %get3A_1541 : vector<16xf32>
      %add3A_1543 = arith.addf %add3A_1531, %mul3A_1542 : vector<16xf32>
      %get3A_1544 = arith.constant 5 : i32
      %get3A_1545 = arith.constant 0 : i32
      %get3A_1546 = arith.constant 0 : i32
      %get3A_1547 = arith.constant 0 : i32
      %get3A_1548 = tpu.memref_slice %arg10[%scan3A_326, %get3A_1545, %get3A_1546, %get3A_1547] : memref<2x6x32x128xf32, #tpu.memory_space<vmem>> -> memref<1x6x32x128xf32, #tpu.memory_space<vmem>>
      %get3A_1549 = tpu.memref_squeeze %get3A_1548 : memref<1x6x32x128xf32, #tpu.memory_space<vmem>> -> memref<6x32x128xf32, #tpu.memory_space<vmem>>
      %get3A_1550 = arith.index_cast %get3A_1544 : i32 to index
      %get3A_1551 = arith.index_cast %add3A_887 : i32 to index
      %get3A_1552 = arith.constant 112 : index
      %get3A_1553 = tpu.vector_load %get3A_1549[%get3A_1550, %get3A_1551, %get3A_1552] {strides = array<i32>} : memref<6x32x128xf32, #tpu.memory_space<vmem>>, vector<16xf32>,
      %mul3A_1554 = arith.mulf %get3A_942, %get3A_1553 : vector<16xf32>
      %add3A_1555 = arith.addf %add3A_1543, %mul3A_1554 : vector<16xf32>
      %eq3A_1556 = arith.constant 5 : i32
      %eq3A_1557 = vector.broadcast %eq3A_1556 : i32 to vector<16xi32>
      %eq3A_1558 = arith.cmpi eq, %iota3A, %eq3A_1557 : vector<16xi32>
      %reduce_sum3A_1559 = arith.constant true
      %reduce_sum3A_1560 = vector.broadcast %reduce_sum3A_1559 : i1 to vector<16xi1>
      %reduce_sum3A_1561 = tpu.scan <sum>, %add3A_1555 masked %reduce_sum3A_1560 : vector<16xf32>, vector<16xi1> -> vector<16xf32>
      %reduce_sum3A_1562 = vector.extract %reduce_sum3A_1561[15] : f32 from vector<16xf32>
      %broadcast_in_dim3A_1563 = vector.broadcast %reduce_sum3A_1562 : f32 to vector<16xf32>
      %select_n3A_1564 = arith.select %eq3A_1558, %broadcast_in_dim3A_1563, %select_n3A_1460 : vector<16xi1>, vector<16xf32>
      %broadcast_in_dim3A_1565 = arith.constant 0 : i32
      %broadcast_in_dim3A_1566 = vector.broadcast %broadcast_in_dim3A_1565 : i32 to vector<16xi32>
      %add3A_1567 = vector.broadcast %add3A_887 : i32 to vector<16xi32>
      %add3A_1568 = arith.addi %broadcast_in_dim3A_1566, %add3A_1567 : vector<16xi32>
      tpu.vector_store_idx %arg11[%iota3A, %add3A_1568], %select_n3A_1564 masked %lt3A_9 : memref<6x128xf32, #tpu.memory_space<vmem>>[vector<16xi32>, vector<16xi32>], vector<16xf32>, vector<16xi1>
    }
    %scan3A_331 = arith.constant 32 : i32
    %dma_start3A_332 = arith.constant 0 : i32
    %dma_start3A_333 = arith.constant 0 : i32
    %dma_start3A_334 = arith.constant 0 : i32
    %dma_start3A_335 = tpu.memref_slice %arg9[%dma_start3A_332, %dma_start3A_333, %dma_start3A_334] : memref<2x32x128xf32, #tpu.memory_space<vmem>> -> memref<1x32x128xf32, #tpu.memory_space<vmem>>
    %dma_start3A_336 = tpu.memref_squeeze %dma_start3A_335 : memref<1x32x128xf32, #tpu.memory_space<vmem>> -> memref<32x128xf32, #tpu.memory_space<vmem>>
    %dma_start3A_337 = arith.constant 64 : i32
    %dma_start3A_338 = tpu.memref_slice %arg7[%dma_start3A_337] : memref<128xi32, #tpu.memory_space<vmem>> -> memref<32xi32, #tpu.memory_space<vmem>>
    %dma_start3A_339 = arith.constant 0 : i32
    %dma_start3A_340 = arith.constant 0 : i32
    %dma_start3A_341 = tpu.memref_slice %arg4[%dma_start3A_339, %dma_start3A_340] : memref<100000x128xf32, #tpu.memory_space<hbm>> -> memref<100000x128xf32, #tpu.memory_space<hbm>>
    tpu.enqueue_indirect_dma source(%dma_start3A_341 : memref<100000x128xf32, #tpu.memory_space<hbm>>) target(%dma_start3A_336 : memref<32x128xf32, #tpu.memory_space<vmem>>) offsets(%dma_start3A_338 : memref<32xi32, #tpu.memory_space<vmem>>) semaphore(%arg12 : memref<!tpu.dma_semaphore, #tpu.memory_space<semaphore_mem>>)
    %dma_start3A_342 = arith.constant 0 : i32
    %dma_start3A_343 = arith.constant 0 : i32
    %dma_start3A_344 = arith.constant 0 : i32
    %dma_start3A_345 = arith.constant 0 : i32
    %dma_start3A_346 = arith.constant 0 : i32
    %dma_start3A_347 = tpu.memref_slice %arg10[%dma_start3A_342, %dma_start3A_344, %dma_start3A_345, %dma_start3A_346] : memref<2x6x32x128xf32, #tpu.memory_space<vmem>> -> memref<1x6x32x128xf32, #tpu.memory_space<vmem>>
    %dma_start3A_348 = tpu.memref_squeeze %dma_start3A_347 : memref<1x6x32x128xf32, #tpu.memory_space<vmem>> -> memref<6x32x128xf32, #tpu.memory_space<vmem>>
    %dma_start3A_349 = arith.constant 0 : i32
    %dma_start3A_350 = arith.constant 0 : i32
    %dma_start3A_351 = tpu.memref_slice %dma_start3A_348[%dma_start3A_343, %dma_start3A_349, %dma_start3A_350] : memref<6x32x128xf32, #tpu.memory_space<vmem>> -> memref<1x32x128xf32, #tpu.memory_space<vmem>>
    %dma_start3A_352 = tpu.memref_squeeze %dma_start3A_351 : memref<1x32x128xf32, #tpu.memory_space<vmem>> -> memref<32x128xf32, #tpu.memory_space<vmem>>
    %dma_start3A_353 = arith.constant 64 : i32
    %dma_start3A_354 = tpu.memref_slice %arg8[%dma_start3A_353] : memref<768xi32, #tpu.memory_space<vmem>> -> memref<32xi32, #tpu.memory_space<vmem>>
    %dma_start3A_355 = arith.constant 0 : i32
    %dma_start3A_356 = arith.constant 0 : i32
    %dma_start3A_357 = tpu.memref_slice %arg5[%dma_start3A_355, %dma_start3A_356] : memref<100000x128xf32, #tpu.memory_space<hbm>> -> memref<100000x128xf32, #tpu.memory_space<hbm>>
    tpu.enqueue_indirect_dma source(%dma_start3A_357 : memref<100000x128xf32, #tpu.memory_space<hbm>>) target(%dma_start3A_352 : memref<32x128xf32, #tpu.memory_space<vmem>>) offsets(%dma_start3A_354 : memref<32xi32, #tpu.memory_space<vmem>>) semaphore(%arg12 : memref<!tpu.dma_semaphore, #tpu.memory_space<semaphore_mem>>)
    %dma_start3A_358 = arith.constant 0 : i32
    %dma_start3A_359 = arith.constant 1 : i32
    %dma_start3A_360 = arith.constant 0 : i32
    %dma_start3A_361 = arith.constant 0 : i32
    %dma_start3A_362 = arith.constant 0 : i32
    %dma_start3A_363 = tpu.memref_slice %arg10[%dma_start3A_358, %dma_start3A_360, %dma_start3A_361, %dma_start3A_362] : memref<2x6x32x128xf32, #tpu.memory_space<vmem>> -> memref<1x6x32x128xf32, #tpu.memory_space<vmem>>
    %dma_start3A_364 = tpu.memref_squeeze %dma_start3A_363 : memref<1x6x32x128xf32, #tpu.memory_space<vmem>> -> memref<6x32x128xf32, #tpu.memory_space<vmem>>
    %dma_start3A_365 = arith.constant 0 : i32
    %dma_start3A_366 = arith.constant 0 : i32
    %dma_start3A_367 = tpu.memref_slice %dma_start3A_364[%dma_start3A_359, %dma_start3A_365, %dma_start3A_366] : memref<6x32x128xf32, #tpu.memory_space<vmem>> -> memref<1x32x128xf32, #tpu.memory_space<vmem>>
    %dma_start3A_368 = tpu.memref_squeeze %dma_start3A_367 : memref<1x32x128xf32, #tpu.memory_space<vmem>> -> memref<32x128xf32, #tpu.memory_space<vmem>>
    %dma_start3A_369 = arith.constant 192 : i32
    %dma_start3A_370 = tpu.memref_slice %arg8[%dma_start3A_369] : memref<768xi32, #tpu.memory_space<vmem>> -> memref<32xi32, #tpu.memory_space<vmem>>
    %dma_start3A_371 = arith.constant 0 : i32
    %dma_start3A_372 = arith.constant 0 : i32
    %dma_start3A_373 = tpu.memref_slice %arg5[%dma_start3A_371, %dma_start3A_372] : memref<100000x128xf32, #tpu.memory_space<hbm>> -> memref<100000x128xf32, #tpu.memory_space<hbm>>
    tpu.enqueue_indirect_dma source(%dma_start3A_373 : memref<100000x128xf32, #tpu.memory_space<hbm>>) target(%dma_start3A_368 : memref<32x128xf32, #tpu.memory_space<vmem>>) offsets(%dma_start3A_370 : memref<32xi32, #tpu.memory_space<vmem>>) semaphore(%arg12 : memref<!tpu.dma_semaphore, #tpu.memory_space<semaphore_mem>>)
    %dma_start3A_374 = arith.constant 0 : i32
    %dma_start3A_375 = arith.constant 2 : i32
    %dma_start3A_376 = arith.constant 0 : i32
    %dma_start3A_377 = arith.constant 0 : i32
    %dma_start3A_378 = arith.constant 0 : i32
    %dma_start3A_379 = tpu.memref_slice %arg10[%dma_start3A_374, %dma_start3A_376, %dma_start3A_377, %dma_start3A_378] : memref<2x6x32x128xf32, #tpu.memory_space<vmem>> -> memref<1x6x32x128xf32, #tpu.memory_space<vmem>>
    %dma_start3A_380 = tpu.memref_squeeze %dma_start3A_379 : memref<1x6x32x128xf32, #tpu.memory_space<vmem>> -> memref<6x32x128xf32, #tpu.memory_space<vmem>>
    %dma_start3A_381 = arith.constant 0 : i32
    %dma_start3A_382 = arith.constant 0 : i32
    %dma_start3A_383 = tpu.memref_slice %dma_start3A_380[%dma_start3A_375, %dma_start3A_381, %dma_start3A_382] : memref<6x32x128xf32, #tpu.memory_space<vmem>> -> memref<1x32x128xf32, #tpu.memory_space<vmem>>
    %dma_start3A_384 = tpu.memref_squeeze %dma_start3A_383 : memref<1x32x128xf32, #tpu.memory_space<vmem>> -> memref<32x128xf32, #tpu.memory_space<vmem>>
    %dma_start3A_385 = arith.constant 320 : i32
    %dma_start3A_386 = tpu.memref_slice %arg8[%dma_start3A_385] : memref<768xi32, #tpu.memory_space<vmem>> -> memref<32xi32, #tpu.memory_space<vmem>>
    %dma_start3A_387 = arith.constant 0 : i32
    %dma_start3A_388 = arith.constant 0 : i32
    %dma_start3A_389 = tpu.memref_slice %arg5[%dma_start3A_387, %dma_start3A_388] : memref<100000x128xf32, #tpu.memory_space<hbm>> -> memref<100000x128xf32, #tpu.memory_space<hbm>>
    tpu.enqueue_indirect_dma source(%dma_start3A_389 : memref<100000x128xf32, #tpu.memory_space<hbm>>) target(%dma_start3A_384 : memref<32x128xf32, #tpu.memory_space<vmem>>) offsets(%dma_start3A_386 : memref<32xi32, #tpu.memory_space<vmem>>) semaphore(%arg12 : memref<!tpu.dma_semaphore, #tpu.memory_space<semaphore_mem>>)
    %dma_start3A_390 = arith.constant 0 : i32
    %dma_start3A_391 = arith.constant 3 : i32
    %dma_start3A_392 = arith.constant 0 : i32
    %dma_start3A_393 = arith.constant 0 : i32
    %dma_start3A_394 = arith.constant 0 : i32
    %dma_start3A_395 = tpu.memref_slice %arg10[%dma_start3A_390, %dma_start3A_392, %dma_start3A_393, %dma_start3A_394] : memref<2x6x32x128xf32, #tpu.memory_space<vmem>> -> memref<1x6x32x128xf32, #tpu.memory_space<vmem>>
    %dma_start3A_396 = tpu.memref_squeeze %dma_start3A_395 : memref<1x6x32x128xf32, #tpu.memory_space<vmem>> -> memref<6x32x128xf32, #tpu.memory_space<vmem>>
    %dma_start3A_397 = arith.constant 0 : i32
    %dma_start3A_398 = arith.constant 0 : i32
    %dma_start3A_399 = tpu.memref_slice %dma_start3A_396[%dma_start3A_391, %dma_start3A_397, %dma_start3A_398] : memref<6x32x128xf32, #tpu.memory_space<vmem>> -> memref<1x32x128xf32, #tpu.memory_space<vmem>>
    %dma_start3A_400 = tpu.memref_squeeze %dma_start3A_399 : memref<1x32x128xf32, #tpu.memory_space<vmem>> -> memref<32x128xf32, #tpu.memory_space<vmem>>
    %dma_start3A_401 = arith.constant 448 : i32
    %dma_start3A_402 = tpu.memref_slice %arg8[%dma_start3A_401] : memref<768xi32, #tpu.memory_space<vmem>> -> memref<32xi32, #tpu.memory_space<vmem>>
    %dma_start3A_403 = arith.constant 0 : i32
    %dma_start3A_404 = arith.constant 0 : i32
    %dma_start3A_405 = tpu.memref_slice %arg5[%dma_start3A_403, %dma_start3A_404] : memref<100000x128xf32, #tpu.memory_space<hbm>> -> memref<100000x128xf32, #tpu.memory_space<hbm>>
    tpu.enqueue_indirect_dma source(%dma_start3A_405 : memref<100000x128xf32, #tpu.memory_space<hbm>>) target(%dma_start3A_400 : memref<32x128xf32, #tpu.memory_space<vmem>>) offsets(%dma_start3A_402 : memref<32xi32, #tpu.memory_space<vmem>>) semaphore(%arg12 : memref<!tpu.dma_semaphore, #tpu.memory_space<semaphore_mem>>)
    %dma_start3A_406 = arith.constant 0 : i32
    %dma_start3A_407 = arith.constant 4 : i32
    %dma_start3A_408 = arith.constant 0 : i32
    %dma_start3A_409 = arith.constant 0 : i32
    %dma_start3A_410 = arith.constant 0 : i32
    %dma_start3A_411 = tpu.memref_slice %arg10[%dma_start3A_406, %dma_start3A_408, %dma_start3A_409, %dma_start3A_410] : memref<2x6x32x128xf32, #tpu.memory_space<vmem>> -> memref<1x6x32x128xf32, #tpu.memory_space<vmem>>
    %dma_start3A_412 = tpu.memref_squeeze %dma_start3A_411 : memref<1x6x32x128xf32, #tpu.memory_space<vmem>> -> memref<6x32x128xf32, #tpu.memory_space<vmem>>
    %dma_start3A_413 = arith.constant 0 : i32
    %dma_start3A_414 = arith.constant 0 : i32
    %dma_start3A_415 = tpu.memref_slice %dma_start3A_412[%dma_start3A_407, %dma_start3A_413, %dma_start3A_414] : memref<6x32x128xf32, #tpu.memory_space<vmem>> -> memref<1x32x128xf32, #tpu.memory_space<vmem>>
    %dma_start3A_416 = tpu.memref_squeeze %dma_start3A_415 : memref<1x32x128xf32, #tpu.memory_space<vmem>> -> memref<32x128xf32, #tpu.memory_space<vmem>>
    %dma_start3A_417 = arith.constant 576 : i32
    %dma_start3A_418 = tpu.memref_slice %arg8[%dma_start3A_417] : memref<768xi32, #tpu.memory_space<vmem>> -> memref<32xi32, #tpu.memory_space<vmem>>
    %dma_start3A_419 = arith.constant 0 : i32
    %dma_start3A_420 = arith.constant 0 : i32
    %dma_start3A_421 = tpu.memref_slice %arg5[%dma_start3A_419, %dma_start3A_420] : memref<100000x128xf32, #tpu.memory_space<hbm>> -> memref<100000x128xf32, #tpu.memory_space<hbm>>
    tpu.enqueue_indirect_dma source(%dma_start3A_421 : memref<100000x128xf32, #tpu.memory_space<hbm>>) target(%dma_start3A_416 : memref<32x128xf32, #tpu.memory_space<vmem>>) offsets(%dma_start3A_418 : memref<32xi32, #tpu.memory_space<vmem>>) semaphore(%arg12 : memref<!tpu.dma_semaphore, #tpu.memory_space<semaphore_mem>>)
    %dma_start3A_422 = arith.constant 0 : i32
    %dma_start3A_423 = arith.constant 5 : i32
    %dma_start3A_424 = arith.constant 0 : i32
    %dma_start3A_425 = arith.constant 0 : i32
    %dma_start3A_426 = arith.constant 0 : i32
    %dma_start3A_427 = tpu.memref_slice %arg10[%dma_start3A_422, %dma_start3A_424, %dma_start3A_425, %dma_start3A_426] : memref<2x6x32x128xf32, #tpu.memory_space<vmem>> -> memref<1x6x32x128xf32, #tpu.memory_space<vmem>>
    %dma_start3A_428 = tpu.memref_squeeze %dma_start3A_427 : memref<1x6x32x128xf32, #tpu.memory_space<vmem>> -> memref<6x32x128xf32, #tpu.memory_space<vmem>>
    %dma_start3A_429 = arith.constant 0 : i32
    %dma_start3A_430 = arith.constant 0 : i32
    %dma_start3A_431 = tpu.memref_slice %dma_start3A_428[%dma_start3A_423, %dma_start3A_429, %dma_start3A_430] : memref<6x32x128xf32, #tpu.memory_space<vmem>> -> memref<1x32x128xf32, #tpu.memory_space<vmem>>
    %dma_start3A_432 = tpu.memref_squeeze %dma_start3A_431 : memref<1x32x128xf32, #tpu.memory_space<vmem>> -> memref<32x128xf32, #tpu.memory_space<vmem>>
    %dma_start3A_433 = arith.constant 704 : i32
    %dma_start3A_434 = tpu.memref_slice %arg8[%dma_start3A_433] : memref<768xi32, #tpu.memory_space<vmem>> -> memref<32xi32, #tpu.memory_space<vmem>>
    %dma_start3A_435 = arith.constant 0 : i32
    %dma_start3A_436 = arith.constant 0 : i32
    %dma_start3A_437 = tpu.memref_slice %arg5[%dma_start3A_435, %dma_start3A_436] : memref<100000x128xf32, #tpu.memory_space<hbm>> -> memref<100000x128xf32, #tpu.memory_space<hbm>>
    tpu.enqueue_indirect_dma source(%dma_start3A_437 : memref<100000x128xf32, #tpu.memory_space<hbm>>) target(%dma_start3A_432 : memref<32x128xf32, #tpu.memory_space<vmem>>) offsets(%dma_start3A_434 : memref<32xi32, #tpu.memory_space<vmem>>) semaphore(%arg12 : memref<!tpu.dma_semaphore, #tpu.memory_space<semaphore_mem>>)
    %dma_wait3A_438 = arith.constant 1 : i32
    %dma_wait3A_439 = arith.constant 0 : i32
    %dma_wait3A_440 = arith.constant 0 : i32
    %dma_wait3A_441 = tpu.memref_slice %arg9[%dma_wait3A_438, %dma_wait3A_439, %dma_wait3A_440] : memref<2x32x128xf32, #tpu.memory_space<vmem>> -> memref<1x32x128xf32, #tpu.memory_space<vmem>>
    %dma_wait3A_442 = tpu.memref_squeeze %dma_wait3A_441 : memref<1x32x128xf32, #tpu.memory_space<vmem>> -> memref<32x128xf32, #tpu.memory_space<vmem>>
    %dma_wait3A_443 = arith.constant 32 : i32
    %dma_wait3A_444 = tpu.memref_slice %arg7[%dma_wait3A_443] : memref<128xi32, #tpu.memory_space<vmem>> -> memref<32xi32, #tpu.memory_space<vmem>>
    %dma_wait3A_445 = arith.constant 0 : i32
    %dma_wait3A_446 = arith.constant 0 : i32
    %dma_wait3A_447 = tpu.memref_slice %arg4[%dma_wait3A_445, %dma_wait3A_446] : memref<100000x128xf32, #tpu.memory_space<hbm>> -> memref<100000x128xf32, #tpu.memory_space<hbm>>
    tpu.wait_indirect_dma semaphore(%arg13 : memref<!tpu.dma_semaphore, #tpu.memory_space<semaphore_mem>>) src(%dma_wait3A_447 : memref<100000x128xf32, #tpu.memory_space<hbm>>) dst(%dma_wait3A_442 : memref<32x128xf32, #tpu.memory_space<vmem>>)
    %dma_wait3A_448 = arith.constant 1 : i32
    %dma_wait3A_449 = arith.constant 0 : i32
    %dma_wait3A_450 = arith.constant 0 : i32
    %dma_wait3A_451 = arith.constant 0 : i32
    %dma_wait3A_452 = arith.constant 0 : i32
    %dma_wait3A_453 = tpu.memref_slice %arg10[%dma_wait3A_448, %dma_wait3A_450, %dma_wait3A_451, %dma_wait3A_452] : memref<2x6x32x128xf32, #tpu.memory_space<vmem>> -> memref<1x6x32x128xf32, #tpu.memory_space<vmem>>
    %dma_wait3A_454 = tpu.memref_squeeze %dma_wait3A_453 : memref<1x6x32x128xf32, #tpu.memory_space<vmem>> -> memref<6x32x128xf32, #tpu.memory_space<vmem>>
    %dma_wait3A_455 = arith.constant 0 : i32
    %dma_wait3A_456 = arith.constant 0 : i32
    %dma_wait3A_457 = tpu.memref_slice %dma_wait3A_454[%dma_wait3A_449, %dma_wait3A_455, %dma_wait3A_456] : memref<6x32x128xf32, #tpu.memory_space<vmem>> -> memref<1x32x128xf32, #tpu.memory_space<vmem>>
    %dma_wait3A_458 = tpu.memref_squeeze %dma_wait3A_457 : memref<1x32x128xf32, #tpu.memory_space<vmem>> -> memref<32x128xf32, #tpu.memory_space<vmem>>
    %dma_wait3A_459 = arith.constant 32 : i32
    %dma_wait3A_460 = tpu.memref_slice %arg8[%dma_wait3A_459] : memref<768xi32, #tpu.memory_space<vmem>> -> memref<32xi32, #tpu.memory_space<vmem>>
    %dma_wait3A_461 = arith.constant 0 : i32
    %dma_wait3A_462 = arith.constant 0 : i32
    %dma_wait3A_463 = tpu.memref_slice %arg5[%dma_wait3A_461, %dma_wait3A_462] : memref<100000x128xf32, #tpu.memory_space<hbm>> -> memref<100000x128xf32, #tpu.memory_space<hbm>>
    tpu.wait_indirect_dma semaphore(%arg13 : memref<!tpu.dma_semaphore, #tpu.memory_space<semaphore_mem>>) src(%dma_wait3A_463 : memref<100000x128xf32, #tpu.memory_space<hbm>>) dst(%dma_wait3A_458 : memref<32x128xf32, #tpu.memory_space<vmem>>)
    %dma_wait3A_464 = arith.constant 1 : i32
    %dma_wait3A_465 = arith.constant 1 : i32
    %dma_wait3A_466 = arith.constant 0 : i32
    %dma_wait3A_467 = arith.constant 0 : i32
    %dma_wait3A_468 = arith.constant 0 : i32
    %dma_wait3A_469 = tpu.memref_slice %arg10[%dma_wait3A_464, %dma_wait3A_466, %dma_wait3A_467, %dma_wait3A_468] : memref<2x6x32x128xf32, #tpu.memory_space<vmem>> -> memref<1x6x32x128xf32, #tpu.memory_space<vmem>>
    %dma_wait3A_470 = tpu.memref_squeeze %dma_wait3A_469 : memref<1x6x32x128xf32, #tpu.memory_space<vmem>> -> memref<6x32x128xf32, #tpu.memory_space<vmem>>
    %dma_wait3A_471 = arith.constant 0 : i32
    %dma_wait3A_472 = arith.constant 0 : i32
    %dma_wait3A_473 = tpu.memref_slice %dma_wait3A_470[%dma_wait3A_465, %dma_wait3A_471, %dma_wait3A_472] : memref<6x32x128xf32, #tpu.memory_space<vmem>> -> memref<1x32x128xf32, #tpu.memory_space<vmem>>
    %dma_wait3A_474 = tpu.memref_squeeze %dma_wait3A_473 : memref<1x32x128xf32, #tpu.memory_space<vmem>> -> memref<32x128xf32, #tpu.memory_space<vmem>>
    %dma_wait3A_475 = arith.constant 160 : i32
    %dma_wait3A_476 = tpu.memref_slice %arg8[%dma_wait3A_475] : memref<768xi32, #tpu.memory_space<vmem>> -> memref<32xi32, #tpu.memory_space<vmem>>
    %dma_wait3A_477 = arith.constant 0 : i32
    %dma_wait3A_478 = arith.constant 0 : i32
    %dma_wait3A_479 = tpu.memref_slice %arg5[%dma_wait3A_477, %dma_wait3A_478] : memref<100000x128xf32, #tpu.memory_space<hbm>> -> memref<100000x128xf32, #tpu.memory_space<hbm>>
    tpu.wait_indirect_dma semaphore(%arg13 : memref<!tpu.dma_semaphore, #tpu.memory_space<semaphore_mem>>) src(%dma_wait3A_479 : memref<100000x128xf32, #tpu.memory_space<hbm>>) dst(%dma_wait3A_474 : memref<32x128xf32, #tpu.memory_space<vmem>>)
    %dma_wait3A_480 = arith.constant 1 : i32
    %dma_wait3A_481 = arith.constant 2 : i32
    %dma_wait3A_482 = arith.constant 0 : i32
    %dma_wait3A_483 = arith.constant 0 : i32
    %dma_wait3A_484 = arith.constant 0 : i32
    %dma_wait3A_485 = tpu.memref_slice %arg10[%dma_wait3A_480, %dma_wait3A_482, %dma_wait3A_483, %dma_wait3A_484] : memref<2x6x32x128xf32, #tpu.memory_space<vmem>> -> memref<1x6x32x128xf32, #tpu.memory_space<vmem>>
    %dma_wait3A_486 = tpu.memref_squeeze %dma_wait3A_485 : memref<1x6x32x128xf32, #tpu.memory_space<vmem>> -> memref<6x32x128xf32, #tpu.memory_space<vmem>>
    %dma_wait3A_487 = arith.constant 0 : i32
    %dma_wait3A_488 = arith.constant 0 : i32
    %dma_wait3A_489 = tpu.memref_slice %dma_wait3A_486[%dma_wait3A_481, %dma_wait3A_487, %dma_wait3A_488] : memref<6x32x128xf32, #tpu.memory_space<vmem>> -> memref<1x32x128xf32, #tpu.memory_space<vmem>>
    %dma_wait3A_490 = tpu.memref_squeeze %dma_wait3A_489 : memref<1x32x128xf32, #tpu.memory_space<vmem>> -> memref<32x128xf32, #tpu.memory_space<vmem>>
    %dma_wait3A_491 = arith.constant 288 : i32
    %dma_wait3A_492 = tpu.memref_slice %arg8[%dma_wait3A_491] : memref<768xi32, #tpu.memory_space<vmem>> -> memref<32xi32, #tpu.memory_space<vmem>>
    %dma_wait3A_493 = arith.constant 0 : i32
    %dma_wait3A_494 = arith.constant 0 : i32
    %dma_wait3A_495 = tpu.memref_slice %arg5[%dma_wait3A_493, %dma_wait3A_494] : memref<100000x128xf32, #tpu.memory_space<hbm>> -> memref<100000x128xf32, #tpu.memory_space<hbm>>
    tpu.wait_indirect_dma semaphore(%arg13 : memref<!tpu.dma_semaphore, #tpu.memory_space<semaphore_mem>>) src(%dma_wait3A_495 : memref<100000x128xf32, #tpu.memory_space<hbm>>) dst(%dma_wait3A_490 : memref<32x128xf32, #tpu.memory_space<vmem>>)
    %dma_wait3A_496 = arith.constant 1 : i32
    %dma_wait3A_497 = arith.constant 3 : i32
    %dma_wait3A_498 = arith.constant 0 : i32
    %dma_wait3A_499 = arith.constant 0 : i32
    %dma_wait3A_500 = arith.constant 0 : i32
    %dma_wait3A_501 = tpu.memref_slice %arg10[%dma_wait3A_496, %dma_wait3A_498, %dma_wait3A_499, %dma_wait3A_500] : memref<2x6x32x128xf32, #tpu.memory_space<vmem>> -> memref<1x6x32x128xf32, #tpu.memory_space<vmem>>
    %dma_wait3A_502 = tpu.memref_squeeze %dma_wait3A_501 : memref<1x6x32x128xf32, #tpu.memory_space<vmem>> -> memref<6x32x128xf32, #tpu.memory_space<vmem>>
    %dma_wait3A_503 = arith.constant 0 : i32
    %dma_wait3A_504 = arith.constant 0 : i32
    %dma_wait3A_505 = tpu.memref_slice %dma_wait3A_502[%dma_wait3A_497, %dma_wait3A_503, %dma_wait3A_504] : memref<6x32x128xf32, #tpu.memory_space<vmem>> -> memref<1x32x128xf32, #tpu.memory_space<vmem>>
    %dma_wait3A_506 = tpu.memref_squeeze %dma_wait3A_505 : memref<1x32x128xf32, #tpu.memory_space<vmem>> -> memref<32x128xf32, #tpu.memory_space<vmem>>
    %dma_wait3A_507 = arith.constant 416 : i32
    %dma_wait3A_508 = tpu.memref_slice %arg8[%dma_wait3A_507] : memref<768xi32, #tpu.memory_space<vmem>> -> memref<32xi32, #tpu.memory_space<vmem>>
    %dma_wait3A_509 = arith.constant 0 : i32
    %dma_wait3A_510 = arith.constant 0 : i32
    %dma_wait3A_511 = tpu.memref_slice %arg5[%dma_wait3A_509, %dma_wait3A_510] : memref<100000x128xf32, #tpu.memory_space<hbm>> -> memref<100000x128xf32, #tpu.memory_space<hbm>>
    tpu.wait_indirect_dma semaphore(%arg13 : memref<!tpu.dma_semaphore, #tpu.memory_space<semaphore_mem>>) src(%dma_wait3A_511 : memref<100000x128xf32, #tpu.memory_space<hbm>>) dst(%dma_wait3A_506 : memref<32x128xf32, #tpu.memory_space<vmem>>)
    %dma_wait3A_512 = arith.constant 1 : i32
    %dma_wait3A_513 = arith.constant 4 : i32
    %dma_wait3A_514 = arith.constant 0 : i32
    %dma_wait3A_515 = arith.constant 0 : i32
    %dma_wait3A_516 = arith.constant 0 : i32
    %dma_wait3A_517 = tpu.memref_slice %arg10[%dma_wait3A_512, %dma_wait3A_514, %dma_wait3A_515, %dma_wait3A_516] : memref<2x6x32x128xf32, #tpu.memory_space<vmem>> -> memref<1x6x32x128xf32, #tpu.memory_space<vmem>>
    %dma_wait3A_518 = tpu.memref_squeeze %dma_wait3A_517 : memref<1x6x32x128xf32, #tpu.memory_space<vmem>> -> memref<6x32x128xf32, #tpu.memory_space<vmem>>
    %dma_wait3A_519 = arith.constant 0 : i32
    %dma_wait3A_520 = arith.constant 0 : i32
    %dma_wait3A_521 = tpu.memref_slice %dma_wait3A_518[%dma_wait3A_513, %dma_wait3A_519, %dma_wait3A_520] : memref<6x32x128xf32, #tpu.memory_space<vmem>> -> memref<1x32x128xf32, #tpu.memory_space<vmem>>
    %dma_wait3A_522 = tpu.memref_squeeze %dma_wait3A_521 : memref<1x32x128xf32, #tpu.memory_space<vmem>> -> memref<32x128xf32, #tpu.memory_space<vmem>>
    %dma_wait3A_523 = arith.constant 544 : i32
    %dma_wait3A_524 = tpu.memref_slice %arg8[%dma_wait3A_523] : memref<768xi32, #tpu.memory_space<vmem>> -> memref<32xi32, #tpu.memory_space<vmem>>
    %dma_wait3A_525 = arith.constant 0 : i32
    %dma_wait3A_526 = arith.constant 0 : i32
    %dma_wait3A_527 = tpu.memref_slice %arg5[%dma_wait3A_525, %dma_wait3A_526] : memref<100000x128xf32, #tpu.memory_space<hbm>> -> memref<100000x128xf32, #tpu.memory_space<hbm>>
    tpu.wait_indirect_dma semaphore(%arg13 : memref<!tpu.dma_semaphore, #tpu.memory_space<semaphore_mem>>) src(%dma_wait3A_527 : memref<100000x128xf32, #tpu.memory_space<hbm>>) dst(%dma_wait3A_522 : memref<32x128xf32, #tpu.memory_space<vmem>>)
    %dma_wait3A_528 = arith.constant 1 : i32
    %dma_wait3A_529 = arith.constant 5 : i32
    %dma_wait3A_530 = arith.constant 0 : i32
    %dma_wait3A_531 = arith.constant 0 : i32
    %dma_wait3A_532 = arith.constant 0 : i32
    %dma_wait3A_533 = tpu.memref_slice %arg10[%dma_wait3A_528, %dma_wait3A_530, %dma_wait3A_531, %dma_wait3A_532] : memref<2x6x32x128xf32, #tpu.memory_space<vmem>> -> memref<1x6x32x128xf32, #tpu.memory_space<vmem>>
    %dma_wait3A_534 = tpu.memref_squeeze %dma_wait3A_533 : memref<1x6x32x128xf32, #tpu.memory_space<vmem>> -> memref<6x32x128xf32, #tpu.memory_space<vmem>>
    %dma_wait3A_535 = arith.constant 0 : i32
    %dma_wait3A_536 = arith.constant 0 : i32
    %dma_wait3A_537 = tpu.memref_slice %dma_wait3A_534[%dma_wait3A_529, %dma_wait3A_535, %dma_wait3A_536] : memref<6x32x128xf32, #tpu.memory_space<vmem>> -> memref<1x32x128xf32, #tpu.memory_space<vmem>>
    %dma_wait3A_538 = tpu.memref_squeeze %dma_wait3A_537 : memref<1x32x128xf32, #tpu.memory_space<vmem>> -> memref<32x128xf32, #tpu.memory_space<vmem>>
    %dma_wait3A_539 = arith.constant 672 : i32
    %dma_wait3A_540 = tpu.memref_slice %arg8[%dma_wait3A_539] : memref<768xi32, #tpu.memory_space<vmem>> -> memref<32xi32, #tpu.memory_space<vmem>>
    %dma_wait3A_541 = arith.constant 0 : i32
    %dma_wait3A_542 = arith.constant 0 : i32
    %dma_wait3A_543 = tpu.memref_slice %arg5[%dma_wait3A_541, %dma_wait3A_542] : memref<100000x128xf32, #tpu.memory_space<hbm>> -> memref<100000x128xf32, #tpu.memory_space<hbm>>
    tpu.wait_indirect_dma semaphore(%arg13 : memref<!tpu.dma_semaphore, #tpu.memory_space<semaphore_mem>>) src(%dma_wait3A_543 : memref<100000x128xf32, #tpu.memory_space<hbm>>) dst(%dma_wait3A_538 : memref<32x128xf32, #tpu.memory_space<vmem>>)
    %scan3A_544 = arith.constant 1 : i32
    %scan3A_545 = arith.constant 1 : i32
    %scan3A_546 = arith.constant 0 : i32
    %scan3A_547 = arith.constant 32 : i32
    %scan3A_548 = arith.addi %scan3A_546, %scan3A_547 : i32
    %scan3A_549 = arith.constant 1 : i32
    scf.for %scan3A_883 = %scan3A_546 to %scan3A_548 step %scan3A_549  : i32 {
      %mul3A_884 = arith.constant 1 : i32
      %mul3A_885 = arith.muli %scan3A_883, %mul3A_884 : i32
      %add3A_886 = arith.constant 0 : i32
      %add3A_887 = arith.addi %add3A_886, %mul3A_885 : i32
      %get3A = arith.constant 0 : i32
      %get3A_888 = arith.constant 0 : i32
      %get3A_889 = tpu.memref_slice %arg9[%scan3A_544, %get3A, %get3A_888] : memref<2x32x128xf32, #tpu.memory_space<vmem>> -> memref<1x32x128xf32, #tpu.memory_space<vmem>>
      %get3A_890 = tpu.memref_squeeze %get3A_889 : memref<1x32x128xf32, #tpu.memory_space<vmem>> -> memref<32x128xf32, #tpu.memory_space<vmem>>
      %get3A_891 = arith.index_cast %add3A_887 : i32 to index
      %get3A_892 = arith.constant 0 : index
      %get3A_893 = tpu.vector_load %get3A_890[%get3A_891, %get3A_892] {strides = array<i32>} : memref<32x128xf32, #tpu.memory_space<vmem>>, vector<16xf32>,
      %get3A_894 = arith.constant 0 : i32
      %get3A_895 = arith.constant 0 : i32
      %get3A_896 = tpu.memref_slice %arg9[%scan3A_544, %get3A_894, %get3A_895] : memref<2x32x128xf32, #tpu.memory_space<vmem>> -> memref<1x32x128xf32, #tpu.memory_space<vmem>>
      %get3A_897 = tpu.memref_squeeze %get3A_896 : memref<1x32x128xf32, #tpu.memory_space<vmem>> -> memref<32x128xf32, #tpu.memory_space<vmem>>
      %get3A_898 = arith.index_cast %add3A_887 : i32 to index
      %get3A_899 = arith.constant 16 : index
      %get3A_900 = tpu.vector_load %get3A_897[%get3A_898, %get3A_899] {strides = array<i32>} : memref<32x128xf32, #tpu.memory_space<vmem>>, vector<16xf32>,
      %get3A_901 = arith.constant 0 : i32
      %get3A_902 = arith.constant 0 : i32
      %get3A_903 = tpu.memref_slice %arg9[%scan3A_544, %get3A_901, %get3A_902] : memref<2x32x128xf32, #tpu.memory_space<vmem>> -> memref<1x32x128xf32, #tpu.memory_space<vmem>>
      %get3A_904 = tpu.memref_squeeze %get3A_903 : memref<1x32x128xf32, #tpu.memory_space<vmem>> -> memref<32x128xf32, #tpu.memory_space<vmem>>
      %get3A_905 = arith.index_cast %add3A_887 : i32 to index
      %get3A_906 = arith.constant 32 : index
      %get3A_907 = tpu.vector_load %get3A_904[%get3A_905, %get3A_906] {strides = array<i32>} : memref<32x128xf32, #tpu.memory_space<vmem>>, vector<16xf32>,
      %get3A_908 = arith.constant 0 : i32
      %get3A_909 = arith.constant 0 : i32
      %get3A_910 = tpu.memref_slice %arg9[%scan3A_544, %get3A_908, %get3A_909] : memref<2x32x128xf32, #tpu.memory_space<vmem>> -> memref<1x32x128xf32, #tpu.memory_space<vmem>>
      %get3A_911 = tpu.memref_squeeze %get3A_910 : memref<1x32x128xf32, #tpu.memory_space<vmem>> -> memref<32x128xf32, #tpu.memory_space<vmem>>
      %get3A_912 = arith.index_cast %add3A_887 : i32 to index
      %get3A_913 = arith.constant 48 : index
      %get3A_914 = tpu.vector_load %get3A_911[%get3A_912, %get3A_913] {strides = array<i32>} : memref<32x128xf32, #tpu.memory_space<vmem>>, vector<16xf32>,
      %get3A_915 = arith.constant 0 : i32
      %get3A_916 = arith.constant 0 : i32
      %get3A_917 = tpu.memref_slice %arg9[%scan3A_544, %get3A_915, %get3A_916] : memref<2x32x128xf32, #tpu.memory_space<vmem>> -> memref<1x32x128xf32, #tpu.memory_space<vmem>>
      %get3A_918 = tpu.memref_squeeze %get3A_917 : memref<1x32x128xf32, #tpu.memory_space<vmem>> -> memref<32x128xf32, #tpu.memory_space<vmem>>
      %get3A_919 = arith.index_cast %add3A_887 : i32 to index
      %get3A_920 = arith.constant 64 : index
      %get3A_921 = tpu.vector_load %get3A_918[%get3A_919, %get3A_920] {strides = array<i32>} : memref<32x128xf32, #tpu.memory_space<vmem>>, vector<16xf32>,
      %get3A_922 = arith.constant 0 : i32
      %get3A_923 = arith.constant 0 : i32
      %get3A_924 = tpu.memref_slice %arg9[%scan3A_544, %get3A_922, %get3A_923] : memref<2x32x128xf32, #tpu.memory_space<vmem>> -> memref<1x32x128xf32, #tpu.memory_space<vmem>>
      %get3A_925 = tpu.memref_squeeze %get3A_924 : memref<1x32x128xf32, #tpu.memory_space<vmem>> -> memref<32x128xf32, #tpu.memory_space<vmem>>
      %get3A_926 = arith.index_cast %add3A_887 : i32 to index
      %get3A_927 = arith.constant 80 : index
      %get3A_928 = tpu.vector_load %get3A_925[%get3A_926, %get3A_927] {strides = array<i32>} : memref<32x128xf32, #tpu.memory_space<vmem>>, vector<16xf32>,
      %get3A_929 = arith.constant 0 : i32
      %get3A_930 = arith.constant 0 : i32
      %get3A_931 = tpu.memref_slice %arg9[%scan3A_544, %get3A_929, %get3A_930] : memref<2x32x128xf32, #tpu.memory_space<vmem>> -> memref<1x32x128xf32, #tpu.memory_space<vmem>>
      %get3A_932 = tpu.memref_squeeze %get3A_931 : memref<1x32x128xf32, #tpu.memory_space<vmem>> -> memref<32x128xf32, #tpu.memory_space<vmem>>
      %get3A_933 = arith.index_cast %add3A_887 : i32 to index
      %get3A_934 = arith.constant 96 : index
      %get3A_935 = tpu.vector_load %get3A_932[%get3A_933, %get3A_934] {strides = array<i32>} : memref<32x128xf32, #tpu.memory_space<vmem>>, vector<16xf32>,
      %get3A_936 = arith.constant 0 : i32
      %get3A_937 = arith.constant 0 : i32
      %get3A_938 = tpu.memref_slice %arg9[%scan3A_544, %get3A_936, %get3A_937] : memref<2x32x128xf32, #tpu.memory_space<vmem>> -> memref<1x32x128xf32, #tpu.memory_space<vmem>>
      %get3A_939 = tpu.memref_squeeze %get3A_938 : memref<1x32x128xf32, #tpu.memory_space<vmem>> -> memref<32x128xf32, #tpu.memory_space<vmem>>
      %get3A_940 = arith.index_cast %add3A_887 : i32 to index
      %get3A_941 = arith.constant 112 : index
      %get3A_942 = tpu.vector_load %get3A_939[%get3A_940, %get3A_941] {strides = array<i32>} : memref<32x128xf32, #tpu.memory_space<vmem>>, vector<16xf32>,
      %broadcast_in_dim3A = arith.constant 0.000000e+00 : f32
      %broadcast_in_dim3A_943 = vector.broadcast %broadcast_in_dim3A : f32 to vector<16xf32>
      %get3A_944 = arith.constant 0 : i32
      %get3A_945 = arith.constant 0 : i32
      %get3A_946 = arith.constant 0 : i32
      %get3A_947 = arith.constant 0 : i32
      %get3A_948 = tpu.memref_slice %arg10[%scan3A_545, %get3A_945, %get3A_946, %get3A_947] : memref<2x6x32x128xf32, #tpu.memory_space<vmem>> -> memref<1x6x32x128xf32, #tpu.memory_space<vmem>>
      %get3A_949 = tpu.memref_squeeze %get3A_948 : memref<1x6x32x128xf32, #tpu.memory_space<vmem>> -> memref<6x32x128xf32, #tpu.memory_space<vmem>>
      %get3A_950 = arith.index_cast %get3A_944 : i32 to index
      %get3A_951 = arith.index_cast %add3A_887 : i32 to index
      %get3A_952 = arith.constant 0 : index
      %get3A_953 = tpu.vector_load %get3A_949[%get3A_950, %get3A_951, %get3A_952] {strides = array<i32>} : memref<6x32x128xf32, #tpu.memory_space<vmem>>, vector<16xf32>,
      %mul3A_954 = arith.mulf %get3A_893, %get3A_953 : vector<16xf32>
      %get3A_955 = arith.constant 0 : i32
      %get3A_956 = arith.constant 0 : i32
      %get3A_957 = arith.constant 0 : i32
      %get3A_958 = arith.constant 0 : i32
      %get3A_959 = tpu.memref_slice %arg10[%scan3A_545, %get3A_956, %get3A_957, %get3A_958] : memref<2x6x32x128xf32, #tpu.memory_space<vmem>> -> memref<1x6x32x128xf32, #tpu.memory_space<vmem>>
      %get3A_960 = tpu.memref_squeeze %get3A_959 : memref<1x6x32x128xf32, #tpu.memory_space<vmem>> -> memref<6x32x128xf32, #tpu.memory_space<vmem>>
      %get3A_961 = arith.index_cast %get3A_955 : i32 to index
      %get3A_962 = arith.index_cast %add3A_887 : i32 to index
      %get3A_963 = arith.constant 16 : index
      %get3A_964 = tpu.vector_load %get3A_960[%get3A_961, %get3A_962, %get3A_963] {strides = array<i32>} : memref<6x32x128xf32, #tpu.memory_space<vmem>>, vector<16xf32>,
      %mul3A_965 = arith.mulf %get3A_900, %get3A_964 : vector<16xf32>
      %add3A_966 = arith.addf %mul3A_954, %mul3A_965 : vector<16xf32>
      %get3A_967 = arith.constant 0 : i32
      %get3A_968 = arith.constant 0 : i32
      %get3A_969 = arith.constant 0 : i32
      %get3A_970 = arith.constant 0 : i32
      %get3A_971 = tpu.memref_slice %arg10[%scan3A_545, %get3A_968, %get3A_969, %get3A_970] : memref<2x6x32x128xf32, #tpu.memory_space<vmem>> -> memref<1x6x32x128xf32, #tpu.memory_space<vmem>>
      %get3A_972 = tpu.memref_squeeze %get3A_971 : memref<1x6x32x128xf32, #tpu.memory_space<vmem>> -> memref<6x32x128xf32, #tpu.memory_space<vmem>>
      %get3A_973 = arith.index_cast %get3A_967 : i32 to index
      %get3A_974 = arith.index_cast %add3A_887 : i32 to index
      %get3A_975 = arith.constant 32 : index
      %get3A_976 = tpu.vector_load %get3A_972[%get3A_973, %get3A_974, %get3A_975] {strides = array<i32>} : memref<6x32x128xf32, #tpu.memory_space<vmem>>, vector<16xf32>,
      %mul3A_977 = arith.mulf %get3A_907, %get3A_976 : vector<16xf32>
      %add3A_978 = arith.addf %add3A_966, %mul3A_977 : vector<16xf32>
      %get3A_979 = arith.constant 0 : i32
      %get3A_980 = arith.constant 0 : i32
      %get3A_981 = arith.constant 0 : i32
      %get3A_982 = arith.constant 0 : i32
      %get3A_983 = tpu.memref_slice %arg10[%scan3A_545, %get3A_980, %get3A_981, %get3A_982] : memref<2x6x32x128xf32, #tpu.memory_space<vmem>> -> memref<1x6x32x128xf32, #tpu.memory_space<vmem>>
      %get3A_984 = tpu.memref_squeeze %get3A_983 : memref<1x6x32x128xf32, #tpu.memory_space<vmem>> -> memref<6x32x128xf32, #tpu.memory_space<vmem>>
      %get3A_985 = arith.index_cast %get3A_979 : i32 to index
      %get3A_986 = arith.index_cast %add3A_887 : i32 to index
      %get3A_987 = arith.constant 48 : index
      %get3A_988 = tpu.vector_load %get3A_984[%get3A_985, %get3A_986, %get3A_987] {strides = array<i32>} : memref<6x32x128xf32, #tpu.memory_space<vmem>>, vector<16xf32>,
      %mul3A_989 = arith.mulf %get3A_914, %get3A_988 : vector<16xf32>
      %add3A_990 = arith.addf %add3A_978, %mul3A_989 : vector<16xf32>
      %get3A_991 = arith.constant 0 : i32
      %get3A_992 = arith.constant 0 : i32
      %get3A_993 = arith.constant 0 : i32
      %get3A_994 = arith.constant 0 : i32
      %get3A_995 = tpu.memref_slice %arg10[%scan3A_545, %get3A_992, %get3A_993, %get3A_994] : memref<2x6x32x128xf32, #tpu.memory_space<vmem>> -> memref<1x6x32x128xf32, #tpu.memory_space<vmem>>
      %get3A_996 = tpu.memref_squeeze %get3A_995 : memref<1x6x32x128xf32, #tpu.memory_space<vmem>> -> memref<6x32x128xf32, #tpu.memory_space<vmem>>
      %get3A_997 = arith.index_cast %get3A_991 : i32 to index
      %get3A_998 = arith.index_cast %add3A_887 : i32 to index
      %get3A_999 = arith.constant 64 : index
      %get3A_1000 = tpu.vector_load %get3A_996[%get3A_997, %get3A_998, %get3A_999] {strides = array<i32>} : memref<6x32x128xf32, #tpu.memory_space<vmem>>, vector<16xf32>,
      %mul3A_1001 = arith.mulf %get3A_921, %get3A_1000 : vector<16xf32>
      %add3A_1002 = arith.addf %add3A_990, %mul3A_1001 : vector<16xf32>
      %get3A_1003 = arith.constant 0 : i32
      %get3A_1004 = arith.constant 0 : i32
      %get3A_1005 = arith.constant 0 : i32
      %get3A_1006 = arith.constant 0 : i32
      %get3A_1007 = tpu.memref_slice %arg10[%scan3A_545, %get3A_1004, %get3A_1005, %get3A_1006] : memref<2x6x32x128xf32, #tpu.memory_space<vmem>> -> memref<1x6x32x128xf32, #tpu.memory_space<vmem>>
      %get3A_1008 = tpu.memref_squeeze %get3A_1007 : memref<1x6x32x128xf32, #tpu.memory_space<vmem>> -> memref<6x32x128xf32, #tpu.memory_space<vmem>>
      %get3A_1009 = arith.index_cast %get3A_1003 : i32 to index
      %get3A_1010 = arith.index_cast %add3A_887 : i32 to index
      %get3A_1011 = arith.constant 80 : index
      %get3A_1012 = tpu.vector_load %get3A_1008[%get3A_1009, %get3A_1010, %get3A_1011] {strides = array<i32>} : memref<6x32x128xf32, #tpu.memory_space<vmem>>, vector<16xf32>,
      %mul3A_1013 = arith.mulf %get3A_928, %get3A_1012 : vector<16xf32>
      %add3A_1014 = arith.addf %add3A_1002, %mul3A_1013 : vector<16xf32>
      %get3A_1015 = arith.constant 0 : i32
      %get3A_1016 = arith.constant 0 : i32
      %get3A_1017 = arith.constant 0 : i32
      %get3A_1018 = arith.constant 0 : i32
      %get3A_1019 = tpu.memref_slice %arg10[%scan3A_545, %get3A_1016, %get3A_1017, %get3A_1018] : memref<2x6x32x128xf32, #tpu.memory_space<vmem>> -> memref<1x6x32x128xf32, #tpu.memory_space<vmem>>
      %get3A_1020 = tpu.memref_squeeze %get3A_1019 : memref<1x6x32x128xf32, #tpu.memory_space<vmem>> -> memref<6x32x128xf32, #tpu.memory_space<vmem>>
      %get3A_1021 = arith.index_cast %get3A_1015 : i32 to index
      %get3A_1022 = arith.index_cast %add3A_887 : i32 to index
      %get3A_1023 = arith.constant 96 : index
      %get3A_1024 = tpu.vector_load %get3A_1020[%get3A_1021, %get3A_1022, %get3A_1023] {strides = array<i32>} : memref<6x32x128xf32, #tpu.memory_space<vmem>>, vector<16xf32>,
      %mul3A_1025 = arith.mulf %get3A_935, %get3A_1024 : vector<16xf32>
      %add3A_1026 = arith.addf %add3A_1014, %mul3A_1025 : vector<16xf32>
      %get3A_1027 = arith.constant 0 : i32
      %get3A_1028 = arith.constant 0 : i32
      %get3A_1029 = arith.constant 0 : i32
      %get3A_1030 = arith.constant 0 : i32
      %get3A_1031 = tpu.memref_slice %arg10[%scan3A_545, %get3A_1028, %get3A_1029, %get3A_1030] : memref<2x6x32x128xf32, #tpu.memory_space<vmem>> -> memref<1x6x32x128xf32, #tpu.memory_space<vmem>>
      %get3A_1032 = tpu.memref_squeeze %get3A_1031 : memref<1x6x32x128xf32, #tpu.memory_space<vmem>> -> memref<6x32x128xf32, #tpu.memory_space<vmem>>
      %get3A_1033 = arith.index_cast %get3A_1027 : i32 to index
      %get3A_1034 = arith.index_cast %add3A_887 : i32 to index
      %get3A_1035 = arith.constant 112 : index
      %get3A_1036 = tpu.vector_load %get3A_1032[%get3A_1033, %get3A_1034, %get3A_1035] {strides = array<i32>} : memref<6x32x128xf32, #tpu.memory_space<vmem>>, vector<16xf32>,
      %mul3A_1037 = arith.mulf %get3A_942, %get3A_1036 : vector<16xf32>
      %add3A_1038 = arith.addf %add3A_1026, %mul3A_1037 : vector<16xf32>
      %eq3A = arith.constant 0 : i32
      %eq3A_1039 = vector.broadcast %eq3A : i32 to vector<16xi32>
      %eq3A_1040 = arith.cmpi eq, %iota3A, %eq3A_1039 : vector<16xi32>
      %reduce_sum3A = arith.constant true
      %reduce_sum3A_1041 = vector.broadcast %reduce_sum3A : i1 to vector<16xi1>
      %reduce_sum3A_1042 = tpu.scan <sum>, %add3A_1038 masked %reduce_sum3A_1041 : vector<16xf32>, vector<16xi1> -> vector<16xf32>
      %reduce_sum3A_1043 = vector.extract %reduce_sum3A_1042[15] : f32 from vector<16xf32>
      %broadcast_in_dim3A_1044 = vector.broadcast %reduce_sum3A_1043 : f32 to vector<16xf32>
      %select_n3A = arith.select %eq3A_1040, %broadcast_in_dim3A_1044, %broadcast_in_dim3A_943 : vector<16xi1>, vector<16xf32>
      %get3A_1045 = arith.constant 1 : i32
      %get3A_1046 = arith.constant 0 : i32
      %get3A_1047 = arith.constant 0 : i32
      %get3A_1048 = arith.constant 0 : i32
      %get3A_1049 = tpu.memref_slice %arg10[%scan3A_545, %get3A_1046, %get3A_1047, %get3A_1048] : memref<2x6x32x128xf32, #tpu.memory_space<vmem>> -> memref<1x6x32x128xf32, #tpu.memory_space<vmem>>
      %get3A_1050 = tpu.memref_squeeze %get3A_1049 : memref<1x6x32x128xf32, #tpu.memory_space<vmem>> -> memref<6x32x128xf32, #tpu.memory_space<vmem>>
      %get3A_1051 = arith.index_cast %get3A_1045 : i32 to index
      %get3A_1052 = arith.index_cast %add3A_887 : i32 to index
      %get3A_1053 = arith.constant 0 : index
      %get3A_1054 = tpu.vector_load %get3A_1050[%get3A_1051, %get3A_1052, %get3A_1053] {strides = array<i32>} : memref<6x32x128xf32, #tpu.memory_space<vmem>>, vector<16xf32>,
      %mul3A_1055 = arith.mulf %get3A_893, %get3A_1054 : vector<16xf32>
      %get3A_1056 = arith.constant 1 : i32
      %get3A_1057 = arith.constant 0 : i32
      %get3A_1058 = arith.constant 0 : i32
      %get3A_1059 = arith.constant 0 : i32
      %get3A_1060 = tpu.memref_slice %arg10[%scan3A_545, %get3A_1057, %get3A_1058, %get3A_1059] : memref<2x6x32x128xf32, #tpu.memory_space<vmem>> -> memref<1x6x32x128xf32, #tpu.memory_space<vmem>>
      %get3A_1061 = tpu.memref_squeeze %get3A_1060 : memref<1x6x32x128xf32, #tpu.memory_space<vmem>> -> memref<6x32x128xf32, #tpu.memory_space<vmem>>
      %get3A_1062 = arith.index_cast %get3A_1056 : i32 to index
      %get3A_1063 = arith.index_cast %add3A_887 : i32 to index
      %get3A_1064 = arith.constant 16 : index
      %get3A_1065 = tpu.vector_load %get3A_1061[%get3A_1062, %get3A_1063, %get3A_1064] {strides = array<i32>} : memref<6x32x128xf32, #tpu.memory_space<vmem>>, vector<16xf32>,
      %mul3A_1066 = arith.mulf %get3A_900, %get3A_1065 : vector<16xf32>
      %add3A_1067 = arith.addf %mul3A_1055, %mul3A_1066 : vector<16xf32>
      %get3A_1068 = arith.constant 1 : i32
      %get3A_1069 = arith.constant 0 : i32
      %get3A_1070 = arith.constant 0 : i32
      %get3A_1071 = arith.constant 0 : i32
      %get3A_1072 = tpu.memref_slice %arg10[%scan3A_545, %get3A_1069, %get3A_1070, %get3A_1071] : memref<2x6x32x128xf32, #tpu.memory_space<vmem>> -> memref<1x6x32x128xf32, #tpu.memory_space<vmem>>
      %get3A_1073 = tpu.memref_squeeze %get3A_1072 : memref<1x6x32x128xf32, #tpu.memory_space<vmem>> -> memref<6x32x128xf32, #tpu.memory_space<vmem>>
      %get3A_1074 = arith.index_cast %get3A_1068 : i32 to index
      %get3A_1075 = arith.index_cast %add3A_887 : i32 to index
      %get3A_1076 = arith.constant 32 : index
      %get3A_1077 = tpu.vector_load %get3A_1073[%get3A_1074, %get3A_1075, %get3A_1076] {strides = array<i32>} : memref<6x32x128xf32, #tpu.memory_space<vmem>>, vector<16xf32>,
      %mul3A_1078 = arith.mulf %get3A_907, %get3A_1077 : vector<16xf32>
      %add3A_1079 = arith.addf %add3A_1067, %mul3A_1078 : vector<16xf32>
      %get3A_1080 = arith.constant 1 : i32
      %get3A_1081 = arith.constant 0 : i32
      %get3A_1082 = arith.constant 0 : i32
      %get3A_1083 = arith.constant 0 : i32
      %get3A_1084 = tpu.memref_slice %arg10[%scan3A_545, %get3A_1081, %get3A_1082, %get3A_1083] : memref<2x6x32x128xf32, #tpu.memory_space<vmem>> -> memref<1x6x32x128xf32, #tpu.memory_space<vmem>>
      %get3A_1085 = tpu.memref_squeeze %get3A_1084 : memref<1x6x32x128xf32, #tpu.memory_space<vmem>> -> memref<6x32x128xf32, #tpu.memory_space<vmem>>
      %get3A_1086 = arith.index_cast %get3A_1080 : i32 to index
      %get3A_1087 = arith.index_cast %add3A_887 : i32 to index
      %get3A_1088 = arith.constant 48 : index
      %get3A_1089 = tpu.vector_load %get3A_1085[%get3A_1086, %get3A_1087, %get3A_1088] {strides = array<i32>} : memref<6x32x128xf32, #tpu.memory_space<vmem>>, vector<16xf32>,
      %mul3A_1090 = arith.mulf %get3A_914, %get3A_1089 : vector<16xf32>
      %add3A_1091 = arith.addf %add3A_1079, %mul3A_1090 : vector<16xf32>
      %get3A_1092 = arith.constant 1 : i32
      %get3A_1093 = arith.constant 0 : i32
      %get3A_1094 = arith.constant 0 : i32
      %get3A_1095 = arith.constant 0 : i32
      %get3A_1096 = tpu.memref_slice %arg10[%scan3A_545, %get3A_1093, %get3A_1094, %get3A_1095] : memref<2x6x32x128xf32, #tpu.memory_space<vmem>> -> memref<1x6x32x128xf32, #tpu.memory_space<vmem>>
      %get3A_1097 = tpu.memref_squeeze %get3A_1096 : memref<1x6x32x128xf32, #tpu.memory_space<vmem>> -> memref<6x32x128xf32, #tpu.memory_space<vmem>>
      %get3A_1098 = arith.index_cast %get3A_1092 : i32 to index
      %get3A_1099 = arith.index_cast %add3A_887 : i32 to index
      %get3A_1100 = arith.constant 64 : index
      %get3A_1101 = tpu.vector_load %get3A_1097[%get3A_1098, %get3A_1099, %get3A_1100] {strides = array<i32>} : memref<6x32x128xf32, #tpu.memory_space<vmem>>, vector<16xf32>,
      %mul3A_1102 = arith.mulf %get3A_921, %get3A_1101 : vector<16xf32>
      %add3A_1103 = arith.addf %add3A_1091, %mul3A_1102 : vector<16xf32>
      %get3A_1104 = arith.constant 1 : i32
      %get3A_1105 = arith.constant 0 : i32
      %get3A_1106 = arith.constant 0 : i32
      %get3A_1107 = arith.constant 0 : i32
      %get3A_1108 = tpu.memref_slice %arg10[%scan3A_545, %get3A_1105, %get3A_1106, %get3A_1107] : memref<2x6x32x128xf32, #tpu.memory_space<vmem>> -> memref<1x6x32x128xf32, #tpu.memory_space<vmem>>
      %get3A_1109 = tpu.memref_squeeze %get3A_1108 : memref<1x6x32x128xf32, #tpu.memory_space<vmem>> -> memref<6x32x128xf32, #tpu.memory_space<vmem>>
      %get3A_1110 = arith.index_cast %get3A_1104 : i32 to index
      %get3A_1111 = arith.index_cast %add3A_887 : i32 to index
      %get3A_1112 = arith.constant 80 : index
      %get3A_1113 = tpu.vector_load %get3A_1109[%get3A_1110, %get3A_1111, %get3A_1112] {strides = array<i32>} : memref<6x32x128xf32, #tpu.memory_space<vmem>>, vector<16xf32>,
      %mul3A_1114 = arith.mulf %get3A_928, %get3A_1113 : vector<16xf32>
      %add3A_1115 = arith.addf %add3A_1103, %mul3A_1114 : vector<16xf32>
      %get3A_1116 = arith.constant 1 : i32
      %get3A_1117 = arith.constant 0 : i32
      %get3A_1118 = arith.constant 0 : i32
      %get3A_1119 = arith.constant 0 : i32
      %get3A_1120 = tpu.memref_slice %arg10[%scan3A_545, %get3A_1117, %get3A_1118, %get3A_1119] : memref<2x6x32x128xf32, #tpu.memory_space<vmem>> -> memref<1x6x32x128xf32, #tpu.memory_space<vmem>>
      %get3A_1121 = tpu.memref_squeeze %get3A_1120 : memref<1x6x32x128xf32, #tpu.memory_space<vmem>> -> memref<6x32x128xf32, #tpu.memory_space<vmem>>
      %get3A_1122 = arith.index_cast %get3A_1116 : i32 to index
      %get3A_1123 = arith.index_cast %add3A_887 : i32 to index
      %get3A_1124 = arith.constant 96 : index
      %get3A_1125 = tpu.vector_load %get3A_1121[%get3A_1122, %get3A_1123, %get3A_1124] {strides = array<i32>} : memref<6x32x128xf32, #tpu.memory_space<vmem>>, vector<16xf32>,
      %mul3A_1126 = arith.mulf %get3A_935, %get3A_1125 : vector<16xf32>
      %add3A_1127 = arith.addf %add3A_1115, %mul3A_1126 : vector<16xf32>
      %get3A_1128 = arith.constant 1 : i32
      %get3A_1129 = arith.constant 0 : i32
      %get3A_1130 = arith.constant 0 : i32
      %get3A_1131 = arith.constant 0 : i32
      %get3A_1132 = tpu.memref_slice %arg10[%scan3A_545, %get3A_1129, %get3A_1130, %get3A_1131] : memref<2x6x32x128xf32, #tpu.memory_space<vmem>> -> memref<1x6x32x128xf32, #tpu.memory_space<vmem>>
      %get3A_1133 = tpu.memref_squeeze %get3A_1132 : memref<1x6x32x128xf32, #tpu.memory_space<vmem>> -> memref<6x32x128xf32, #tpu.memory_space<vmem>>
      %get3A_1134 = arith.index_cast %get3A_1128 : i32 to index
      %get3A_1135 = arith.index_cast %add3A_887 : i32 to index
      %get3A_1136 = arith.constant 112 : index
      %get3A_1137 = tpu.vector_load %get3A_1133[%get3A_1134, %get3A_1135, %get3A_1136] {strides = array<i32>} : memref<6x32x128xf32, #tpu.memory_space<vmem>>, vector<16xf32>,
      %mul3A_1138 = arith.mulf %get3A_942, %get3A_1137 : vector<16xf32>
      %add3A_1139 = arith.addf %add3A_1127, %mul3A_1138 : vector<16xf32>
      %eq3A_1140 = arith.constant 1 : i32
      %eq3A_1141 = vector.broadcast %eq3A_1140 : i32 to vector<16xi32>
      %eq3A_1142 = arith.cmpi eq, %iota3A, %eq3A_1141 : vector<16xi32>
      %reduce_sum3A_1143 = arith.constant true
      %reduce_sum3A_1144 = vector.broadcast %reduce_sum3A_1143 : i1 to vector<16xi1>
      %reduce_sum3A_1145 = tpu.scan <sum>, %add3A_1139 masked %reduce_sum3A_1144 : vector<16xf32>, vector<16xi1> -> vector<16xf32>
      %reduce_sum3A_1146 = vector.extract %reduce_sum3A_1145[15] : f32 from vector<16xf32>
      %broadcast_in_dim3A_1147 = vector.broadcast %reduce_sum3A_1146 : f32 to vector<16xf32>
      %select_n3A_1148 = arith.select %eq3A_1142, %broadcast_in_dim3A_1147, %select_n3A : vector<16xi1>, vector<16xf32>
      %get3A_1149 = arith.constant 2 : i32
      %get3A_1150 = arith.constant 0 : i32
      %get3A_1151 = arith.constant 0 : i32
      %get3A_1152 = arith.constant 0 : i32
      %get3A_1153 = tpu.memref_slice %arg10[%scan3A_545, %get3A_1150, %get3A_1151, %get3A_1152] : memref<2x6x32x128xf32, #tpu.memory_space<vmem>> -> memref<1x6x32x128xf32, #tpu.memory_space<vmem>>
      %get3A_1154 = tpu.memref_squeeze %get3A_1153 : memref<1x6x32x128xf32, #tpu.memory_space<vmem>> -> memref<6x32x128xf32, #tpu.memory_space<vmem>>
      %get3A_1155 = arith.index_cast %get3A_1149 : i32 to index
      %get3A_1156 = arith.index_cast %add3A_887 : i32 to index
      %get3A_1157 = arith.constant 0 : index
      %get3A_1158 = tpu.vector_load %get3A_1154[%get3A_1155, %get3A_1156, %get3A_1157] {strides = array<i32>} : memref<6x32x128xf32, #tpu.memory_space<vmem>>, vector<16xf32>,
      %mul3A_1159 = arith.mulf %get3A_893, %get3A_1158 : vector<16xf32>
      %get3A_1160 = arith.constant 2 : i32
      %get3A_1161 = arith.constant 0 : i32
      %get3A_1162 = arith.constant 0 : i32
      %get3A_1163 = arith.constant 0 : i32
      %get3A_1164 = tpu.memref_slice %arg10[%scan3A_545, %get3A_1161, %get3A_1162, %get3A_1163] : memref<2x6x32x128xf32, #tpu.memory_space<vmem>> -> memref<1x6x32x128xf32, #tpu.memory_space<vmem>>
      %get3A_1165 = tpu.memref_squeeze %get3A_1164 : memref<1x6x32x128xf32, #tpu.memory_space<vmem>> -> memref<6x32x128xf32, #tpu.memory_space<vmem>>
      %get3A_1166 = arith.index_cast %get3A_1160 : i32 to index
      %get3A_1167 = arith.index_cast %add3A_887 : i32 to index
      %get3A_1168 = arith.constant 16 : index
      %get3A_1169 = tpu.vector_load %get3A_1165[%get3A_1166, %get3A_1167, %get3A_1168] {strides = array<i32>} : memref<6x32x128xf32, #tpu.memory_space<vmem>>, vector<16xf32>,
      %mul3A_1170 = arith.mulf %get3A_900, %get3A_1169 : vector<16xf32>
      %add3A_1171 = arith.addf %mul3A_1159, %mul3A_1170 : vector<16xf32>
      %get3A_1172 = arith.constant 2 : i32
      %get3A_1173 = arith.constant 0 : i32
      %get3A_1174 = arith.constant 0 : i32
      %get3A_1175 = arith.constant 0 : i32
      %get3A_1176 = tpu.memref_slice %arg10[%scan3A_545, %get3A_1173, %get3A_1174, %get3A_1175] : memref<2x6x32x128xf32, #tpu.memory_space<vmem>> -> memref<1x6x32x128xf32, #tpu.memory_space<vmem>>
      %get3A_1177 = tpu.memref_squeeze %get3A_1176 : memref<1x6x32x128xf32, #tpu.memory_space<vmem>> -> memref<6x32x128xf32, #tpu.memory_space<vmem>>
      %get3A_1178 = arith.index_cast %get3A_1172 : i32 to index
      %get3A_1179 = arith.index_cast %add3A_887 : i32 to index
      %get3A_1180 = arith.constant 32 : index
      %get3A_1181 = tpu.vector_load %get3A_1177[%get3A_1178, %get3A_1179, %get3A_1180] {strides = array<i32>} : memref<6x32x128xf32, #tpu.memory_space<vmem>>, vector<16xf32>,
      %mul3A_1182 = arith.mulf %get3A_907, %get3A_1181 : vector<16xf32>
      %add3A_1183 = arith.addf %add3A_1171, %mul3A_1182 : vector<16xf32>
      %get3A_1184 = arith.constant 2 : i32
      %get3A_1185 = arith.constant 0 : i32
      %get3A_1186 = arith.constant 0 : i32
      %get3A_1187 = arith.constant 0 : i32
      %get3A_1188 = tpu.memref_slice %arg10[%scan3A_545, %get3A_1185, %get3A_1186, %get3A_1187] : memref<2x6x32x128xf32, #tpu.memory_space<vmem>> -> memref<1x6x32x128xf32, #tpu.memory_space<vmem>>
      %get3A_1189 = tpu.memref_squeeze %get3A_1188 : memref<1x6x32x128xf32, #tpu.memory_space<vmem>> -> memref<6x32x128xf32, #tpu.memory_space<vmem>>
      %get3A_1190 = arith.index_cast %get3A_1184 : i32 to index
      %get3A_1191 = arith.index_cast %add3A_887 : i32 to index
      %get3A_1192 = arith.constant 48 : index
      %get3A_1193 = tpu.vector_load %get3A_1189[%get3A_1190, %get3A_1191, %get3A_1192] {strides = array<i32>} : memref<6x32x128xf32, #tpu.memory_space<vmem>>, vector<16xf32>,
      %mul3A_1194 = arith.mulf %get3A_914, %get3A_1193 : vector<16xf32>
      %add3A_1195 = arith.addf %add3A_1183, %mul3A_1194 : vector<16xf32>
      %get3A_1196 = arith.constant 2 : i32
      %get3A_1197 = arith.constant 0 : i32
      %get3A_1198 = arith.constant 0 : i32
      %get3A_1199 = arith.constant 0 : i32
      %get3A_1200 = tpu.memref_slice %arg10[%scan3A_545, %get3A_1197, %get3A_1198, %get3A_1199] : memref<2x6x32x128xf32, #tpu.memory_space<vmem>> -> memref<1x6x32x128xf32, #tpu.memory_space<vmem>>
      %get3A_1201 = tpu.memref_squeeze %get3A_1200 : memref<1x6x32x128xf32, #tpu.memory_space<vmem>> -> memref<6x32x128xf32, #tpu.memory_space<vmem>>
      %get3A_1202 = arith.index_cast %get3A_1196 : i32 to index
      %get3A_1203 = arith.index_cast %add3A_887 : i32 to index
      %get3A_1204 = arith.constant 64 : index
      %get3A_1205 = tpu.vector_load %get3A_1201[%get3A_1202, %get3A_1203, %get3A_1204] {strides = array<i32>} : memref<6x32x128xf32, #tpu.memory_space<vmem>>, vector<16xf32>,
      %mul3A_1206 = arith.mulf %get3A_921, %get3A_1205 : vector<16xf32>
      %add3A_1207 = arith.addf %add3A_1195, %mul3A_1206 : vector<16xf32>
      %get3A_1208 = arith.constant 2 : i32
      %get3A_1209 = arith.constant 0 : i32
      %get3A_1210 = arith.constant 0 : i32
      %get3A_1211 = arith.constant 0 : i32
      %get3A_1212 = tpu.memref_slice %arg10[%scan3A_545, %get3A_1209, %get3A_1210, %get3A_1211] : memref<2x6x32x128xf32, #tpu.memory_space<vmem>> -> memref<1x6x32x128xf32, #tpu.memory_space<vmem>>
      %get3A_1213 = tpu.memref_squeeze %get3A_1212 : memref<1x6x32x128xf32, #tpu.memory_space<vmem>> -> memref<6x32x128xf32, #tpu.memory_space<vmem>>
      %get3A_1214 = arith.index_cast %get3A_1208 : i32 to index
      %get3A_1215 = arith.index_cast %add3A_887 : i32 to index
      %get3A_1216 = arith.constant 80 : index
      %get3A_1217 = tpu.vector_load %get3A_1213[%get3A_1214, %get3A_1215, %get3A_1216] {strides = array<i32>} : memref<6x32x128xf32, #tpu.memory_space<vmem>>, vector<16xf32>,
      %mul3A_1218 = arith.mulf %get3A_928, %get3A_1217 : vector<16xf32>
      %add3A_1219 = arith.addf %add3A_1207, %mul3A_1218 : vector<16xf32>
      %get3A_1220 = arith.constant 2 : i32
      %get3A_1221 = arith.constant 0 : i32
      %get3A_1222 = arith.constant 0 : i32
      %get3A_1223 = arith.constant 0 : i32
      %get3A_1224 = tpu.memref_slice %arg10[%scan3A_545, %get3A_1221, %get3A_1222, %get3A_1223] : memref<2x6x32x128xf32, #tpu.memory_space<vmem>> -> memref<1x6x32x128xf32, #tpu.memory_space<vmem>>
      %get3A_1225 = tpu.memref_squeeze %get3A_1224 : memref<1x6x32x128xf32, #tpu.memory_space<vmem>> -> memref<6x32x128xf32, #tpu.memory_space<vmem>>
      %get3A_1226 = arith.index_cast %get3A_1220 : i32 to index
      %get3A_1227 = arith.index_cast %add3A_887 : i32 to index
      %get3A_1228 = arith.constant 96 : index
      %get3A_1229 = tpu.vector_load %get3A_1225[%get3A_1226, %get3A_1227, %get3A_1228] {strides = array<i32>} : memref<6x32x128xf32, #tpu.memory_space<vmem>>, vector<16xf32>,
      %mul3A_1230 = arith.mulf %get3A_935, %get3A_1229 : vector<16xf32>
      %add3A_1231 = arith.addf %add3A_1219, %mul3A_1230 : vector<16xf32>
      %get3A_1232 = arith.constant 2 : i32
      %get3A_1233 = arith.constant 0 : i32
      %get3A_1234 = arith.constant 0 : i32
      %get3A_1235 = arith.constant 0 : i32
      %get3A_1236 = tpu.memref_slice %arg10[%scan3A_545, %get3A_1233, %get3A_1234, %get3A_1235] : memref<2x6x32x128xf32, #tpu.memory_space<vmem>> -> memref<1x6x32x128xf32, #tpu.memory_space<vmem>>
      %get3A_1237 = tpu.memref_squeeze %get3A_1236 : memref<1x6x32x128xf32, #tpu.memory_space<vmem>> -> memref<6x32x128xf32, #tpu.memory_space<vmem>>
      %get3A_1238 = arith.index_cast %get3A_1232 : i32 to index
      %get3A_1239 = arith.index_cast %add3A_887 : i32 to index
      %get3A_1240 = arith.constant 112 : index
      %get3A_1241 = tpu.vector_load %get3A_1237[%get3A_1238, %get3A_1239, %get3A_1240] {strides = array<i32>} : memref<6x32x128xf32, #tpu.memory_space<vmem>>, vector<16xf32>,
      %mul3A_1242 = arith.mulf %get3A_942, %get3A_1241 : vector<16xf32>
      %add3A_1243 = arith.addf %add3A_1231, %mul3A_1242 : vector<16xf32>
      %eq3A_1244 = arith.constant 2 : i32
      %eq3A_1245 = vector.broadcast %eq3A_1244 : i32 to vector<16xi32>
      %eq3A_1246 = arith.cmpi eq, %iota3A, %eq3A_1245 : vector<16xi32>
      %reduce_sum3A_1247 = arith.constant true
      %reduce_sum3A_1248 = vector.broadcast %reduce_sum3A_1247 : i1 to vector<16xi1>
      %reduce_sum3A_1249 = tpu.scan <sum>, %add3A_1243 masked %reduce_sum3A_1248 : vector<16xf32>, vector<16xi1> -> vector<16xf32>
      %reduce_sum3A_1250 = vector.extract %reduce_sum3A_1249[15] : f32 from vector<16xf32>
      %broadcast_in_dim3A_1251 = vector.broadcast %reduce_sum3A_1250 : f32 to vector<16xf32>
      %select_n3A_1252 = arith.select %eq3A_1246, %broadcast_in_dim3A_1251, %select_n3A_1148 : vector<16xi1>, vector<16xf32>
      %get3A_1253 = arith.constant 3 : i32
      %get3A_1254 = arith.constant 0 : i32
      %get3A_1255 = arith.constant 0 : i32
      %get3A_1256 = arith.constant 0 : i32
      %get3A_1257 = tpu.memref_slice %arg10[%scan3A_545, %get3A_1254, %get3A_1255, %get3A_1256] : memref<2x6x32x128xf32, #tpu.memory_space<vmem>> -> memref<1x6x32x128xf32, #tpu.memory_space<vmem>>
      %get3A_1258 = tpu.memref_squeeze %get3A_1257 : memref<1x6x32x128xf32, #tpu.memory_space<vmem>> -> memref<6x32x128xf32, #tpu.memory_space<vmem>>
      %get3A_1259 = arith.index_cast %get3A_1253 : i32 to index
      %get3A_1260 = arith.index_cast %add3A_887 : i32 to index
      %get3A_1261 = arith.constant 0 : index
      %get3A_1262 = tpu.vector_load %get3A_1258[%get3A_1259, %get3A_1260, %get3A_1261] {strides = array<i32>} : memref<6x32x128xf32, #tpu.memory_space<vmem>>, vector<16xf32>,
      %mul3A_1263 = arith.mulf %get3A_893, %get3A_1262 : vector<16xf32>
      %get3A_1264 = arith.constant 3 : i32
      %get3A_1265 = arith.constant 0 : i32
      %get3A_1266 = arith.constant 0 : i32
      %get3A_1267 = arith.constant 0 : i32
      %get3A_1268 = tpu.memref_slice %arg10[%scan3A_545, %get3A_1265, %get3A_1266, %get3A_1267] : memref<2x6x32x128xf32, #tpu.memory_space<vmem>> -> memref<1x6x32x128xf32, #tpu.memory_space<vmem>>
      %get3A_1269 = tpu.memref_squeeze %get3A_1268 : memref<1x6x32x128xf32, #tpu.memory_space<vmem>> -> memref<6x32x128xf32, #tpu.memory_space<vmem>>
      %get3A_1270 = arith.index_cast %get3A_1264 : i32 to index
      %get3A_1271 = arith.index_cast %add3A_887 : i32 to index
      %get3A_1272 = arith.constant 16 : index
      %get3A_1273 = tpu.vector_load %get3A_1269[%get3A_1270, %get3A_1271, %get3A_1272] {strides = array<i32>} : memref<6x32x128xf32, #tpu.memory_space<vmem>>, vector<16xf32>,
      %mul3A_1274 = arith.mulf %get3A_900, %get3A_1273 : vector<16xf32>
      %add3A_1275 = arith.addf %mul3A_1263, %mul3A_1274 : vector<16xf32>
      %get3A_1276 = arith.constant 3 : i32
      %get3A_1277 = arith.constant 0 : i32
      %get3A_1278 = arith.constant 0 : i32
      %get3A_1279 = arith.constant 0 : i32
      %get3A_1280 = tpu.memref_slice %arg10[%scan3A_545, %get3A_1277, %get3A_1278, %get3A_1279] : memref<2x6x32x128xf32, #tpu.memory_space<vmem>> -> memref<1x6x32x128xf32, #tpu.memory_space<vmem>>
      %get3A_1281 = tpu.memref_squeeze %get3A_1280 : memref<1x6x32x128xf32, #tpu.memory_space<vmem>> -> memref<6x32x128xf32, #tpu.memory_space<vmem>>
      %get3A_1282 = arith.index_cast %get3A_1276 : i32 to index
      %get3A_1283 = arith.index_cast %add3A_887 : i32 to index
      %get3A_1284 = arith.constant 32 : index
      %get3A_1285 = tpu.vector_load %get3A_1281[%get3A_1282, %get3A_1283, %get3A_1284] {strides = array<i32>} : memref<6x32x128xf32, #tpu.memory_space<vmem>>, vector<16xf32>,
      %mul3A_1286 = arith.mulf %get3A_907, %get3A_1285 : vector<16xf32>
      %add3A_1287 = arith.addf %add3A_1275, %mul3A_1286 : vector<16xf32>
      %get3A_1288 = arith.constant 3 : i32
      %get3A_1289 = arith.constant 0 : i32
      %get3A_1290 = arith.constant 0 : i32
      %get3A_1291 = arith.constant 0 : i32
      %get3A_1292 = tpu.memref_slice %arg10[%scan3A_545, %get3A_1289, %get3A_1290, %get3A_1291] : memref<2x6x32x128xf32, #tpu.memory_space<vmem>> -> memref<1x6x32x128xf32, #tpu.memory_space<vmem>>
      %get3A_1293 = tpu.memref_squeeze %get3A_1292 : memref<1x6x32x128xf32, #tpu.memory_space<vmem>> -> memref<6x32x128xf32, #tpu.memory_space<vmem>>
      %get3A_1294 = arith.index_cast %get3A_1288 : i32 to index
      %get3A_1295 = arith.index_cast %add3A_887 : i32 to index
      %get3A_1296 = arith.constant 48 : index
      %get3A_1297 = tpu.vector_load %get3A_1293[%get3A_1294, %get3A_1295, %get3A_1296] {strides = array<i32>} : memref<6x32x128xf32, #tpu.memory_space<vmem>>, vector<16xf32>,
      %mul3A_1298 = arith.mulf %get3A_914, %get3A_1297 : vector<16xf32>
      %add3A_1299 = arith.addf %add3A_1287, %mul3A_1298 : vector<16xf32>
      %get3A_1300 = arith.constant 3 : i32
      %get3A_1301 = arith.constant 0 : i32
      %get3A_1302 = arith.constant 0 : i32
      %get3A_1303 = arith.constant 0 : i32
      %get3A_1304 = tpu.memref_slice %arg10[%scan3A_545, %get3A_1301, %get3A_1302, %get3A_1303] : memref<2x6x32x128xf32, #tpu.memory_space<vmem>> -> memref<1x6x32x128xf32, #tpu.memory_space<vmem>>
      %get3A_1305 = tpu.memref_squeeze %get3A_1304 : memref<1x6x32x128xf32, #tpu.memory_space<vmem>> -> memref<6x32x128xf32, #tpu.memory_space<vmem>>
      %get3A_1306 = arith.index_cast %get3A_1300 : i32 to index
      %get3A_1307 = arith.index_cast %add3A_887 : i32 to index
      %get3A_1308 = arith.constant 64 : index
      %get3A_1309 = tpu.vector_load %get3A_1305[%get3A_1306, %get3A_1307, %get3A_1308] {strides = array<i32>} : memref<6x32x128xf32, #tpu.memory_space<vmem>>, vector<16xf32>,
      %mul3A_1310 = arith.mulf %get3A_921, %get3A_1309 : vector<16xf32>
      %add3A_1311 = arith.addf %add3A_1299, %mul3A_1310 : vector<16xf32>
      %get3A_1312 = arith.constant 3 : i32
      %get3A_1313 = arith.constant 0 : i32
      %get3A_1314 = arith.constant 0 : i32
      %get3A_1315 = arith.constant 0 : i32
      %get3A_1316 = tpu.memref_slice %arg10[%scan3A_545, %get3A_1313, %get3A_1314, %get3A_1315] : memref<2x6x32x128xf32, #tpu.memory_space<vmem>> -> memref<1x6x32x128xf32, #tpu.memory_space<vmem>>
      %get3A_1317 = tpu.memref_squeeze %get3A_1316 : memref<1x6x32x128xf32, #tpu.memory_space<vmem>> -> memref<6x32x128xf32, #tpu.memory_space<vmem>>
      %get3A_1318 = arith.index_cast %get3A_1312 : i32 to index
      %get3A_1319 = arith.index_cast %add3A_887 : i32 to index
      %get3A_1320 = arith.constant 80 : index
      %get3A_1321 = tpu.vector_load %get3A_1317[%get3A_1318, %get3A_1319, %get3A_1320] {strides = array<i32>} : memref<6x32x128xf32, #tpu.memory_space<vmem>>, vector<16xf32>,
      %mul3A_1322 = arith.mulf %get3A_928, %get3A_1321 : vector<16xf32>
      %add3A_1323 = arith.addf %add3A_1311, %mul3A_1322 : vector<16xf32>
      %get3A_1324 = arith.constant 3 : i32
      %get3A_1325 = arith.constant 0 : i32
      %get3A_1326 = arith.constant 0 : i32
      %get3A_1327 = arith.constant 0 : i32
      %get3A_1328 = tpu.memref_slice %arg10[%scan3A_545, %get3A_1325, %get3A_1326, %get3A_1327] : memref<2x6x32x128xf32, #tpu.memory_space<vmem>> -> memref<1x6x32x128xf32, #tpu.memory_space<vmem>>
      %get3A_1329 = tpu.memref_squeeze %get3A_1328 : memref<1x6x32x128xf32, #tpu.memory_space<vmem>> -> memref<6x32x128xf32, #tpu.memory_space<vmem>>
      %get3A_1330 = arith.index_cast %get3A_1324 : i32 to index
      %get3A_1331 = arith.index_cast %add3A_887 : i32 to index
      %get3A_1332 = arith.constant 96 : index
      %get3A_1333 = tpu.vector_load %get3A_1329[%get3A_1330, %get3A_1331, %get3A_1332] {strides = array<i32>} : memref<6x32x128xf32, #tpu.memory_space<vmem>>, vector<16xf32>,
      %mul3A_1334 = arith.mulf %get3A_935, %get3A_1333 : vector<16xf32>
      %add3A_1335 = arith.addf %add3A_1323, %mul3A_1334 : vector<16xf32>
      %get3A_1336 = arith.constant 3 : i32
      %get3A_1337 = arith.constant 0 : i32
      %get3A_1338 = arith.constant 0 : i32
      %get3A_1339 = arith.constant 0 : i32
      %get3A_1340 = tpu.memref_slice %arg10[%scan3A_545, %get3A_1337, %get3A_1338, %get3A_1339] : memref<2x6x32x128xf32, #tpu.memory_space<vmem>> -> memref<1x6x32x128xf32, #tpu.memory_space<vmem>>
      %get3A_1341 = tpu.memref_squeeze %get3A_1340 : memref<1x6x32x128xf32, #tpu.memory_space<vmem>> -> memref<6x32x128xf32, #tpu.memory_space<vmem>>
      %get3A_1342 = arith.index_cast %get3A_1336 : i32 to index
      %get3A_1343 = arith.index_cast %add3A_887 : i32 to index
      %get3A_1344 = arith.constant 112 : index
      %get3A_1345 = tpu.vector_load %get3A_1341[%get3A_1342, %get3A_1343, %get3A_1344] {strides = array<i32>} : memref<6x32x128xf32, #tpu.memory_space<vmem>>, vector<16xf32>,
      %mul3A_1346 = arith.mulf %get3A_942, %get3A_1345 : vector<16xf32>
      %add3A_1347 = arith.addf %add3A_1335, %mul3A_1346 : vector<16xf32>
      %eq3A_1348 = arith.constant 3 : i32
      %eq3A_1349 = vector.broadcast %eq3A_1348 : i32 to vector<16xi32>
      %eq3A_1350 = arith.cmpi eq, %iota3A, %eq3A_1349 : vector<16xi32>
      %reduce_sum3A_1351 = arith.constant true
      %reduce_sum3A_1352 = vector.broadcast %reduce_sum3A_1351 : i1 to vector<16xi1>
      %reduce_sum3A_1353 = tpu.scan <sum>, %add3A_1347 masked %reduce_sum3A_1352 : vector<16xf32>, vector<16xi1> -> vector<16xf32>
      %reduce_sum3A_1354 = vector.extract %reduce_sum3A_1353[15] : f32 from vector<16xf32>
      %broadcast_in_dim3A_1355 = vector.broadcast %reduce_sum3A_1354 : f32 to vector<16xf32>
      %select_n3A_1356 = arith.select %eq3A_1350, %broadcast_in_dim3A_1355, %select_n3A_1252 : vector<16xi1>, vector<16xf32>
      %get3A_1357 = arith.constant 4 : i32
      %get3A_1358 = arith.constant 0 : i32
      %get3A_1359 = arith.constant 0 : i32
      %get3A_1360 = arith.constant 0 : i32
      %get3A_1361 = tpu.memref_slice %arg10[%scan3A_545, %get3A_1358, %get3A_1359, %get3A_1360] : memref<2x6x32x128xf32, #tpu.memory_space<vmem>> -> memref<1x6x32x128xf32, #tpu.memory_space<vmem>>
      %get3A_1362 = tpu.memref_squeeze %get3A_1361 : memref<1x6x32x128xf32, #tpu.memory_space<vmem>> -> memref<6x32x128xf32, #tpu.memory_space<vmem>>
      %get3A_1363 = arith.index_cast %get3A_1357 : i32 to index
      %get3A_1364 = arith.index_cast %add3A_887 : i32 to index
      %get3A_1365 = arith.constant 0 : index
      %get3A_1366 = tpu.vector_load %get3A_1362[%get3A_1363, %get3A_1364, %get3A_1365] {strides = array<i32>} : memref<6x32x128xf32, #tpu.memory_space<vmem>>, vector<16xf32>,
      %mul3A_1367 = arith.mulf %get3A_893, %get3A_1366 : vector<16xf32>
      %get3A_1368 = arith.constant 4 : i32
      %get3A_1369 = arith.constant 0 : i32
      %get3A_1370 = arith.constant 0 : i32
      %get3A_1371 = arith.constant 0 : i32
      %get3A_1372 = tpu.memref_slice %arg10[%scan3A_545, %get3A_1369, %get3A_1370, %get3A_1371] : memref<2x6x32x128xf32, #tpu.memory_space<vmem>> -> memref<1x6x32x128xf32, #tpu.memory_space<vmem>>
      %get3A_1373 = tpu.memref_squeeze %get3A_1372 : memref<1x6x32x128xf32, #tpu.memory_space<vmem>> -> memref<6x32x128xf32, #tpu.memory_space<vmem>>
      %get3A_1374 = arith.index_cast %get3A_1368 : i32 to index
      %get3A_1375 = arith.index_cast %add3A_887 : i32 to index
      %get3A_1376 = arith.constant 16 : index
      %get3A_1377 = tpu.vector_load %get3A_1373[%get3A_1374, %get3A_1375, %get3A_1376] {strides = array<i32>} : memref<6x32x128xf32, #tpu.memory_space<vmem>>, vector<16xf32>,
      %mul3A_1378 = arith.mulf %get3A_900, %get3A_1377 : vector<16xf32>
      %add3A_1379 = arith.addf %mul3A_1367, %mul3A_1378 : vector<16xf32>
      %get3A_1380 = arith.constant 4 : i32
      %get3A_1381 = arith.constant 0 : i32
      %get3A_1382 = arith.constant 0 : i32
      %get3A_1383 = arith.constant 0 : i32
      %get3A_1384 = tpu.memref_slice %arg10[%scan3A_545, %get3A_1381, %get3A_1382, %get3A_1383] : memref<2x6x32x128xf32, #tpu.memory_space<vmem>> -> memref<1x6x32x128xf32, #tpu.memory_space<vmem>>
      %get3A_1385 = tpu.memref_squeeze %get3A_1384 : memref<1x6x32x128xf32, #tpu.memory_space<vmem>> -> memref<6x32x128xf32, #tpu.memory_space<vmem>>
      %get3A_1386 = arith.index_cast %get3A_1380 : i32 to index
      %get3A_1387 = arith.index_cast %add3A_887 : i32 to index
      %get3A_1388 = arith.constant 32 : index
      %get3A_1389 = tpu.vector_load %get3A_1385[%get3A_1386, %get3A_1387, %get3A_1388] {strides = array<i32>} : memref<6x32x128xf32, #tpu.memory_space<vmem>>, vector<16xf32>,
      %mul3A_1390 = arith.mulf %get3A_907, %get3A_1389 : vector<16xf32>
      %add3A_1391 = arith.addf %add3A_1379, %mul3A_1390 : vector<16xf32>
      %get3A_1392 = arith.constant 4 : i32
      %get3A_1393 = arith.constant 0 : i32
      %get3A_1394 = arith.constant 0 : i32
      %get3A_1395 = arith.constant 0 : i32
      %get3A_1396 = tpu.memref_slice %arg10[%scan3A_545, %get3A_1393, %get3A_1394, %get3A_1395] : memref<2x6x32x128xf32, #tpu.memory_space<vmem>> -> memref<1x6x32x128xf32, #tpu.memory_space<vmem>>
      %get3A_1397 = tpu.memref_squeeze %get3A_1396 : memref<1x6x32x128xf32, #tpu.memory_space<vmem>> -> memref<6x32x128xf32, #tpu.memory_space<vmem>>
      %get3A_1398 = arith.index_cast %get3A_1392 : i32 to index
      %get3A_1399 = arith.index_cast %add3A_887 : i32 to index
      %get3A_1400 = arith.constant 48 : index
      %get3A_1401 = tpu.vector_load %get3A_1397[%get3A_1398, %get3A_1399, %get3A_1400] {strides = array<i32>} : memref<6x32x128xf32, #tpu.memory_space<vmem>>, vector<16xf32>,
      %mul3A_1402 = arith.mulf %get3A_914, %get3A_1401 : vector<16xf32>
      %add3A_1403 = arith.addf %add3A_1391, %mul3A_1402 : vector<16xf32>
      %get3A_1404 = arith.constant 4 : i32
      %get3A_1405 = arith.constant 0 : i32
      %get3A_1406 = arith.constant 0 : i32
      %get3A_1407 = arith.constant 0 : i32
      %get3A_1408 = tpu.memref_slice %arg10[%scan3A_545, %get3A_1405, %get3A_1406, %get3A_1407] : memref<2x6x32x128xf32, #tpu.memory_space<vmem>> -> memref<1x6x32x128xf32, #tpu.memory_space<vmem>>
      %get3A_1409 = tpu.memref_squeeze %get3A_1408 : memref<1x6x32x128xf32, #tpu.memory_space<vmem>> -> memref<6x32x128xf32, #tpu.memory_space<vmem>>
      %get3A_1410 = arith.index_cast %get3A_1404 : i32 to index
      %get3A_1411 = arith.index_cast %add3A_887 : i32 to index
      %get3A_1412 = arith.constant 64 : index
      %get3A_1413 = tpu.vector_load %get3A_1409[%get3A_1410, %get3A_1411, %get3A_1412] {strides = array<i32>} : memref<6x32x128xf32, #tpu.memory_space<vmem>>, vector<16xf32>,
      %mul3A_1414 = arith.mulf %get3A_921, %get3A_1413 : vector<16xf32>
      %add3A_1415 = arith.addf %add3A_1403, %mul3A_1414 : vector<16xf32>
      %get3A_1416 = arith.constant 4 : i32
      %get3A_1417 = arith.constant 0 : i32
      %get3A_1418 = arith.constant 0 : i32
      %get3A_1419 = arith.constant 0 : i32
      %get3A_1420 = tpu.memref_slice %arg10[%scan3A_545, %get3A_1417, %get3A_1418, %get3A_1419] : memref<2x6x32x128xf32, #tpu.memory_space<vmem>> -> memref<1x6x32x128xf32, #tpu.memory_space<vmem>>
      %get3A_1421 = tpu.memref_squeeze %get3A_1420 : memref<1x6x32x128xf32, #tpu.memory_space<vmem>> -> memref<6x32x128xf32, #tpu.memory_space<vmem>>
      %get3A_1422 = arith.index_cast %get3A_1416 : i32 to index
      %get3A_1423 = arith.index_cast %add3A_887 : i32 to index
      %get3A_1424 = arith.constant 80 : index
      %get3A_1425 = tpu.vector_load %get3A_1421[%get3A_1422, %get3A_1423, %get3A_1424] {strides = array<i32>} : memref<6x32x128xf32, #tpu.memory_space<vmem>>, vector<16xf32>,
      %mul3A_1426 = arith.mulf %get3A_928, %get3A_1425 : vector<16xf32>
      %add3A_1427 = arith.addf %add3A_1415, %mul3A_1426 : vector<16xf32>
      %get3A_1428 = arith.constant 4 : i32
      %get3A_1429 = arith.constant 0 : i32
      %get3A_1430 = arith.constant 0 : i32
      %get3A_1431 = arith.constant 0 : i32
      %get3A_1432 = tpu.memref_slice %arg10[%scan3A_545, %get3A_1429, %get3A_1430, %get3A_1431] : memref<2x6x32x128xf32, #tpu.memory_space<vmem>> -> memref<1x6x32x128xf32, #tpu.memory_space<vmem>>
      %get3A_1433 = tpu.memref_squeeze %get3A_1432 : memref<1x6x32x128xf32, #tpu.memory_space<vmem>> -> memref<6x32x128xf32, #tpu.memory_space<vmem>>
      %get3A_1434 = arith.index_cast %get3A_1428 : i32 to index
      %get3A_1435 = arith.index_cast %add3A_887 : i32 to index
      %get3A_1436 = arith.constant 96 : index
      %get3A_1437 = tpu.vector_load %get3A_1433[%get3A_1434, %get3A_1435, %get3A_1436] {strides = array<i32>} : memref<6x32x128xf32, #tpu.memory_space<vmem>>, vector<16xf32>,
      %mul3A_1438 = arith.mulf %get3A_935, %get3A_1437 : vector<16xf32>
      %add3A_1439 = arith.addf %add3A_1427, %mul3A_1438 : vector<16xf32>
      %get3A_1440 = arith.constant 4 : i32
      %get3A_1441 = arith.constant 0 : i32
      %get3A_1442 = arith.constant 0 : i32
      %get3A_1443 = arith.constant 0 : i32
      %get3A_1444 = tpu.memref_slice %arg10[%scan3A_545, %get3A_1441, %get3A_1442, %get3A_1443] : memref<2x6x32x128xf32, #tpu.memory_space<vmem>> -> memref<1x6x32x128xf32, #tpu.memory_space<vmem>>
      %get3A_1445 = tpu.memref_squeeze %get3A_1444 : memref<1x6x32x128xf32, #tpu.memory_space<vmem>> -> memref<6x32x128xf32, #tpu.memory_space<vmem>>
      %get3A_1446 = arith.index_cast %get3A_1440 : i32 to index
      %get3A_1447 = arith.index_cast %add3A_887 : i32 to index
      %get3A_1448 = arith.constant 112 : index
      %get3A_1449 = tpu.vector_load %get3A_1445[%get3A_1446, %get3A_1447, %get3A_1448] {strides = array<i32>} : memref<6x32x128xf32, #tpu.memory_space<vmem>>, vector<16xf32>,
      %mul3A_1450 = arith.mulf %get3A_942, %get3A_1449 : vector<16xf32>
      %add3A_1451 = arith.addf %add3A_1439, %mul3A_1450 : vector<16xf32>
      %eq3A_1452 = arith.constant 4 : i32
      %eq3A_1453 = vector.broadcast %eq3A_1452 : i32 to vector<16xi32>
      %eq3A_1454 = arith.cmpi eq, %iota3A, %eq3A_1453 : vector<16xi32>
      %reduce_sum3A_1455 = arith.constant true
      %reduce_sum3A_1456 = vector.broadcast %reduce_sum3A_1455 : i1 to vector<16xi1>
      %reduce_sum3A_1457 = tpu.scan <sum>, %add3A_1451 masked %reduce_sum3A_1456 : vector<16xf32>, vector<16xi1> -> vector<16xf32>
      %reduce_sum3A_1458 = vector.extract %reduce_sum3A_1457[15] : f32 from vector<16xf32>
      %broadcast_in_dim3A_1459 = vector.broadcast %reduce_sum3A_1458 : f32 to vector<16xf32>
      %select_n3A_1460 = arith.select %eq3A_1454, %broadcast_in_dim3A_1459, %select_n3A_1356 : vector<16xi1>, vector<16xf32>
      %get3A_1461 = arith.constant 5 : i32
      %get3A_1462 = arith.constant 0 : i32
      %get3A_1463 = arith.constant 0 : i32
      %get3A_1464 = arith.constant 0 : i32
      %get3A_1465 = tpu.memref_slice %arg10[%scan3A_545, %get3A_1462, %get3A_1463, %get3A_1464] : memref<2x6x32x128xf32, #tpu.memory_space<vmem>> -> memref<1x6x32x128xf32, #tpu.memory_space<vmem>>
      %get3A_1466 = tpu.memref_squeeze %get3A_1465 : memref<1x6x32x128xf32, #tpu.memory_space<vmem>> -> memref<6x32x128xf32, #tpu.memory_space<vmem>>
      %get3A_1467 = arith.index_cast %get3A_1461 : i32 to index
      %get3A_1468 = arith.index_cast %add3A_887 : i32 to index
      %get3A_1469 = arith.constant 0 : index
      %get3A_1470 = tpu.vector_load %get3A_1466[%get3A_1467, %get3A_1468, %get3A_1469] {strides = array<i32>} : memref<6x32x128xf32, #tpu.memory_space<vmem>>, vector<16xf32>,
      %mul3A_1471 = arith.mulf %get3A_893, %get3A_1470 : vector<16xf32>
      %get3A_1472 = arith.constant 5 : i32
      %get3A_1473 = arith.constant 0 : i32
      %get3A_1474 = arith.constant 0 : i32
      %get3A_1475 = arith.constant 0 : i32
      %get3A_1476 = tpu.memref_slice %arg10[%scan3A_545, %get3A_1473, %get3A_1474, %get3A_1475] : memref<2x6x32x128xf32, #tpu.memory_space<vmem>> -> memref<1x6x32x128xf32, #tpu.memory_space<vmem>>
      %get3A_1477 = tpu.memref_squeeze %get3A_1476 : memref<1x6x32x128xf32, #tpu.memory_space<vmem>> -> memref<6x32x128xf32, #tpu.memory_space<vmem>>
      %get3A_1478 = arith.index_cast %get3A_1472 : i32 to index
      %get3A_1479 = arith.index_cast %add3A_887 : i32 to index
      %get3A_1480 = arith.constant 16 : index
      %get3A_1481 = tpu.vector_load %get3A_1477[%get3A_1478, %get3A_1479, %get3A_1480] {strides = array<i32>} : memref<6x32x128xf32, #tpu.memory_space<vmem>>, vector<16xf32>,
      %mul3A_1482 = arith.mulf %get3A_900, %get3A_1481 : vector<16xf32>
      %add3A_1483 = arith.addf %mul3A_1471, %mul3A_1482 : vector<16xf32>
      %get3A_1484 = arith.constant 5 : i32
      %get3A_1485 = arith.constant 0 : i32
      %get3A_1486 = arith.constant 0 : i32
      %get3A_1487 = arith.constant 0 : i32
      %get3A_1488 = tpu.memref_slice %arg10[%scan3A_545, %get3A_1485, %get3A_1486, %get3A_1487] : memref<2x6x32x128xf32, #tpu.memory_space<vmem>> -> memref<1x6x32x128xf32, #tpu.memory_space<vmem>>
      %get3A_1489 = tpu.memref_squeeze %get3A_1488 : memref<1x6x32x128xf32, #tpu.memory_space<vmem>> -> memref<6x32x128xf32, #tpu.memory_space<vmem>>
      %get3A_1490 = arith.index_cast %get3A_1484 : i32 to index
      %get3A_1491 = arith.index_cast %add3A_887 : i32 to index
      %get3A_1492 = arith.constant 32 : index
      %get3A_1493 = tpu.vector_load %get3A_1489[%get3A_1490, %get3A_1491, %get3A_1492] {strides = array<i32>} : memref<6x32x128xf32, #tpu.memory_space<vmem>>, vector<16xf32>,
      %mul3A_1494 = arith.mulf %get3A_907, %get3A_1493 : vector<16xf32>
      %add3A_1495 = arith.addf %add3A_1483, %mul3A_1494 : vector<16xf32>
      %get3A_1496 = arith.constant 5 : i32
      %get3A_1497 = arith.constant 0 : i32
      %get3A_1498 = arith.constant 0 : i32
      %get3A_1499 = arith.constant 0 : i32
      %get3A_1500 = tpu.memref_slice %arg10[%scan3A_545, %get3A_1497, %get3A_1498, %get3A_1499] : memref<2x6x32x128xf32, #tpu.memory_space<vmem>> -> memref<1x6x32x128xf32, #tpu.memory_space<vmem>>
      %get3A_1501 = tpu.memref_squeeze %get3A_1500 : memref<1x6x32x128xf32, #tpu.memory_space<vmem>> -> memref<6x32x128xf32, #tpu.memory_space<vmem>>
      %get3A_1502 = arith.index_cast %get3A_1496 : i32 to index
      %get3A_1503 = arith.index_cast %add3A_887 : i32 to index
      %get3A_1504 = arith.constant 48 : index
      %get3A_1505 = tpu.vector_load %get3A_1501[%get3A_1502, %get3A_1503, %get3A_1504] {strides = array<i32>} : memref<6x32x128xf32, #tpu.memory_space<vmem>>, vector<16xf32>,
      %mul3A_1506 = arith.mulf %get3A_914, %get3A_1505 : vector<16xf32>
      %add3A_1507 = arith.addf %add3A_1495, %mul3A_1506 : vector<16xf32>
      %get3A_1508 = arith.constant 5 : i32
      %get3A_1509 = arith.constant 0 : i32
      %get3A_1510 = arith.constant 0 : i32
      %get3A_1511 = arith.constant 0 : i32
      %get3A_1512 = tpu.memref_slice %arg10[%scan3A_545, %get3A_1509, %get3A_1510, %get3A_1511] : memref<2x6x32x128xf32, #tpu.memory_space<vmem>> -> memref<1x6x32x128xf32, #tpu.memory_space<vmem>>
      %get3A_1513 = tpu.memref_squeeze %get3A_1512 : memref<1x6x32x128xf32, #tpu.memory_space<vmem>> -> memref<6x32x128xf32, #tpu.memory_space<vmem>>
      %get3A_1514 = arith.index_cast %get3A_1508 : i32 to index
      %get3A_1515 = arith.index_cast %add3A_887 : i32 to index
      %get3A_1516 = arith.constant 64 : index
      %get3A_1517 = tpu.vector_load %get3A_1513[%get3A_1514, %get3A_1515, %get3A_1516] {strides = array<i32>} : memref<6x32x128xf32, #tpu.memory_space<vmem>>, vector<16xf32>,
      %mul3A_1518 = arith.mulf %get3A_921, %get3A_1517 : vector<16xf32>
      %add3A_1519 = arith.addf %add3A_1507, %mul3A_1518 : vector<16xf32>
      %get3A_1520 = arith.constant 5 : i32
      %get3A_1521 = arith.constant 0 : i32
      %get3A_1522 = arith.constant 0 : i32
      %get3A_1523 = arith.constant 0 : i32
      %get3A_1524 = tpu.memref_slice %arg10[%scan3A_545, %get3A_1521, %get3A_1522, %get3A_1523] : memref<2x6x32x128xf32, #tpu.memory_space<vmem>> -> memref<1x6x32x128xf32, #tpu.memory_space<vmem>>
      %get3A_1525 = tpu.memref_squeeze %get3A_1524 : memref<1x6x32x128xf32, #tpu.memory_space<vmem>> -> memref<6x32x128xf32, #tpu.memory_space<vmem>>
      %get3A_1526 = arith.index_cast %get3A_1520 : i32 to index
      %get3A_1527 = arith.index_cast %add3A_887 : i32 to index
      %get3A_1528 = arith.constant 80 : index
      %get3A_1529 = tpu.vector_load %get3A_1525[%get3A_1526, %get3A_1527, %get3A_1528] {strides = array<i32>} : memref<6x32x128xf32, #tpu.memory_space<vmem>>, vector<16xf32>,
      %mul3A_1530 = arith.mulf %get3A_928, %get3A_1529 : vector<16xf32>
      %add3A_1531 = arith.addf %add3A_1519, %mul3A_1530 : vector<16xf32>
      %get3A_1532 = arith.constant 5 : i32
      %get3A_1533 = arith.constant 0 : i32
      %get3A_1534 = arith.constant 0 : i32
      %get3A_1535 = arith.constant 0 : i32
      %get3A_1536 = tpu.memref_slice %arg10[%scan3A_545, %get3A_1533, %get3A_1534, %get3A_1535] : memref<2x6x32x128xf32, #tpu.memory_space<vmem>> -> memref<1x6x32x128xf32, #tpu.memory_space<vmem>>
      %get3A_1537 = tpu.memref_squeeze %get3A_1536 : memref<1x6x32x128xf32, #tpu.memory_space<vmem>> -> memref<6x32x128xf32, #tpu.memory_space<vmem>>
      %get3A_1538 = arith.index_cast %get3A_1532 : i32 to index
      %get3A_1539 = arith.index_cast %add3A_887 : i32 to index
      %get3A_1540 = arith.constant 96 : index
      %get3A_1541 = tpu.vector_load %get3A_1537[%get3A_1538, %get3A_1539, %get3A_1540] {strides = array<i32>} : memref<6x32x128xf32, #tpu.memory_space<vmem>>, vector<16xf32>,
      %mul3A_1542 = arith.mulf %get3A_935, %get3A_1541 : vector<16xf32>
      %add3A_1543 = arith.addf %add3A_1531, %mul3A_1542 : vector<16xf32>
      %get3A_1544 = arith.constant 5 : i32
      %get3A_1545 = arith.constant 0 : i32
      %get3A_1546 = arith.constant 0 : i32
      %get3A_1547 = arith.constant 0 : i32
      %get3A_1548 = tpu.memref_slice %arg10[%scan3A_545, %get3A_1545, %get3A_1546, %get3A_1547] : memref<2x6x32x128xf32, #tpu.memory_space<vmem>> -> memref<1x6x32x128xf32, #tpu.memory_space<vmem>>
      %get3A_1549 = tpu.memref_squeeze %get3A_1548 : memref<1x6x32x128xf32, #tpu.memory_space<vmem>> -> memref<6x32x128xf32, #tpu.memory_space<vmem>>
      %get3A_1550 = arith.index_cast %get3A_1544 : i32 to index
      %get3A_1551 = arith.index_cast %add3A_887 : i32 to index
      %get3A_1552 = arith.constant 112 : index
      %get3A_1553 = tpu.vector_load %get3A_1549[%get3A_1550, %get3A_1551, %get3A_1552] {strides = array<i32>} : memref<6x32x128xf32, #tpu.memory_space<vmem>>, vector<16xf32>,
      %mul3A_1554 = arith.mulf %get3A_942, %get3A_1553 : vector<16xf32>
      %add3A_1555 = arith.addf %add3A_1543, %mul3A_1554 : vector<16xf32>
      %eq3A_1556 = arith.constant 5 : i32
      %eq3A_1557 = vector.broadcast %eq3A_1556 : i32 to vector<16xi32>
      %eq3A_1558 = arith.cmpi eq, %iota3A, %eq3A_1557 : vector<16xi32>
      %reduce_sum3A_1559 = arith.constant true
      %reduce_sum3A_1560 = vector.broadcast %reduce_sum3A_1559 : i1 to vector<16xi1>
      %reduce_sum3A_1561 = tpu.scan <sum>, %add3A_1555 masked %reduce_sum3A_1560 : vector<16xf32>, vector<16xi1> -> vector<16xf32>
      %reduce_sum3A_1562 = vector.extract %reduce_sum3A_1561[15] : f32 from vector<16xf32>
      %broadcast_in_dim3A_1563 = vector.broadcast %reduce_sum3A_1562 : f32 to vector<16xf32>
      %select_n3A_1564 = arith.select %eq3A_1558, %broadcast_in_dim3A_1563, %select_n3A_1460 : vector<16xi1>, vector<16xf32>
      %broadcast_in_dim3A_1565 = arith.constant 32 : i32
      %broadcast_in_dim3A_1566 = vector.broadcast %broadcast_in_dim3A_1565 : i32 to vector<16xi32>
      %add3A_1567 = vector.broadcast %add3A_887 : i32 to vector<16xi32>
      %add3A_1568 = arith.addi %broadcast_in_dim3A_1566, %add3A_1567 : vector<16xi32>
      tpu.vector_store_idx %arg11[%iota3A, %add3A_1568], %select_n3A_1564 masked %lt3A_9 : memref<6x128xf32, #tpu.memory_space<vmem>>[vector<16xi32>, vector<16xi32>], vector<16xf32>, vector<16xi1>
    }
    %scan3A_550 = arith.constant 32 : i32
    %dma_start3A_551 = arith.constant 1 : i32
    %dma_start3A_552 = arith.constant 0 : i32
    %dma_start3A_553 = arith.constant 0 : i32
    %dma_start3A_554 = tpu.memref_slice %arg9[%dma_start3A_551, %dma_start3A_552, %dma_start3A_553] : memref<2x32x128xf32, #tpu.memory_space<vmem>> -> memref<1x32x128xf32, #tpu.memory_space<vmem>>
    %dma_start3A_555 = tpu.memref_squeeze %dma_start3A_554 : memref<1x32x128xf32, #tpu.memory_space<vmem>> -> memref<32x128xf32, #tpu.memory_space<vmem>>
    %dma_start3A_556 = arith.constant 96 : i32
    %dma_start3A_557 = tpu.memref_slice %arg7[%dma_start3A_556] : memref<128xi32, #tpu.memory_space<vmem>> -> memref<32xi32, #tpu.memory_space<vmem>>
    %dma_start3A_558 = arith.constant 0 : i32
    %dma_start3A_559 = arith.constant 0 : i32
    %dma_start3A_560 = tpu.memref_slice %arg4[%dma_start3A_558, %dma_start3A_559] : memref<100000x128xf32, #tpu.memory_space<hbm>> -> memref<100000x128xf32, #tpu.memory_space<hbm>>
    tpu.enqueue_indirect_dma source(%dma_start3A_560 : memref<100000x128xf32, #tpu.memory_space<hbm>>) target(%dma_start3A_555 : memref<32x128xf32, #tpu.memory_space<vmem>>) offsets(%dma_start3A_557 : memref<32xi32, #tpu.memory_space<vmem>>) semaphore(%arg13 : memref<!tpu.dma_semaphore, #tpu.memory_space<semaphore_mem>>)
    %dma_start3A_561 = arith.constant 1 : i32
    %dma_start3A_562 = arith.constant 0 : i32
    %dma_start3A_563 = arith.constant 0 : i32
    %dma_start3A_564 = arith.constant 0 : i32
    %dma_start3A_565 = arith.constant 0 : i32
    %dma_start3A_566 = tpu.memref_slice %arg10[%dma_start3A_561, %dma_start3A_563, %dma_start3A_564, %dma_start3A_565] : memref<2x6x32x128xf32, #tpu.memory_space<vmem>> -> memref<1x6x32x128xf32, #tpu.memory_space<vmem>>
    %dma_start3A_567 = tpu.memref_squeeze %dma_start3A_566 : memref<1x6x32x128xf32, #tpu.memory_space<vmem>> -> memref<6x32x128xf32, #tpu.memory_space<vmem>>
    %dma_start3A_568 = arith.constant 0 : i32
    %dma_start3A_569 = arith.constant 0 : i32
    %dma_start3A_570 = tpu.memref_slice %dma_start3A_567[%dma_start3A_562, %dma_start3A_568, %dma_start3A_569] : memref<6x32x128xf32, #tpu.memory_space<vmem>> -> memref<1x32x128xf32, #tpu.memory_space<vmem>>
    %dma_start3A_571 = tpu.memref_squeeze %dma_start3A_570 : memref<1x32x128xf32, #tpu.memory_space<vmem>> -> memref<32x128xf32, #tpu.memory_space<vmem>>
    %dma_start3A_572 = arith.constant 96 : i32
    %dma_start3A_573 = tpu.memref_slice %arg8[%dma_start3A_572] : memref<768xi32, #tpu.memory_space<vmem>> -> memref<32xi32, #tpu.memory_space<vmem>>
    %dma_start3A_574 = arith.constant 0 : i32
    %dma_start3A_575 = arith.constant 0 : i32
    %dma_start3A_576 = tpu.memref_slice %arg5[%dma_start3A_574, %dma_start3A_575] : memref<100000x128xf32, #tpu.memory_space<hbm>> -> memref<100000x128xf32, #tpu.memory_space<hbm>>
    tpu.enqueue_indirect_dma source(%dma_start3A_576 : memref<100000x128xf32, #tpu.memory_space<hbm>>) target(%dma_start3A_571 : memref<32x128xf32, #tpu.memory_space<vmem>>) offsets(%dma_start3A_573 : memref<32xi32, #tpu.memory_space<vmem>>) semaphore(%arg13 : memref<!tpu.dma_semaphore, #tpu.memory_space<semaphore_mem>>)
    %dma_start3A_577 = arith.constant 1 : i32
    %dma_start3A_578 = arith.constant 1 : i32
    %dma_start3A_579 = arith.constant 0 : i32
    %dma_start3A_580 = arith.constant 0 : i32
    %dma_start3A_581 = arith.constant 0 : i32
    %dma_start3A_582 = tpu.memref_slice %arg10[%dma_start3A_577, %dma_start3A_579, %dma_start3A_580, %dma_start3A_581] : memref<2x6x32x128xf32, #tpu.memory_space<vmem>> -> memref<1x6x32x128xf32, #tpu.memory_space<vmem>>
    %dma_start3A_583 = tpu.memref_squeeze %dma_start3A_582 : memref<1x6x32x128xf32, #tpu.memory_space<vmem>> -> memref<6x32x128xf32, #tpu.memory_space<vmem>>
    %dma_start3A_584 = arith.constant 0 : i32
    %dma_start3A_585 = arith.constant 0 : i32
    %dma_start3A_586 = tpu.memref_slice %dma_start3A_583[%dma_start3A_578, %dma_start3A_584, %dma_start3A_585] : memref<6x32x128xf32, #tpu.memory_space<vmem>> -> memref<1x32x128xf32, #tpu.memory_space<vmem>>
    %dma_start3A_587 = tpu.memref_squeeze %dma_start3A_586 : memref<1x32x128xf32, #tpu.memory_space<vmem>> -> memref<32x128xf32, #tpu.memory_space<vmem>>
    %dma_start3A_588 = arith.constant 224 : i32
    %dma_start3A_589 = tpu.memref_slice %arg8[%dma_start3A_588] : memref<768xi32, #tpu.memory_space<vmem>> -> memref<32xi32, #tpu.memory_space<vmem>>
    %dma_start3A_590 = arith.constant 0 : i32
    %dma_start3A_591 = arith.constant 0 : i32
    %dma_start3A_592 = tpu.memref_slice %arg5[%dma_start3A_590, %dma_start3A_591] : memref<100000x128xf32, #tpu.memory_space<hbm>> -> memref<100000x128xf32, #tpu.memory_space<hbm>>
    tpu.enqueue_indirect_dma source(%dma_start3A_592 : memref<100000x128xf32, #tpu.memory_space<hbm>>) target(%dma_start3A_587 : memref<32x128xf32, #tpu.memory_space<vmem>>) offsets(%dma_start3A_589 : memref<32xi32, #tpu.memory_space<vmem>>) semaphore(%arg13 : memref<!tpu.dma_semaphore, #tpu.memory_space<semaphore_mem>>)
    %dma_start3A_593 = arith.constant 1 : i32
    %dma_start3A_594 = arith.constant 2 : i32
    %dma_start3A_595 = arith.constant 0 : i32
    %dma_start3A_596 = arith.constant 0 : i32
    %dma_start3A_597 = arith.constant 0 : i32
    %dma_start3A_598 = tpu.memref_slice %arg10[%dma_start3A_593, %dma_start3A_595, %dma_start3A_596, %dma_start3A_597] : memref<2x6x32x128xf32, #tpu.memory_space<vmem>> -> memref<1x6x32x128xf32, #tpu.memory_space<vmem>>
    %dma_start3A_599 = tpu.memref_squeeze %dma_start3A_598 : memref<1x6x32x128xf32, #tpu.memory_space<vmem>> -> memref<6x32x128xf32, #tpu.memory_space<vmem>>
    %dma_start3A_600 = arith.constant 0 : i32
    %dma_start3A_601 = arith.constant 0 : i32
    %dma_start3A_602 = tpu.memref_slice %dma_start3A_599[%dma_start3A_594, %dma_start3A_600, %dma_start3A_601] : memref<6x32x128xf32, #tpu.memory_space<vmem>> -> memref<1x32x128xf32, #tpu.memory_space<vmem>>
    %dma_start3A_603 = tpu.memref_squeeze %dma_start3A_602 : memref<1x32x128xf32, #tpu.memory_space<vmem>> -> memref<32x128xf32, #tpu.memory_space<vmem>>
    %dma_start3A_604 = arith.constant 352 : i32
    %dma_start3A_605 = tpu.memref_slice %arg8[%dma_start3A_604] : memref<768xi32, #tpu.memory_space<vmem>> -> memref<32xi32, #tpu.memory_space<vmem>>
    %dma_start3A_606 = arith.constant 0 : i32
    %dma_start3A_607 = arith.constant 0 : i32
    %dma_start3A_608 = tpu.memref_slice %arg5[%dma_start3A_606, %dma_start3A_607] : memref<100000x128xf32, #tpu.memory_space<hbm>> -> memref<100000x128xf32, #tpu.memory_space<hbm>>
    tpu.enqueue_indirect_dma source(%dma_start3A_608 : memref<100000x128xf32, #tpu.memory_space<hbm>>) target(%dma_start3A_603 : memref<32x128xf32, #tpu.memory_space<vmem>>) offsets(%dma_start3A_605 : memref<32xi32, #tpu.memory_space<vmem>>) semaphore(%arg13 : memref<!tpu.dma_semaphore, #tpu.memory_space<semaphore_mem>>)
    %dma_start3A_609 = arith.constant 1 : i32
    %dma_start3A_610 = arith.constant 3 : i32
    %dma_start3A_611 = arith.constant 0 : i32
    %dma_start3A_612 = arith.constant 0 : i32
    %dma_start3A_613 = arith.constant 0 : i32
    %dma_start3A_614 = tpu.memref_slice %arg10[%dma_start3A_609, %dma_start3A_611, %dma_start3A_612, %dma_start3A_613] : memref<2x6x32x128xf32, #tpu.memory_space<vmem>> -> memref<1x6x32x128xf32, #tpu.memory_space<vmem>>
    %dma_start3A_615 = tpu.memref_squeeze %dma_start3A_614 : memref<1x6x32x128xf32, #tpu.memory_space<vmem>> -> memref<6x32x128xf32, #tpu.memory_space<vmem>>
    %dma_start3A_616 = arith.constant 0 : i32
    %dma_start3A_617 = arith.constant 0 : i32
    %dma_start3A_618 = tpu.memref_slice %dma_start3A_615[%dma_start3A_610, %dma_start3A_616, %dma_start3A_617] : memref<6x32x128xf32, #tpu.memory_space<vmem>> -> memref<1x32x128xf32, #tpu.memory_space<vmem>>
    %dma_start3A_619 = tpu.memref_squeeze %dma_start3A_618 : memref<1x32x128xf32, #tpu.memory_space<vmem>> -> memref<32x128xf32, #tpu.memory_space<vmem>>
    %dma_start3A_620 = arith.constant 480 : i32
    %dma_start3A_621 = tpu.memref_slice %arg8[%dma_start3A_620] : memref<768xi32, #tpu.memory_space<vmem>> -> memref<32xi32, #tpu.memory_space<vmem>>
    %dma_start3A_622 = arith.constant 0 : i32
    %dma_start3A_623 = arith.constant 0 : i32
    %dma_start3A_624 = tpu.memref_slice %arg5[%dma_start3A_622, %dma_start3A_623] : memref<100000x128xf32, #tpu.memory_space<hbm>> -> memref<100000x128xf32, #tpu.memory_space<hbm>>
    tpu.enqueue_indirect_dma source(%dma_start3A_624 : memref<100000x128xf32, #tpu.memory_space<hbm>>) target(%dma_start3A_619 : memref<32x128xf32, #tpu.memory_space<vmem>>) offsets(%dma_start3A_621 : memref<32xi32, #tpu.memory_space<vmem>>) semaphore(%arg13 : memref<!tpu.dma_semaphore, #tpu.memory_space<semaphore_mem>>)
    %dma_start3A_625 = arith.constant 1 : i32
    %dma_start3A_626 = arith.constant 4 : i32
    %dma_start3A_627 = arith.constant 0 : i32
    %dma_start3A_628 = arith.constant 0 : i32
    %dma_start3A_629 = arith.constant 0 : i32
    %dma_start3A_630 = tpu.memref_slice %arg10[%dma_start3A_625, %dma_start3A_627, %dma_start3A_628, %dma_start3A_629] : memref<2x6x32x128xf32, #tpu.memory_space<vmem>> -> memref<1x6x32x128xf32, #tpu.memory_space<vmem>>
    %dma_start3A_631 = tpu.memref_squeeze %dma_start3A_630 : memref<1x6x32x128xf32, #tpu.memory_space<vmem>> -> memref<6x32x128xf32, #tpu.memory_space<vmem>>
    %dma_start3A_632 = arith.constant 0 : i32
    %dma_start3A_633 = arith.constant 0 : i32
    %dma_start3A_634 = tpu.memref_slice %dma_start3A_631[%dma_start3A_626, %dma_start3A_632, %dma_start3A_633] : memref<6x32x128xf32, #tpu.memory_space<vmem>> -> memref<1x32x128xf32, #tpu.memory_space<vmem>>
    %dma_start3A_635 = tpu.memref_squeeze %dma_start3A_634 : memref<1x32x128xf32, #tpu.memory_space<vmem>> -> memref<32x128xf32, #tpu.memory_space<vmem>>
    %dma_start3A_636 = arith.constant 608 : i32
    %dma_start3A_637 = tpu.memref_slice %arg8[%dma_start3A_636] : memref<768xi32, #tpu.memory_space<vmem>> -> memref<32xi32, #tpu.memory_space<vmem>>
    %dma_start3A_638 = arith.constant 0 : i32
    %dma_start3A_639 = arith.constant 0 : i32
    %dma_start3A_640 = tpu.memref_slice %arg5[%dma_start3A_638, %dma_start3A_639] : memref<100000x128xf32, #tpu.memory_space<hbm>> -> memref<100000x128xf32, #tpu.memory_space<hbm>>
    tpu.enqueue_indirect_dma source(%dma_start3A_640 : memref<100000x128xf32, #tpu.memory_space<hbm>>) target(%dma_start3A_635 : memref<32x128xf32, #tpu.memory_space<vmem>>) offsets(%dma_start3A_637 : memref<32xi32, #tpu.memory_space<vmem>>) semaphore(%arg13 : memref<!tpu.dma_semaphore, #tpu.memory_space<semaphore_mem>>)
    %dma_start3A_641 = arith.constant 1 : i32
    %dma_start3A_642 = arith.constant 5 : i32
    %dma_start3A_643 = arith.constant 0 : i32
    %dma_start3A_644 = arith.constant 0 : i32
    %dma_start3A_645 = arith.constant 0 : i32
    %dma_start3A_646 = tpu.memref_slice %arg10[%dma_start3A_641, %dma_start3A_643, %dma_start3A_644, %dma_start3A_645] : memref<2x6x32x128xf32, #tpu.memory_space<vmem>> -> memref<1x6x32x128xf32, #tpu.memory_space<vmem>>
    %dma_start3A_647 = tpu.memref_squeeze %dma_start3A_646 : memref<1x6x32x128xf32, #tpu.memory_space<vmem>> -> memref<6x32x128xf32, #tpu.memory_space<vmem>>
    %dma_start3A_648 = arith.constant 0 : i32
    %dma_start3A_649 = arith.constant 0 : i32
    %dma_start3A_650 = tpu.memref_slice %dma_start3A_647[%dma_start3A_642, %dma_start3A_648, %dma_start3A_649] : memref<6x32x128xf32, #tpu.memory_space<vmem>> -> memref<1x32x128xf32, #tpu.memory_space<vmem>>
    %dma_start3A_651 = tpu.memref_squeeze %dma_start3A_650 : memref<1x32x128xf32, #tpu.memory_space<vmem>> -> memref<32x128xf32, #tpu.memory_space<vmem>>
    %dma_start3A_652 = arith.constant 736 : i32
    %dma_start3A_653 = tpu.memref_slice %arg8[%dma_start3A_652] : memref<768xi32, #tpu.memory_space<vmem>> -> memref<32xi32, #tpu.memory_space<vmem>>
    %dma_start3A_654 = arith.constant 0 : i32
    %dma_start3A_655 = arith.constant 0 : i32
    %dma_start3A_656 = tpu.memref_slice %arg5[%dma_start3A_654, %dma_start3A_655] : memref<100000x128xf32, #tpu.memory_space<hbm>> -> memref<100000x128xf32, #tpu.memory_space<hbm>>
    tpu.enqueue_indirect_dma source(%dma_start3A_656 : memref<100000x128xf32, #tpu.memory_space<hbm>>) target(%dma_start3A_651 : memref<32x128xf32, #tpu.memory_space<vmem>>) offsets(%dma_start3A_653 : memref<32xi32, #tpu.memory_space<vmem>>) semaphore(%arg13 : memref<!tpu.dma_semaphore, #tpu.memory_space<semaphore_mem>>)
    %dma_wait3A_657 = arith.constant 0 : i32
    %dma_wait3A_658 = arith.constant 0 : i32
    %dma_wait3A_659 = arith.constant 0 : i32
    %dma_wait3A_660 = tpu.memref_slice %arg9[%dma_wait3A_657, %dma_wait3A_658, %dma_wait3A_659] : memref<2x32x128xf32, #tpu.memory_space<vmem>> -> memref<1x32x128xf32, #tpu.memory_space<vmem>>
    %dma_wait3A_661 = tpu.memref_squeeze %dma_wait3A_660 : memref<1x32x128xf32, #tpu.memory_space<vmem>> -> memref<32x128xf32, #tpu.memory_space<vmem>>
    %dma_wait3A_662 = arith.constant 64 : i32
    %dma_wait3A_663 = tpu.memref_slice %arg7[%dma_wait3A_662] : memref<128xi32, #tpu.memory_space<vmem>> -> memref<32xi32, #tpu.memory_space<vmem>>
    %dma_wait3A_664 = arith.constant 0 : i32
    %dma_wait3A_665 = arith.constant 0 : i32
    %dma_wait3A_666 = tpu.memref_slice %arg4[%dma_wait3A_664, %dma_wait3A_665] : memref<100000x128xf32, #tpu.memory_space<hbm>> -> memref<100000x128xf32, #tpu.memory_space<hbm>>
    tpu.wait_indirect_dma semaphore(%arg12 : memref<!tpu.dma_semaphore, #tpu.memory_space<semaphore_mem>>) src(%dma_wait3A_666 : memref<100000x128xf32, #tpu.memory_space<hbm>>) dst(%dma_wait3A_661 : memref<32x128xf32, #tpu.memory_space<vmem>>)
    %dma_wait3A_667 = arith.constant 0 : i32
    %dma_wait3A_668 = arith.constant 0 : i32
    %dma_wait3A_669 = arith.constant 0 : i32
    %dma_wait3A_670 = arith.constant 0 : i32
    %dma_wait3A_671 = arith.constant 0 : i32
    %dma_wait3A_672 = tpu.memref_slice %arg10[%dma_wait3A_667, %dma_wait3A_669, %dma_wait3A_670, %dma_wait3A_671] : memref<2x6x32x128xf32, #tpu.memory_space<vmem>> -> memref<1x6x32x128xf32, #tpu.memory_space<vmem>>
    %dma_wait3A_673 = tpu.memref_squeeze %dma_wait3A_672 : memref<1x6x32x128xf32, #tpu.memory_space<vmem>> -> memref<6x32x128xf32, #tpu.memory_space<vmem>>
    %dma_wait3A_674 = arith.constant 0 : i32
    %dma_wait3A_675 = arith.constant 0 : i32
    %dma_wait3A_676 = tpu.memref_slice %dma_wait3A_673[%dma_wait3A_668, %dma_wait3A_674, %dma_wait3A_675] : memref<6x32x128xf32, #tpu.memory_space<vmem>> -> memref<1x32x128xf32, #tpu.memory_space<vmem>>
    %dma_wait3A_677 = tpu.memref_squeeze %dma_wait3A_676 : memref<1x32x128xf32, #tpu.memory_space<vmem>> -> memref<32x128xf32, #tpu.memory_space<vmem>>
    %dma_wait3A_678 = arith.constant 64 : i32
    %dma_wait3A_679 = tpu.memref_slice %arg8[%dma_wait3A_678] : memref<768xi32, #tpu.memory_space<vmem>> -> memref<32xi32, #tpu.memory_space<vmem>>
    %dma_wait3A_680 = arith.constant 0 : i32
    %dma_wait3A_681 = arith.constant 0 : i32
    %dma_wait3A_682 = tpu.memref_slice %arg5[%dma_wait3A_680, %dma_wait3A_681] : memref<100000x128xf32, #tpu.memory_space<hbm>> -> memref<100000x128xf32, #tpu.memory_space<hbm>>
    tpu.wait_indirect_dma semaphore(%arg12 : memref<!tpu.dma_semaphore, #tpu.memory_space<semaphore_mem>>) src(%dma_wait3A_682 : memref<100000x128xf32, #tpu.memory_space<hbm>>) dst(%dma_wait3A_677 : memref<32x128xf32, #tpu.memory_space<vmem>>)
    %dma_wait3A_683 = arith.constant 0 : i32
    %dma_wait3A_684 = arith.constant 1 : i32
    %dma_wait3A_685 = arith.constant 0 : i32
    %dma_wait3A_686 = arith.constant 0 : i32
    %dma_wait3A_687 = arith.constant 0 : i32
    %dma_wait3A_688 = tpu.memref_slice %arg10[%dma_wait3A_683, %dma_wait3A_685, %dma_wait3A_686, %dma_wait3A_687] : memref<2x6x32x128xf32, #tpu.memory_space<vmem>> -> memref<1x6x32x128xf32, #tpu.memory_space<vmem>>
    %dma_wait3A_689 = tpu.memref_squeeze %dma_wait3A_688 : memref<1x6x32x128xf32, #tpu.memory_space<vmem>> -> memref<6x32x128xf32, #tpu.memory_space<vmem>>
    %dma_wait3A_690 = arith.constant 0 : i32
    %dma_wait3A_691 = arith.constant 0 : i32
    %dma_wait3A_692 = tpu.memref_slice %dma_wait3A_689[%dma_wait3A_684, %dma_wait3A_690, %dma_wait3A_691] : memref<6x32x128xf32, #tpu.memory_space<vmem>> -> memref<1x32x128xf32, #tpu.memory_space<vmem>>
    %dma_wait3A_693 = tpu.memref_squeeze %dma_wait3A_692 : memref<1x32x128xf32, #tpu.memory_space<vmem>> -> memref<32x128xf32, #tpu.memory_space<vmem>>
    %dma_wait3A_694 = arith.constant 192 : i32
    %dma_wait3A_695 = tpu.memref_slice %arg8[%dma_wait3A_694] : memref<768xi32, #tpu.memory_space<vmem>> -> memref<32xi32, #tpu.memory_space<vmem>>
    %dma_wait3A_696 = arith.constant 0 : i32
    %dma_wait3A_697 = arith.constant 0 : i32
    %dma_wait3A_698 = tpu.memref_slice %arg5[%dma_wait3A_696, %dma_wait3A_697] : memref<100000x128xf32, #tpu.memory_space<hbm>> -> memref<100000x128xf32, #tpu.memory_space<hbm>>
    tpu.wait_indirect_dma semaphore(%arg12 : memref<!tpu.dma_semaphore, #tpu.memory_space<semaphore_mem>>) src(%dma_wait3A_698 : memref<100000x128xf32, #tpu.memory_space<hbm>>) dst(%dma_wait3A_693 : memref<32x128xf32, #tpu.memory_space<vmem>>)
    %dma_wait3A_699 = arith.constant 0 : i32
    %dma_wait3A_700 = arith.constant 2 : i32
    %dma_wait3A_701 = arith.constant 0 : i32
    %dma_wait3A_702 = arith.constant 0 : i32
    %dma_wait3A_703 = arith.constant 0 : i32
    %dma_wait3A_704 = tpu.memref_slice %arg10[%dma_wait3A_699, %dma_wait3A_701, %dma_wait3A_702, %dma_wait3A_703] : memref<2x6x32x128xf32, #tpu.memory_space<vmem>> -> memref<1x6x32x128xf32, #tpu.memory_space<vmem>>
    %dma_wait3A_705 = tpu.memref_squeeze %dma_wait3A_704 : memref<1x6x32x128xf32, #tpu.memory_space<vmem>> -> memref<6x32x128xf32, #tpu.memory_space<vmem>>
    %dma_wait3A_706 = arith.constant 0 : i32
    %dma_wait3A_707 = arith.constant 0 : i32
    %dma_wait3A_708 = tpu.memref_slice %dma_wait3A_705[%dma_wait3A_700, %dma_wait3A_706, %dma_wait3A_707] : memref<6x32x128xf32, #tpu.memory_space<vmem>> -> memref<1x32x128xf32, #tpu.memory_space<vmem>>
    %dma_wait3A_709 = tpu.memref_squeeze %dma_wait3A_708 : memref<1x32x128xf32, #tpu.memory_space<vmem>> -> memref<32x128xf32, #tpu.memory_space<vmem>>
    %dma_wait3A_710 = arith.constant 320 : i32
    %dma_wait3A_711 = tpu.memref_slice %arg8[%dma_wait3A_710] : memref<768xi32, #tpu.memory_space<vmem>> -> memref<32xi32, #tpu.memory_space<vmem>>
    %dma_wait3A_712 = arith.constant 0 : i32
    %dma_wait3A_713 = arith.constant 0 : i32
    %dma_wait3A_714 = tpu.memref_slice %arg5[%dma_wait3A_712, %dma_wait3A_713] : memref<100000x128xf32, #tpu.memory_space<hbm>> -> memref<100000x128xf32, #tpu.memory_space<hbm>>
    tpu.wait_indirect_dma semaphore(%arg12 : memref<!tpu.dma_semaphore, #tpu.memory_space<semaphore_mem>>) src(%dma_wait3A_714 : memref<100000x128xf32, #tpu.memory_space<hbm>>) dst(%dma_wait3A_709 : memref<32x128xf32, #tpu.memory_space<vmem>>)
    %dma_wait3A_715 = arith.constant 0 : i32
    %dma_wait3A_716 = arith.constant 3 : i32
    %dma_wait3A_717 = arith.constant 0 : i32
    %dma_wait3A_718 = arith.constant 0 : i32
    %dma_wait3A_719 = arith.constant 0 : i32
    %dma_wait3A_720 = tpu.memref_slice %arg10[%dma_wait3A_715, %dma_wait3A_717, %dma_wait3A_718, %dma_wait3A_719] : memref<2x6x32x128xf32, #tpu.memory_space<vmem>> -> memref<1x6x32x128xf32, #tpu.memory_space<vmem>>
    %dma_wait3A_721 = tpu.memref_squeeze %dma_wait3A_720 : memref<1x6x32x128xf32, #tpu.memory_space<vmem>> -> memref<6x32x128xf32, #tpu.memory_space<vmem>>
    %dma_wait3A_722 = arith.constant 0 : i32
    %dma_wait3A_723 = arith.constant 0 : i32
    %dma_wait3A_724 = tpu.memref_slice %dma_wait3A_721[%dma_wait3A_716, %dma_wait3A_722, %dma_wait3A_723] : memref<6x32x128xf32, #tpu.memory_space<vmem>> -> memref<1x32x128xf32, #tpu.memory_space<vmem>>
    %dma_wait3A_725 = tpu.memref_squeeze %dma_wait3A_724 : memref<1x32x128xf32, #tpu.memory_space<vmem>> -> memref<32x128xf32, #tpu.memory_space<vmem>>
    %dma_wait3A_726 = arith.constant 448 : i32
    %dma_wait3A_727 = tpu.memref_slice %arg8[%dma_wait3A_726] : memref<768xi32, #tpu.memory_space<vmem>> -> memref<32xi32, #tpu.memory_space<vmem>>
    %dma_wait3A_728 = arith.constant 0 : i32
    %dma_wait3A_729 = arith.constant 0 : i32
    %dma_wait3A_730 = tpu.memref_slice %arg5[%dma_wait3A_728, %dma_wait3A_729] : memref<100000x128xf32, #tpu.memory_space<hbm>> -> memref<100000x128xf32, #tpu.memory_space<hbm>>
    tpu.wait_indirect_dma semaphore(%arg12 : memref<!tpu.dma_semaphore, #tpu.memory_space<semaphore_mem>>) src(%dma_wait3A_730 : memref<100000x128xf32, #tpu.memory_space<hbm>>) dst(%dma_wait3A_725 : memref<32x128xf32, #tpu.memory_space<vmem>>)
    %dma_wait3A_731 = arith.constant 0 : i32
    %dma_wait3A_732 = arith.constant 4 : i32
    %dma_wait3A_733 = arith.constant 0 : i32
    %dma_wait3A_734 = arith.constant 0 : i32
    %dma_wait3A_735 = arith.constant 0 : i32
    %dma_wait3A_736 = tpu.memref_slice %arg10[%dma_wait3A_731, %dma_wait3A_733, %dma_wait3A_734, %dma_wait3A_735] : memref<2x6x32x128xf32, #tpu.memory_space<vmem>> -> memref<1x6x32x128xf32, #tpu.memory_space<vmem>>
    %dma_wait3A_737 = tpu.memref_squeeze %dma_wait3A_736 : memref<1x6x32x128xf32, #tpu.memory_space<vmem>> -> memref<6x32x128xf32, #tpu.memory_space<vmem>>
    %dma_wait3A_738 = arith.constant 0 : i32
    %dma_wait3A_739 = arith.constant 0 : i32
    %dma_wait3A_740 = tpu.memref_slice %dma_wait3A_737[%dma_wait3A_732, %dma_wait3A_738, %dma_wait3A_739] : memref<6x32x128xf32, #tpu.memory_space<vmem>> -> memref<1x32x128xf32, #tpu.memory_space<vmem>>
    %dma_wait3A_741 = tpu.memref_squeeze %dma_wait3A_740 : memref<1x32x128xf32, #tpu.memory_space<vmem>> -> memref<32x128xf32, #tpu.memory_space<vmem>>
    %dma_wait3A_742 = arith.constant 576 : i32
    %dma_wait3A_743 = tpu.memref_slice %arg8[%dma_wait3A_742] : memref<768xi32, #tpu.memory_space<vmem>> -> memref<32xi32, #tpu.memory_space<vmem>>
    %dma_wait3A_744 = arith.constant 0 : i32
    %dma_wait3A_745 = arith.constant 0 : i32
    %dma_wait3A_746 = tpu.memref_slice %arg5[%dma_wait3A_744, %dma_wait3A_745] : memref<100000x128xf32, #tpu.memory_space<hbm>> -> memref<100000x128xf32, #tpu.memory_space<hbm>>
    tpu.wait_indirect_dma semaphore(%arg12 : memref<!tpu.dma_semaphore, #tpu.memory_space<semaphore_mem>>) src(%dma_wait3A_746 : memref<100000x128xf32, #tpu.memory_space<hbm>>) dst(%dma_wait3A_741 : memref<32x128xf32, #tpu.memory_space<vmem>>)
    %dma_wait3A_747 = arith.constant 0 : i32
    %dma_wait3A_748 = arith.constant 5 : i32
    %dma_wait3A_749 = arith.constant 0 : i32
    %dma_wait3A_750 = arith.constant 0 : i32
    %dma_wait3A_751 = arith.constant 0 : i32
    %dma_wait3A_752 = tpu.memref_slice %arg10[%dma_wait3A_747, %dma_wait3A_749, %dma_wait3A_750, %dma_wait3A_751] : memref<2x6x32x128xf32, #tpu.memory_space<vmem>> -> memref<1x6x32x128xf32, #tpu.memory_space<vmem>>
    %dma_wait3A_753 = tpu.memref_squeeze %dma_wait3A_752 : memref<1x6x32x128xf32, #tpu.memory_space<vmem>> -> memref<6x32x128xf32, #tpu.memory_space<vmem>>
    %dma_wait3A_754 = arith.constant 0 : i32
    %dma_wait3A_755 = arith.constant 0 : i32
    %dma_wait3A_756 = tpu.memref_slice %dma_wait3A_753[%dma_wait3A_748, %dma_wait3A_754, %dma_wait3A_755] : memref<6x32x128xf32, #tpu.memory_space<vmem>> -> memref<1x32x128xf32, #tpu.memory_space<vmem>>
    %dma_wait3A_757 = tpu.memref_squeeze %dma_wait3A_756 : memref<1x32x128xf32, #tpu.memory_space<vmem>> -> memref<32x128xf32, #tpu.memory_space<vmem>>
    %dma_wait3A_758 = arith.constant 704 : i32
    %dma_wait3A_759 = tpu.memref_slice %arg8[%dma_wait3A_758] : memref<768xi32, #tpu.memory_space<vmem>> -> memref<32xi32, #tpu.memory_space<vmem>>
    %dma_wait3A_760 = arith.constant 0 : i32
    %dma_wait3A_761 = arith.constant 0 : i32
    %dma_wait3A_762 = tpu.memref_slice %arg5[%dma_wait3A_760, %dma_wait3A_761] : memref<100000x128xf32, #tpu.memory_space<hbm>> -> memref<100000x128xf32, #tpu.memory_space<hbm>>
    tpu.wait_indirect_dma semaphore(%arg12 : memref<!tpu.dma_semaphore, #tpu.memory_space<semaphore_mem>>) src(%dma_wait3A_762 : memref<100000x128xf32, #tpu.memory_space<hbm>>) dst(%dma_wait3A_757 : memref<32x128xf32, #tpu.memory_space<vmem>>)
    %scan3A_763 = arith.constant 0 : i32
    %scan3A_764 = arith.constant 0 : i32
    %scan3A_765 = arith.constant 0 : i32
    %scan3A_766 = arith.constant 32 : i32
    %scan3A_767 = arith.addi %scan3A_765, %scan3A_766 : i32
    %scan3A_768 = arith.constant 1 : i32
    scf.for %scan3A_883 = %scan3A_765 to %scan3A_767 step %scan3A_768  : i32 {
      %mul3A_884 = arith.constant 1 : i32
      %mul3A_885 = arith.muli %scan3A_883, %mul3A_884 : i32
      %add3A_886 = arith.constant 0 : i32
      %add3A_887 = arith.addi %add3A_886, %mul3A_885 : i32
      %get3A = arith.constant 0 : i32
      %get3A_888 = arith.constant 0 : i32
      %get3A_889 = tpu.memref_slice %arg9[%scan3A_763, %get3A, %get3A_888] : memref<2x32x128xf32, #tpu.memory_space<vmem>> -> memref<1x32x128xf32, #tpu.memory_space<vmem>>
      %get3A_890 = tpu.memref_squeeze %get3A_889 : memref<1x32x128xf32, #tpu.memory_space<vmem>> -> memref<32x128xf32, #tpu.memory_space<vmem>>
      %get3A_891 = arith.index_cast %add3A_887 : i32 to index
      %get3A_892 = arith.constant 0 : index
      %get3A_893 = tpu.vector_load %get3A_890[%get3A_891, %get3A_892] {strides = array<i32>} : memref<32x128xf32, #tpu.memory_space<vmem>>, vector<16xf32>,
      %get3A_894 = arith.constant 0 : i32
      %get3A_895 = arith.constant 0 : i32
      %get3A_896 = tpu.memref_slice %arg9[%scan3A_763, %get3A_894, %get3A_895] : memref<2x32x128xf32, #tpu.memory_space<vmem>> -> memref<1x32x128xf32, #tpu.memory_space<vmem>>
      %get3A_897 = tpu.memref_squeeze %get3A_896 : memref<1x32x128xf32, #tpu.memory_space<vmem>> -> memref<32x128xf32, #tpu.memory_space<vmem>>
      %get3A_898 = arith.index_cast %add3A_887 : i32 to index
      %get3A_899 = arith.constant 16 : index
      %get3A_900 = tpu.vector_load %get3A_897[%get3A_898, %get3A_899] {strides = array<i32>} : memref<32x128xf32, #tpu.memory_space<vmem>>, vector<16xf32>,
      %get3A_901 = arith.constant 0 : i32
      %get3A_902 = arith.constant 0 : i32
      %get3A_903 = tpu.memref_slice %arg9[%scan3A_763, %get3A_901, %get3A_902] : memref<2x32x128xf32, #tpu.memory_space<vmem>> -> memref<1x32x128xf32, #tpu.memory_space<vmem>>
      %get3A_904 = tpu.memref_squeeze %get3A_903 : memref<1x32x128xf32, #tpu.memory_space<vmem>> -> memref<32x128xf32, #tpu.memory_space<vmem>>
      %get3A_905 = arith.index_cast %add3A_887 : i32 to index
      %get3A_906 = arith.constant 32 : index
      %get3A_907 = tpu.vector_load %get3A_904[%get3A_905, %get3A_906] {strides = array<i32>} : memref<32x128xf32, #tpu.memory_space<vmem>>, vector<16xf32>,
      %get3A_908 = arith.constant 0 : i32
      %get3A_909 = arith.constant 0 : i32
      %get3A_910 = tpu.memref_slice %arg9[%scan3A_763, %get3A_908, %get3A_909] : memref<2x32x128xf32, #tpu.memory_space<vmem>> -> memref<1x32x128xf32, #tpu.memory_space<vmem>>
      %get3A_911 = tpu.memref_squeeze %get3A_910 : memref<1x32x128xf32, #tpu.memory_space<vmem>> -> memref<32x128xf32, #tpu.memory_space<vmem>>
      %get3A_912 = arith.index_cast %add3A_887 : i32 to index
      %get3A_913 = arith.constant 48 : index
      %get3A_914 = tpu.vector_load %get3A_911[%get3A_912, %get3A_913] {strides = array<i32>} : memref<32x128xf32, #tpu.memory_space<vmem>>, vector<16xf32>,
      %get3A_915 = arith.constant 0 : i32
      %get3A_916 = arith.constant 0 : i32
      %get3A_917 = tpu.memref_slice %arg9[%scan3A_763, %get3A_915, %get3A_916] : memref<2x32x128xf32, #tpu.memory_space<vmem>> -> memref<1x32x128xf32, #tpu.memory_space<vmem>>
      %get3A_918 = tpu.memref_squeeze %get3A_917 : memref<1x32x128xf32, #tpu.memory_space<vmem>> -> memref<32x128xf32, #tpu.memory_space<vmem>>
      %get3A_919 = arith.index_cast %add3A_887 : i32 to index
      %get3A_920 = arith.constant 64 : index
      %get3A_921 = tpu.vector_load %get3A_918[%get3A_919, %get3A_920] {strides = array<i32>} : memref<32x128xf32, #tpu.memory_space<vmem>>, vector<16xf32>,
      %get3A_922 = arith.constant 0 : i32
      %get3A_923 = arith.constant 0 : i32
      %get3A_924 = tpu.memref_slice %arg9[%scan3A_763, %get3A_922, %get3A_923] : memref<2x32x128xf32, #tpu.memory_space<vmem>> -> memref<1x32x128xf32, #tpu.memory_space<vmem>>
      %get3A_925 = tpu.memref_squeeze %get3A_924 : memref<1x32x128xf32, #tpu.memory_space<vmem>> -> memref<32x128xf32, #tpu.memory_space<vmem>>
      %get3A_926 = arith.index_cast %add3A_887 : i32 to index
      %get3A_927 = arith.constant 80 : index
      %get3A_928 = tpu.vector_load %get3A_925[%get3A_926, %get3A_927] {strides = array<i32>} : memref<32x128xf32, #tpu.memory_space<vmem>>, vector<16xf32>,
      %get3A_929 = arith.constant 0 : i32
      %get3A_930 = arith.constant 0 : i32
      %get3A_931 = tpu.memref_slice %arg9[%scan3A_763, %get3A_929, %get3A_930] : memref<2x32x128xf32, #tpu.memory_space<vmem>> -> memref<1x32x128xf32, #tpu.memory_space<vmem>>
      %get3A_932 = tpu.memref_squeeze %get3A_931 : memref<1x32x128xf32, #tpu.memory_space<vmem>> -> memref<32x128xf32, #tpu.memory_space<vmem>>
      %get3A_933 = arith.index_cast %add3A_887 : i32 to index
      %get3A_934 = arith.constant 96 : index
      %get3A_935 = tpu.vector_load %get3A_932[%get3A_933, %get3A_934] {strides = array<i32>} : memref<32x128xf32, #tpu.memory_space<vmem>>, vector<16xf32>,
      %get3A_936 = arith.constant 0 : i32
      %get3A_937 = arith.constant 0 : i32
      %get3A_938 = tpu.memref_slice %arg9[%scan3A_763, %get3A_936, %get3A_937] : memref<2x32x128xf32, #tpu.memory_space<vmem>> -> memref<1x32x128xf32, #tpu.memory_space<vmem>>
      %get3A_939 = tpu.memref_squeeze %get3A_938 : memref<1x32x128xf32, #tpu.memory_space<vmem>> -> memref<32x128xf32, #tpu.memory_space<vmem>>
      %get3A_940 = arith.index_cast %add3A_887 : i32 to index
      %get3A_941 = arith.constant 112 : index
      %get3A_942 = tpu.vector_load %get3A_939[%get3A_940, %get3A_941] {strides = array<i32>} : memref<32x128xf32, #tpu.memory_space<vmem>>, vector<16xf32>,
      %broadcast_in_dim3A = arith.constant 0.000000e+00 : f32
      %broadcast_in_dim3A_943 = vector.broadcast %broadcast_in_dim3A : f32 to vector<16xf32>
      %get3A_944 = arith.constant 0 : i32
      %get3A_945 = arith.constant 0 : i32
      %get3A_946 = arith.constant 0 : i32
      %get3A_947 = arith.constant 0 : i32
      %get3A_948 = tpu.memref_slice %arg10[%scan3A_764, %get3A_945, %get3A_946, %get3A_947] : memref<2x6x32x128xf32, #tpu.memory_space<vmem>> -> memref<1x6x32x128xf32, #tpu.memory_space<vmem>>
      %get3A_949 = tpu.memref_squeeze %get3A_948 : memref<1x6x32x128xf32, #tpu.memory_space<vmem>> -> memref<6x32x128xf32, #tpu.memory_space<vmem>>
      %get3A_950 = arith.index_cast %get3A_944 : i32 to index
      %get3A_951 = arith.index_cast %add3A_887 : i32 to index
      %get3A_952 = arith.constant 0 : index
      %get3A_953 = tpu.vector_load %get3A_949[%get3A_950, %get3A_951, %get3A_952] {strides = array<i32>} : memref<6x32x128xf32, #tpu.memory_space<vmem>>, vector<16xf32>,
      %mul3A_954 = arith.mulf %get3A_893, %get3A_953 : vector<16xf32>
      %get3A_955 = arith.constant 0 : i32
      %get3A_956 = arith.constant 0 : i32
      %get3A_957 = arith.constant 0 : i32
      %get3A_958 = arith.constant 0 : i32
      %get3A_959 = tpu.memref_slice %arg10[%scan3A_764, %get3A_956, %get3A_957, %get3A_958] : memref<2x6x32x128xf32, #tpu.memory_space<vmem>> -> memref<1x6x32x128xf32, #tpu.memory_space<vmem>>
      %get3A_960 = tpu.memref_squeeze %get3A_959 : memref<1x6x32x128xf32, #tpu.memory_space<vmem>> -> memref<6x32x128xf32, #tpu.memory_space<vmem>>
      %get3A_961 = arith.index_cast %get3A_955 : i32 to index
      %get3A_962 = arith.index_cast %add3A_887 : i32 to index
      %get3A_963 = arith.constant 16 : index
      %get3A_964 = tpu.vector_load %get3A_960[%get3A_961, %get3A_962, %get3A_963] {strides = array<i32>} : memref<6x32x128xf32, #tpu.memory_space<vmem>>, vector<16xf32>,
      %mul3A_965 = arith.mulf %get3A_900, %get3A_964 : vector<16xf32>
      %add3A_966 = arith.addf %mul3A_954, %mul3A_965 : vector<16xf32>
      %get3A_967 = arith.constant 0 : i32
      %get3A_968 = arith.constant 0 : i32
      %get3A_969 = arith.constant 0 : i32
      %get3A_970 = arith.constant 0 : i32
      %get3A_971 = tpu.memref_slice %arg10[%scan3A_764, %get3A_968, %get3A_969, %get3A_970] : memref<2x6x32x128xf32, #tpu.memory_space<vmem>> -> memref<1x6x32x128xf32, #tpu.memory_space<vmem>>
      %get3A_972 = tpu.memref_squeeze %get3A_971 : memref<1x6x32x128xf32, #tpu.memory_space<vmem>> -> memref<6x32x128xf32, #tpu.memory_space<vmem>>
      %get3A_973 = arith.index_cast %get3A_967 : i32 to index
      %get3A_974 = arith.index_cast %add3A_887 : i32 to index
      %get3A_975 = arith.constant 32 : index
      %get3A_976 = tpu.vector_load %get3A_972[%get3A_973, %get3A_974, %get3A_975] {strides = array<i32>} : memref<6x32x128xf32, #tpu.memory_space<vmem>>, vector<16xf32>,
      %mul3A_977 = arith.mulf %get3A_907, %get3A_976 : vector<16xf32>
      %add3A_978 = arith.addf %add3A_966, %mul3A_977 : vector<16xf32>
      %get3A_979 = arith.constant 0 : i32
      %get3A_980 = arith.constant 0 : i32
      %get3A_981 = arith.constant 0 : i32
      %get3A_982 = arith.constant 0 : i32
      %get3A_983 = tpu.memref_slice %arg10[%scan3A_764, %get3A_980, %get3A_981, %get3A_982] : memref<2x6x32x128xf32, #tpu.memory_space<vmem>> -> memref<1x6x32x128xf32, #tpu.memory_space<vmem>>
      %get3A_984 = tpu.memref_squeeze %get3A_983 : memref<1x6x32x128xf32, #tpu.memory_space<vmem>> -> memref<6x32x128xf32, #tpu.memory_space<vmem>>
      %get3A_985 = arith.index_cast %get3A_979 : i32 to index
      %get3A_986 = arith.index_cast %add3A_887 : i32 to index
      %get3A_987 = arith.constant 48 : index
      %get3A_988 = tpu.vector_load %get3A_984[%get3A_985, %get3A_986, %get3A_987] {strides = array<i32>} : memref<6x32x128xf32, #tpu.memory_space<vmem>>, vector<16xf32>,
      %mul3A_989 = arith.mulf %get3A_914, %get3A_988 : vector<16xf32>
      %add3A_990 = arith.addf %add3A_978, %mul3A_989 : vector<16xf32>
      %get3A_991 = arith.constant 0 : i32
      %get3A_992 = arith.constant 0 : i32
      %get3A_993 = arith.constant 0 : i32
      %get3A_994 = arith.constant 0 : i32
      %get3A_995 = tpu.memref_slice %arg10[%scan3A_764, %get3A_992, %get3A_993, %get3A_994] : memref<2x6x32x128xf32, #tpu.memory_space<vmem>> -> memref<1x6x32x128xf32, #tpu.memory_space<vmem>>
      %get3A_996 = tpu.memref_squeeze %get3A_995 : memref<1x6x32x128xf32, #tpu.memory_space<vmem>> -> memref<6x32x128xf32, #tpu.memory_space<vmem>>
      %get3A_997 = arith.index_cast %get3A_991 : i32 to index
      %get3A_998 = arith.index_cast %add3A_887 : i32 to index
      %get3A_999 = arith.constant 64 : index
      %get3A_1000 = tpu.vector_load %get3A_996[%get3A_997, %get3A_998, %get3A_999] {strides = array<i32>} : memref<6x32x128xf32, #tpu.memory_space<vmem>>, vector<16xf32>,
      %mul3A_1001 = arith.mulf %get3A_921, %get3A_1000 : vector<16xf32>
      %add3A_1002 = arith.addf %add3A_990, %mul3A_1001 : vector<16xf32>
      %get3A_1003 = arith.constant 0 : i32
      %get3A_1004 = arith.constant 0 : i32
      %get3A_1005 = arith.constant 0 : i32
      %get3A_1006 = arith.constant 0 : i32
      %get3A_1007 = tpu.memref_slice %arg10[%scan3A_764, %get3A_1004, %get3A_1005, %get3A_1006] : memref<2x6x32x128xf32, #tpu.memory_space<vmem>> -> memref<1x6x32x128xf32, #tpu.memory_space<vmem>>
      %get3A_1008 = tpu.memref_squeeze %get3A_1007 : memref<1x6x32x128xf32, #tpu.memory_space<vmem>> -> memref<6x32x128xf32, #tpu.memory_space<vmem>>
      %get3A_1009 = arith.index_cast %get3A_1003 : i32 to index
      %get3A_1010 = arith.index_cast %add3A_887 : i32 to index
      %get3A_1011 = arith.constant 80 : index
      %get3A_1012 = tpu.vector_load %get3A_1008[%get3A_1009, %get3A_1010, %get3A_1011] {strides = array<i32>} : memref<6x32x128xf32, #tpu.memory_space<vmem>>, vector<16xf32>,
      %mul3A_1013 = arith.mulf %get3A_928, %get3A_1012 : vector<16xf32>
      %add3A_1014 = arith.addf %add3A_1002, %mul3A_1013 : vector<16xf32>
      %get3A_1015 = arith.constant 0 : i32
      %get3A_1016 = arith.constant 0 : i32
      %get3A_1017 = arith.constant 0 : i32
      %get3A_1018 = arith.constant 0 : i32
      %get3A_1019 = tpu.memref_slice %arg10[%scan3A_764, %get3A_1016, %get3A_1017, %get3A_1018] : memref<2x6x32x128xf32, #tpu.memory_space<vmem>> -> memref<1x6x32x128xf32, #tpu.memory_space<vmem>>
      %get3A_1020 = tpu.memref_squeeze %get3A_1019 : memref<1x6x32x128xf32, #tpu.memory_space<vmem>> -> memref<6x32x128xf32, #tpu.memory_space<vmem>>
      %get3A_1021 = arith.index_cast %get3A_1015 : i32 to index
      %get3A_1022 = arith.index_cast %add3A_887 : i32 to index
      %get3A_1023 = arith.constant 96 : index
      %get3A_1024 = tpu.vector_load %get3A_1020[%get3A_1021, %get3A_1022, %get3A_1023] {strides = array<i32>} : memref<6x32x128xf32, #tpu.memory_space<vmem>>, vector<16xf32>,
      %mul3A_1025 = arith.mulf %get3A_935, %get3A_1024 : vector<16xf32>
      %add3A_1026 = arith.addf %add3A_1014, %mul3A_1025 : vector<16xf32>
      %get3A_1027 = arith.constant 0 : i32
      %get3A_1028 = arith.constant 0 : i32
      %get3A_1029 = arith.constant 0 : i32
      %get3A_1030 = arith.constant 0 : i32
      %get3A_1031 = tpu.memref_slice %arg10[%scan3A_764, %get3A_1028, %get3A_1029, %get3A_1030] : memref<2x6x32x128xf32, #tpu.memory_space<vmem>> -> memref<1x6x32x128xf32, #tpu.memory_space<vmem>>
      %get3A_1032 = tpu.memref_squeeze %get3A_1031 : memref<1x6x32x128xf32, #tpu.memory_space<vmem>> -> memref<6x32x128xf32, #tpu.memory_space<vmem>>
      %get3A_1033 = arith.index_cast %get3A_1027 : i32 to index
      %get3A_1034 = arith.index_cast %add3A_887 : i32 to index
      %get3A_1035 = arith.constant 112 : index
      %get3A_1036 = tpu.vector_load %get3A_1032[%get3A_1033, %get3A_1034, %get3A_1035] {strides = array<i32>} : memref<6x32x128xf32, #tpu.memory_space<vmem>>, vector<16xf32>,
      %mul3A_1037 = arith.mulf %get3A_942, %get3A_1036 : vector<16xf32>
      %add3A_1038 = arith.addf %add3A_1026, %mul3A_1037 : vector<16xf32>
      %eq3A = arith.constant 0 : i32
      %eq3A_1039 = vector.broadcast %eq3A : i32 to vector<16xi32>
      %eq3A_1040 = arith.cmpi eq, %iota3A, %eq3A_1039 : vector<16xi32>
      %reduce_sum3A = arith.constant true
      %reduce_sum3A_1041 = vector.broadcast %reduce_sum3A : i1 to vector<16xi1>
      %reduce_sum3A_1042 = tpu.scan <sum>, %add3A_1038 masked %reduce_sum3A_1041 : vector<16xf32>, vector<16xi1> -> vector<16xf32>
      %reduce_sum3A_1043 = vector.extract %reduce_sum3A_1042[15] : f32 from vector<16xf32>
      %broadcast_in_dim3A_1044 = vector.broadcast %reduce_sum3A_1043 : f32 to vector<16xf32>
      %select_n3A = arith.select %eq3A_1040, %broadcast_in_dim3A_1044, %broadcast_in_dim3A_943 : vector<16xi1>, vector<16xf32>
      %get3A_1045 = arith.constant 1 : i32
      %get3A_1046 = arith.constant 0 : i32
      %get3A_1047 = arith.constant 0 : i32
      %get3A_1048 = arith.constant 0 : i32
      %get3A_1049 = tpu.memref_slice %arg10[%scan3A_764, %get3A_1046, %get3A_1047, %get3A_1048] : memref<2x6x32x128xf32, #tpu.memory_space<vmem>> -> memref<1x6x32x128xf32, #tpu.memory_space<vmem>>
      %get3A_1050 = tpu.memref_squeeze %get3A_1049 : memref<1x6x32x128xf32, #tpu.memory_space<vmem>> -> memref<6x32x128xf32, #tpu.memory_space<vmem>>
      %get3A_1051 = arith.index_cast %get3A_1045 : i32 to index
      %get3A_1052 = arith.index_cast %add3A_887 : i32 to index
      %get3A_1053 = arith.constant 0 : index
      %get3A_1054 = tpu.vector_load %get3A_1050[%get3A_1051, %get3A_1052, %get3A_1053] {strides = array<i32>} : memref<6x32x128xf32, #tpu.memory_space<vmem>>, vector<16xf32>,
      %mul3A_1055 = arith.mulf %get3A_893, %get3A_1054 : vector<16xf32>
      %get3A_1056 = arith.constant 1 : i32
      %get3A_1057 = arith.constant 0 : i32
      %get3A_1058 = arith.constant 0 : i32
      %get3A_1059 = arith.constant 0 : i32
      %get3A_1060 = tpu.memref_slice %arg10[%scan3A_764, %get3A_1057, %get3A_1058, %get3A_1059] : memref<2x6x32x128xf32, #tpu.memory_space<vmem>> -> memref<1x6x32x128xf32, #tpu.memory_space<vmem>>
      %get3A_1061 = tpu.memref_squeeze %get3A_1060 : memref<1x6x32x128xf32, #tpu.memory_space<vmem>> -> memref<6x32x128xf32, #tpu.memory_space<vmem>>
      %get3A_1062 = arith.index_cast %get3A_1056 : i32 to index
      %get3A_1063 = arith.index_cast %add3A_887 : i32 to index
      %get3A_1064 = arith.constant 16 : index
      %get3A_1065 = tpu.vector_load %get3A_1061[%get3A_1062, %get3A_1063, %get3A_1064] {strides = array<i32>} : memref<6x32x128xf32, #tpu.memory_space<vmem>>, vector<16xf32>,
      %mul3A_1066 = arith.mulf %get3A_900, %get3A_1065 : vector<16xf32>
      %add3A_1067 = arith.addf %mul3A_1055, %mul3A_1066 : vector<16xf32>
      %get3A_1068 = arith.constant 1 : i32
      %get3A_1069 = arith.constant 0 : i32
      %get3A_1070 = arith.constant 0 : i32
      %get3A_1071 = arith.constant 0 : i32
      %get3A_1072 = tpu.memref_slice %arg10[%scan3A_764, %get3A_1069, %get3A_1070, %get3A_1071] : memref<2x6x32x128xf32, #tpu.memory_space<vmem>> -> memref<1x6x32x128xf32, #tpu.memory_space<vmem>>
      %get3A_1073 = tpu.memref_squeeze %get3A_1072 : memref<1x6x32x128xf32, #tpu.memory_space<vmem>> -> memref<6x32x128xf32, #tpu.memory_space<vmem>>
      %get3A_1074 = arith.index_cast %get3A_1068 : i32 to index
      %get3A_1075 = arith.index_cast %add3A_887 : i32 to index
      %get3A_1076 = arith.constant 32 : index
      %get3A_1077 = tpu.vector_load %get3A_1073[%get3A_1074, %get3A_1075, %get3A_1076] {strides = array<i32>} : memref<6x32x128xf32, #tpu.memory_space<vmem>>, vector<16xf32>,
      %mul3A_1078 = arith.mulf %get3A_907, %get3A_1077 : vector<16xf32>
      %add3A_1079 = arith.addf %add3A_1067, %mul3A_1078 : vector<16xf32>
      %get3A_1080 = arith.constant 1 : i32
      %get3A_1081 = arith.constant 0 : i32
      %get3A_1082 = arith.constant 0 : i32
      %get3A_1083 = arith.constant 0 : i32
      %get3A_1084 = tpu.memref_slice %arg10[%scan3A_764, %get3A_1081, %get3A_1082, %get3A_1083] : memref<2x6x32x128xf32, #tpu.memory_space<vmem>> -> memref<1x6x32x128xf32, #tpu.memory_space<vmem>>
      %get3A_1085 = tpu.memref_squeeze %get3A_1084 : memref<1x6x32x128xf32, #tpu.memory_space<vmem>> -> memref<6x32x128xf32, #tpu.memory_space<vmem>>
      %get3A_1086 = arith.index_cast %get3A_1080 : i32 to index
      %get3A_1087 = arith.index_cast %add3A_887 : i32 to index
      %get3A_1088 = arith.constant 48 : index
      %get3A_1089 = tpu.vector_load %get3A_1085[%get3A_1086, %get3A_1087, %get3A_1088] {strides = array<i32>} : memref<6x32x128xf32, #tpu.memory_space<vmem>>, vector<16xf32>,
      %mul3A_1090 = arith.mulf %get3A_914, %get3A_1089 : vector<16xf32>
      %add3A_1091 = arith.addf %add3A_1079, %mul3A_1090 : vector<16xf32>
      %get3A_1092 = arith.constant 1 : i32
      %get3A_1093 = arith.constant 0 : i32
      %get3A_1094 = arith.constant 0 : i32
      %get3A_1095 = arith.constant 0 : i32
      %get3A_1096 = tpu.memref_slice %arg10[%scan3A_764, %get3A_1093, %get3A_1094, %get3A_1095] : memref<2x6x32x128xf32, #tpu.memory_space<vmem>> -> memref<1x6x32x128xf32, #tpu.memory_space<vmem>>
      %get3A_1097 = tpu.memref_squeeze %get3A_1096 : memref<1x6x32x128xf32, #tpu.memory_space<vmem>> -> memref<6x32x128xf32, #tpu.memory_space<vmem>>
      %get3A_1098 = arith.index_cast %get3A_1092 : i32 to index
      %get3A_1099 = arith.index_cast %add3A_887 : i32 to index
      %get3A_1100 = arith.constant 64 : index
      %get3A_1101 = tpu.vector_load %get3A_1097[%get3A_1098, %get3A_1099, %get3A_1100] {strides = array<i32>} : memref<6x32x128xf32, #tpu.memory_space<vmem>>, vector<16xf32>,
      %mul3A_1102 = arith.mulf %get3A_921, %get3A_1101 : vector<16xf32>
      %add3A_1103 = arith.addf %add3A_1091, %mul3A_1102 : vector<16xf32>
      %get3A_1104 = arith.constant 1 : i32
      %get3A_1105 = arith.constant 0 : i32
      %get3A_1106 = arith.constant 0 : i32
      %get3A_1107 = arith.constant 0 : i32
      %get3A_1108 = tpu.memref_slice %arg10[%scan3A_764, %get3A_1105, %get3A_1106, %get3A_1107] : memref<2x6x32x128xf32, #tpu.memory_space<vmem>> -> memref<1x6x32x128xf32, #tpu.memory_space<vmem>>
      %get3A_1109 = tpu.memref_squeeze %get3A_1108 : memref<1x6x32x128xf32, #tpu.memory_space<vmem>> -> memref<6x32x128xf32, #tpu.memory_space<vmem>>
      %get3A_1110 = arith.index_cast %get3A_1104 : i32 to index
      %get3A_1111 = arith.index_cast %add3A_887 : i32 to index
      %get3A_1112 = arith.constant 80 : index
      %get3A_1113 = tpu.vector_load %get3A_1109[%get3A_1110, %get3A_1111, %get3A_1112] {strides = array<i32>} : memref<6x32x128xf32, #tpu.memory_space<vmem>>, vector<16xf32>,
      %mul3A_1114 = arith.mulf %get3A_928, %get3A_1113 : vector<16xf32>
      %add3A_1115 = arith.addf %add3A_1103, %mul3A_1114 : vector<16xf32>
      %get3A_1116 = arith.constant 1 : i32
      %get3A_1117 = arith.constant 0 : i32
      %get3A_1118 = arith.constant 0 : i32
      %get3A_1119 = arith.constant 0 : i32
      %get3A_1120 = tpu.memref_slice %arg10[%scan3A_764, %get3A_1117, %get3A_1118, %get3A_1119] : memref<2x6x32x128xf32, #tpu.memory_space<vmem>> -> memref<1x6x32x128xf32, #tpu.memory_space<vmem>>
      %get3A_1121 = tpu.memref_squeeze %get3A_1120 : memref<1x6x32x128xf32, #tpu.memory_space<vmem>> -> memref<6x32x128xf32, #tpu.memory_space<vmem>>
      %get3A_1122 = arith.index_cast %get3A_1116 : i32 to index
      %get3A_1123 = arith.index_cast %add3A_887 : i32 to index
      %get3A_1124 = arith.constant 96 : index
      %get3A_1125 = tpu.vector_load %get3A_1121[%get3A_1122, %get3A_1123, %get3A_1124] {strides = array<i32>} : memref<6x32x128xf32, #tpu.memory_space<vmem>>, vector<16xf32>,
      %mul3A_1126 = arith.mulf %get3A_935, %get3A_1125 : vector<16xf32>
      %add3A_1127 = arith.addf %add3A_1115, %mul3A_1126 : vector<16xf32>
      %get3A_1128 = arith.constant 1 : i32
      %get3A_1129 = arith.constant 0 : i32
      %get3A_1130 = arith.constant 0 : i32
      %get3A_1131 = arith.constant 0 : i32
      %get3A_1132 = tpu.memref_slice %arg10[%scan3A_764, %get3A_1129, %get3A_1130, %get3A_1131] : memref<2x6x32x128xf32, #tpu.memory_space<vmem>> -> memref<1x6x32x128xf32, #tpu.memory_space<vmem>>
      %get3A_1133 = tpu.memref_squeeze %get3A_1132 : memref<1x6x32x128xf32, #tpu.memory_space<vmem>> -> memref<6x32x128xf32, #tpu.memory_space<vmem>>
      %get3A_1134 = arith.index_cast %get3A_1128 : i32 to index
      %get3A_1135 = arith.index_cast %add3A_887 : i32 to index
      %get3A_1136 = arith.constant 112 : index
      %get3A_1137 = tpu.vector_load %get3A_1133[%get3A_1134, %get3A_1135, %get3A_1136] {strides = array<i32>} : memref<6x32x128xf32, #tpu.memory_space<vmem>>, vector<16xf32>,
      %mul3A_1138 = arith.mulf %get3A_942, %get3A_1137 : vector<16xf32>
      %add3A_1139 = arith.addf %add3A_1127, %mul3A_1138 : vector<16xf32>
      %eq3A_1140 = arith.constant 1 : i32
      %eq3A_1141 = vector.broadcast %eq3A_1140 : i32 to vector<16xi32>
      %eq3A_1142 = arith.cmpi eq, %iota3A, %eq3A_1141 : vector<16xi32>
      %reduce_sum3A_1143 = arith.constant true
      %reduce_sum3A_1144 = vector.broadcast %reduce_sum3A_1143 : i1 to vector<16xi1>
      %reduce_sum3A_1145 = tpu.scan <sum>, %add3A_1139 masked %reduce_sum3A_1144 : vector<16xf32>, vector<16xi1> -> vector<16xf32>
      %reduce_sum3A_1146 = vector.extract %reduce_sum3A_1145[15] : f32 from vector<16xf32>
      %broadcast_in_dim3A_1147 = vector.broadcast %reduce_sum3A_1146 : f32 to vector<16xf32>
      %select_n3A_1148 = arith.select %eq3A_1142, %broadcast_in_dim3A_1147, %select_n3A : vector<16xi1>, vector<16xf32>
      %get3A_1149 = arith.constant 2 : i32
      %get3A_1150 = arith.constant 0 : i32
      %get3A_1151 = arith.constant 0 : i32
      %get3A_1152 = arith.constant 0 : i32
      %get3A_1153 = tpu.memref_slice %arg10[%scan3A_764, %get3A_1150, %get3A_1151, %get3A_1152] : memref<2x6x32x128xf32, #tpu.memory_space<vmem>> -> memref<1x6x32x128xf32, #tpu.memory_space<vmem>>
      %get3A_1154 = tpu.memref_squeeze %get3A_1153 : memref<1x6x32x128xf32, #tpu.memory_space<vmem>> -> memref<6x32x128xf32, #tpu.memory_space<vmem>>
      %get3A_1155 = arith.index_cast %get3A_1149 : i32 to index
      %get3A_1156 = arith.index_cast %add3A_887 : i32 to index
      %get3A_1157 = arith.constant 0 : index
      %get3A_1158 = tpu.vector_load %get3A_1154[%get3A_1155, %get3A_1156, %get3A_1157] {strides = array<i32>} : memref<6x32x128xf32, #tpu.memory_space<vmem>>, vector<16xf32>,
      %mul3A_1159 = arith.mulf %get3A_893, %get3A_1158 : vector<16xf32>
      %get3A_1160 = arith.constant 2 : i32
      %get3A_1161 = arith.constant 0 : i32
      %get3A_1162 = arith.constant 0 : i32
      %get3A_1163 = arith.constant 0 : i32
      %get3A_1164 = tpu.memref_slice %arg10[%scan3A_764, %get3A_1161, %get3A_1162, %get3A_1163] : memref<2x6x32x128xf32, #tpu.memory_space<vmem>> -> memref<1x6x32x128xf32, #tpu.memory_space<vmem>>
      %get3A_1165 = tpu.memref_squeeze %get3A_1164 : memref<1x6x32x128xf32, #tpu.memory_space<vmem>> -> memref<6x32x128xf32, #tpu.memory_space<vmem>>
      %get3A_1166 = arith.index_cast %get3A_1160 : i32 to index
      %get3A_1167 = arith.index_cast %add3A_887 : i32 to index
      %get3A_1168 = arith.constant 16 : index
      %get3A_1169 = tpu.vector_load %get3A_1165[%get3A_1166, %get3A_1167, %get3A_1168] {strides = array<i32>} : memref<6x32x128xf32, #tpu.memory_space<vmem>>, vector<16xf32>,
      %mul3A_1170 = arith.mulf %get3A_900, %get3A_1169 : vector<16xf32>
      %add3A_1171 = arith.addf %mul3A_1159, %mul3A_1170 : vector<16xf32>
      %get3A_1172 = arith.constant 2 : i32
      %get3A_1173 = arith.constant 0 : i32
      %get3A_1174 = arith.constant 0 : i32
      %get3A_1175 = arith.constant 0 : i32
      %get3A_1176 = tpu.memref_slice %arg10[%scan3A_764, %get3A_1173, %get3A_1174, %get3A_1175] : memref<2x6x32x128xf32, #tpu.memory_space<vmem>> -> memref<1x6x32x128xf32, #tpu.memory_space<vmem>>
      %get3A_1177 = tpu.memref_squeeze %get3A_1176 : memref<1x6x32x128xf32, #tpu.memory_space<vmem>> -> memref<6x32x128xf32, #tpu.memory_space<vmem>>
      %get3A_1178 = arith.index_cast %get3A_1172 : i32 to index
      %get3A_1179 = arith.index_cast %add3A_887 : i32 to index
      %get3A_1180 = arith.constant 32 : index
      %get3A_1181 = tpu.vector_load %get3A_1177[%get3A_1178, %get3A_1179, %get3A_1180] {strides = array<i32>} : memref<6x32x128xf32, #tpu.memory_space<vmem>>, vector<16xf32>,
      %mul3A_1182 = arith.mulf %get3A_907, %get3A_1181 : vector<16xf32>
      %add3A_1183 = arith.addf %add3A_1171, %mul3A_1182 : vector<16xf32>
      %get3A_1184 = arith.constant 2 : i32
      %get3A_1185 = arith.constant 0 : i32
      %get3A_1186 = arith.constant 0 : i32
      %get3A_1187 = arith.constant 0 : i32
      %get3A_1188 = tpu.memref_slice %arg10[%scan3A_764, %get3A_1185, %get3A_1186, %get3A_1187] : memref<2x6x32x128xf32, #tpu.memory_space<vmem>> -> memref<1x6x32x128xf32, #tpu.memory_space<vmem>>
      %get3A_1189 = tpu.memref_squeeze %get3A_1188 : memref<1x6x32x128xf32, #tpu.memory_space<vmem>> -> memref<6x32x128xf32, #tpu.memory_space<vmem>>
      %get3A_1190 = arith.index_cast %get3A_1184 : i32 to index
      %get3A_1191 = arith.index_cast %add3A_887 : i32 to index
      %get3A_1192 = arith.constant 48 : index
      %get3A_1193 = tpu.vector_load %get3A_1189[%get3A_1190, %get3A_1191, %get3A_1192] {strides = array<i32>} : memref<6x32x128xf32, #tpu.memory_space<vmem>>, vector<16xf32>,
      %mul3A_1194 = arith.mulf %get3A_914, %get3A_1193 : vector<16xf32>
      %add3A_1195 = arith.addf %add3A_1183, %mul3A_1194 : vector<16xf32>
      %get3A_1196 = arith.constant 2 : i32
      %get3A_1197 = arith.constant 0 : i32
      %get3A_1198 = arith.constant 0 : i32
      %get3A_1199 = arith.constant 0 : i32
      %get3A_1200 = tpu.memref_slice %arg10[%scan3A_764, %get3A_1197, %get3A_1198, %get3A_1199] : memref<2x6x32x128xf32, #tpu.memory_space<vmem>> -> memref<1x6x32x128xf32, #tpu.memory_space<vmem>>
      %get3A_1201 = tpu.memref_squeeze %get3A_1200 : memref<1x6x32x128xf32, #tpu.memory_space<vmem>> -> memref<6x32x128xf32, #tpu.memory_space<vmem>>
      %get3A_1202 = arith.index_cast %get3A_1196 : i32 to index
      %get3A_1203 = arith.index_cast %add3A_887 : i32 to index
      %get3A_1204 = arith.constant 64 : index
      %get3A_1205 = tpu.vector_load %get3A_1201[%get3A_1202, %get3A_1203, %get3A_1204] {strides = array<i32>} : memref<6x32x128xf32, #tpu.memory_space<vmem>>, vector<16xf32>,
      %mul3A_1206 = arith.mulf %get3A_921, %get3A_1205 : vector<16xf32>
      %add3A_1207 = arith.addf %add3A_1195, %mul3A_1206 : vector<16xf32>
      %get3A_1208 = arith.constant 2 : i32
      %get3A_1209 = arith.constant 0 : i32
      %get3A_1210 = arith.constant 0 : i32
      %get3A_1211 = arith.constant 0 : i32
      %get3A_1212 = tpu.memref_slice %arg10[%scan3A_764, %get3A_1209, %get3A_1210, %get3A_1211] : memref<2x6x32x128xf32, #tpu.memory_space<vmem>> -> memref<1x6x32x128xf32, #tpu.memory_space<vmem>>
      %get3A_1213 = tpu.memref_squeeze %get3A_1212 : memref<1x6x32x128xf32, #tpu.memory_space<vmem>> -> memref<6x32x128xf32, #tpu.memory_space<vmem>>
      %get3A_1214 = arith.index_cast %get3A_1208 : i32 to index
      %get3A_1215 = arith.index_cast %add3A_887 : i32 to index
      %get3A_1216 = arith.constant 80 : index
      %get3A_1217 = tpu.vector_load %get3A_1213[%get3A_1214, %get3A_1215, %get3A_1216] {strides = array<i32>} : memref<6x32x128xf32, #tpu.memory_space<vmem>>, vector<16xf32>,
      %mul3A_1218 = arith.mulf %get3A_928, %get3A_1217 : vector<16xf32>
      %add3A_1219 = arith.addf %add3A_1207, %mul3A_1218 : vector<16xf32>
      %get3A_1220 = arith.constant 2 : i32
      %get3A_1221 = arith.constant 0 : i32
      %get3A_1222 = arith.constant 0 : i32
      %get3A_1223 = arith.constant 0 : i32
      %get3A_1224 = tpu.memref_slice %arg10[%scan3A_764, %get3A_1221, %get3A_1222, %get3A_1223] : memref<2x6x32x128xf32, #tpu.memory_space<vmem>> -> memref<1x6x32x128xf32, #tpu.memory_space<vmem>>
      %get3A_1225 = tpu.memref_squeeze %get3A_1224 : memref<1x6x32x128xf32, #tpu.memory_space<vmem>> -> memref<6x32x128xf32, #tpu.memory_space<vmem>>
      %get3A_1226 = arith.index_cast %get3A_1220 : i32 to index
      %get3A_1227 = arith.index_cast %add3A_887 : i32 to index
      %get3A_1228 = arith.constant 96 : index
      %get3A_1229 = tpu.vector_load %get3A_1225[%get3A_1226, %get3A_1227, %get3A_1228] {strides = array<i32>} : memref<6x32x128xf32, #tpu.memory_space<vmem>>, vector<16xf32>,
      %mul3A_1230 = arith.mulf %get3A_935, %get3A_1229 : vector<16xf32>
      %add3A_1231 = arith.addf %add3A_1219, %mul3A_1230 : vector<16xf32>
      %get3A_1232 = arith.constant 2 : i32
      %get3A_1233 = arith.constant 0 : i32
      %get3A_1234 = arith.constant 0 : i32
      %get3A_1235 = arith.constant 0 : i32
      %get3A_1236 = tpu.memref_slice %arg10[%scan3A_764, %get3A_1233, %get3A_1234, %get3A_1235] : memref<2x6x32x128xf32, #tpu.memory_space<vmem>> -> memref<1x6x32x128xf32, #tpu.memory_space<vmem>>
      %get3A_1237 = tpu.memref_squeeze %get3A_1236 : memref<1x6x32x128xf32, #tpu.memory_space<vmem>> -> memref<6x32x128xf32, #tpu.memory_space<vmem>>
      %get3A_1238 = arith.index_cast %get3A_1232 : i32 to index
      %get3A_1239 = arith.index_cast %add3A_887 : i32 to index
      %get3A_1240 = arith.constant 112 : index
      %get3A_1241 = tpu.vector_load %get3A_1237[%get3A_1238, %get3A_1239, %get3A_1240] {strides = array<i32>} : memref<6x32x128xf32, #tpu.memory_space<vmem>>, vector<16xf32>,
      %mul3A_1242 = arith.mulf %get3A_942, %get3A_1241 : vector<16xf32>
      %add3A_1243 = arith.addf %add3A_1231, %mul3A_1242 : vector<16xf32>
      %eq3A_1244 = arith.constant 2 : i32
      %eq3A_1245 = vector.broadcast %eq3A_1244 : i32 to vector<16xi32>
      %eq3A_1246 = arith.cmpi eq, %iota3A, %eq3A_1245 : vector<16xi32>
      %reduce_sum3A_1247 = arith.constant true
      %reduce_sum3A_1248 = vector.broadcast %reduce_sum3A_1247 : i1 to vector<16xi1>
      %reduce_sum3A_1249 = tpu.scan <sum>, %add3A_1243 masked %reduce_sum3A_1248 : vector<16xf32>, vector<16xi1> -> vector<16xf32>
      %reduce_sum3A_1250 = vector.extract %reduce_sum3A_1249[15] : f32 from vector<16xf32>
      %broadcast_in_dim3A_1251 = vector.broadcast %reduce_sum3A_1250 : f32 to vector<16xf32>
      %select_n3A_1252 = arith.select %eq3A_1246, %broadcast_in_dim3A_1251, %select_n3A_1148 : vector<16xi1>, vector<16xf32>
      %get3A_1253 = arith.constant 3 : i32
      %get3A_1254 = arith.constant 0 : i32
      %get3A_1255 = arith.constant 0 : i32
      %get3A_1256 = arith.constant 0 : i32
      %get3A_1257 = tpu.memref_slice %arg10[%scan3A_764, %get3A_1254, %get3A_1255, %get3A_1256] : memref<2x6x32x128xf32, #tpu.memory_space<vmem>> -> memref<1x6x32x128xf32, #tpu.memory_space<vmem>>
      %get3A_1258 = tpu.memref_squeeze %get3A_1257 : memref<1x6x32x128xf32, #tpu.memory_space<vmem>> -> memref<6x32x128xf32, #tpu.memory_space<vmem>>
      %get3A_1259 = arith.index_cast %get3A_1253 : i32 to index
      %get3A_1260 = arith.index_cast %add3A_887 : i32 to index
      %get3A_1261 = arith.constant 0 : index
      %get3A_1262 = tpu.vector_load %get3A_1258[%get3A_1259, %get3A_1260, %get3A_1261] {strides = array<i32>} : memref<6x32x128xf32, #tpu.memory_space<vmem>>, vector<16xf32>,
      %mul3A_1263 = arith.mulf %get3A_893, %get3A_1262 : vector<16xf32>
      %get3A_1264 = arith.constant 3 : i32
      %get3A_1265 = arith.constant 0 : i32
      %get3A_1266 = arith.constant 0 : i32
      %get3A_1267 = arith.constant 0 : i32
      %get3A_1268 = tpu.memref_slice %arg10[%scan3A_764, %get3A_1265, %get3A_1266, %get3A_1267] : memref<2x6x32x128xf32, #tpu.memory_space<vmem>> -> memref<1x6x32x128xf32, #tpu.memory_space<vmem>>
      %get3A_1269 = tpu.memref_squeeze %get3A_1268 : memref<1x6x32x128xf32, #tpu.memory_space<vmem>> -> memref<6x32x128xf32, #tpu.memory_space<vmem>>
      %get3A_1270 = arith.index_cast %get3A_1264 : i32 to index
      %get3A_1271 = arith.index_cast %add3A_887 : i32 to index
      %get3A_1272 = arith.constant 16 : index
      %get3A_1273 = tpu.vector_load %get3A_1269[%get3A_1270, %get3A_1271, %get3A_1272] {strides = array<i32>} : memref<6x32x128xf32, #tpu.memory_space<vmem>>, vector<16xf32>,
      %mul3A_1274 = arith.mulf %get3A_900, %get3A_1273 : vector<16xf32>
      %add3A_1275 = arith.addf %mul3A_1263, %mul3A_1274 : vector<16xf32>
      %get3A_1276 = arith.constant 3 : i32
      %get3A_1277 = arith.constant 0 : i32
      %get3A_1278 = arith.constant 0 : i32
      %get3A_1279 = arith.constant 0 : i32
      %get3A_1280 = tpu.memref_slice %arg10[%scan3A_764, %get3A_1277, %get3A_1278, %get3A_1279] : memref<2x6x32x128xf32, #tpu.memory_space<vmem>> -> memref<1x6x32x128xf32, #tpu.memory_space<vmem>>
      %get3A_1281 = tpu.memref_squeeze %get3A_1280 : memref<1x6x32x128xf32, #tpu.memory_space<vmem>> -> memref<6x32x128xf32, #tpu.memory_space<vmem>>
      %get3A_1282 = arith.index_cast %get3A_1276 : i32 to index
      %get3A_1283 = arith.index_cast %add3A_887 : i32 to index
      %get3A_1284 = arith.constant 32 : index
      %get3A_1285 = tpu.vector_load %get3A_1281[%get3A_1282, %get3A_1283, %get3A_1284] {strides = array<i32>} : memref<6x32x128xf32, #tpu.memory_space<vmem>>, vector<16xf32>,
      %mul3A_1286 = arith.mulf %get3A_907, %get3A_1285 : vector<16xf32>
      %add3A_1287 = arith.addf %add3A_1275, %mul3A_1286 : vector<16xf32>
      %get3A_1288 = arith.constant 3 : i32
      %get3A_1289 = arith.constant 0 : i32
      %get3A_1290 = arith.constant 0 : i32
      %get3A_1291 = arith.constant 0 : i32
      %get3A_1292 = tpu.memref_slice %arg10[%scan3A_764, %get3A_1289, %get3A_1290, %get3A_1291] : memref<2x6x32x128xf32, #tpu.memory_space<vmem>> -> memref<1x6x32x128xf32, #tpu.memory_space<vmem>>
      %get3A_1293 = tpu.memref_squeeze %get3A_1292 : memref<1x6x32x128xf32, #tpu.memory_space<vmem>> -> memref<6x32x128xf32, #tpu.memory_space<vmem>>
      %get3A_1294 = arith.index_cast %get3A_1288 : i32 to index
      %get3A_1295 = arith.index_cast %add3A_887 : i32 to index
      %get3A_1296 = arith.constant 48 : index
      %get3A_1297 = tpu.vector_load %get3A_1293[%get3A_1294, %get3A_1295, %get3A_1296] {strides = array<i32>} : memref<6x32x128xf32, #tpu.memory_space<vmem>>, vector<16xf32>,
      %mul3A_1298 = arith.mulf %get3A_914, %get3A_1297 : vector<16xf32>
      %add3A_1299 = arith.addf %add3A_1287, %mul3A_1298 : vector<16xf32>
      %get3A_1300 = arith.constant 3 : i32
      %get3A_1301 = arith.constant 0 : i32
      %get3A_1302 = arith.constant 0 : i32
      %get3A_1303 = arith.constant 0 : i32
      %get3A_1304 = tpu.memref_slice %arg10[%scan3A_764, %get3A_1301, %get3A_1302, %get3A_1303] : memref<2x6x32x128xf32, #tpu.memory_space<vmem>> -> memref<1x6x32x128xf32, #tpu.memory_space<vmem>>
      %get3A_1305 = tpu.memref_squeeze %get3A_1304 : memref<1x6x32x128xf32, #tpu.memory_space<vmem>> -> memref<6x32x128xf32, #tpu.memory_space<vmem>>
      %get3A_1306 = arith.index_cast %get3A_1300 : i32 to index
      %get3A_1307 = arith.index_cast %add3A_887 : i32 to index
      %get3A_1308 = arith.constant 64 : index
      %get3A_1309 = tpu.vector_load %get3A_1305[%get3A_1306, %get3A_1307, %get3A_1308] {strides = array<i32>} : memref<6x32x128xf32, #tpu.memory_space<vmem>>, vector<16xf32>,
      %mul3A_1310 = arith.mulf %get3A_921, %get3A_1309 : vector<16xf32>
      %add3A_1311 = arith.addf %add3A_1299, %mul3A_1310 : vector<16xf32>
      %get3A_1312 = arith.constant 3 : i32
      %get3A_1313 = arith.constant 0 : i32
      %get3A_1314 = arith.constant 0 : i32
      %get3A_1315 = arith.constant 0 : i32
      %get3A_1316 = tpu.memref_slice %arg10[%scan3A_764, %get3A_1313, %get3A_1314, %get3A_1315] : memref<2x6x32x128xf32, #tpu.memory_space<vmem>> -> memref<1x6x32x128xf32, #tpu.memory_space<vmem>>
      %get3A_1317 = tpu.memref_squeeze %get3A_1316 : memref<1x6x32x128xf32, #tpu.memory_space<vmem>> -> memref<6x32x128xf32, #tpu.memory_space<vmem>>
      %get3A_1318 = arith.index_cast %get3A_1312 : i32 to index
      %get3A_1319 = arith.index_cast %add3A_887 : i32 to index
      %get3A_1320 = arith.constant 80 : index
      %get3A_1321 = tpu.vector_load %get3A_1317[%get3A_1318, %get3A_1319, %get3A_1320] {strides = array<i32>} : memref<6x32x128xf32, #tpu.memory_space<vmem>>, vector<16xf32>,
      %mul3A_1322 = arith.mulf %get3A_928, %get3A_1321 : vector<16xf32>
      %add3A_1323 = arith.addf %add3A_1311, %mul3A_1322 : vector<16xf32>
      %get3A_1324 = arith.constant 3 : i32
      %get3A_1325 = arith.constant 0 : i32
      %get3A_1326 = arith.constant 0 : i32
      %get3A_1327 = arith.constant 0 : i32
      %get3A_1328 = tpu.memref_slice %arg10[%scan3A_764, %get3A_1325, %get3A_1326, %get3A_1327] : memref<2x6x32x128xf32, #tpu.memory_space<vmem>> -> memref<1x6x32x128xf32, #tpu.memory_space<vmem>>
      %get3A_1329 = tpu.memref_squeeze %get3A_1328 : memref<1x6x32x128xf32, #tpu.memory_space<vmem>> -> memref<6x32x128xf32, #tpu.memory_space<vmem>>
      %get3A_1330 = arith.index_cast %get3A_1324 : i32 to index
      %get3A_1331 = arith.index_cast %add3A_887 : i32 to index
      %get3A_1332 = arith.constant 96 : index
      %get3A_1333 = tpu.vector_load %get3A_1329[%get3A_1330, %get3A_1331, %get3A_1332] {strides = array<i32>} : memref<6x32x128xf32, #tpu.memory_space<vmem>>, vector<16xf32>,
      %mul3A_1334 = arith.mulf %get3A_935, %get3A_1333 : vector<16xf32>
      %add3A_1335 = arith.addf %add3A_1323, %mul3A_1334 : vector<16xf32>
      %get3A_1336 = arith.constant 3 : i32
      %get3A_1337 = arith.constant 0 : i32
      %get3A_1338 = arith.constant 0 : i32
      %get3A_1339 = arith.constant 0 : i32
      %get3A_1340 = tpu.memref_slice %arg10[%scan3A_764, %get3A_1337, %get3A_1338, %get3A_1339] : memref<2x6x32x128xf32, #tpu.memory_space<vmem>> -> memref<1x6x32x128xf32, #tpu.memory_space<vmem>>
      %get3A_1341 = tpu.memref_squeeze %get3A_1340 : memref<1x6x32x128xf32, #tpu.memory_space<vmem>> -> memref<6x32x128xf32, #tpu.memory_space<vmem>>
      %get3A_1342 = arith.index_cast %get3A_1336 : i32 to index
      %get3A_1343 = arith.index_cast %add3A_887 : i32 to index
      %get3A_1344 = arith.constant 112 : index
      %get3A_1345 = tpu.vector_load %get3A_1341[%get3A_1342, %get3A_1343, %get3A_1344] {strides = array<i32>} : memref<6x32x128xf32, #tpu.memory_space<vmem>>, vector<16xf32>,
      %mul3A_1346 = arith.mulf %get3A_942, %get3A_1345 : vector<16xf32>
      %add3A_1347 = arith.addf %add3A_1335, %mul3A_1346 : vector<16xf32>
      %eq3A_1348 = arith.constant 3 : i32
      %eq3A_1349 = vector.broadcast %eq3A_1348 : i32 to vector<16xi32>
      %eq3A_1350 = arith.cmpi eq, %iota3A, %eq3A_1349 : vector<16xi32>
      %reduce_sum3A_1351 = arith.constant true
      %reduce_sum3A_1352 = vector.broadcast %reduce_sum3A_1351 : i1 to vector<16xi1>
      %reduce_sum3A_1353 = tpu.scan <sum>, %add3A_1347 masked %reduce_sum3A_1352 : vector<16xf32>, vector<16xi1> -> vector<16xf32>
      %reduce_sum3A_1354 = vector.extract %reduce_sum3A_1353[15] : f32 from vector<16xf32>
      %broadcast_in_dim3A_1355 = vector.broadcast %reduce_sum3A_1354 : f32 to vector<16xf32>
      %select_n3A_1356 = arith.select %eq3A_1350, %broadcast_in_dim3A_1355, %select_n3A_1252 : vector<16xi1>, vector<16xf32>
      %get3A_1357 = arith.constant 4 : i32
      %get3A_1358 = arith.constant 0 : i32
      %get3A_1359 = arith.constant 0 : i32
      %get3A_1360 = arith.constant 0 : i32
      %get3A_1361 = tpu.memref_slice %arg10[%scan3A_764, %get3A_1358, %get3A_1359, %get3A_1360] : memref<2x6x32x128xf32, #tpu.memory_space<vmem>> -> memref<1x6x32x128xf32, #tpu.memory_space<vmem>>
      %get3A_1362 = tpu.memref_squeeze %get3A_1361 : memref<1x6x32x128xf32, #tpu.memory_space<vmem>> -> memref<6x32x128xf32, #tpu.memory_space<vmem>>
      %get3A_1363 = arith.index_cast %get3A_1357 : i32 to index
      %get3A_1364 = arith.index_cast %add3A_887 : i32 to index
      %get3A_1365 = arith.constant 0 : index
      %get3A_1366 = tpu.vector_load %get3A_1362[%get3A_1363, %get3A_1364, %get3A_1365] {strides = array<i32>} : memref<6x32x128xf32, #tpu.memory_space<vmem>>, vector<16xf32>,
      %mul3A_1367 = arith.mulf %get3A_893, %get3A_1366 : vector<16xf32>
      %get3A_1368 = arith.constant 4 : i32
      %get3A_1369 = arith.constant 0 : i32
      %get3A_1370 = arith.constant 0 : i32
      %get3A_1371 = arith.constant 0 : i32
      %get3A_1372 = tpu.memref_slice %arg10[%scan3A_764, %get3A_1369, %get3A_1370, %get3A_1371] : memref<2x6x32x128xf32, #tpu.memory_space<vmem>> -> memref<1x6x32x128xf32, #tpu.memory_space<vmem>>
      %get3A_1373 = tpu.memref_squeeze %get3A_1372 : memref<1x6x32x128xf32, #tpu.memory_space<vmem>> -> memref<6x32x128xf32, #tpu.memory_space<vmem>>
      %get3A_1374 = arith.index_cast %get3A_1368 : i32 to index
      %get3A_1375 = arith.index_cast %add3A_887 : i32 to index
      %get3A_1376 = arith.constant 16 : index
      %get3A_1377 = tpu.vector_load %get3A_1373[%get3A_1374, %get3A_1375, %get3A_1376] {strides = array<i32>} : memref<6x32x128xf32, #tpu.memory_space<vmem>>, vector<16xf32>,
      %mul3A_1378 = arith.mulf %get3A_900, %get3A_1377 : vector<16xf32>
      %add3A_1379 = arith.addf %mul3A_1367, %mul3A_1378 : vector<16xf32>
      %get3A_1380 = arith.constant 4 : i32
      %get3A_1381 = arith.constant 0 : i32
      %get3A_1382 = arith.constant 0 : i32
      %get3A_1383 = arith.constant 0 : i32
      %get3A_1384 = tpu.memref_slice %arg10[%scan3A_764, %get3A_1381, %get3A_1382, %get3A_1383] : memref<2x6x32x128xf32, #tpu.memory_space<vmem>> -> memref<1x6x32x128xf32, #tpu.memory_space<vmem>>
      %get3A_1385 = tpu.memref_squeeze %get3A_1384 : memref<1x6x32x128xf32, #tpu.memory_space<vmem>> -> memref<6x32x128xf32, #tpu.memory_space<vmem>>
      %get3A_1386 = arith.index_cast %get3A_1380 : i32 to index
      %get3A_1387 = arith.index_cast %add3A_887 : i32 to index
      %get3A_1388 = arith.constant 32 : index
      %get3A_1389 = tpu.vector_load %get3A_1385[%get3A_1386, %get3A_1387, %get3A_1388] {strides = array<i32>} : memref<6x32x128xf32, #tpu.memory_space<vmem>>, vector<16xf32>,
      %mul3A_1390 = arith.mulf %get3A_907, %get3A_1389 : vector<16xf32>
      %add3A_1391 = arith.addf %add3A_1379, %mul3A_1390 : vector<16xf32>
      %get3A_1392 = arith.constant 4 : i32
      %get3A_1393 = arith.constant 0 : i32
      %get3A_1394 = arith.constant 0 : i32
      %get3A_1395 = arith.constant 0 : i32
      %get3A_1396 = tpu.memref_slice %arg10[%scan3A_764, %get3A_1393, %get3A_1394, %get3A_1395] : memref<2x6x32x128xf32, #tpu.memory_space<vmem>> -> memref<1x6x32x128xf32, #tpu.memory_space<vmem>>
      %get3A_1397 = tpu.memref_squeeze %get3A_1396 : memref<1x6x32x128xf32, #tpu.memory_space<vmem>> -> memref<6x32x128xf32, #tpu.memory_space<vmem>>
      %get3A_1398 = arith.index_cast %get3A_1392 : i32 to index
      %get3A_1399 = arith.index_cast %add3A_887 : i32 to index
      %get3A_1400 = arith.constant 48 : index
      %get3A_1401 = tpu.vector_load %get3A_1397[%get3A_1398, %get3A_1399, %get3A_1400] {strides = array<i32>} : memref<6x32x128xf32, #tpu.memory_space<vmem>>, vector<16xf32>,
      %mul3A_1402 = arith.mulf %get3A_914, %get3A_1401 : vector<16xf32>
      %add3A_1403 = arith.addf %add3A_1391, %mul3A_1402 : vector<16xf32>
      %get3A_1404 = arith.constant 4 : i32
      %get3A_1405 = arith.constant 0 : i32
      %get3A_1406 = arith.constant 0 : i32
      %get3A_1407 = arith.constant 0 : i32
      %get3A_1408 = tpu.memref_slice %arg10[%scan3A_764, %get3A_1405, %get3A_1406, %get3A_1407] : memref<2x6x32x128xf32, #tpu.memory_space<vmem>> -> memref<1x6x32x128xf32, #tpu.memory_space<vmem>>
      %get3A_1409 = tpu.memref_squeeze %get3A_1408 : memref<1x6x32x128xf32, #tpu.memory_space<vmem>> -> memref<6x32x128xf32, #tpu.memory_space<vmem>>
      %get3A_1410 = arith.index_cast %get3A_1404 : i32 to index
      %get3A_1411 = arith.index_cast %add3A_887 : i32 to index
      %get3A_1412 = arith.constant 64 : index
      %get3A_1413 = tpu.vector_load %get3A_1409[%get3A_1410, %get3A_1411, %get3A_1412] {strides = array<i32>} : memref<6x32x128xf32, #tpu.memory_space<vmem>>, vector<16xf32>,
      %mul3A_1414 = arith.mulf %get3A_921, %get3A_1413 : vector<16xf32>
      %add3A_1415 = arith.addf %add3A_1403, %mul3A_1414 : vector<16xf32>
      %get3A_1416 = arith.constant 4 : i32
      %get3A_1417 = arith.constant 0 : i32
      %get3A_1418 = arith.constant 0 : i32
      %get3A_1419 = arith.constant 0 : i32
      %get3A_1420 = tpu.memref_slice %arg10[%scan3A_764, %get3A_1417, %get3A_1418, %get3A_1419] : memref<2x6x32x128xf32, #tpu.memory_space<vmem>> -> memref<1x6x32x128xf32, #tpu.memory_space<vmem>>
      %get3A_1421 = tpu.memref_squeeze %get3A_1420 : memref<1x6x32x128xf32, #tpu.memory_space<vmem>> -> memref<6x32x128xf32, #tpu.memory_space<vmem>>
      %get3A_1422 = arith.index_cast %get3A_1416 : i32 to index
      %get3A_1423 = arith.index_cast %add3A_887 : i32 to index
      %get3A_1424 = arith.constant 80 : index
      %get3A_1425 = tpu.vector_load %get3A_1421[%get3A_1422, %get3A_1423, %get3A_1424] {strides = array<i32>} : memref<6x32x128xf32, #tpu.memory_space<vmem>>, vector<16xf32>,
      %mul3A_1426 = arith.mulf %get3A_928, %get3A_1425 : vector<16xf32>
      %add3A_1427 = arith.addf %add3A_1415, %mul3A_1426 : vector<16xf32>
      %get3A_1428 = arith.constant 4 : i32
      %get3A_1429 = arith.constant 0 : i32
      %get3A_1430 = arith.constant 0 : i32
      %get3A_1431 = arith.constant 0 : i32
      %get3A_1432 = tpu.memref_slice %arg10[%scan3A_764, %get3A_1429, %get3A_1430, %get3A_1431] : memref<2x6x32x128xf32, #tpu.memory_space<vmem>> -> memref<1x6x32x128xf32, #tpu.memory_space<vmem>>
      %get3A_1433 = tpu.memref_squeeze %get3A_1432 : memref<1x6x32x128xf32, #tpu.memory_space<vmem>> -> memref<6x32x128xf32, #tpu.memory_space<vmem>>
      %get3A_1434 = arith.index_cast %get3A_1428 : i32 to index
      %get3A_1435 = arith.index_cast %add3A_887 : i32 to index
      %get3A_1436 = arith.constant 96 : index
      %get3A_1437 = tpu.vector_load %get3A_1433[%get3A_1434, %get3A_1435, %get3A_1436] {strides = array<i32>} : memref<6x32x128xf32, #tpu.memory_space<vmem>>, vector<16xf32>,
      %mul3A_1438 = arith.mulf %get3A_935, %get3A_1437 : vector<16xf32>
      %add3A_1439 = arith.addf %add3A_1427, %mul3A_1438 : vector<16xf32>
      %get3A_1440 = arith.constant 4 : i32
      %get3A_1441 = arith.constant 0 : i32
      %get3A_1442 = arith.constant 0 : i32
      %get3A_1443 = arith.constant 0 : i32
      %get3A_1444 = tpu.memref_slice %arg10[%scan3A_764, %get3A_1441, %get3A_1442, %get3A_1443] : memref<2x6x32x128xf32, #tpu.memory_space<vmem>> -> memref<1x6x32x128xf32, #tpu.memory_space<vmem>>
      %get3A_1445 = tpu.memref_squeeze %get3A_1444 : memref<1x6x32x128xf32, #tpu.memory_space<vmem>> -> memref<6x32x128xf32, #tpu.memory_space<vmem>>
      %get3A_1446 = arith.index_cast %get3A_1440 : i32 to index
      %get3A_1447 = arith.index_cast %add3A_887 : i32 to index
      %get3A_1448 = arith.constant 112 : index
      %get3A_1449 = tpu.vector_load %get3A_1445[%get3A_1446, %get3A_1447, %get3A_1448] {strides = array<i32>} : memref<6x32x128xf32, #tpu.memory_space<vmem>>, vector<16xf32>,
      %mul3A_1450 = arith.mulf %get3A_942, %get3A_1449 : vector<16xf32>
      %add3A_1451 = arith.addf %add3A_1439, %mul3A_1450 : vector<16xf32>
      %eq3A_1452 = arith.constant 4 : i32
      %eq3A_1453 = vector.broadcast %eq3A_1452 : i32 to vector<16xi32>
      %eq3A_1454 = arith.cmpi eq, %iota3A, %eq3A_1453 : vector<16xi32>
      %reduce_sum3A_1455 = arith.constant true
      %reduce_sum3A_1456 = vector.broadcast %reduce_sum3A_1455 : i1 to vector<16xi1>
      %reduce_sum3A_1457 = tpu.scan <sum>, %add3A_1451 masked %reduce_sum3A_1456 : vector<16xf32>, vector<16xi1> -> vector<16xf32>
      %reduce_sum3A_1458 = vector.extract %reduce_sum3A_1457[15] : f32 from vector<16xf32>
      %broadcast_in_dim3A_1459 = vector.broadcast %reduce_sum3A_1458 : f32 to vector<16xf32>
      %select_n3A_1460 = arith.select %eq3A_1454, %broadcast_in_dim3A_1459, %select_n3A_1356 : vector<16xi1>, vector<16xf32>
      %get3A_1461 = arith.constant 5 : i32
      %get3A_1462 = arith.constant 0 : i32
      %get3A_1463 = arith.constant 0 : i32
      %get3A_1464 = arith.constant 0 : i32
      %get3A_1465 = tpu.memref_slice %arg10[%scan3A_764, %get3A_1462, %get3A_1463, %get3A_1464] : memref<2x6x32x128xf32, #tpu.memory_space<vmem>> -> memref<1x6x32x128xf32, #tpu.memory_space<vmem>>
      %get3A_1466 = tpu.memref_squeeze %get3A_1465 : memref<1x6x32x128xf32, #tpu.memory_space<vmem>> -> memref<6x32x128xf32, #tpu.memory_space<vmem>>
      %get3A_1467 = arith.index_cast %get3A_1461 : i32 to index
      %get3A_1468 = arith.index_cast %add3A_887 : i32 to index
      %get3A_1469 = arith.constant 0 : index
      %get3A_1470 = tpu.vector_load %get3A_1466[%get3A_1467, %get3A_1468, %get3A_1469] {strides = array<i32>} : memref<6x32x128xf32, #tpu.memory_space<vmem>>, vector<16xf32>,
      %mul3A_1471 = arith.mulf %get3A_893, %get3A_1470 : vector<16xf32>
      %get3A_1472 = arith.constant 5 : i32
      %get3A_1473 = arith.constant 0 : i32
      %get3A_1474 = arith.constant 0 : i32
      %get3A_1475 = arith.constant 0 : i32
      %get3A_1476 = tpu.memref_slice %arg10[%scan3A_764, %get3A_1473, %get3A_1474, %get3A_1475] : memref<2x6x32x128xf32, #tpu.memory_space<vmem>> -> memref<1x6x32x128xf32, #tpu.memory_space<vmem>>
      %get3A_1477 = tpu.memref_squeeze %get3A_1476 : memref<1x6x32x128xf32, #tpu.memory_space<vmem>> -> memref<6x32x128xf32, #tpu.memory_space<vmem>>
      %get3A_1478 = arith.index_cast %get3A_1472 : i32 to index
      %get3A_1479 = arith.index_cast %add3A_887 : i32 to index
      %get3A_1480 = arith.constant 16 : index
      %get3A_1481 = tpu.vector_load %get3A_1477[%get3A_1478, %get3A_1479, %get3A_1480] {strides = array<i32>} : memref<6x32x128xf32, #tpu.memory_space<vmem>>, vector<16xf32>,
      %mul3A_1482 = arith.mulf %get3A_900, %get3A_1481 : vector<16xf32>
      %add3A_1483 = arith.addf %mul3A_1471, %mul3A_1482 : vector<16xf32>
      %get3A_1484 = arith.constant 5 : i32
      %get3A_1485 = arith.constant 0 : i32
      %get3A_1486 = arith.constant 0 : i32
      %get3A_1487 = arith.constant 0 : i32
      %get3A_1488 = tpu.memref_slice %arg10[%scan3A_764, %get3A_1485, %get3A_1486, %get3A_1487] : memref<2x6x32x128xf32, #tpu.memory_space<vmem>> -> memref<1x6x32x128xf32, #tpu.memory_space<vmem>>
      %get3A_1489 = tpu.memref_squeeze %get3A_1488 : memref<1x6x32x128xf32, #tpu.memory_space<vmem>> -> memref<6x32x128xf32, #tpu.memory_space<vmem>>
      %get3A_1490 = arith.index_cast %get3A_1484 : i32 to index
      %get3A_1491 = arith.index_cast %add3A_887 : i32 to index
      %get3A_1492 = arith.constant 32 : index
      %get3A_1493 = tpu.vector_load %get3A_1489[%get3A_1490, %get3A_1491, %get3A_1492] {strides = array<i32>} : memref<6x32x128xf32, #tpu.memory_space<vmem>>, vector<16xf32>,
      %mul3A_1494 = arith.mulf %get3A_907, %get3A_1493 : vector<16xf32>
      %add3A_1495 = arith.addf %add3A_1483, %mul3A_1494 : vector<16xf32>
      %get3A_1496 = arith.constant 5 : i32
      %get3A_1497 = arith.constant 0 : i32
      %get3A_1498 = arith.constant 0 : i32
      %get3A_1499 = arith.constant 0 : i32
      %get3A_1500 = tpu.memref_slice %arg10[%scan3A_764, %get3A_1497, %get3A_1498, %get3A_1499] : memref<2x6x32x128xf32, #tpu.memory_space<vmem>> -> memref<1x6x32x128xf32, #tpu.memory_space<vmem>>
      %get3A_1501 = tpu.memref_squeeze %get3A_1500 : memref<1x6x32x128xf32, #tpu.memory_space<vmem>> -> memref<6x32x128xf32, #tpu.memory_space<vmem>>
      %get3A_1502 = arith.index_cast %get3A_1496 : i32 to index
      %get3A_1503 = arith.index_cast %add3A_887 : i32 to index
      %get3A_1504 = arith.constant 48 : index
      %get3A_1505 = tpu.vector_load %get3A_1501[%get3A_1502, %get3A_1503, %get3A_1504] {strides = array<i32>} : memref<6x32x128xf32, #tpu.memory_space<vmem>>, vector<16xf32>,
      %mul3A_1506 = arith.mulf %get3A_914, %get3A_1505 : vector<16xf32>
      %add3A_1507 = arith.addf %add3A_1495, %mul3A_1506 : vector<16xf32>
      %get3A_1508 = arith.constant 5 : i32
      %get3A_1509 = arith.constant 0 : i32
      %get3A_1510 = arith.constant 0 : i32
      %get3A_1511 = arith.constant 0 : i32
      %get3A_1512 = tpu.memref_slice %arg10[%scan3A_764, %get3A_1509, %get3A_1510, %get3A_1511] : memref<2x6x32x128xf32, #tpu.memory_space<vmem>> -> memref<1x6x32x128xf32, #tpu.memory_space<vmem>>
      %get3A_1513 = tpu.memref_squeeze %get3A_1512 : memref<1x6x32x128xf32, #tpu.memory_space<vmem>> -> memref<6x32x128xf32, #tpu.memory_space<vmem>>
      %get3A_1514 = arith.index_cast %get3A_1508 : i32 to index
      %get3A_1515 = arith.index_cast %add3A_887 : i32 to index
      %get3A_1516 = arith.constant 64 : index
      %get3A_1517 = tpu.vector_load %get3A_1513[%get3A_1514, %get3A_1515, %get3A_1516] {strides = array<i32>} : memref<6x32x128xf32, #tpu.memory_space<vmem>>, vector<16xf32>,
      %mul3A_1518 = arith.mulf %get3A_921, %get3A_1517 : vector<16xf32>
      %add3A_1519 = arith.addf %add3A_1507, %mul3A_1518 : vector<16xf32>
      %get3A_1520 = arith.constant 5 : i32
      %get3A_1521 = arith.constant 0 : i32
      %get3A_1522 = arith.constant 0 : i32
      %get3A_1523 = arith.constant 0 : i32
      %get3A_1524 = tpu.memref_slice %arg10[%scan3A_764, %get3A_1521, %get3A_1522, %get3A_1523] : memref<2x6x32x128xf32, #tpu.memory_space<vmem>> -> memref<1x6x32x128xf32, #tpu.memory_space<vmem>>
      %get3A_1525 = tpu.memref_squeeze %get3A_1524 : memref<1x6x32x128xf32, #tpu.memory_space<vmem>> -> memref<6x32x128xf32, #tpu.memory_space<vmem>>
      %get3A_1526 = arith.index_cast %get3A_1520 : i32 to index
      %get3A_1527 = arith.index_cast %add3A_887 : i32 to index
      %get3A_1528 = arith.constant 80 : index
      %get3A_1529 = tpu.vector_load %get3A_1525[%get3A_1526, %get3A_1527, %get3A_1528] {strides = array<i32>} : memref<6x32x128xf32, #tpu.memory_space<vmem>>, vector<16xf32>,
      %mul3A_1530 = arith.mulf %get3A_928, %get3A_1529 : vector<16xf32>
      %add3A_1531 = arith.addf %add3A_1519, %mul3A_1530 : vector<16xf32>
      %get3A_1532 = arith.constant 5 : i32
      %get3A_1533 = arith.constant 0 : i32
      %get3A_1534 = arith.constant 0 : i32
      %get3A_1535 = arith.constant 0 : i32
      %get3A_1536 = tpu.memref_slice %arg10[%scan3A_764, %get3A_1533, %get3A_1534, %get3A_1535] : memref<2x6x32x128xf32, #tpu.memory_space<vmem>> -> memref<1x6x32x128xf32, #tpu.memory_space<vmem>>
      %get3A_1537 = tpu.memref_squeeze %get3A_1536 : memref<1x6x32x128xf32, #tpu.memory_space<vmem>> -> memref<6x32x128xf32, #tpu.memory_space<vmem>>
      %get3A_1538 = arith.index_cast %get3A_1532 : i32 to index
      %get3A_1539 = arith.index_cast %add3A_887 : i32 to index
      %get3A_1540 = arith.constant 96 : index
      %get3A_1541 = tpu.vector_load %get3A_1537[%get3A_1538, %get3A_1539, %get3A_1540] {strides = array<i32>} : memref<6x32x128xf32, #tpu.memory_space<vmem>>, vector<16xf32>,
      %mul3A_1542 = arith.mulf %get3A_935, %get3A_1541 : vector<16xf32>
      %add3A_1543 = arith.addf %add3A_1531, %mul3A_1542 : vector<16xf32>
      %get3A_1544 = arith.constant 5 : i32
      %get3A_1545 = arith.constant 0 : i32
      %get3A_1546 = arith.constant 0 : i32
      %get3A_1547 = arith.constant 0 : i32
      %get3A_1548 = tpu.memref_slice %arg10[%scan3A_764, %get3A_1545, %get3A_1546, %get3A_1547] : memref<2x6x32x128xf32, #tpu.memory_space<vmem>> -> memref<1x6x32x128xf32, #tpu.memory_space<vmem>>
      %get3A_1549 = tpu.memref_squeeze %get3A_1548 : memref<1x6x32x128xf32, #tpu.memory_space<vmem>> -> memref<6x32x128xf32, #tpu.memory_space<vmem>>
      %get3A_1550 = arith.index_cast %get3A_1544 : i32 to index
      %get3A_1551 = arith.index_cast %add3A_887 : i32 to index
      %get3A_1552 = arith.constant 112 : index
      %get3A_1553 = tpu.vector_load %get3A_1549[%get3A_1550, %get3A_1551, %get3A_1552] {strides = array<i32>} : memref<6x32x128xf32, #tpu.memory_space<vmem>>, vector<16xf32>,
      %mul3A_1554 = arith.mulf %get3A_942, %get3A_1553 : vector<16xf32>
      %add3A_1555 = arith.addf %add3A_1543, %mul3A_1554 : vector<16xf32>
      %eq3A_1556 = arith.constant 5 : i32
      %eq3A_1557 = vector.broadcast %eq3A_1556 : i32 to vector<16xi32>
      %eq3A_1558 = arith.cmpi eq, %iota3A, %eq3A_1557 : vector<16xi32>
      %reduce_sum3A_1559 = arith.constant true
      %reduce_sum3A_1560 = vector.broadcast %reduce_sum3A_1559 : i1 to vector<16xi1>
      %reduce_sum3A_1561 = tpu.scan <sum>, %add3A_1555 masked %reduce_sum3A_1560 : vector<16xf32>, vector<16xi1> -> vector<16xf32>
      %reduce_sum3A_1562 = vector.extract %reduce_sum3A_1561[15] : f32 from vector<16xf32>
      %broadcast_in_dim3A_1563 = vector.broadcast %reduce_sum3A_1562 : f32 to vector<16xf32>
      %select_n3A_1564 = arith.select %eq3A_1558, %broadcast_in_dim3A_1563, %select_n3A_1460 : vector<16xi1>, vector<16xf32>
      %broadcast_in_dim3A_1565 = arith.constant 64 : i32
      %broadcast_in_dim3A_1566 = vector.broadcast %broadcast_in_dim3A_1565 : i32 to vector<16xi32>
      %add3A_1567 = vector.broadcast %add3A_887 : i32 to vector<16xi32>
      %add3A_1568 = arith.addi %broadcast_in_dim3A_1566, %add3A_1567 : vector<16xi32>
      tpu.vector_store_idx %arg11[%iota3A, %add3A_1568], %select_n3A_1564 masked %lt3A_9 : memref<6x128xf32, #tpu.memory_space<vmem>>[vector<16xi32>, vector<16xi32>], vector<16xf32>, vector<16xi1>
    }
    %scan3A_769 = arith.constant 32 : i32
    %dma_wait3A_770 = arith.constant 1 : i32
    %dma_wait3A_771 = arith.constant 0 : i32
    %dma_wait3A_772 = arith.constant 0 : i32
    %dma_wait3A_773 = tpu.memref_slice %arg9[%dma_wait3A_770, %dma_wait3A_771, %dma_wait3A_772] : memref<2x32x128xf32, #tpu.memory_space<vmem>> -> memref<1x32x128xf32, #tpu.memory_space<vmem>>
    %dma_wait3A_774 = tpu.memref_squeeze %dma_wait3A_773 : memref<1x32x128xf32, #tpu.memory_space<vmem>> -> memref<32x128xf32, #tpu.memory_space<vmem>>
    %dma_wait3A_775 = arith.constant 96 : i32
    %dma_wait3A_776 = tpu.memref_slice %arg7[%dma_wait3A_775] : memref<128xi32, #tpu.memory_space<vmem>> -> memref<32xi32, #tpu.memory_space<vmem>>
    %dma_wait3A_777 = arith.constant 0 : i32
    %dma_wait3A_778 = arith.constant 0 : i32
    %dma_wait3A_779 = tpu.memref_slice %arg4[%dma_wait3A_777, %dma_wait3A_778] : memref<100000x128xf32, #tpu.memory_space<hbm>> -> memref<100000x128xf32, #tpu.memory_space<hbm>>
    tpu.wait_indirect_dma semaphore(%arg13 : memref<!tpu.dma_semaphore, #tpu.memory_space<semaphore_mem>>) src(%dma_wait3A_779 : memref<100000x128xf32, #tpu.memory_space<hbm>>) dst(%dma_wait3A_774 : memref<32x128xf32, #tpu.memory_space<vmem>>)
    %dma_wait3A_780 = arith.constant 1 : i32
    %dma_wait3A_781 = arith.constant 0 : i32
    %dma_wait3A_782 = arith.constant 0 : i32
    %dma_wait3A_783 = arith.constant 0 : i32
    %dma_wait3A_784 = arith.constant 0 : i32
    %dma_wait3A_785 = tpu.memref_slice %arg10[%dma_wait3A_780, %dma_wait3A_782, %dma_wait3A_783, %dma_wait3A_784] : memref<2x6x32x128xf32, #tpu.memory_space<vmem>> -> memref<1x6x32x128xf32, #tpu.memory_space<vmem>>
    %dma_wait3A_786 = tpu.memref_squeeze %dma_wait3A_785 : memref<1x6x32x128xf32, #tpu.memory_space<vmem>> -> memref<6x32x128xf32, #tpu.memory_space<vmem>>
    %dma_wait3A_787 = arith.constant 0 : i32
    %dma_wait3A_788 = arith.constant 0 : i32
    %dma_wait3A_789 = tpu.memref_slice %dma_wait3A_786[%dma_wait3A_781, %dma_wait3A_787, %dma_wait3A_788] : memref<6x32x128xf32, #tpu.memory_space<vmem>> -> memref<1x32x128xf32, #tpu.memory_space<vmem>>
    %dma_wait3A_790 = tpu.memref_squeeze %dma_wait3A_789 : memref<1x32x128xf32, #tpu.memory_space<vmem>> -> memref<32x128xf32, #tpu.memory_space<vmem>>
    %dma_wait3A_791 = arith.constant 96 : i32
    %dma_wait3A_792 = tpu.memref_slice %arg8[%dma_wait3A_791] : memref<768xi32, #tpu.memory_space<vmem>> -> memref<32xi32, #tpu.memory_space<vmem>>
    %dma_wait3A_793 = arith.constant 0 : i32
    %dma_wait3A_794 = arith.constant 0 : i32
    %dma_wait3A_795 = tpu.memref_slice %arg5[%dma_wait3A_793, %dma_wait3A_794] : memref<100000x128xf32, #tpu.memory_space<hbm>> -> memref<100000x128xf32, #tpu.memory_space<hbm>>
    tpu.wait_indirect_dma semaphore(%arg13 : memref<!tpu.dma_semaphore, #tpu.memory_space<semaphore_mem>>) src(%dma_wait3A_795 : memref<100000x128xf32, #tpu.memory_space<hbm>>) dst(%dma_wait3A_790 : memref<32x128xf32, #tpu.memory_space<vmem>>)
    %dma_wait3A_796 = arith.constant 1 : i32
    %dma_wait3A_797 = arith.constant 1 : i32
    %dma_wait3A_798 = arith.constant 0 : i32
    %dma_wait3A_799 = arith.constant 0 : i32
    %dma_wait3A_800 = arith.constant 0 : i32
    %dma_wait3A_801 = tpu.memref_slice %arg10[%dma_wait3A_796, %dma_wait3A_798, %dma_wait3A_799, %dma_wait3A_800] : memref<2x6x32x128xf32, #tpu.memory_space<vmem>> -> memref<1x6x32x128xf32, #tpu.memory_space<vmem>>
    %dma_wait3A_802 = tpu.memref_squeeze %dma_wait3A_801 : memref<1x6x32x128xf32, #tpu.memory_space<vmem>> -> memref<6x32x128xf32, #tpu.memory_space<vmem>>
    %dma_wait3A_803 = arith.constant 0 : i32
    %dma_wait3A_804 = arith.constant 0 : i32
    %dma_wait3A_805 = tpu.memref_slice %dma_wait3A_802[%dma_wait3A_797, %dma_wait3A_803, %dma_wait3A_804] : memref<6x32x128xf32, #tpu.memory_space<vmem>> -> memref<1x32x128xf32, #tpu.memory_space<vmem>>
    %dma_wait3A_806 = tpu.memref_squeeze %dma_wait3A_805 : memref<1x32x128xf32, #tpu.memory_space<vmem>> -> memref<32x128xf32, #tpu.memory_space<vmem>>
    %dma_wait3A_807 = arith.constant 224 : i32
    %dma_wait3A_808 = tpu.memref_slice %arg8[%dma_wait3A_807] : memref<768xi32, #tpu.memory_space<vmem>> -> memref<32xi32, #tpu.memory_space<vmem>>
    %dma_wait3A_809 = arith.constant 0 : i32
    %dma_wait3A_810 = arith.constant 0 : i32
    %dma_wait3A_811 = tpu.memref_slice %arg5[%dma_wait3A_809, %dma_wait3A_810] : memref<100000x128xf32, #tpu.memory_space<hbm>> -> memref<100000x128xf32, #tpu.memory_space<hbm>>
    tpu.wait_indirect_dma semaphore(%arg13 : memref<!tpu.dma_semaphore, #tpu.memory_space<semaphore_mem>>) src(%dma_wait3A_811 : memref<100000x128xf32, #tpu.memory_space<hbm>>) dst(%dma_wait3A_806 : memref<32x128xf32, #tpu.memory_space<vmem>>)
    %dma_wait3A_812 = arith.constant 1 : i32
    %dma_wait3A_813 = arith.constant 2 : i32
    %dma_wait3A_814 = arith.constant 0 : i32
    %dma_wait3A_815 = arith.constant 0 : i32
    %dma_wait3A_816 = arith.constant 0 : i32
    %dma_wait3A_817 = tpu.memref_slice %arg10[%dma_wait3A_812, %dma_wait3A_814, %dma_wait3A_815, %dma_wait3A_816] : memref<2x6x32x128xf32, #tpu.memory_space<vmem>> -> memref<1x6x32x128xf32, #tpu.memory_space<vmem>>
    %dma_wait3A_818 = tpu.memref_squeeze %dma_wait3A_817 : memref<1x6x32x128xf32, #tpu.memory_space<vmem>> -> memref<6x32x128xf32, #tpu.memory_space<vmem>>
    %dma_wait3A_819 = arith.constant 0 : i32
    %dma_wait3A_820 = arith.constant 0 : i32
    %dma_wait3A_821 = tpu.memref_slice %dma_wait3A_818[%dma_wait3A_813, %dma_wait3A_819, %dma_wait3A_820] : memref<6x32x128xf32, #tpu.memory_space<vmem>> -> memref<1x32x128xf32, #tpu.memory_space<vmem>>
    %dma_wait3A_822 = tpu.memref_squeeze %dma_wait3A_821 : memref<1x32x128xf32, #tpu.memory_space<vmem>> -> memref<32x128xf32, #tpu.memory_space<vmem>>
    %dma_wait3A_823 = arith.constant 352 : i32
    %dma_wait3A_824 = tpu.memref_slice %arg8[%dma_wait3A_823] : memref<768xi32, #tpu.memory_space<vmem>> -> memref<32xi32, #tpu.memory_space<vmem>>
    %dma_wait3A_825 = arith.constant 0 : i32
    %dma_wait3A_826 = arith.constant 0 : i32
    %dma_wait3A_827 = tpu.memref_slice %arg5[%dma_wait3A_825, %dma_wait3A_826] : memref<100000x128xf32, #tpu.memory_space<hbm>> -> memref<100000x128xf32, #tpu.memory_space<hbm>>
    tpu.wait_indirect_dma semaphore(%arg13 : memref<!tpu.dma_semaphore, #tpu.memory_space<semaphore_mem>>) src(%dma_wait3A_827 : memref<100000x128xf32, #tpu.memory_space<hbm>>) dst(%dma_wait3A_822 : memref<32x128xf32, #tpu.memory_space<vmem>>)
    %dma_wait3A_828 = arith.constant 1 : i32
    %dma_wait3A_829 = arith.constant 3 : i32
    %dma_wait3A_830 = arith.constant 0 : i32
    %dma_wait3A_831 = arith.constant 0 : i32
    %dma_wait3A_832 = arith.constant 0 : i32
    %dma_wait3A_833 = tpu.memref_slice %arg10[%dma_wait3A_828, %dma_wait3A_830, %dma_wait3A_831, %dma_wait3A_832] : memref<2x6x32x128xf32, #tpu.memory_space<vmem>> -> memref<1x6x32x128xf32, #tpu.memory_space<vmem>>
    %dma_wait3A_834 = tpu.memref_squeeze %dma_wait3A_833 : memref<1x6x32x128xf32, #tpu.memory_space<vmem>> -> memref<6x32x128xf32, #tpu.memory_space<vmem>>
    %dma_wait3A_835 = arith.constant 0 : i32
    %dma_wait3A_836 = arith.constant 0 : i32
    %dma_wait3A_837 = tpu.memref_slice %dma_wait3A_834[%dma_wait3A_829, %dma_wait3A_835, %dma_wait3A_836] : memref<6x32x128xf32, #tpu.memory_space<vmem>> -> memref<1x32x128xf32, #tpu.memory_space<vmem>>
    %dma_wait3A_838 = tpu.memref_squeeze %dma_wait3A_837 : memref<1x32x128xf32, #tpu.memory_space<vmem>> -> memref<32x128xf32, #tpu.memory_space<vmem>>
    %dma_wait3A_839 = arith.constant 480 : i32
    %dma_wait3A_840 = tpu.memref_slice %arg8[%dma_wait3A_839] : memref<768xi32, #tpu.memory_space<vmem>> -> memref<32xi32, #tpu.memory_space<vmem>>
    %dma_wait3A_841 = arith.constant 0 : i32
    %dma_wait3A_842 = arith.constant 0 : i32
    %dma_wait3A_843 = tpu.memref_slice %arg5[%dma_wait3A_841, %dma_wait3A_842] : memref<100000x128xf32, #tpu.memory_space<hbm>> -> memref<100000x128xf32, #tpu.memory_space<hbm>>
    tpu.wait_indirect_dma semaphore(%arg13 : memref<!tpu.dma_semaphore, #tpu.memory_space<semaphore_mem>>) src(%dma_wait3A_843 : memref<100000x128xf32, #tpu.memory_space<hbm>>) dst(%dma_wait3A_838 : memref<32x128xf32, #tpu.memory_space<vmem>>)
    %dma_wait3A_844 = arith.constant 1 : i32
    %dma_wait3A_845 = arith.constant 4 : i32
    %dma_wait3A_846 = arith.constant 0 : i32
    %dma_wait3A_847 = arith.constant 0 : i32
    %dma_wait3A_848 = arith.constant 0 : i32
    %dma_wait3A_849 = tpu.memref_slice %arg10[%dma_wait3A_844, %dma_wait3A_846, %dma_wait3A_847, %dma_wait3A_848] : memref<2x6x32x128xf32, #tpu.memory_space<vmem>> -> memref<1x6x32x128xf32, #tpu.memory_space<vmem>>
    %dma_wait3A_850 = tpu.memref_squeeze %dma_wait3A_849 : memref<1x6x32x128xf32, #tpu.memory_space<vmem>> -> memref<6x32x128xf32, #tpu.memory_space<vmem>>
    %dma_wait3A_851 = arith.constant 0 : i32
    %dma_wait3A_852 = arith.constant 0 : i32
    %dma_wait3A_853 = tpu.memref_slice %dma_wait3A_850[%dma_wait3A_845, %dma_wait3A_851, %dma_wait3A_852] : memref<6x32x128xf32, #tpu.memory_space<vmem>> -> memref<1x32x128xf32, #tpu.memory_space<vmem>>
    %dma_wait3A_854 = tpu.memref_squeeze %dma_wait3A_853 : memref<1x32x128xf32, #tpu.memory_space<vmem>> -> memref<32x128xf32, #tpu.memory_space<vmem>>
    %dma_wait3A_855 = arith.constant 608 : i32
    %dma_wait3A_856 = tpu.memref_slice %arg8[%dma_wait3A_855] : memref<768xi32, #tpu.memory_space<vmem>> -> memref<32xi32, #tpu.memory_space<vmem>>
    %dma_wait3A_857 = arith.constant 0 : i32
    %dma_wait3A_858 = arith.constant 0 : i32
    %dma_wait3A_859 = tpu.memref_slice %arg5[%dma_wait3A_857, %dma_wait3A_858] : memref<100000x128xf32, #tpu.memory_space<hbm>> -> memref<100000x128xf32, #tpu.memory_space<hbm>>
    tpu.wait_indirect_dma semaphore(%arg13 : memref<!tpu.dma_semaphore, #tpu.memory_space<semaphore_mem>>) src(%dma_wait3A_859 : memref<100000x128xf32, #tpu.memory_space<hbm>>) dst(%dma_wait3A_854 : memref<32x128xf32, #tpu.memory_space<vmem>>)
    %dma_wait3A_860 = arith.constant 1 : i32
    %dma_wait3A_861 = arith.constant 5 : i32
    %dma_wait3A_862 = arith.constant 0 : i32
    %dma_wait3A_863 = arith.constant 0 : i32
    %dma_wait3A_864 = arith.constant 0 : i32
    %dma_wait3A_865 = tpu.memref_slice %arg10[%dma_wait3A_860, %dma_wait3A_862, %dma_wait3A_863, %dma_wait3A_864] : memref<2x6x32x128xf32, #tpu.memory_space<vmem>> -> memref<1x6x32x128xf32, #tpu.memory_space<vmem>>
    %dma_wait3A_866 = tpu.memref_squeeze %dma_wait3A_865 : memref<1x6x32x128xf32, #tpu.memory_space<vmem>> -> memref<6x32x128xf32, #tpu.memory_space<vmem>>
    %dma_wait3A_867 = arith.constant 0 : i32
    %dma_wait3A_868 = arith.constant 0 : i32
    %dma_wait3A_869 = tpu.memref_slice %dma_wait3A_866[%dma_wait3A_861, %dma_wait3A_867, %dma_wait3A_868] : memref<6x32x128xf32, #tpu.memory_space<vmem>> -> memref<1x32x128xf32, #tpu.memory_space<vmem>>
    %dma_wait3A_870 = tpu.memref_squeeze %dma_wait3A_869 : memref<1x32x128xf32, #tpu.memory_space<vmem>> -> memref<32x128xf32, #tpu.memory_space<vmem>>
    %dma_wait3A_871 = arith.constant 736 : i32
    %dma_wait3A_872 = tpu.memref_slice %arg8[%dma_wait3A_871] : memref<768xi32, #tpu.memory_space<vmem>> -> memref<32xi32, #tpu.memory_space<vmem>>
    %dma_wait3A_873 = arith.constant 0 : i32
    %dma_wait3A_874 = arith.constant 0 : i32
    %dma_wait3A_875 = tpu.memref_slice %arg5[%dma_wait3A_873, %dma_wait3A_874] : memref<100000x128xf32, #tpu.memory_space<hbm>> -> memref<100000x128xf32, #tpu.memory_space<hbm>>
    tpu.wait_indirect_dma semaphore(%arg13 : memref<!tpu.dma_semaphore, #tpu.memory_space<semaphore_mem>>) src(%dma_wait3A_875 : memref<100000x128xf32, #tpu.memory_space<hbm>>) dst(%dma_wait3A_870 : memref<32x128xf32, #tpu.memory_space<vmem>>)
    %scan3A_876 = arith.constant 1 : i32
    %scan3A_877 = arith.constant 1 : i32
    %scan3A_878 = arith.constant 0 : i32
    %scan3A_879 = arith.constant 32 : i32
    %scan3A_880 = arith.addi %scan3A_878, %scan3A_879 : i32
    %scan3A_881 = arith.constant 1 : i32
    scf.for %scan3A_883 = %scan3A_878 to %scan3A_880 step %scan3A_881  : i32 {
      %mul3A_884 = arith.constant 1 : i32
      %mul3A_885 = arith.muli %scan3A_883, %mul3A_884 : i32
      %add3A_886 = arith.constant 0 : i32
      %add3A_887 = arith.addi %add3A_886, %mul3A_885 : i32
      %get3A = arith.constant 0 : i32
      %get3A_888 = arith.constant 0 : i32
      %get3A_889 = tpu.memref_slice %arg9[%scan3A_876, %get3A, %get3A_888] : memref<2x32x128xf32, #tpu.memory_space<vmem>> -> memref<1x32x128xf32, #tpu.memory_space<vmem>>
      %get3A_890 = tpu.memref_squeeze %get3A_889 : memref<1x32x128xf32, #tpu.memory_space<vmem>> -> memref<32x128xf32, #tpu.memory_space<vmem>>
      %get3A_891 = arith.index_cast %add3A_887 : i32 to index
      %get3A_892 = arith.constant 0 : index
      %get3A_893 = tpu.vector_load %get3A_890[%get3A_891, %get3A_892] {strides = array<i32>} : memref<32x128xf32, #tpu.memory_space<vmem>>, vector<16xf32>,
      %get3A_894 = arith.constant 0 : i32
      %get3A_895 = arith.constant 0 : i32
      %get3A_896 = tpu.memref_slice %arg9[%scan3A_876, %get3A_894, %get3A_895] : memref<2x32x128xf32, #tpu.memory_space<vmem>> -> memref<1x32x128xf32, #tpu.memory_space<vmem>>
      %get3A_897 = tpu.memref_squeeze %get3A_896 : memref<1x32x128xf32, #tpu.memory_space<vmem>> -> memref<32x128xf32, #tpu.memory_space<vmem>>
      %get3A_898 = arith.index_cast %add3A_887 : i32 to index
      %get3A_899 = arith.constant 16 : index
      %get3A_900 = tpu.vector_load %get3A_897[%get3A_898, %get3A_899] {strides = array<i32>} : memref<32x128xf32, #tpu.memory_space<vmem>>, vector<16xf32>,
      %get3A_901 = arith.constant 0 : i32
      %get3A_902 = arith.constant 0 : i32
      %get3A_903 = tpu.memref_slice %arg9[%scan3A_876, %get3A_901, %get3A_902] : memref<2x32x128xf32, #tpu.memory_space<vmem>> -> memref<1x32x128xf32, #tpu.memory_space<vmem>>
      %get3A_904 = tpu.memref_squeeze %get3A_903 : memref<1x32x128xf32, #tpu.memory_space<vmem>> -> memref<32x128xf32, #tpu.memory_space<vmem>>
      %get3A_905 = arith.index_cast %add3A_887 : i32 to index
      %get3A_906 = arith.constant 32 : index
      %get3A_907 = tpu.vector_load %get3A_904[%get3A_905, %get3A_906] {strides = array<i32>} : memref<32x128xf32, #tpu.memory_space<vmem>>, vector<16xf32>,
      %get3A_908 = arith.constant 0 : i32
      %get3A_909 = arith.constant 0 : i32
      %get3A_910 = tpu.memref_slice %arg9[%scan3A_876, %get3A_908, %get3A_909] : memref<2x32x128xf32, #tpu.memory_space<vmem>> -> memref<1x32x128xf32, #tpu.memory_space<vmem>>
      %get3A_911 = tpu.memref_squeeze %get3A_910 : memref<1x32x128xf32, #tpu.memory_space<vmem>> -> memref<32x128xf32, #tpu.memory_space<vmem>>
      %get3A_912 = arith.index_cast %add3A_887 : i32 to index
      %get3A_913 = arith.constant 48 : index
      %get3A_914 = tpu.vector_load %get3A_911[%get3A_912, %get3A_913] {strides = array<i32>} : memref<32x128xf32, #tpu.memory_space<vmem>>, vector<16xf32>,
      %get3A_915 = arith.constant 0 : i32
      %get3A_916 = arith.constant 0 : i32
      %get3A_917 = tpu.memref_slice %arg9[%scan3A_876, %get3A_915, %get3A_916] : memref<2x32x128xf32, #tpu.memory_space<vmem>> -> memref<1x32x128xf32, #tpu.memory_space<vmem>>
      %get3A_918 = tpu.memref_squeeze %get3A_917 : memref<1x32x128xf32, #tpu.memory_space<vmem>> -> memref<32x128xf32, #tpu.memory_space<vmem>>
      %get3A_919 = arith.index_cast %add3A_887 : i32 to index
      %get3A_920 = arith.constant 64 : index
      %get3A_921 = tpu.vector_load %get3A_918[%get3A_919, %get3A_920] {strides = array<i32>} : memref<32x128xf32, #tpu.memory_space<vmem>>, vector<16xf32>,
      %get3A_922 = arith.constant 0 : i32
      %get3A_923 = arith.constant 0 : i32
      %get3A_924 = tpu.memref_slice %arg9[%scan3A_876, %get3A_922, %get3A_923] : memref<2x32x128xf32, #tpu.memory_space<vmem>> -> memref<1x32x128xf32, #tpu.memory_space<vmem>>
      %get3A_925 = tpu.memref_squeeze %get3A_924 : memref<1x32x128xf32, #tpu.memory_space<vmem>> -> memref<32x128xf32, #tpu.memory_space<vmem>>
      %get3A_926 = arith.index_cast %add3A_887 : i32 to index
      %get3A_927 = arith.constant 80 : index
      %get3A_928 = tpu.vector_load %get3A_925[%get3A_926, %get3A_927] {strides = array<i32>} : memref<32x128xf32, #tpu.memory_space<vmem>>, vector<16xf32>,
      %get3A_929 = arith.constant 0 : i32
      %get3A_930 = arith.constant 0 : i32
      %get3A_931 = tpu.memref_slice %arg9[%scan3A_876, %get3A_929, %get3A_930] : memref<2x32x128xf32, #tpu.memory_space<vmem>> -> memref<1x32x128xf32, #tpu.memory_space<vmem>>
      %get3A_932 = tpu.memref_squeeze %get3A_931 : memref<1x32x128xf32, #tpu.memory_space<vmem>> -> memref<32x128xf32, #tpu.memory_space<vmem>>
      %get3A_933 = arith.index_cast %add3A_887 : i32 to index
      %get3A_934 = arith.constant 96 : index
      %get3A_935 = tpu.vector_load %get3A_932[%get3A_933, %get3A_934] {strides = array<i32>} : memref<32x128xf32, #tpu.memory_space<vmem>>, vector<16xf32>,
      %get3A_936 = arith.constant 0 : i32
      %get3A_937 = arith.constant 0 : i32
      %get3A_938 = tpu.memref_slice %arg9[%scan3A_876, %get3A_936, %get3A_937] : memref<2x32x128xf32, #tpu.memory_space<vmem>> -> memref<1x32x128xf32, #tpu.memory_space<vmem>>
      %get3A_939 = tpu.memref_squeeze %get3A_938 : memref<1x32x128xf32, #tpu.memory_space<vmem>> -> memref<32x128xf32, #tpu.memory_space<vmem>>
      %get3A_940 = arith.index_cast %add3A_887 : i32 to index
      %get3A_941 = arith.constant 112 : index
      %get3A_942 = tpu.vector_load %get3A_939[%get3A_940, %get3A_941] {strides = array<i32>} : memref<32x128xf32, #tpu.memory_space<vmem>>, vector<16xf32>,
      %broadcast_in_dim3A = arith.constant 0.000000e+00 : f32
      %broadcast_in_dim3A_943 = vector.broadcast %broadcast_in_dim3A : f32 to vector<16xf32>
      %get3A_944 = arith.constant 0 : i32
      %get3A_945 = arith.constant 0 : i32
      %get3A_946 = arith.constant 0 : i32
      %get3A_947 = arith.constant 0 : i32
      %get3A_948 = tpu.memref_slice %arg10[%scan3A_877, %get3A_945, %get3A_946, %get3A_947] : memref<2x6x32x128xf32, #tpu.memory_space<vmem>> -> memref<1x6x32x128xf32, #tpu.memory_space<vmem>>
      %get3A_949 = tpu.memref_squeeze %get3A_948 : memref<1x6x32x128xf32, #tpu.memory_space<vmem>> -> memref<6x32x128xf32, #tpu.memory_space<vmem>>
      %get3A_950 = arith.index_cast %get3A_944 : i32 to index
      %get3A_951 = arith.index_cast %add3A_887 : i32 to index
      %get3A_952 = arith.constant 0 : index
      %get3A_953 = tpu.vector_load %get3A_949[%get3A_950, %get3A_951, %get3A_952] {strides = array<i32>} : memref<6x32x128xf32, #tpu.memory_space<vmem>>, vector<16xf32>,
      %mul3A_954 = arith.mulf %get3A_893, %get3A_953 : vector<16xf32>
      %get3A_955 = arith.constant 0 : i32
      %get3A_956 = arith.constant 0 : i32
      %get3A_957 = arith.constant 0 : i32
      %get3A_958 = arith.constant 0 : i32
      %get3A_959 = tpu.memref_slice %arg10[%scan3A_877, %get3A_956, %get3A_957, %get3A_958] : memref<2x6x32x128xf32, #tpu.memory_space<vmem>> -> memref<1x6x32x128xf32, #tpu.memory_space<vmem>>
      %get3A_960 = tpu.memref_squeeze %get3A_959 : memref<1x6x32x128xf32, #tpu.memory_space<vmem>> -> memref<6x32x128xf32, #tpu.memory_space<vmem>>
      %get3A_961 = arith.index_cast %get3A_955 : i32 to index
      %get3A_962 = arith.index_cast %add3A_887 : i32 to index
      %get3A_963 = arith.constant 16 : index
      %get3A_964 = tpu.vector_load %get3A_960[%get3A_961, %get3A_962, %get3A_963] {strides = array<i32>} : memref<6x32x128xf32, #tpu.memory_space<vmem>>, vector<16xf32>,
      %mul3A_965 = arith.mulf %get3A_900, %get3A_964 : vector<16xf32>
      %add3A_966 = arith.addf %mul3A_954, %mul3A_965 : vector<16xf32>
      %get3A_967 = arith.constant 0 : i32
      %get3A_968 = arith.constant 0 : i32
      %get3A_969 = arith.constant 0 : i32
      %get3A_970 = arith.constant 0 : i32
      %get3A_971 = tpu.memref_slice %arg10[%scan3A_877, %get3A_968, %get3A_969, %get3A_970] : memref<2x6x32x128xf32, #tpu.memory_space<vmem>> -> memref<1x6x32x128xf32, #tpu.memory_space<vmem>>
      %get3A_972 = tpu.memref_squeeze %get3A_971 : memref<1x6x32x128xf32, #tpu.memory_space<vmem>> -> memref<6x32x128xf32, #tpu.memory_space<vmem>>
      %get3A_973 = arith.index_cast %get3A_967 : i32 to index
      %get3A_974 = arith.index_cast %add3A_887 : i32 to index
      %get3A_975 = arith.constant 32 : index
      %get3A_976 = tpu.vector_load %get3A_972[%get3A_973, %get3A_974, %get3A_975] {strides = array<i32>} : memref<6x32x128xf32, #tpu.memory_space<vmem>>, vector<16xf32>,
      %mul3A_977 = arith.mulf %get3A_907, %get3A_976 : vector<16xf32>
      %add3A_978 = arith.addf %add3A_966, %mul3A_977 : vector<16xf32>
      %get3A_979 = arith.constant 0 : i32
      %get3A_980 = arith.constant 0 : i32
      %get3A_981 = arith.constant 0 : i32
      %get3A_982 = arith.constant 0 : i32
      %get3A_983 = tpu.memref_slice %arg10[%scan3A_877, %get3A_980, %get3A_981, %get3A_982] : memref<2x6x32x128xf32, #tpu.memory_space<vmem>> -> memref<1x6x32x128xf32, #tpu.memory_space<vmem>>
      %get3A_984 = tpu.memref_squeeze %get3A_983 : memref<1x6x32x128xf32, #tpu.memory_space<vmem>> -> memref<6x32x128xf32, #tpu.memory_space<vmem>>
      %get3A_985 = arith.index_cast %get3A_979 : i32 to index
      %get3A_986 = arith.index_cast %add3A_887 : i32 to index
      %get3A_987 = arith.constant 48 : index
      %get3A_988 = tpu.vector_load %get3A_984[%get3A_985, %get3A_986, %get3A_987] {strides = array<i32>} : memref<6x32x128xf32, #tpu.memory_space<vmem>>, vector<16xf32>,
      %mul3A_989 = arith.mulf %get3A_914, %get3A_988 : vector<16xf32>
      %add3A_990 = arith.addf %add3A_978, %mul3A_989 : vector<16xf32>
      %get3A_991 = arith.constant 0 : i32
      %get3A_992 = arith.constant 0 : i32
      %get3A_993 = arith.constant 0 : i32
      %get3A_994 = arith.constant 0 : i32
      %get3A_995 = tpu.memref_slice %arg10[%scan3A_877, %get3A_992, %get3A_993, %get3A_994] : memref<2x6x32x128xf32, #tpu.memory_space<vmem>> -> memref<1x6x32x128xf32, #tpu.memory_space<vmem>>
      %get3A_996 = tpu.memref_squeeze %get3A_995 : memref<1x6x32x128xf32, #tpu.memory_space<vmem>> -> memref<6x32x128xf32, #tpu.memory_space<vmem>>
      %get3A_997 = arith.index_cast %get3A_991 : i32 to index
      %get3A_998 = arith.index_cast %add3A_887 : i32 to index
      %get3A_999 = arith.constant 64 : index
      %get3A_1000 = tpu.vector_load %get3A_996[%get3A_997, %get3A_998, %get3A_999] {strides = array<i32>} : memref<6x32x128xf32, #tpu.memory_space<vmem>>, vector<16xf32>,
      %mul3A_1001 = arith.mulf %get3A_921, %get3A_1000 : vector<16xf32>
      %add3A_1002 = arith.addf %add3A_990, %mul3A_1001 : vector<16xf32>
      %get3A_1003 = arith.constant 0 : i32
      %get3A_1004 = arith.constant 0 : i32
      %get3A_1005 = arith.constant 0 : i32
      %get3A_1006 = arith.constant 0 : i32
      %get3A_1007 = tpu.memref_slice %arg10[%scan3A_877, %get3A_1004, %get3A_1005, %get3A_1006] : memref<2x6x32x128xf32, #tpu.memory_space<vmem>> -> memref<1x6x32x128xf32, #tpu.memory_space<vmem>>
      %get3A_1008 = tpu.memref_squeeze %get3A_1007 : memref<1x6x32x128xf32, #tpu.memory_space<vmem>> -> memref<6x32x128xf32, #tpu.memory_space<vmem>>
      %get3A_1009 = arith.index_cast %get3A_1003 : i32 to index
      %get3A_1010 = arith.index_cast %add3A_887 : i32 to index
      %get3A_1011 = arith.constant 80 : index
      %get3A_1012 = tpu.vector_load %get3A_1008[%get3A_1009, %get3A_1010, %get3A_1011] {strides = array<i32>} : memref<6x32x128xf32, #tpu.memory_space<vmem>>, vector<16xf32>,
      %mul3A_1013 = arith.mulf %get3A_928, %get3A_1012 : vector<16xf32>
      %add3A_1014 = arith.addf %add3A_1002, %mul3A_1013 : vector<16xf32>
      %get3A_1015 = arith.constant 0 : i32
      %get3A_1016 = arith.constant 0 : i32
      %get3A_1017 = arith.constant 0 : i32
      %get3A_1018 = arith.constant 0 : i32
      %get3A_1019 = tpu.memref_slice %arg10[%scan3A_877, %get3A_1016, %get3A_1017, %get3A_1018] : memref<2x6x32x128xf32, #tpu.memory_space<vmem>> -> memref<1x6x32x128xf32, #tpu.memory_space<vmem>>
      %get3A_1020 = tpu.memref_squeeze %get3A_1019 : memref<1x6x32x128xf32, #tpu.memory_space<vmem>> -> memref<6x32x128xf32, #tpu.memory_space<vmem>>
      %get3A_1021 = arith.index_cast %get3A_1015 : i32 to index
      %get3A_1022 = arith.index_cast %add3A_887 : i32 to index
      %get3A_1023 = arith.constant 96 : index
      %get3A_1024 = tpu.vector_load %get3A_1020[%get3A_1021, %get3A_1022, %get3A_1023] {strides = array<i32>} : memref<6x32x128xf32, #tpu.memory_space<vmem>>, vector<16xf32>,
      %mul3A_1025 = arith.mulf %get3A_935, %get3A_1024 : vector<16xf32>
      %add3A_1026 = arith.addf %add3A_1014, %mul3A_1025 : vector<16xf32>
      %get3A_1027 = arith.constant 0 : i32
      %get3A_1028 = arith.constant 0 : i32
      %get3A_1029 = arith.constant 0 : i32
      %get3A_1030 = arith.constant 0 : i32
      %get3A_1031 = tpu.memref_slice %arg10[%scan3A_877, %get3A_1028, %get3A_1029, %get3A_1030] : memref<2x6x32x128xf32, #tpu.memory_space<vmem>> -> memref<1x6x32x128xf32, #tpu.memory_space<vmem>>
      %get3A_1032 = tpu.memref_squeeze %get3A_1031 : memref<1x6x32x128xf32, #tpu.memory_space<vmem>> -> memref<6x32x128xf32, #tpu.memory_space<vmem>>
      %get3A_1033 = arith.index_cast %get3A_1027 : i32 to index
      %get3A_1034 = arith.index_cast %add3A_887 : i32 to index
      %get3A_1035 = arith.constant 112 : index
      %get3A_1036 = tpu.vector_load %get3A_1032[%get3A_1033, %get3A_1034, %get3A_1035] {strides = array<i32>} : memref<6x32x128xf32, #tpu.memory_space<vmem>>, vector<16xf32>,
      %mul3A_1037 = arith.mulf %get3A_942, %get3A_1036 : vector<16xf32>
      %add3A_1038 = arith.addf %add3A_1026, %mul3A_1037 : vector<16xf32>
      %eq3A = arith.constant 0 : i32
      %eq3A_1039 = vector.broadcast %eq3A : i32 to vector<16xi32>
      %eq3A_1040 = arith.cmpi eq, %iota3A, %eq3A_1039 : vector<16xi32>
      %reduce_sum3A = arith.constant true
      %reduce_sum3A_1041 = vector.broadcast %reduce_sum3A : i1 to vector<16xi1>
      %reduce_sum3A_1042 = tpu.scan <sum>, %add3A_1038 masked %reduce_sum3A_1041 : vector<16xf32>, vector<16xi1> -> vector<16xf32>
      %reduce_sum3A_1043 = vector.extract %reduce_sum3A_1042[15] : f32 from vector<16xf32>
      %broadcast_in_dim3A_1044 = vector.broadcast %reduce_sum3A_1043 : f32 to vector<16xf32>
      %select_n3A = arith.select %eq3A_1040, %broadcast_in_dim3A_1044, %broadcast_in_dim3A_943 : vector<16xi1>, vector<16xf32>
      %get3A_1045 = arith.constant 1 : i32
      %get3A_1046 = arith.constant 0 : i32
      %get3A_1047 = arith.constant 0 : i32
      %get3A_1048 = arith.constant 0 : i32
      %get3A_1049 = tpu.memref_slice %arg10[%scan3A_877, %get3A_1046, %get3A_1047, %get3A_1048] : memref<2x6x32x128xf32, #tpu.memory_space<vmem>> -> memref<1x6x32x128xf32, #tpu.memory_space<vmem>>
      %get3A_1050 = tpu.memref_squeeze %get3A_1049 : memref<1x6x32x128xf32, #tpu.memory_space<vmem>> -> memref<6x32x128xf32, #tpu.memory_space<vmem>>
      %get3A_1051 = arith.index_cast %get3A_1045 : i32 to index
      %get3A_1052 = arith.index_cast %add3A_887 : i32 to index
      %get3A_1053 = arith.constant 0 : index
      %get3A_1054 = tpu.vector_load %get3A_1050[%get3A_1051, %get3A_1052, %get3A_1053] {strides = array<i32>} : memref<6x32x128xf32, #tpu.memory_space<vmem>>, vector<16xf32>,
      %mul3A_1055 = arith.mulf %get3A_893, %get3A_1054 : vector<16xf32>
      %get3A_1056 = arith.constant 1 : i32
      %get3A_1057 = arith.constant 0 : i32
      %get3A_1058 = arith.constant 0 : i32
      %get3A_1059 = arith.constant 0 : i32
      %get3A_1060 = tpu.memref_slice %arg10[%scan3A_877, %get3A_1057, %get3A_1058, %get3A_1059] : memref<2x6x32x128xf32, #tpu.memory_space<vmem>> -> memref<1x6x32x128xf32, #tpu.memory_space<vmem>>
      %get3A_1061 = tpu.memref_squeeze %get3A_1060 : memref<1x6x32x128xf32, #tpu.memory_space<vmem>> -> memref<6x32x128xf32, #tpu.memory_space<vmem>>
      %get3A_1062 = arith.index_cast %get3A_1056 : i32 to index
      %get3A_1063 = arith.index_cast %add3A_887 : i32 to index
      %get3A_1064 = arith.constant 16 : index
      %get3A_1065 = tpu.vector_load %get3A_1061[%get3A_1062, %get3A_1063, %get3A_1064] {strides = array<i32>} : memref<6x32x128xf32, #tpu.memory_space<vmem>>, vector<16xf32>,
      %mul3A_1066 = arith.mulf %get3A_900, %get3A_1065 : vector<16xf32>
      %add3A_1067 = arith.addf %mul3A_1055, %mul3A_1066 : vector<16xf32>
      %get3A_1068 = arith.constant 1 : i32
      %get3A_1069 = arith.constant 0 : i32
      %get3A_1070 = arith.constant 0 : i32
      %get3A_1071 = arith.constant 0 : i32
      %get3A_1072 = tpu.memref_slice %arg10[%scan3A_877, %get3A_1069, %get3A_1070, %get3A_1071] : memref<2x6x32x128xf32, #tpu.memory_space<vmem>> -> memref<1x6x32x128xf32, #tpu.memory_space<vmem>>
      %get3A_1073 = tpu.memref_squeeze %get3A_1072 : memref<1x6x32x128xf32, #tpu.memory_space<vmem>> -> memref<6x32x128xf32, #tpu.memory_space<vmem>>
      %get3A_1074 = arith.index_cast %get3A_1068 : i32 to index
      %get3A_1075 = arith.index_cast %add3A_887 : i32 to index
      %get3A_1076 = arith.constant 32 : index
      %get3A_1077 = tpu.vector_load %get3A_1073[%get3A_1074, %get3A_1075, %get3A_1076] {strides = array<i32>} : memref<6x32x128xf32, #tpu.memory_space<vmem>>, vector<16xf32>,
      %mul3A_1078 = arith.mulf %get3A_907, %get3A_1077 : vector<16xf32>
      %add3A_1079 = arith.addf %add3A_1067, %mul3A_1078 : vector<16xf32>
      %get3A_1080 = arith.constant 1 : i32
      %get3A_1081 = arith.constant 0 : i32
      %get3A_1082 = arith.constant 0 : i32
      %get3A_1083 = arith.constant 0 : i32
      %get3A_1084 = tpu.memref_slice %arg10[%scan3A_877, %get3A_1081, %get3A_1082, %get3A_1083] : memref<2x6x32x128xf32, #tpu.memory_space<vmem>> -> memref<1x6x32x128xf32, #tpu.memory_space<vmem>>
      %get3A_1085 = tpu.memref_squeeze %get3A_1084 : memref<1x6x32x128xf32, #tpu.memory_space<vmem>> -> memref<6x32x128xf32, #tpu.memory_space<vmem>>
      %get3A_1086 = arith.index_cast %get3A_1080 : i32 to index
      %get3A_1087 = arith.index_cast %add3A_887 : i32 to index
      %get3A_1088 = arith.constant 48 : index
      %get3A_1089 = tpu.vector_load %get3A_1085[%get3A_1086, %get3A_1087, %get3A_1088] {strides = array<i32>} : memref<6x32x128xf32, #tpu.memory_space<vmem>>, vector<16xf32>,
      %mul3A_1090 = arith.mulf %get3A_914, %get3A_1089 : vector<16xf32>
      %add3A_1091 = arith.addf %add3A_1079, %mul3A_1090 : vector<16xf32>
      %get3A_1092 = arith.constant 1 : i32
      %get3A_1093 = arith.constant 0 : i32
      %get3A_1094 = arith.constant 0 : i32
      %get3A_1095 = arith.constant 0 : i32
      %get3A_1096 = tpu.memref_slice %arg10[%scan3A_877, %get3A_1093, %get3A_1094, %get3A_1095] : memref<2x6x32x128xf32, #tpu.memory_space<vmem>> -> memref<1x6x32x128xf32, #tpu.memory_space<vmem>>
      %get3A_1097 = tpu.memref_squeeze %get3A_1096 : memref<1x6x32x128xf32, #tpu.memory_space<vmem>> -> memref<6x32x128xf32, #tpu.memory_space<vmem>>
      %get3A_1098 = arith.index_cast %get3A_1092 : i32 to index
      %get3A_1099 = arith.index_cast %add3A_887 : i32 to index
      %get3A_1100 = arith.constant 64 : index
      %get3A_1101 = tpu.vector_load %get3A_1097[%get3A_1098, %get3A_1099, %get3A_1100] {strides = array<i32>} : memref<6x32x128xf32, #tpu.memory_space<vmem>>, vector<16xf32>,
      %mul3A_1102 = arith.mulf %get3A_921, %get3A_1101 : vector<16xf32>
      %add3A_1103 = arith.addf %add3A_1091, %mul3A_1102 : vector<16xf32>
      %get3A_1104 = arith.constant 1 : i32
      %get3A_1105 = arith.constant 0 : i32
      %get3A_1106 = arith.constant 0 : i32
      %get3A_1107 = arith.constant 0 : i32
      %get3A_1108 = tpu.memref_slice %arg10[%scan3A_877, %get3A_1105, %get3A_1106, %get3A_1107] : memref<2x6x32x128xf32, #tpu.memory_space<vmem>> -> memref<1x6x32x128xf32, #tpu.memory_space<vmem>>
      %get3A_1109 = tpu.memref_squeeze %get3A_1108 : memref<1x6x32x128xf32, #tpu.memory_space<vmem>> -> memref<6x32x128xf32, #tpu.memory_space<vmem>>
      %get3A_1110 = arith.index_cast %get3A_1104 : i32 to index
      %get3A_1111 = arith.index_cast %add3A_887 : i32 to index
      %get3A_1112 = arith.constant 80 : index
      %get3A_1113 = tpu.vector_load %get3A_1109[%get3A_1110, %get3A_1111, %get3A_1112] {strides = array<i32>} : memref<6x32x128xf32, #tpu.memory_space<vmem>>, vector<16xf32>,
      %mul3A_1114 = arith.mulf %get3A_928, %get3A_1113 : vector<16xf32>
      %add3A_1115 = arith.addf %add3A_1103, %mul3A_1114 : vector<16xf32>
      %get3A_1116 = arith.constant 1 : i32
      %get3A_1117 = arith.constant 0 : i32
      %get3A_1118 = arith.constant 0 : i32
      %get3A_1119 = arith.constant 0 : i32
      %get3A_1120 = tpu.memref_slice %arg10[%scan3A_877, %get3A_1117, %get3A_1118, %get3A_1119] : memref<2x6x32x128xf32, #tpu.memory_space<vmem>> -> memref<1x6x32x128xf32, #tpu.memory_space<vmem>>
      %get3A_1121 = tpu.memref_squeeze %get3A_1120 : memref<1x6x32x128xf32, #tpu.memory_space<vmem>> -> memref<6x32x128xf32, #tpu.memory_space<vmem>>
      %get3A_1122 = arith.index_cast %get3A_1116 : i32 to index
      %get3A_1123 = arith.index_cast %add3A_887 : i32 to index
      %get3A_1124 = arith.constant 96 : index
      %get3A_1125 = tpu.vector_load %get3A_1121[%get3A_1122, %get3A_1123, %get3A_1124] {strides = array<i32>} : memref<6x32x128xf32, #tpu.memory_space<vmem>>, vector<16xf32>,
      %mul3A_1126 = arith.mulf %get3A_935, %get3A_1125 : vector<16xf32>
      %add3A_1127 = arith.addf %add3A_1115, %mul3A_1126 : vector<16xf32>
      %get3A_1128 = arith.constant 1 : i32
      %get3A_1129 = arith.constant 0 : i32
      %get3A_1130 = arith.constant 0 : i32
      %get3A_1131 = arith.constant 0 : i32
      %get3A_1132 = tpu.memref_slice %arg10[%scan3A_877, %get3A_1129, %get3A_1130, %get3A_1131] : memref<2x6x32x128xf32, #tpu.memory_space<vmem>> -> memref<1x6x32x128xf32, #tpu.memory_space<vmem>>
      %get3A_1133 = tpu.memref_squeeze %get3A_1132 : memref<1x6x32x128xf32, #tpu.memory_space<vmem>> -> memref<6x32x128xf32, #tpu.memory_space<vmem>>
      %get3A_1134 = arith.index_cast %get3A_1128 : i32 to index
      %get3A_1135 = arith.index_cast %add3A_887 : i32 to index
      %get3A_1136 = arith.constant 112 : index
      %get3A_1137 = tpu.vector_load %get3A_1133[%get3A_1134, %get3A_1135, %get3A_1136] {strides = array<i32>} : memref<6x32x128xf32, #tpu.memory_space<vmem>>, vector<16xf32>,
      %mul3A_1138 = arith.mulf %get3A_942, %get3A_1137 : vector<16xf32>
      %add3A_1139 = arith.addf %add3A_1127, %mul3A_1138 : vector<16xf32>
      %eq3A_1140 = arith.constant 1 : i32
      %eq3A_1141 = vector.broadcast %eq3A_1140 : i32 to vector<16xi32>
      %eq3A_1142 = arith.cmpi eq, %iota3A, %eq3A_1141 : vector<16xi32>
      %reduce_sum3A_1143 = arith.constant true
      %reduce_sum3A_1144 = vector.broadcast %reduce_sum3A_1143 : i1 to vector<16xi1>
      %reduce_sum3A_1145 = tpu.scan <sum>, %add3A_1139 masked %reduce_sum3A_1144 : vector<16xf32>, vector<16xi1> -> vector<16xf32>
      %reduce_sum3A_1146 = vector.extract %reduce_sum3A_1145[15] : f32 from vector<16xf32>
      %broadcast_in_dim3A_1147 = vector.broadcast %reduce_sum3A_1146 : f32 to vector<16xf32>
      %select_n3A_1148 = arith.select %eq3A_1142, %broadcast_in_dim3A_1147, %select_n3A : vector<16xi1>, vector<16xf32>
      %get3A_1149 = arith.constant 2 : i32
      %get3A_1150 = arith.constant 0 : i32
      %get3A_1151 = arith.constant 0 : i32
      %get3A_1152 = arith.constant 0 : i32
      %get3A_1153 = tpu.memref_slice %arg10[%scan3A_877, %get3A_1150, %get3A_1151, %get3A_1152] : memref<2x6x32x128xf32, #tpu.memory_space<vmem>> -> memref<1x6x32x128xf32, #tpu.memory_space<vmem>>
      %get3A_1154 = tpu.memref_squeeze %get3A_1153 : memref<1x6x32x128xf32, #tpu.memory_space<vmem>> -> memref<6x32x128xf32, #tpu.memory_space<vmem>>
      %get3A_1155 = arith.index_cast %get3A_1149 : i32 to index
      %get3A_1156 = arith.index_cast %add3A_887 : i32 to index
      %get3A_1157 = arith.constant 0 : index
      %get3A_1158 = tpu.vector_load %get3A_1154[%get3A_1155, %get3A_1156, %get3A_1157] {strides = array<i32>} : memref<6x32x128xf32, #tpu.memory_space<vmem>>, vector<16xf32>,
      %mul3A_1159 = arith.mulf %get3A_893, %get3A_1158 : vector<16xf32>
      %get3A_1160 = arith.constant 2 : i32
      %get3A_1161 = arith.constant 0 : i32
      %get3A_1162 = arith.constant 0 : i32
      %get3A_1163 = arith.constant 0 : i32
      %get3A_1164 = tpu.memref_slice %arg10[%scan3A_877, %get3A_1161, %get3A_1162, %get3A_1163] : memref<2x6x32x128xf32, #tpu.memory_space<vmem>> -> memref<1x6x32x128xf32, #tpu.memory_space<vmem>>
      %get3A_1165 = tpu.memref_squeeze %get3A_1164 : memref<1x6x32x128xf32, #tpu.memory_space<vmem>> -> memref<6x32x128xf32, #tpu.memory_space<vmem>>
      %get3A_1166 = arith.index_cast %get3A_1160 : i32 to index
      %get3A_1167 = arith.index_cast %add3A_887 : i32 to index
      %get3A_1168 = arith.constant 16 : index
      %get3A_1169 = tpu.vector_load %get3A_1165[%get3A_1166, %get3A_1167, %get3A_1168] {strides = array<i32>} : memref<6x32x128xf32, #tpu.memory_space<vmem>>, vector<16xf32>,
      %mul3A_1170 = arith.mulf %get3A_900, %get3A_1169 : vector<16xf32>
      %add3A_1171 = arith.addf %mul3A_1159, %mul3A_1170 : vector<16xf32>
      %get3A_1172 = arith.constant 2 : i32
      %get3A_1173 = arith.constant 0 : i32
      %get3A_1174 = arith.constant 0 : i32
      %get3A_1175 = arith.constant 0 : i32
      %get3A_1176 = tpu.memref_slice %arg10[%scan3A_877, %get3A_1173, %get3A_1174, %get3A_1175] : memref<2x6x32x128xf32, #tpu.memory_space<vmem>> -> memref<1x6x32x128xf32, #tpu.memory_space<vmem>>
      %get3A_1177 = tpu.memref_squeeze %get3A_1176 : memref<1x6x32x128xf32, #tpu.memory_space<vmem>> -> memref<6x32x128xf32, #tpu.memory_space<vmem>>
      %get3A_1178 = arith.index_cast %get3A_1172 : i32 to index
      %get3A_1179 = arith.index_cast %add3A_887 : i32 to index
      %get3A_1180 = arith.constant 32 : index
      %get3A_1181 = tpu.vector_load %get3A_1177[%get3A_1178, %get3A_1179, %get3A_1180] {strides = array<i32>} : memref<6x32x128xf32, #tpu.memory_space<vmem>>, vector<16xf32>,
      %mul3A_1182 = arith.mulf %get3A_907, %get3A_1181 : vector<16xf32>
      %add3A_1183 = arith.addf %add3A_1171, %mul3A_1182 : vector<16xf32>
      %get3A_1184 = arith.constant 2 : i32
      %get3A_1185 = arith.constant 0 : i32
      %get3A_1186 = arith.constant 0 : i32
      %get3A_1187 = arith.constant 0 : i32
      %get3A_1188 = tpu.memref_slice %arg10[%scan3A_877, %get3A_1185, %get3A_1186, %get3A_1187] : memref<2x6x32x128xf32, #tpu.memory_space<vmem>> -> memref<1x6x32x128xf32, #tpu.memory_space<vmem>>
      %get3A_1189 = tpu.memref_squeeze %get3A_1188 : memref<1x6x32x128xf32, #tpu.memory_space<vmem>> -> memref<6x32x128xf32, #tpu.memory_space<vmem>>
      %get3A_1190 = arith.index_cast %get3A_1184 : i32 to index
      %get3A_1191 = arith.index_cast %add3A_887 : i32 to index
      %get3A_1192 = arith.constant 48 : index
      %get3A_1193 = tpu.vector_load %get3A_1189[%get3A_1190, %get3A_1191, %get3A_1192] {strides = array<i32>} : memref<6x32x128xf32, #tpu.memory_space<vmem>>, vector<16xf32>,
      %mul3A_1194 = arith.mulf %get3A_914, %get3A_1193 : vector<16xf32>
      %add3A_1195 = arith.addf %add3A_1183, %mul3A_1194 : vector<16xf32>
      %get3A_1196 = arith.constant 2 : i32
      %get3A_1197 = arith.constant 0 : i32
      %get3A_1198 = arith.constant 0 : i32
      %get3A_1199 = arith.constant 0 : i32
      %get3A_1200 = tpu.memref_slice %arg10[%scan3A_877, %get3A_1197, %get3A_1198, %get3A_1199] : memref<2x6x32x128xf32, #tpu.memory_space<vmem>> -> memref<1x6x32x128xf32, #tpu.memory_space<vmem>>
      %get3A_1201 = tpu.memref_squeeze %get3A_1200 : memref<1x6x32x128xf32, #tpu.memory_space<vmem>> -> memref<6x32x128xf32, #tpu.memory_space<vmem>>
      %get3A_1202 = arith.index_cast %get3A_1196 : i32 to index
      %get3A_1203 = arith.index_cast %add3A_887 : i32 to index
      %get3A_1204 = arith.constant 64 : index
      %get3A_1205 = tpu.vector_load %get3A_1201[%get3A_1202, %get3A_1203, %get3A_1204] {strides = array<i32>} : memref<6x32x128xf32, #tpu.memory_space<vmem>>, vector<16xf32>,
      %mul3A_1206 = arith.mulf %get3A_921, %get3A_1205 : vector<16xf32>
      %add3A_1207 = arith.addf %add3A_1195, %mul3A_1206 : vector<16xf32>
      %get3A_1208 = arith.constant 2 : i32
      %get3A_1209 = arith.constant 0 : i32
      %get3A_1210 = arith.constant 0 : i32
      %get3A_1211 = arith.constant 0 : i32
      %get3A_1212 = tpu.memref_slice %arg10[%scan3A_877, %get3A_1209, %get3A_1210, %get3A_1211] : memref<2x6x32x128xf32, #tpu.memory_space<vmem>> -> memref<1x6x32x128xf32, #tpu.memory_space<vmem>>
      %get3A_1213 = tpu.memref_squeeze %get3A_1212 : memref<1x6x32x128xf32, #tpu.memory_space<vmem>> -> memref<6x32x128xf32, #tpu.memory_space<vmem>>
      %get3A_1214 = arith.index_cast %get3A_1208 : i32 to index
      %get3A_1215 = arith.index_cast %add3A_887 : i32 to index
      %get3A_1216 = arith.constant 80 : index
      %get3A_1217 = tpu.vector_load %get3A_1213[%get3A_1214, %get3A_1215, %get3A_1216] {strides = array<i32>} : memref<6x32x128xf32, #tpu.memory_space<vmem>>, vector<16xf32>,
      %mul3A_1218 = arith.mulf %get3A_928, %get3A_1217 : vector<16xf32>
      %add3A_1219 = arith.addf %add3A_1207, %mul3A_1218 : vector<16xf32>
      %get3A_1220 = arith.constant 2 : i32
      %get3A_1221 = arith.constant 0 : i32
      %get3A_1222 = arith.constant 0 : i32
      %get3A_1223 = arith.constant 0 : i32
      %get3A_1224 = tpu.memref_slice %arg10[%scan3A_877, %get3A_1221, %get3A_1222, %get3A_1223] : memref<2x6x32x128xf32, #tpu.memory_space<vmem>> -> memref<1x6x32x128xf32, #tpu.memory_space<vmem>>
      %get3A_1225 = tpu.memref_squeeze %get3A_1224 : memref<1x6x32x128xf32, #tpu.memory_space<vmem>> -> memref<6x32x128xf32, #tpu.memory_space<vmem>>
      %get3A_1226 = arith.index_cast %get3A_1220 : i32 to index
      %get3A_1227 = arith.index_cast %add3A_887 : i32 to index
      %get3A_1228 = arith.constant 96 : index
      %get3A_1229 = tpu.vector_load %get3A_1225[%get3A_1226, %get3A_1227, %get3A_1228] {strides = array<i32>} : memref<6x32x128xf32, #tpu.memory_space<vmem>>, vector<16xf32>,
      %mul3A_1230 = arith.mulf %get3A_935, %get3A_1229 : vector<16xf32>
      %add3A_1231 = arith.addf %add3A_1219, %mul3A_1230 : vector<16xf32>
      %get3A_1232 = arith.constant 2 : i32
      %get3A_1233 = arith.constant 0 : i32
      %get3A_1234 = arith.constant 0 : i32
      %get3A_1235 = arith.constant 0 : i32
      %get3A_1236 = tpu.memref_slice %arg10[%scan3A_877, %get3A_1233, %get3A_1234, %get3A_1235] : memref<2x6x32x128xf32, #tpu.memory_space<vmem>> -> memref<1x6x32x128xf32, #tpu.memory_space<vmem>>
      %get3A_1237 = tpu.memref_squeeze %get3A_1236 : memref<1x6x32x128xf32, #tpu.memory_space<vmem>> -> memref<6x32x128xf32, #tpu.memory_space<vmem>>
      %get3A_1238 = arith.index_cast %get3A_1232 : i32 to index
      %get3A_1239 = arith.index_cast %add3A_887 : i32 to index
      %get3A_1240 = arith.constant 112 : index
      %get3A_1241 = tpu.vector_load %get3A_1237[%get3A_1238, %get3A_1239, %get3A_1240] {strides = array<i32>} : memref<6x32x128xf32, #tpu.memory_space<vmem>>, vector<16xf32>,
      %mul3A_1242 = arith.mulf %get3A_942, %get3A_1241 : vector<16xf32>
      %add3A_1243 = arith.addf %add3A_1231, %mul3A_1242 : vector<16xf32>
      %eq3A_1244 = arith.constant 2 : i32
      %eq3A_1245 = vector.broadcast %eq3A_1244 : i32 to vector<16xi32>
      %eq3A_1246 = arith.cmpi eq, %iota3A, %eq3A_1245 : vector<16xi32>
      %reduce_sum3A_1247 = arith.constant true
      %reduce_sum3A_1248 = vector.broadcast %reduce_sum3A_1247 : i1 to vector<16xi1>
      %reduce_sum3A_1249 = tpu.scan <sum>, %add3A_1243 masked %reduce_sum3A_1248 : vector<16xf32>, vector<16xi1> -> vector<16xf32>
      %reduce_sum3A_1250 = vector.extract %reduce_sum3A_1249[15] : f32 from vector<16xf32>
      %broadcast_in_dim3A_1251 = vector.broadcast %reduce_sum3A_1250 : f32 to vector<16xf32>
      %select_n3A_1252 = arith.select %eq3A_1246, %broadcast_in_dim3A_1251, %select_n3A_1148 : vector<16xi1>, vector<16xf32>
      %get3A_1253 = arith.constant 3 : i32
      %get3A_1254 = arith.constant 0 : i32
      %get3A_1255 = arith.constant 0 : i32
      %get3A_1256 = arith.constant 0 : i32
      %get3A_1257 = tpu.memref_slice %arg10[%scan3A_877, %get3A_1254, %get3A_1255, %get3A_1256] : memref<2x6x32x128xf32, #tpu.memory_space<vmem>> -> memref<1x6x32x128xf32, #tpu.memory_space<vmem>>
      %get3A_1258 = tpu.memref_squeeze %get3A_1257 : memref<1x6x32x128xf32, #tpu.memory_space<vmem>> -> memref<6x32x128xf32, #tpu.memory_space<vmem>>
      %get3A_1259 = arith.index_cast %get3A_1253 : i32 to index
      %get3A_1260 = arith.index_cast %add3A_887 : i32 to index
      %get3A_1261 = arith.constant 0 : index
      %get3A_1262 = tpu.vector_load %get3A_1258[%get3A_1259, %get3A_1260, %get3A_1261] {strides = array<i32>} : memref<6x32x128xf32, #tpu.memory_space<vmem>>, vector<16xf32>,
      %mul3A_1263 = arith.mulf %get3A_893, %get3A_1262 : vector<16xf32>
      %get3A_1264 = arith.constant 3 : i32
      %get3A_1265 = arith.constant 0 : i32
      %get3A_1266 = arith.constant 0 : i32
      %get3A_1267 = arith.constant 0 : i32
      %get3A_1268 = tpu.memref_slice %arg10[%scan3A_877, %get3A_1265, %get3A_1266, %get3A_1267] : memref<2x6x32x128xf32, #tpu.memory_space<vmem>> -> memref<1x6x32x128xf32, #tpu.memory_space<vmem>>
      %get3A_1269 = tpu.memref_squeeze %get3A_1268 : memref<1x6x32x128xf32, #tpu.memory_space<vmem>> -> memref<6x32x128xf32, #tpu.memory_space<vmem>>
      %get3A_1270 = arith.index_cast %get3A_1264 : i32 to index
      %get3A_1271 = arith.index_cast %add3A_887 : i32 to index
      %get3A_1272 = arith.constant 16 : index
      %get3A_1273 = tpu.vector_load %get3A_1269[%get3A_1270, %get3A_1271, %get3A_1272] {strides = array<i32>} : memref<6x32x128xf32, #tpu.memory_space<vmem>>, vector<16xf32>,
      %mul3A_1274 = arith.mulf %get3A_900, %get3A_1273 : vector<16xf32>
      %add3A_1275 = arith.addf %mul3A_1263, %mul3A_1274 : vector<16xf32>
      %get3A_1276 = arith.constant 3 : i32
      %get3A_1277 = arith.constant 0 : i32
      %get3A_1278 = arith.constant 0 : i32
      %get3A_1279 = arith.constant 0 : i32
      %get3A_1280 = tpu.memref_slice %arg10[%scan3A_877, %get3A_1277, %get3A_1278, %get3A_1279] : memref<2x6x32x128xf32, #tpu.memory_space<vmem>> -> memref<1x6x32x128xf32, #tpu.memory_space<vmem>>
      %get3A_1281 = tpu.memref_squeeze %get3A_1280 : memref<1x6x32x128xf32, #tpu.memory_space<vmem>> -> memref<6x32x128xf32, #tpu.memory_space<vmem>>
      %get3A_1282 = arith.index_cast %get3A_1276 : i32 to index
      %get3A_1283 = arith.index_cast %add3A_887 : i32 to index
      %get3A_1284 = arith.constant 32 : index
      %get3A_1285 = tpu.vector_load %get3A_1281[%get3A_1282, %get3A_1283, %get3A_1284] {strides = array<i32>} : memref<6x32x128xf32, #tpu.memory_space<vmem>>, vector<16xf32>,
      %mul3A_1286 = arith.mulf %get3A_907, %get3A_1285 : vector<16xf32>
      %add3A_1287 = arith.addf %add3A_1275, %mul3A_1286 : vector<16xf32>
      %get3A_1288 = arith.constant 3 : i32
      %get3A_1289 = arith.constant 0 : i32
      %get3A_1290 = arith.constant 0 : i32
      %get3A_1291 = arith.constant 0 : i32
      %get3A_1292 = tpu.memref_slice %arg10[%scan3A_877, %get3A_1289, %get3A_1290, %get3A_1291] : memref<2x6x32x128xf32, #tpu.memory_space<vmem>> -> memref<1x6x32x128xf32, #tpu.memory_space<vmem>>
      %get3A_1293 = tpu.memref_squeeze %get3A_1292 : memref<1x6x32x128xf32, #tpu.memory_space<vmem>> -> memref<6x32x128xf32, #tpu.memory_space<vmem>>
      %get3A_1294 = arith.index_cast %get3A_1288 : i32 to index
      %get3A_1295 = arith.index_cast %add3A_887 : i32 to index
      %get3A_1296 = arith.constant 48 : index
      %get3A_1297 = tpu.vector_load %get3A_1293[%get3A_1294, %get3A_1295, %get3A_1296] {strides = array<i32>} : memref<6x32x128xf32, #tpu.memory_space<vmem>>, vector<16xf32>,
      %mul3A_1298 = arith.mulf %get3A_914, %get3A_1297 : vector<16xf32>
      %add3A_1299 = arith.addf %add3A_1287, %mul3A_1298 : vector<16xf32>
      %get3A_1300 = arith.constant 3 : i32
      %get3A_1301 = arith.constant 0 : i32
      %get3A_1302 = arith.constant 0 : i32
      %get3A_1303 = arith.constant 0 : i32
      %get3A_1304 = tpu.memref_slice %arg10[%scan3A_877, %get3A_1301, %get3A_1302, %get3A_1303] : memref<2x6x32x128xf32, #tpu.memory_space<vmem>> -> memref<1x6x32x128xf32, #tpu.memory_space<vmem>>
      %get3A_1305 = tpu.memref_squeeze %get3A_1304 : memref<1x6x32x128xf32, #tpu.memory_space<vmem>> -> memref<6x32x128xf32, #tpu.memory_space<vmem>>
      %get3A_1306 = arith.index_cast %get3A_1300 : i32 to index
      %get3A_1307 = arith.index_cast %add3A_887 : i32 to index
      %get3A_1308 = arith.constant 64 : index
      %get3A_1309 = tpu.vector_load %get3A_1305[%get3A_1306, %get3A_1307, %get3A_1308] {strides = array<i32>} : memref<6x32x128xf32, #tpu.memory_space<vmem>>, vector<16xf32>,
      %mul3A_1310 = arith.mulf %get3A_921, %get3A_1309 : vector<16xf32>
      %add3A_1311 = arith.addf %add3A_1299, %mul3A_1310 : vector<16xf32>
      %get3A_1312 = arith.constant 3 : i32
      %get3A_1313 = arith.constant 0 : i32
      %get3A_1314 = arith.constant 0 : i32
      %get3A_1315 = arith.constant 0 : i32
      %get3A_1316 = tpu.memref_slice %arg10[%scan3A_877, %get3A_1313, %get3A_1314, %get3A_1315] : memref<2x6x32x128xf32, #tpu.memory_space<vmem>> -> memref<1x6x32x128xf32, #tpu.memory_space<vmem>>
      %get3A_1317 = tpu.memref_squeeze %get3A_1316 : memref<1x6x32x128xf32, #tpu.memory_space<vmem>> -> memref<6x32x128xf32, #tpu.memory_space<vmem>>
      %get3A_1318 = arith.index_cast %get3A_1312 : i32 to index
      %get3A_1319 = arith.index_cast %add3A_887 : i32 to index
      %get3A_1320 = arith.constant 80 : index
      %get3A_1321 = tpu.vector_load %get3A_1317[%get3A_1318, %get3A_1319, %get3A_1320] {strides = array<i32>} : memref<6x32x128xf32, #tpu.memory_space<vmem>>, vector<16xf32>,
      %mul3A_1322 = arith.mulf %get3A_928, %get3A_1321 : vector<16xf32>
      %add3A_1323 = arith.addf %add3A_1311, %mul3A_1322 : vector<16xf32>
      %get3A_1324 = arith.constant 3 : i32
      %get3A_1325 = arith.constant 0 : i32
      %get3A_1326 = arith.constant 0 : i32
      %get3A_1327 = arith.constant 0 : i32
      %get3A_1328 = tpu.memref_slice %arg10[%scan3A_877, %get3A_1325, %get3A_1326, %get3A_1327] : memref<2x6x32x128xf32, #tpu.memory_space<vmem>> -> memref<1x6x32x128xf32, #tpu.memory_space<vmem>>
      %get3A_1329 = tpu.memref_squeeze %get3A_1328 : memref<1x6x32x128xf32, #tpu.memory_space<vmem>> -> memref<6x32x128xf32, #tpu.memory_space<vmem>>
      %get3A_1330 = arith.index_cast %get3A_1324 : i32 to index
      %get3A_1331 = arith.index_cast %add3A_887 : i32 to index
      %get3A_1332 = arith.constant 96 : index
      %get3A_1333 = tpu.vector_load %get3A_1329[%get3A_1330, %get3A_1331, %get3A_1332] {strides = array<i32>} : memref<6x32x128xf32, #tpu.memory_space<vmem>>, vector<16xf32>,
      %mul3A_1334 = arith.mulf %get3A_935, %get3A_1333 : vector<16xf32>
      %add3A_1335 = arith.addf %add3A_1323, %mul3A_1334 : vector<16xf32>
      %get3A_1336 = arith.constant 3 : i32
      %get3A_1337 = arith.constant 0 : i32
      %get3A_1338 = arith.constant 0 : i32
      %get3A_1339 = arith.constant 0 : i32
      %get3A_1340 = tpu.memref_slice %arg10[%scan3A_877, %get3A_1337, %get3A_1338, %get3A_1339] : memref<2x6x32x128xf32, #tpu.memory_space<vmem>> -> memref<1x6x32x128xf32, #tpu.memory_space<vmem>>
      %get3A_1341 = tpu.memref_squeeze %get3A_1340 : memref<1x6x32x128xf32, #tpu.memory_space<vmem>> -> memref<6x32x128xf32, #tpu.memory_space<vmem>>
      %get3A_1342 = arith.index_cast %get3A_1336 : i32 to index
      %get3A_1343 = arith.index_cast %add3A_887 : i32 to index
      %get3A_1344 = arith.constant 112 : index
      %get3A_1345 = tpu.vector_load %get3A_1341[%get3A_1342, %get3A_1343, %get3A_1344] {strides = array<i32>} : memref<6x32x128xf32, #tpu.memory_space<vmem>>, vector<16xf32>,
      %mul3A_1346 = arith.mulf %get3A_942, %get3A_1345 : vector<16xf32>
      %add3A_1347 = arith.addf %add3A_1335, %mul3A_1346 : vector<16xf32>
      %eq3A_1348 = arith.constant 3 : i32
      %eq3A_1349 = vector.broadcast %eq3A_1348 : i32 to vector<16xi32>
      %eq3A_1350 = arith.cmpi eq, %iota3A, %eq3A_1349 : vector<16xi32>
      %reduce_sum3A_1351 = arith.constant true
      %reduce_sum3A_1352 = vector.broadcast %reduce_sum3A_1351 : i1 to vector<16xi1>
      %reduce_sum3A_1353 = tpu.scan <sum>, %add3A_1347 masked %reduce_sum3A_1352 : vector<16xf32>, vector<16xi1> -> vector<16xf32>
      %reduce_sum3A_1354 = vector.extract %reduce_sum3A_1353[15] : f32 from vector<16xf32>
      %broadcast_in_dim3A_1355 = vector.broadcast %reduce_sum3A_1354 : f32 to vector<16xf32>
      %select_n3A_1356 = arith.select %eq3A_1350, %broadcast_in_dim3A_1355, %select_n3A_1252 : vector<16xi1>, vector<16xf32>
      %get3A_1357 = arith.constant 4 : i32
      %get3A_1358 = arith.constant 0 : i32
      %get3A_1359 = arith.constant 0 : i32
      %get3A_1360 = arith.constant 0 : i32
      %get3A_1361 = tpu.memref_slice %arg10[%scan3A_877, %get3A_1358, %get3A_1359, %get3A_1360] : memref<2x6x32x128xf32, #tpu.memory_space<vmem>> -> memref<1x6x32x128xf32, #tpu.memory_space<vmem>>
      %get3A_1362 = tpu.memref_squeeze %get3A_1361 : memref<1x6x32x128xf32, #tpu.memory_space<vmem>> -> memref<6x32x128xf32, #tpu.memory_space<vmem>>
      %get3A_1363 = arith.index_cast %get3A_1357 : i32 to index
      %get3A_1364 = arith.index_cast %add3A_887 : i32 to index
      %get3A_1365 = arith.constant 0 : index
      %get3A_1366 = tpu.vector_load %get3A_1362[%get3A_1363, %get3A_1364, %get3A_1365] {strides = array<i32>} : memref<6x32x128xf32, #tpu.memory_space<vmem>>, vector<16xf32>,
      %mul3A_1367 = arith.mulf %get3A_893, %get3A_1366 : vector<16xf32>
      %get3A_1368 = arith.constant 4 : i32
      %get3A_1369 = arith.constant 0 : i32
      %get3A_1370 = arith.constant 0 : i32
      %get3A_1371 = arith.constant 0 : i32
      %get3A_1372 = tpu.memref_slice %arg10[%scan3A_877, %get3A_1369, %get3A_1370, %get3A_1371] : memref<2x6x32x128xf32, #tpu.memory_space<vmem>> -> memref<1x6x32x128xf32, #tpu.memory_space<vmem>>
      %get3A_1373 = tpu.memref_squeeze %get3A_1372 : memref<1x6x32x128xf32, #tpu.memory_space<vmem>> -> memref<6x32x128xf32, #tpu.memory_space<vmem>>
      %get3A_1374 = arith.index_cast %get3A_1368 : i32 to index
      %get3A_1375 = arith.index_cast %add3A_887 : i32 to index
      %get3A_1376 = arith.constant 16 : index
      %get3A_1377 = tpu.vector_load %get3A_1373[%get3A_1374, %get3A_1375, %get3A_1376] {strides = array<i32>} : memref<6x32x128xf32, #tpu.memory_space<vmem>>, vector<16xf32>,
      %mul3A_1378 = arith.mulf %get3A_900, %get3A_1377 : vector<16xf32>
      %add3A_1379 = arith.addf %mul3A_1367, %mul3A_1378 : vector<16xf32>
      %get3A_1380 = arith.constant 4 : i32
      %get3A_1381 = arith.constant 0 : i32
      %get3A_1382 = arith.constant 0 : i32
      %get3A_1383 = arith.constant 0 : i32
      %get3A_1384 = tpu.memref_slice %arg10[%scan3A_877, %get3A_1381, %get3A_1382, %get3A_1383] : memref<2x6x32x128xf32, #tpu.memory_space<vmem>> -> memref<1x6x32x128xf32, #tpu.memory_space<vmem>>
      %get3A_1385 = tpu.memref_squeeze %get3A_1384 : memref<1x6x32x128xf32, #tpu.memory_space<vmem>> -> memref<6x32x128xf32, #tpu.memory_space<vmem>>
      %get3A_1386 = arith.index_cast %get3A_1380 : i32 to index
      %get3A_1387 = arith.index_cast %add3A_887 : i32 to index
      %get3A_1388 = arith.constant 32 : index
      %get3A_1389 = tpu.vector_load %get3A_1385[%get3A_1386, %get3A_1387, %get3A_1388] {strides = array<i32>} : memref<6x32x128xf32, #tpu.memory_space<vmem>>, vector<16xf32>,
      %mul3A_1390 = arith.mulf %get3A_907, %get3A_1389 : vector<16xf32>
      %add3A_1391 = arith.addf %add3A_1379, %mul3A_1390 : vector<16xf32>
      %get3A_1392 = arith.constant 4 : i32
      %get3A_1393 = arith.constant 0 : i32
      %get3A_1394 = arith.constant 0 : i32
      %get3A_1395 = arith.constant 0 : i32
      %get3A_1396 = tpu.memref_slice %arg10[%scan3A_877, %get3A_1393, %get3A_1394, %get3A_1395] : memref<2x6x32x128xf32, #tpu.memory_space<vmem>> -> memref<1x6x32x128xf32, #tpu.memory_space<vmem>>
      %get3A_1397 = tpu.memref_squeeze %get3A_1396 : memref<1x6x32x128xf32, #tpu.memory_space<vmem>> -> memref<6x32x128xf32, #tpu.memory_space<vmem>>
      %get3A_1398 = arith.index_cast %get3A_1392 : i32 to index
      %get3A_1399 = arith.index_cast %add3A_887 : i32 to index
      %get3A_1400 = arith.constant 48 : index
      %get3A_1401 = tpu.vector_load %get3A_1397[%get3A_1398, %get3A_1399, %get3A_1400] {strides = array<i32>} : memref<6x32x128xf32, #tpu.memory_space<vmem>>, vector<16xf32>,
      %mul3A_1402 = arith.mulf %get3A_914, %get3A_1401 : vector<16xf32>
      %add3A_1403 = arith.addf %add3A_1391, %mul3A_1402 : vector<16xf32>
      %get3A_1404 = arith.constant 4 : i32
      %get3A_1405 = arith.constant 0 : i32
      %get3A_1406 = arith.constant 0 : i32
      %get3A_1407 = arith.constant 0 : i32
      %get3A_1408 = tpu.memref_slice %arg10[%scan3A_877, %get3A_1405, %get3A_1406, %get3A_1407] : memref<2x6x32x128xf32, #tpu.memory_space<vmem>> -> memref<1x6x32x128xf32, #tpu.memory_space<vmem>>
      %get3A_1409 = tpu.memref_squeeze %get3A_1408 : memref<1x6x32x128xf32, #tpu.memory_space<vmem>> -> memref<6x32x128xf32, #tpu.memory_space<vmem>>
      %get3A_1410 = arith.index_cast %get3A_1404 : i32 to index
      %get3A_1411 = arith.index_cast %add3A_887 : i32 to index
      %get3A_1412 = arith.constant 64 : index
      %get3A_1413 = tpu.vector_load %get3A_1409[%get3A_1410, %get3A_1411, %get3A_1412] {strides = array<i32>} : memref<6x32x128xf32, #tpu.memory_space<vmem>>, vector<16xf32>,
      %mul3A_1414 = arith.mulf %get3A_921, %get3A_1413 : vector<16xf32>
      %add3A_1415 = arith.addf %add3A_1403, %mul3A_1414 : vector<16xf32>
      %get3A_1416 = arith.constant 4 : i32
      %get3A_1417 = arith.constant 0 : i32
      %get3A_1418 = arith.constant 0 : i32
      %get3A_1419 = arith.constant 0 : i32
      %get3A_1420 = tpu.memref_slice %arg10[%scan3A_877, %get3A_1417, %get3A_1418, %get3A_1419] : memref<2x6x32x128xf32, #tpu.memory_space<vmem>> -> memref<1x6x32x128xf32, #tpu.memory_space<vmem>>
      %get3A_1421 = tpu.memref_squeeze %get3A_1420 : memref<1x6x32x128xf32, #tpu.memory_space<vmem>> -> memref<6x32x128xf32, #tpu.memory_space<vmem>>
      %get3A_1422 = arith.index_cast %get3A_1416 : i32 to index
      %get3A_1423 = arith.index_cast %add3A_887 : i32 to index
      %get3A_1424 = arith.constant 80 : index
      %get3A_1425 = tpu.vector_load %get3A_1421[%get3A_1422, %get3A_1423, %get3A_1424] {strides = array<i32>} : memref<6x32x128xf32, #tpu.memory_space<vmem>>, vector<16xf32>,
      %mul3A_1426 = arith.mulf %get3A_928, %get3A_1425 : vector<16xf32>
      %add3A_1427 = arith.addf %add3A_1415, %mul3A_1426 : vector<16xf32>
      %get3A_1428 = arith.constant 4 : i32
      %get3A_1429 = arith.constant 0 : i32
      %get3A_1430 = arith.constant 0 : i32
      %get3A_1431 = arith.constant 0 : i32
      %get3A_1432 = tpu.memref_slice %arg10[%scan3A_877, %get3A_1429, %get3A_1430, %get3A_1431] : memref<2x6x32x128xf32, #tpu.memory_space<vmem>> -> memref<1x6x32x128xf32, #tpu.memory_space<vmem>>
      %get3A_1433 = tpu.memref_squeeze %get3A_1432 : memref<1x6x32x128xf32, #tpu.memory_space<vmem>> -> memref<6x32x128xf32, #tpu.memory_space<vmem>>
      %get3A_1434 = arith.index_cast %get3A_1428 : i32 to index
      %get3A_1435 = arith.index_cast %add3A_887 : i32 to index
      %get3A_1436 = arith.constant 96 : index
      %get3A_1437 = tpu.vector_load %get3A_1433[%get3A_1434, %get3A_1435, %get3A_1436] {strides = array<i32>} : memref<6x32x128xf32, #tpu.memory_space<vmem>>, vector<16xf32>,
      %mul3A_1438 = arith.mulf %get3A_935, %get3A_1437 : vector<16xf32>
      %add3A_1439 = arith.addf %add3A_1427, %mul3A_1438 : vector<16xf32>
      %get3A_1440 = arith.constant 4 : i32
      %get3A_1441 = arith.constant 0 : i32
      %get3A_1442 = arith.constant 0 : i32
      %get3A_1443 = arith.constant 0 : i32
      %get3A_1444 = tpu.memref_slice %arg10[%scan3A_877, %get3A_1441, %get3A_1442, %get3A_1443] : memref<2x6x32x128xf32, #tpu.memory_space<vmem>> -> memref<1x6x32x128xf32, #tpu.memory_space<vmem>>
      %get3A_1445 = tpu.memref_squeeze %get3A_1444 : memref<1x6x32x128xf32, #tpu.memory_space<vmem>> -> memref<6x32x128xf32, #tpu.memory_space<vmem>>
      %get3A_1446 = arith.index_cast %get3A_1440 : i32 to index
      %get3A_1447 = arith.index_cast %add3A_887 : i32 to index
      %get3A_1448 = arith.constant 112 : index
      %get3A_1449 = tpu.vector_load %get3A_1445[%get3A_1446, %get3A_1447, %get3A_1448] {strides = array<i32>} : memref<6x32x128xf32, #tpu.memory_space<vmem>>, vector<16xf32>,
      %mul3A_1450 = arith.mulf %get3A_942, %get3A_1449 : vector<16xf32>
      %add3A_1451 = arith.addf %add3A_1439, %mul3A_1450 : vector<16xf32>
      %eq3A_1452 = arith.constant 4 : i32
      %eq3A_1453 = vector.broadcast %eq3A_1452 : i32 to vector<16xi32>
      %eq3A_1454 = arith.cmpi eq, %iota3A, %eq3A_1453 : vector<16xi32>
      %reduce_sum3A_1455 = arith.constant true
      %reduce_sum3A_1456 = vector.broadcast %reduce_sum3A_1455 : i1 to vector<16xi1>
      %reduce_sum3A_1457 = tpu.scan <sum>, %add3A_1451 masked %reduce_sum3A_1456 : vector<16xf32>, vector<16xi1> -> vector<16xf32>
      %reduce_sum3A_1458 = vector.extract %reduce_sum3A_1457[15] : f32 from vector<16xf32>
      %broadcast_in_dim3A_1459 = vector.broadcast %reduce_sum3A_1458 : f32 to vector<16xf32>
      %select_n3A_1460 = arith.select %eq3A_1454, %broadcast_in_dim3A_1459, %select_n3A_1356 : vector<16xi1>, vector<16xf32>
      %get3A_1461 = arith.constant 5 : i32
      %get3A_1462 = arith.constant 0 : i32
      %get3A_1463 = arith.constant 0 : i32
      %get3A_1464 = arith.constant 0 : i32
      %get3A_1465 = tpu.memref_slice %arg10[%scan3A_877, %get3A_1462, %get3A_1463, %get3A_1464] : memref<2x6x32x128xf32, #tpu.memory_space<vmem>> -> memref<1x6x32x128xf32, #tpu.memory_space<vmem>>
      %get3A_1466 = tpu.memref_squeeze %get3A_1465 : memref<1x6x32x128xf32, #tpu.memory_space<vmem>> -> memref<6x32x128xf32, #tpu.memory_space<vmem>>
      %get3A_1467 = arith.index_cast %get3A_1461 : i32 to index
      %get3A_1468 = arith.index_cast %add3A_887 : i32 to index
      %get3A_1469 = arith.constant 0 : index
      %get3A_1470 = tpu.vector_load %get3A_1466[%get3A_1467, %get3A_1468, %get3A_1469] {strides = array<i32>} : memref<6x32x128xf32, #tpu.memory_space<vmem>>, vector<16xf32>,
      %mul3A_1471 = arith.mulf %get3A_893, %get3A_1470 : vector<16xf32>
      %get3A_1472 = arith.constant 5 : i32
      %get3A_1473 = arith.constant 0 : i32
      %get3A_1474 = arith.constant 0 : i32
      %get3A_1475 = arith.constant 0 : i32
      %get3A_1476 = tpu.memref_slice %arg10[%scan3A_877, %get3A_1473, %get3A_1474, %get3A_1475] : memref<2x6x32x128xf32, #tpu.memory_space<vmem>> -> memref<1x6x32x128xf32, #tpu.memory_space<vmem>>
      %get3A_1477 = tpu.memref_squeeze %get3A_1476 : memref<1x6x32x128xf32, #tpu.memory_space<vmem>> -> memref<6x32x128xf32, #tpu.memory_space<vmem>>
      %get3A_1478 = arith.index_cast %get3A_1472 : i32 to index
      %get3A_1479 = arith.index_cast %add3A_887 : i32 to index
      %get3A_1480 = arith.constant 16 : index
      %get3A_1481 = tpu.vector_load %get3A_1477[%get3A_1478, %get3A_1479, %get3A_1480] {strides = array<i32>} : memref<6x32x128xf32, #tpu.memory_space<vmem>>, vector<16xf32>,
      %mul3A_1482 = arith.mulf %get3A_900, %get3A_1481 : vector<16xf32>
      %add3A_1483 = arith.addf %mul3A_1471, %mul3A_1482 : vector<16xf32>
      %get3A_1484 = arith.constant 5 : i32
      %get3A_1485 = arith.constant 0 : i32
      %get3A_1486 = arith.constant 0 : i32
      %get3A_1487 = arith.constant 0 : i32
      %get3A_1488 = tpu.memref_slice %arg10[%scan3A_877, %get3A_1485, %get3A_1486, %get3A_1487] : memref<2x6x32x128xf32, #tpu.memory_space<vmem>> -> memref<1x6x32x128xf32, #tpu.memory_space<vmem>>
      %get3A_1489 = tpu.memref_squeeze %get3A_1488 : memref<1x6x32x128xf32, #tpu.memory_space<vmem>> -> memref<6x32x128xf32, #tpu.memory_space<vmem>>
      %get3A_1490 = arith.index_cast %get3A_1484 : i32 to index
      %get3A_1491 = arith.index_cast %add3A_887 : i32 to index
      %get3A_1492 = arith.constant 32 : index
      %get3A_1493 = tpu.vector_load %get3A_1489[%get3A_1490, %get3A_1491, %get3A_1492] {strides = array<i32>} : memref<6x32x128xf32, #tpu.memory_space<vmem>>, vector<16xf32>,
      %mul3A_1494 = arith.mulf %get3A_907, %get3A_1493 : vector<16xf32>
      %add3A_1495 = arith.addf %add3A_1483, %mul3A_1494 : vector<16xf32>
      %get3A_1496 = arith.constant 5 : i32
      %get3A_1497 = arith.constant 0 : i32
      %get3A_1498 = arith.constant 0 : i32
      %get3A_1499 = arith.constant 0 : i32
      %get3A_1500 = tpu.memref_slice %arg10[%scan3A_877, %get3A_1497, %get3A_1498, %get3A_1499] : memref<2x6x32x128xf32, #tpu.memory_space<vmem>> -> memref<1x6x32x128xf32, #tpu.memory_space<vmem>>
      %get3A_1501 = tpu.memref_squeeze %get3A_1500 : memref<1x6x32x128xf32, #tpu.memory_space<vmem>> -> memref<6x32x128xf32, #tpu.memory_space<vmem>>
      %get3A_1502 = arith.index_cast %get3A_1496 : i32 to index
      %get3A_1503 = arith.index_cast %add3A_887 : i32 to index
      %get3A_1504 = arith.constant 48 : index
      %get3A_1505 = tpu.vector_load %get3A_1501[%get3A_1502, %get3A_1503, %get3A_1504] {strides = array<i32>} : memref<6x32x128xf32, #tpu.memory_space<vmem>>, vector<16xf32>,
      %mul3A_1506 = arith.mulf %get3A_914, %get3A_1505 : vector<16xf32>
      %add3A_1507 = arith.addf %add3A_1495, %mul3A_1506 : vector<16xf32>
      %get3A_1508 = arith.constant 5 : i32
      %get3A_1509 = arith.constant 0 : i32
      %get3A_1510 = arith.constant 0 : i32
      %get3A_1511 = arith.constant 0 : i32
      %get3A_1512 = tpu.memref_slice %arg10[%scan3A_877, %get3A_1509, %get3A_1510, %get3A_1511] : memref<2x6x32x128xf32, #tpu.memory_space<vmem>> -> memref<1x6x32x128xf32, #tpu.memory_space<vmem>>
      %get3A_1513 = tpu.memref_squeeze %get3A_1512 : memref<1x6x32x128xf32, #tpu.memory_space<vmem>> -> memref<6x32x128xf32, #tpu.memory_space<vmem>>
      %get3A_1514 = arith.index_cast %get3A_1508 : i32 to index
      %get3A_1515 = arith.index_cast %add3A_887 : i32 to index
      %get3A_1516 = arith.constant 64 : index
      %get3A_1517 = tpu.vector_load %get3A_1513[%get3A_1514, %get3A_1515, %get3A_1516] {strides = array<i32>} : memref<6x32x128xf32, #tpu.memory_space<vmem>>, vector<16xf32>,
      %mul3A_1518 = arith.mulf %get3A_921, %get3A_1517 : vector<16xf32>
      %add3A_1519 = arith.addf %add3A_1507, %mul3A_1518 : vector<16xf32>
      %get3A_1520 = arith.constant 5 : i32
      %get3A_1521 = arith.constant 0 : i32
      %get3A_1522 = arith.constant 0 : i32
      %get3A_1523 = arith.constant 0 : i32
      %get3A_1524 = tpu.memref_slice %arg10[%scan3A_877, %get3A_1521, %get3A_1522, %get3A_1523] : memref<2x6x32x128xf32, #tpu.memory_space<vmem>> -> memref<1x6x32x128xf32, #tpu.memory_space<vmem>>
      %get3A_1525 = tpu.memref_squeeze %get3A_1524 : memref<1x6x32x128xf32, #tpu.memory_space<vmem>> -> memref<6x32x128xf32, #tpu.memory_space<vmem>>
      %get3A_1526 = arith.index_cast %get3A_1520 : i32 to index
      %get3A_1527 = arith.index_cast %add3A_887 : i32 to index
      %get3A_1528 = arith.constant 80 : index
      %get3A_1529 = tpu.vector_load %get3A_1525[%get3A_1526, %get3A_1527, %get3A_1528] {strides = array<i32>} : memref<6x32x128xf32, #tpu.memory_space<vmem>>, vector<16xf32>,
      %mul3A_1530 = arith.mulf %get3A_928, %get3A_1529 : vector<16xf32>
      %add3A_1531 = arith.addf %add3A_1519, %mul3A_1530 : vector<16xf32>
      %get3A_1532 = arith.constant 5 : i32
      %get3A_1533 = arith.constant 0 : i32
      %get3A_1534 = arith.constant 0 : i32
      %get3A_1535 = arith.constant 0 : i32
      %get3A_1536 = tpu.memref_slice %arg10[%scan3A_877, %get3A_1533, %get3A_1534, %get3A_1535] : memref<2x6x32x128xf32, #tpu.memory_space<vmem>> -> memref<1x6x32x128xf32, #tpu.memory_space<vmem>>
      %get3A_1537 = tpu.memref_squeeze %get3A_1536 : memref<1x6x32x128xf32, #tpu.memory_space<vmem>> -> memref<6x32x128xf32, #tpu.memory_space<vmem>>
      %get3A_1538 = arith.index_cast %get3A_1532 : i32 to index
      %get3A_1539 = arith.index_cast %add3A_887 : i32 to index
      %get3A_1540 = arith.constant 96 : index
      %get3A_1541 = tpu.vector_load %get3A_1537[%get3A_1538, %get3A_1539, %get3A_1540] {strides = array<i32>} : memref<6x32x128xf32, #tpu.memory_space<vmem>>, vector<16xf32>,
      %mul3A_1542 = arith.mulf %get3A_935, %get3A_1541 : vector<16xf32>
      %add3A_1543 = arith.addf %add3A_1531, %mul3A_1542 : vector<16xf32>
      %get3A_1544 = arith.constant 5 : i32
      %get3A_1545 = arith.constant 0 : i32
      %get3A_1546 = arith.constant 0 : i32
      %get3A_1547 = arith.constant 0 : i32
      %get3A_1548 = tpu.memref_slice %arg10[%scan3A_877, %get3A_1545, %get3A_1546, %get3A_1547] : memref<2x6x32x128xf32, #tpu.memory_space<vmem>> -> memref<1x6x32x128xf32, #tpu.memory_space<vmem>>
      %get3A_1549 = tpu.memref_squeeze %get3A_1548 : memref<1x6x32x128xf32, #tpu.memory_space<vmem>> -> memref<6x32x128xf32, #tpu.memory_space<vmem>>
      %get3A_1550 = arith.index_cast %get3A_1544 : i32 to index
      %get3A_1551 = arith.index_cast %add3A_887 : i32 to index
      %get3A_1552 = arith.constant 112 : index
      %get3A_1553 = tpu.vector_load %get3A_1549[%get3A_1550, %get3A_1551, %get3A_1552] {strides = array<i32>} : memref<6x32x128xf32, #tpu.memory_space<vmem>>, vector<16xf32>,
      %mul3A_1554 = arith.mulf %get3A_942, %get3A_1553 : vector<16xf32>
      %add3A_1555 = arith.addf %add3A_1543, %mul3A_1554 : vector<16xf32>
      %eq3A_1556 = arith.constant 5 : i32
      %eq3A_1557 = vector.broadcast %eq3A_1556 : i32 to vector<16xi32>
      %eq3A_1558 = arith.cmpi eq, %iota3A, %eq3A_1557 : vector<16xi32>
      %reduce_sum3A_1559 = arith.constant true
      %reduce_sum3A_1560 = vector.broadcast %reduce_sum3A_1559 : i1 to vector<16xi1>
      %reduce_sum3A_1561 = tpu.scan <sum>, %add3A_1555 masked %reduce_sum3A_1560 : vector<16xf32>, vector<16xi1> -> vector<16xf32>
      %reduce_sum3A_1562 = vector.extract %reduce_sum3A_1561[15] : f32 from vector<16xf32>
      %broadcast_in_dim3A_1563 = vector.broadcast %reduce_sum3A_1562 : f32 to vector<16xf32>
      %select_n3A_1564 = arith.select %eq3A_1558, %broadcast_in_dim3A_1563, %select_n3A_1460 : vector<16xi1>, vector<16xf32>
      %broadcast_in_dim3A_1565 = arith.constant 96 : i32
      %broadcast_in_dim3A_1566 = vector.broadcast %broadcast_in_dim3A_1565 : i32 to vector<16xi32>
      %add3A_1567 = vector.broadcast %add3A_887 : i32 to vector<16xi32>
      %add3A_1568 = arith.addi %broadcast_in_dim3A_1566, %add3A_1567 : vector<16xi32>
      tpu.vector_store_idx %arg11[%iota3A, %add3A_1568], %select_n3A_1564 masked %lt3A_9 : memref<6x128xf32, #tpu.memory_space<vmem>>[vector<16xi32>, vector<16xi32>], vector<16xf32>, vector<16xi1>
    }
    %scan3A_882 = arith.constant 32 : i32
    "tpu.region"() ({
      %run_scoped3A_883 = tpu.sem_alloc : memref<!tpu.dma_semaphore, #tpu.memory_space<semaphore_mem>>
      %dma_start3A_884 = arith.constant 0 : i32
      %dma_start3A_885 = tpu.memref_slice %arg6[%dma_start3A_884, %mul3A_2] : memref<6x4096xf32, #tpu.memory_space<hbm>> -> memref<6x128xf32, #tpu.memory_space<hbm>>
      %dma_start3A_886 = arith.constant 0 : i32
      %dma_start3A_887 = tpu.memref_slice %arg6[%dma_start3A_886, %mul3A_2] : memref<6x4096xf32, #tpu.memory_space<hbm>> -> memref<6x128xf32, #tpu.memory_space<hbm>>
      tpu.enqueue_dma source(%arg11 : memref<6x128xf32, #tpu.memory_space<vmem>>) target(%dma_start3A_887 : memref<6x128xf32, #tpu.memory_space<hbm>>) target_semaphore(%run_scoped3A_883 : memref<!tpu.dma_semaphore, #tpu.memory_space<semaphore_mem>>)
      %dma_wait3A_888 = arith.constant 0 : i32
      %dma_wait3A_889 = tpu.memref_slice %arg6[%dma_wait3A_888, %mul3A_2] : memref<6x4096xf32, #tpu.memory_space<hbm>> -> memref<6x128xf32, #tpu.memory_space<hbm>>
      %dma_wait3A_890 = arith.constant 0 : i32
      %dma_wait3A_891 = tpu.memref_slice %arg6[%dma_wait3A_890, %mul3A_2] : memref<6x4096xf32, #tpu.memory_space<hbm>> -> memref<6x128xf32, #tpu.memory_space<hbm>>
      tpu.wait_dma2 semaphore(%run_scoped3A_883 : memref<!tpu.dma_semaphore, #tpu.memory_space<semaphore_mem>>) src(%arg11 : memref<6x128xf32, #tpu.memory_space<vmem>>) dst(%dma_wait3A_891 : memref<6x128xf32, #tpu.memory_space<hbm>>)
      tpu.yield
    }) : () -> ()
    return
  }
}

</mosaic_0001>

<sc_bundles>
// kernel: kernel.3.cloned.1.call-start
scs
__scs_entry_jumppad:
0x0: {  	(pc) =	sbr.rel $0x88, $3  }
0x1: {  	(tag) =	ssettag $0x0;
	lr =	simm.s32 $0x1  }
0x2: {  	[smem:$0x3F9D] =	sst lr;
	_ =	strace $0xD0000000  }
0x3: {  	_ = 	snop  }
0x4: {  	_ = 	snop  }
0x5: {  	_ = 	snop  }
0x6: {  	_ = 	snop  }
0x7: {  	_ = 	snop  }
__scs_overlays_trampoline_lowered:
0x8: {  	[smem:$0x3FAC] =	sst s0  }
0x9: {  	[smem:$0x3FAD] =	sst s1  }
0xa: {  	[smem:$0x3FAE] =	sst s2  }
0xb: {  	[smem:$0x3FAF] =	sst s3  }
0xc: {  	[smem:$0x3FB0] =	sst s4  }
0xd: {  	[smem:$0x3FB1] =	sst s5  }
0xe: {  	[smem:$0x3FB2] =	sst s6  }
0xf: {  	[smem:$0x3FB3] =	sst s7  }
0x10: {  	[smem:$0x3FB4] =	sst s8  }
0x11: {  	[smem:$0x3FB5] =	sst s9;
	s0 =	simm.s32 @!p0 $0x0  }
0x12: {  	s1 =	sld [smem:$0x3F9B];
	s0 =	simm.s32 @p0 $0x1  }
0x13: {  	[smem:$0x3FB6] =	sst s0;
	s0 =	simm.s32 @!p1 $0x0  }
0x14: {  	s2 =	sld [smem:$0x3F9A];
	s0 =	simm.s32 @p1 $0x1  }
0x15: {  	[smem:$0x3FB7] =	sst s0;
	s0 =	simm.s32 @!p2 $0x0  }
0x16: {  	s3 =	sld [smem:$0x3FDB];
	s0 =	simm.s32 @p2 $0x1  }
0x17: {  	s4 =	simm.s32 $0x1BF5;
	[smem:$0x3FB9] =	sst s0  }
0x18: {  	s0 =	sld [smem:$0x3F9C];
	_ =	swait.ge [sflag:s4], $0x0  }
0x19: {  	s7 =	sld [smem:$0x3F9D]  }
0x1a: {  	s8 =	sadd.s32 $0xFFFFE003, lr  }
0x1b: {  	s9 =	sadd.s32 $0xFFFFFEF7, lr;
	s5 =	simm.s32 $0xFFFFFFFF;
	p2 =	slt.u32 s8, $0xFFFFF086  }
0x1c: {  	p1 =	slt.u32 s9, $0xF7A;
	s5 =	simm.s32 @!p2 $0x0  }
0x1d: {  	s5 =	simm.s32 @p1 $0x1;
	p0 =	seq.s32 s7, s2  }
0x1e: {  	s7 =	smul.u32 @!p0 $0xF7A, s2;
	p2 =	seq.s32 @!p0 s5, $0x0  }
0x1f: {  	s9 =	smul.u32 $0xF7A, s1;
	s8 =	simm.s32 @!p0 $0x1BF5;
	p2 =	por !p2, p0  }
0x20: {  	[sflag:s8] =	ssyncset.s32 @!p0 $0xFFFFF086;
	s6 =	sadd.s32 @!p0 s3, s7;
	s7 =	simm.s32 @!p0 $0x108  }
0x21: {  	s3 =	sadd.s32 s3, s9;
	s6 =	sadd.s32 @!p0 $0x88, s6;
	s7 =	simm.s32 @p2 $0x1082  }
0x22: {  	[simem:s7], [sflag:s8] =	dma.local @!p0 [hbm:s6], $0xF7A  }
0x23: {  	s9 =	sor.u32 $0xD0000000, s2;
	s6 =	simm.s32 $0x108;
	_ =	swait.ge @!p0 [sflag:s8], $0x0  }
0x24: {  	s3 =	sadd.s32 $0x88, s3;
	s6 =	simm.s32 @!p1 $0x1082;
	[sflag:s4] =	ssyncset.s32 $0xFFFFF086  }
0x25: {  	[simem:s6], [sflag:s4] =	dma.local [hbm:s3], $0xF7A  }
0x26: {  	[smem:$0x3F9D] =	sst s1;
	(tag) =	ssettag s2;
	_ =	strace s9  }
0x27: {  	s1 =	sld [smem:$0x3FAD]  }
0x28: {  	s2 =	sld [smem:$0x3FAE]  }
0x29: {  	s4 =	sld [smem:$0x3FB0]  }
0x2a: {  	p0 =	seq.s32 s5, $0x0;
	s5 =	sld [smem:$0x3FB1]  }
0x2b: {  	s6 =	sld [smem:$0x3FB2]  }
0x2c: {  	s7 =	sld [smem:$0x3FB3]  }
0x2d: {  	s3 =	simm.s32 $0x108;
	s8 =	sld [smem:$0x3FB4]  }
0x2e: {  	s3 =	simm.s32 @!p0 $0x1082;
	s9 =	sld [smem:$0x3FB5]  }
0x2f: {  	lr =	sadd.s32 s0, s3;
	s0 =	sld [smem:$0x3FAC]  }
0x30: {  	s3 =	sld [smem:$0x3FAF]  }
0x31: {  	[smem:$0x3FB8] =	sst s10  }
0x32: {  	s10 =	sld [smem:$0x3FB6];
	_ =	sdelay $0x3  }
0x33: {  	p0 =	seq.s32 s10, $0x1;
	s10 =	sld [smem:$0x3FB8];
	_ =	sdelay $0x3  }
0x34: {  	[smem:$0x3FB8] =	sst s10  }
0x35: {  	s10 =	sld [smem:$0x3FB7];
	_ =	sdelay $0x3  }
0x36: {  	p1 =	seq.s32 s10, $0x1;
	s10 =	sld [smem:$0x3FB8];
	_ =	sdelay $0x3  }
0x37: {  	[smem:$0x3FB8] =	sst s10  }
0x38: {  	s10 =	sld [smem:$0x3FB9]  }
0x39: {  	_ = 	snop;
	(pc) =	sbr.ind lr, $3  }
0x3a: {  	_ = 	snop  }
0x3b: {  	_ = 	snop  }
0x3c: {  	p2 =	seq.s32 s10, $0x1;
	s10 =	sld [smem:$0x3FB8]  }
0x3d: {  	_ =	shalt  }
0x3e: {  	_ =	shalt  }
0x3f: {  	_ =	shalt  }
0x40: {  	_ =	shalt  }
0x41: {  	_ =	shalt  }
0x42: {  	_ =	shalt  }
0x43: {  	_ =	shalt  }
0x44: {  	_ =	shalt  }
0x45: {  	_ =	shalt  }
0x46: {  	_ =	shalt  }
0x47: {  	_ =	shalt  }
0x48: {  	_ =	shalt  }
0x49: {  	_ =	shalt  }
0x4a: {  	_ =	shalt  }
0x4b: {  	_ =	shalt  }
0x4c: {  	_ =	shalt  }
0x4d: {  	_ =	shalt  }
0x4e: {  	_ =	shalt  }
0x4f: {  	_ =	shalt  }
0x50: {  	_ =	shalt  }
0x51: {  	_ =	shalt  }
0x52: {  	_ =	shalt  }
0x53: {  	_ =	shalt  }
0x54: {  	_ =	shalt  }
0x55: {  	_ =	shalt  }
0x56: {  	_ =	shalt  }
0x57: {  	_ =	shalt  }
0x58: {  	_ =	shalt  }
0x59: {  	_ =	shalt  }
0x5a: {  	_ =	shalt  }
0x5b: {  	_ =	shalt  }
0x5c: {  	_ =	shalt  }
0x5d: {  	_ =	shalt  }
0x5e: {  	_ =	shalt  }
0x5f: {  	_ =	shalt  }
0x60: {  	_ =	shalt  }
0x61: {  	_ =	shalt  }
0x62: {  	_ =	shalt  }
0x63: {  	_ =	shalt  }
0x64: {  	_ =	shalt  }
0x65: {  	_ =	shalt  }
0x66: {  	_ =	shalt  }
0x67: {  	_ =	shalt  }
0x68: {  	_ =	shalt  }
0x69: {  	_ =	shalt  }
0x6a: {  	_ =	shalt  }
0x6b: {  	_ =	shalt  }
0x6c: {  	_ =	shalt  }
0x6d: {  	_ =	shalt  }
0x6e: {  	_ =	shalt  }
0x6f: {  	_ =	shalt  }
0x70: {  	_ =	shalt  }
0x71: {  	_ =	shalt  }
0x72: {  	_ =	shalt  }
0x73: {  	_ =	shalt  }
0x74: {  	_ =	shalt  }
0x75: {  	_ =	shalt  }
0x76: {  	_ =	shalt  }
0x77: {  	_ =	shalt  }
0x78: {  	_ =	shalt  }
0x79: {  	_ =	shalt  }
0x7a: {  	_ =	shalt  }
0x7b: {  	_ =	shalt  }
0x7c: {  	_ =	shalt  }
0x7d: {  	_ =	shalt  }
0x7e: {  	_ =	shalt  }
0x7f: {  	_ =	shalt  }
0x80: {  	_ =	shalt  }
0x81: {  	_ =	shalt  }
0x82: {  	_ =	shalt  }
0x83: {  	_ =	shalt  }
0x84: {  	_ =	shalt  }
0x85: {  	_ =	shalt  }
0x86: {  	_ =	shalt  }
0x87: {  	_ =	shalt  }
.Lfunc_end0:
.L_simem_size_0:
called_computation_lowered:
.L_overlay_start_0:
0x88: {  	s2 =	sld [smem:$0x3FD9]  }
0x89: {  	s3 =	sld [smem:$0x3FFE];
	_ =	sdelay $0x1  }
0x8a: {  	s1 =	srdreg.scid  }
0x8b: {  	s0 =	sand.u32 $0x1, s1  }
0x8c: {  	s18 =	sshll.u32 s0, $0xA;
	s2 =	sadd.s32 s3, s2  }
0x8d: {  	s2 =	sadd.s32 s2, s18  }
0x8e: {  	[smem:$0x3FC4] =	sst s2  }
0x8f: {  	_ = 	snop  }
0x90: {  	s2 =	sld [smem:$0x3FC9]  }
0x91: {  	s19 =	sld [smem:$0x3FC8]  }
0x92: {  	s4 =	sld [smem:$0x3FC7]  }
0x93: {  	s5 =	sld [smem:$0x3FC6]  }
0x94: {  	s6 =	sld [smem:$0x3FD0];
	(tm) =	ssettm $0x1  }
0x95: {  	s7 =	sld [smem:$0x3FFB];
	_ =	sdelay $0x3  }
0x96: {  	_ =	strace s7  }
0x97: {  	s7 =	sld [smem:$0x3FFC];
	_ =	sdelay $0x3  }
0x98: {  	_ =	strace s7  }
0x99: {  	s7 =	sld [smem:$0x3FFD];
	_ =	sdelay $0x3  }
0x9a: {  	_ =	strace s7  }
0x9b: {  	_ =	strace $0x8FFFFFFF  }
0x9c: {  	s20 =	sld [smem:$0x3FDB];
	_ =	sdelay $0x1  }
0x9d: {  	s8 =	simm.s32 $_scs_section_size  }
0x9e: {  	s9 =	simm.s32 $_size__tile_overlayer_lowered;
	s10 =	simm.s32 $_tile_overlayer_lowered  }
0x9f: {  	s23 =	simm.s32 $0x1BFF;
	s22 =	sshll.u32 s10, $0x1;
	s7 =	sadd.s32 s8, s20  }
0xa0: {  	s11 =	simm.s32 $0x0;
	s21 =	sshll.u32 s9, $0x1;
	s9 =	sadd.s32 s22, s7  }
0xa1: {  	[timem:s11], [sflag:s23] =	dma.local [hbm:s9], s21  }
0xa2: {  	_ =	swait.ge [sflag:s23], s21  }
0xa3: {  	s8 =	ssub.s32 $0x0, s21;
	[sflag:s23] =	ssyncset.done $0x0  }
0xa4: {  	[sflag:s23] =	ssyncadd.s32 s8;
	_ =	sdelay $0x1  }
0xa5: {  	s24 =	simm.s32 $0x1B8B  }
0xa6: {  	_ =	swait.ge [sflag:s24], $0x1  }
0xa7: {  	[sflag:s24] =	ssyncset.done $0x0  }
0xa8: {  	s25 =	simm.s32 $0x1B8E;
	[sflag:s24] =	ssyncadd.s32 $0xFFFFFFFF  }
0xa9: {  	s26 =	simm.s32 $execute0_lowered;
	[smem:$0x3FD2] =	sst s25  }
0xaa: {  	s8 =	sshll.u32 s26, $0x1;
	_ =	strace $0x80000046;
	[dreg:$0x1] =	wrdreg $0xFFFFFFFF  }
0xab: {  	s28 =	simm.s32 $_size_execute0_lowered;
	s7 =	sadd.s32 s7, s8;
	[dreg:$0x0] =	wrdreg $0x0  }
0xac: {  	s8 =	sshll.u32 s28, $0x1;
	[dreg:$0x2] =	wrdreg s7  }
0xad: {  	[dreg:$0x3] =	wrdreg s8  }
0xae: {  	[dreg:$0x4] =	wrdreg $0xC0  }
0xaf: {  	_ =	task [dreg:s11], $0x5FFFF  }
0xb0: {  	[dreg:$0x1] =	wrdreg $0xFFFFFFFF  }
0xb1: {  	[dreg:$0x0] =	wrdreg $0x60  }
0xb2: {  	[dreg:$0x2] =	wrdreg s2  }
0xb3: {  	[dreg:$0x3] =	wrdreg s19  }
0xb4: {  	[dreg:$0x4] =	wrdreg s4  }
0xb5: {  	[dreg:$0x5] =	wrdreg s5  }
0xb6: {  	[dreg:$0x6] =	wrdreg s6  }
0xb7: {  	[dreg:$0x7] =	wrdreg $0x9  }
0xb8: {  	_ =	task.clear_ibuf [dreg:s11], $0x8FFFF;
	_ =	strace $0x90000046  }
0xb9: {  	s29 =	simm.s32 $0x9;
	_ =	strace $0x80000048  }
0xba: {  	_ =	swait.ge [sflag:s29], $0x1  }
0xbb: {  	[sflag:s29] =	ssyncadd.s32 $0xFFFFFFFF  }
0xbc: {  	_ =	strace $0x90000048  }
0xbd: {  	_ =	sfence  }
0xbe: {  	s30 =	sld [smem:$0x0];
	_ =	sdelay $0x2  }
0xbf: {  	s31 =	sshll.u32 s1, $0xD;
	s1 =	sshrl.u32 s1, $0x2  }
0xc0: {  	s3 =	sand.u32 $0x4000, s31;
	s1 =	sadd.s32 s1, s30  }
0xc1: {  	s0 =	sor.u32 s3, s0;
	s1 =	sshll.u32 s1, $0x11  }
0xc2: {  	s0 =	sor.u32 s1, s0  }
0xc3: {  	s0 =	sadd.s32 $0x8F2B, s0  }
0xc4: {  	[sflag:s0] =	ssyncadd.remote.s32 $0x1  }
0xc5: {  	_ =	sfence.sel $0xFFFF  }
0xc6: {  	[dreg:$0x0] =	wrdreg $0xFFFFFFFF;
	(pc) =	sbr.abs _section_cstart, $3  }
0xc7: {  	[dreg:$0x1] =	wrdreg $0xFFFFFFFF  }
0xc8: {  	_ =	task.clear_ibuf [dreg:s11], $0x2FFFF;
	_ =	strace $0x9FFFFFFF  }
0xc9: {  	(tm) =	ssettm $0x7FFFFFFF  }
tec
execute0_lowered:
.L_overlay_start_1:
0x0: {  	(tag) =	ssettag $0x1  }
0x1: {  	s0 =	rddreg [dreg:$0x0]  }
0x2: {  	s3 =	rddreg [dreg:$0x1]  }
0x3: {  	s1 =	rddreg [dreg:$0x2]  }
0x4: {  	s2 =	rddreg [dreg:$0x3]  }
0x5: {  	s7 =	rddreg [dreg:$0x4];
	s5 =	srdreg.scid;
	s4 =	simm.s32 $0x0  }
0x6: {  	s8 =	stileid.u32;
	s21 =	simm.s32 $0x20;
	s31 =	simm.s32 $0x9380  }
0x7: {  	s18 =	simm.s32 $0xE380;
	s20 =	simm.s32 $0x2;
	s22 =	simm.s32 $0x0  }
0x8: {  	s5 =	sand.u32 $0x1, s5;
	[smem:$0x7FF] =	sst s4;
	s30 =	sadd.s32 $0x10, s3  }
0x9: {  	s12 =	sadd.s32 $0x20, s3;
	s14 =	sadd.s32 $0x30, s3;
	s6 =	sshll.u32 s5, $0x4  }
0xa: {  	s16 =	sadd.s32 $0x40, s3;
	s5 =	ssub.s32 $0x2, s5;
	s6 =	sor.u32 s8, s6  }
0xb: {  	_ =	strace $0x80000047;
	s29 =	sshrl.u32 s5, $0x1;
	s9 =	sshll.u32 s6, $0x4  }
0xc: {  	s10 =	sshll.u32 s6, $0x7;
	s8 =	ssub.s32 s5, s29;
	s5 =	sadd.s32 s0, s9  }
0xd: {  	s6 =	sadd.s32 s3, s10;
	s3 =	sadd.s32 $0x50, s3;
	s7 =	sadd.s32 s7, s10  }
0xe: {  	s8 =	smax.u32 s8, $0x1;
	s9 =	simm.s32 $0x3;
	s11 =	sadd.s32 s10, s30  }
0xf: {  	vm0 =	vmmov $0x1;
	vm1 =	vcmask $0x318;
	s13 =	sadd.s32 s10, s12;
	s15 =	sadd.s32 s10, s14;
	s17 =	sadd.s32 s10, s16  }
0x10: {  	vm2 =	vcmask $0x718;
	vm3 =	vcmask $0xB18;
	v0 =	vlaneseq.u32;
	s12 =	simm.s32 $0xC380;
	s14 =	simm.s32 $0xD380;
	s16 =	simm.s32 $0x1  }
0x11: {  	vm4 =	vcmask $0xF18;
	vm5 =	vcmask $0x1318;
	v0 =	vmul.u32 $0x80, v0;
	s19 =	sadd.s32 s10, s3;
	s3 =	simm.s32 $0xA380;
	s10 =	simm.s32 $0xB380  }
.LBB2_1:
0x12: {  	[tilespmem:s4], [sflag:$0x3] =	stream.linear.gather [hbm4b:s5+s4], $0x80, $0x38;
	[tilespmem:$0xE780] =	vst v63  }
0x13: {  	_ =	swait.ge [sflag:s9], $0x80  }
0x14: {  	[sflag:s9] =	ssyncset.done $0x0  }
0x15: {  	s23 =	simm.s32 $0x80;
	[sflag:s9] =	ssyncadd.s32 $0xFFFFFF80  }
0x16: {  	[tilespmem:s23], [sflag:$0x3] =	stream.linear.gather [hbm4b:s6+s4], $0x80, $0x38;
	[tilespmem:$0xE780] =	vst v63  }
0x17: {  	_ =	swait.ge [sflag:s9], $0x80  }
0x18: {  	[sflag:s9] =	ssyncset.done $0x0  }
0x19: {  	s24 =	simm.s32 $0x100;
	[sflag:s9] =	ssyncadd.s32 $0xFFFFFF80  }
0x1a: {  	[tilespmem:s24], [sflag:$0x3] =	stream.linear.gather [hbm4b:s11+s4], $0x80, $0x38;
	[tilespmem:$0xE780] =	vst v63  }
0x1b: {  	_ =	swait.ge [sflag:s9], $0x80  }
0x1c: {  	[sflag:s9] =	ssyncset.done $0x0  }
0x1d: {  	s25 =	simm.s32 $0x180;
	[sflag:s9] =	ssyncadd.s32 $0xFFFFFF80  }
0x1e: {  	[tilespmem:s25], [sflag:$0x3] =	stream.linear.gather [hbm4b:s13+s4], $0x80, $0x38;
	[tilespmem:$0xE780] =	vst v63  }
0x1f: {  	_ =	swait.ge [sflag:s9], $0x80  }
0x20: {  	[sflag:s9] =	ssyncset.done $0x0  }
0x21: {  	s26 =	simm.s32 $0x200;
	[sflag:s9] =	ssyncadd.s32 $0xFFFFFF80  }
0x22: {  	[tilespmem:s26], [sflag:$0x3] =	stream.linear.gather [hbm4b:s15+s4], $0x80, $0x38;
	[tilespmem:$0xE780] =	vst v63  }
0x23: {  	_ =	swait.ge [sflag:s9], $0x80  }
0x24: {  	[sflag:s9] =	ssyncset.done $0x0  }
0x25: {  	s28 =	simm.s32 $0x280;
	[sflag:s9] =	ssyncadd.s32 $0xFFFFFF80  }
0x26: {  	[tilespmem:s28], [sflag:$0x3] =	stream.linear.gather [hbm4b:s17+s4], $0x80, $0x38;
	[tilespmem:$0xE780] =	vst v63  }
0x27: {  	_ =	swait.ge [sflag:s9], $0x80  }
0x28: {  	[sflag:s9] =	ssyncset.done $0x0  }
0x29: {  	s29 =	simm.s32 $0x300;
	[sflag:s9] =	ssyncadd.s32 $0xFFFFFF80  }
0x2a: {  	[tilespmem:s29], [sflag:$0x3] =	stream.linear.gather [hbm4b:s19+s4], $0x80, $0x38;
	[tilespmem:$0xE780] =	vst v63  }
0x2b: {  	_ =	swait.ge [sflag:s9], $0x80  }
0x2c: {  	[sflag:s9] =	ssyncset.done $0x0  }
0x2d: {  	s30 =	simm.s32 $0x380;
	[sflag:s9] =	ssyncadd.s32 $0xFFFFFF80  }
0x2e: {  	[tilespmem:s30], [sflag:$0x1] =	stream.indirect.gather [hbm4b:s1+s21], $0x80, s4, s21, $0xb8;
	[tilespmem:$0xE780] =	vst v63  }
0x2f: {  	s30 =	simm.s32 $0x2380  }
0x30: {  	[tilespmem:s30], [sflag:$0x1] =	stream.indirect.gather [hbm4b:s2+s21], $0x80, s23, s21, $0xb8;
	[tilespmem:$0xE780] =	vst v63  }
0x31: {  	s23 =	simm.s32 $0x3380  }
0x32: {  	[tilespmem:s23], [sflag:$0x1] =	stream.indirect.gather [hbm4b:s2+s21], $0x80, s24, s21, $0xb8;
	[tilespmem:$0xE780] =	vst v63  }
0x33: {  	s24 =	simm.s32 $0x4380  }
0x34: {  	[tilespmem:s24], [sflag:$0x1] =	stream.indirect.gather [hbm4b:s2+s21], $0x80, s25, s21, $0xb8;
	[tilespmem:$0xE780] =	vst v63  }
0x35: {  	s0 =	simm.s32 $0x5380  }
0x36: {  	[tilespmem:s0], [sflag:$0x1] =	stream.indirect.gather [hbm4b:s2+s21], $0x80, s26, s21, $0xb8;
	[tilespmem:$0xE780] =	vst v63  }
0x37: {  	s0 =	simm.s32 $0x6380  }
0x38: {  	[tilespmem:s0], [sflag:$0x1] =	stream.indirect.gather [hbm4b:s2+s21], $0x80, s28, s21, $0xb8;
	[tilespmem:$0xE780] =	vst v63  }
0x39: {  	s28 =	simm.s32 $0x7380  }
0x3a: {  	[tilespmem:s28], [sflag:$0x1] =	stream.indirect.gather [hbm4b:s2+s21], $0x80, s29, s21, $0xb8;
	[tilespmem:$0xE780] =	vst v63  }
0x3b: {  	s29 =	simm.s32 $0x1380  }
0x3c: {  	[tilespmem:s29], [sflag:$0x2] =	stream.indirect.gather [hbm4b:s1+s21], $0x80, s21, s21, $0xb8;
	[tilespmem:$0xE780] =	vst v63  }
0x3d: {  	s24 =	simm.s32 $0xA0;
	s25 =	simm.s32 $0x8380  }
0x3e: {  	[tilespmem:s25], [sflag:$0x2] =	stream.indirect.gather [hbm4b:s2+s21], $0x80, s24, s21, $0xb8;
	[tilespmem:$0xE780] =	vst v63  }
0x3f: {  	s24 =	simm.s32 $0x120  }
0x40: {  	[tilespmem:s31], [sflag:$0x2] =	stream.indirect.gather [hbm4b:s2+s21], $0x80, s24, s21, $0xb8;
	[tilespmem:$0xE780] =	vst v63  }
0x41: {  	s25 =	simm.s32 $0x1A0  }
0x42: {  	[tilespmem:s3], [sflag:$0x2] =	stream.indirect.gather [hbm4b:s2+s21], $0x80, s25, s21, $0xb8;
	[tilespmem:$0xE780] =	vst v63  }
0x43: {  	s24 =	simm.s32 $0x220  }
0x44: {  	[tilespmem:s10], [sflag:$0x2] =	stream.indirect.gather [hbm4b:s2+s21], $0x80, s24, s21, $0xb8;
	[tilespmem:$0xE780] =	vst v63  }
0x45: {  	s25 =	simm.s32 $0x2A0  }
0x46: {  	[tilespmem:s12], [sflag:$0x2] =	stream.indirect.gather [hbm4b:s2+s21], $0x80, s25, s21, $0xb8;
	[tilespmem:$0xE780] =	vst v63  }
0x47: {  	s24 =	simm.s32 $0x320  }
0x48: {  	[tilespmem:s14], [sflag:$0x2] =	stream.indirect.gather [hbm4b:s2+s21], $0x80, s24, s21, $0xb8;
	[tilespmem:$0xE780] =	vst v63  }
0x49: {  	_ =	swait.ge [sflag:s16], $0x1000  }
0x4a: {  	[sflag:s16] =	ssyncset.done $0x0  }
0x4b: {  	[sflag:s16] =	ssyncadd.s32 $0xFFFFF000  }
0x4c: {  	_ =	swait.ge [sflag:s16], $0x1000  }
0x4d: {  	[sflag:s16] =	ssyncset.done $0x0  }
0x4e: {  	[sflag:s16] =	ssyncadd.s32 $0xFFFFF000  }
0x4f: {  	_ =	swait.ge [sflag:s16], $0x1000  }
0x50: {  	[sflag:s16] =	ssyncset.done $0x0  }
0x51: {  	[sflag:s16] =	ssyncadd.s32 $0xFFFFF000  }
0x52: {  	_ =	swait.ge [sflag:s16], $0x1000  }
0x53: {  	[sflag:s16] =	ssyncset.done $0x0  }
0x54: {  	[sflag:s16] =	ssyncadd.s32 $0xFFFFF000  }
0x55: {  	_ =	swait.ge [sflag:s16], $0x1000  }
0x56: {  	[sflag:s16] =	ssyncset.done $0x0  }
0x57: {  	[sflag:s16] =	ssyncadd.s32 $0xFFFFF000  }
0x58: {  	_ =	swait.ge [sflag:s16], $0x1000  }
0x59: {  	[sflag:s16] =	ssyncset.done $0x0  }
0x5a: {  	[sflag:s16] =	ssyncadd.s32 $0xFFFFF000  }
0x5b: {  	_ =	swait.ge [sflag:s16], $0x1000  }
0x5c: {  	[sflag:s16] =	ssyncset.done $0x0  }
0x5d: {  	s25 =	simm.s32 $0x0;
	[sflag:s16] =	ssyncadd.s32 $0xFFFFF000  }
0x5e: {  	v1 =	vld [tilespmem:s25+$0x73F0]  }
0x5f: {  	v2 =	vld [tilespmem:s25+$0x63F0]  }
0x60: {  	v3 =	vld [tilespmem:s25+$0x73E0]  }
0x61: {  	v4 =	vld [tilespmem:s25+$0x63E0]  }
0x62: {  	v5 =	vld [tilespmem:s25+$0x73D0]  }
0x63: {  	v6 =	vld [tilespmem:s25+$0x43F0]  }
0x64: {  	v7 =	vld [tilespmem:s25+$0x63D0]  }
0x65: {  	v8 =	vld [tilespmem:s25+$0x73C0]  }
0x66: {  	v9 =	vld [tilespmem:s25+$0x33F0]  }
0x67: {  	v10 =	vld [tilespmem:s25+$0x43E0]  }
0x68: {  	v11 =	vld [tilespmem:s25+$0x63C0]  }
0x69: {  	v12 =	vld [tilespmem:s25+$0x73B0]  }
0x6a: {  	v13 =	vld [tilespmem:s25+$0x33E0]  }
0x6b: {  	v14 =	vld [tilespmem:s25+$0x43D0]  }
0x6c: {  	v15 =	vld [tilespmem:s25+$0x63B0]  }
0x6d: {  	v16 =	vld [tilespmem:s25+$0x73A0]  }
0x6e: {  	v17 =	vld [tilespmem:s25+$0x33D0]  }
0x6f: {  	v18 =	vld [tilespmem:s25+$0x63A0]  }
0x70: {  	v19 =	vld [tilespmem:s25+$0x7380]  }
0x71: {  	v20 =	vld [tilespmem:s25+$0x7390]  }
0x72: {  	v21 =	vld [tilespmem:s25+$0x6380]  }
0x73: {  	v22 =	vld [tilespmem:s25+$0x6390]  }
0x74: {  	v23 =	vld [tilespmem:s25+$0x3F0]  }
0x75: {  	v24 =	vld [tilespmem:s25+$0x43A0]  }
0x76: {  	v25 =	vld [tilespmem:s25+$0x3E0]  }
0x77: {  	v26 =	vld [tilespmem:s25+$0x5380]  }
0x78: {  	v27 =	vld [tilespmem:s25+$0x3D0]  }
0x79: {  	v28 =	vld [tilespmem:s25+$0x3C0]  }
0x7a: {  	v29 =	vld [tilespmem:s25+$0x380];
	v2 =	vmul.f32 v2, v23  }
0x7b: {  	v30 =	vld [tilespmem:s25+$0x390];
	v1 =	vmul.f32 v1, v23;
	v9 =	vmul.f32 v9, v23  }
0x7c: {  	v31 =	vld [tilespmem:s25+$0x3B0];
	v6 =	vmul.f32 v6, v23;
	v4 =	vmul.f32 v4, v25  }
0x7d: {  	v32 =	vld [tilespmem:s25+$0x3A0];
	v3 =	vmul.f32 v3, v25;
	v13 =	vmul.f32 v13, v25  }
0x7e: {  	v33 =	vld [tilespmem:s25+$0x5390];
	v10 =	vmul.f32 v10, v25;
	v7 =	vmul.f32 v7, v27  }
0x7f: {  	v34 =	vld [tilespmem:s25+$0x4380];
	v5 =	vmul.f32 v5, v27;
	v11 =	vmul.f32 v11, v28  }
0x80: {  	v35 =	vld [tilespmem:s25+$0x4390];
	v8 =	vmul.f32 v8, v28;
	v19 =	vmul.f32 v19, v29  }
0x81: {  	v36 =	vld [tilespmem:s25+$0x3380];
	v20 =	vmul.f32 v20, v30;
	v15 =	vmul.f32 v15, v31  }
0x82: {  	v37 =	vld [tilespmem:s25+$0x3390];
	v21 =	vmul.f32 v21, v29;
	v22 =	vmul.f32 v22, v30  }
0x83: {  	v12 =	vmul.f32 v12, v31;
	v16 =	vmul.f32 v16, v32;
	v19 =	vadd.f32 v20, v19;
	v20 =	vld [tilespmem:s25+$0x2380]  }
0x84: {  	v38 =	vld [tilespmem:s25+$0x2390];
	v18 =	vmul.f32 v18, v32;
	v24 =	vmul.f32 v24, v32;
	v21 =	vadd.f32 v22, v21  }
0x85: {  	v54 =	vld [tilespmem:s25+$0x43B0];
	v26 =	vmul.f32 v26, v29;
	v33 =	vmul.f32 v33, v30;
	v16 =	vadd.f32 v16, v19  }
0x86: {  	v55 =	vld [tilespmem:s25+$0x33A0];
	v35 =	vmul.f32 v35, v30;
	v19 =	vmul.f32 v34, v29;
	v18 =	vadd.f32 v18, v21  }
0x87: {  	v56 =	vld [tilespmem:s25+$0x43C0];
	v22 =	vmul.f32 v36, v29;
	v12 =	vadd.f32 v12, v16;
	v16 =	vmul.f32 v37, v30  }
0x88: {  	v21 =	vld [tilespmem:s25+$0x33B0];
	v19 =	vadd.f32 v35, v19;
	v15 =	vadd.f32 v15, v18;
	v20 =	vmul.f32 v20, v29  }
0x89: {  	v29 =	vld [tilespmem:s25+$0x23A0];
	v8 =	vadd.f32 v8, v12;
	v12 =	vmul.f32 v38, v30;
	v16 =	vadd.f32 v16, v22  }
0x8a: {  	v18 =	vld [tilespmem:s25+$0x33C0];
	v19 =	vadd.f32 v24, v19;
	v22 =	vmul.f32 v54, v31;
	v11 =	vadd.f32 v11, v15  }
0x8b: {  	v17 =	vmul.f32 v17, v27;
	v5 =	vadd.f32 v5, v8;
	v8 =	vadd.f32 v12, v20;
	v12 =	vld [tilespmem:s25+$0x23B0]  }
0x8c: {  	v14 =	vmul.f32 v14, v27;
	v20 =	vmul.f32 v55, v32;
	v15 =	vadd.f32 v22, v19;
	v19 =	vld [tilespmem:s25+$0x53A0]  }
0x8d: {  	v22 =	vmul.f32 v56, v28;
	v7 =	vadd.f32 v7, v11;
	v3 =	vadd.f32 v3, v5;
	v5 =	vld [tilespmem:s25+$0x23C0]  }
0x8e: {  	v16 =	vadd.f32 v20, v16;
	v20 =	vmul.f32 v21, v31;
	v11 =	vmul.f32 v29, v32;
	v21 =	vld [tilespmem:s25+$0x53B0]  }
0x8f: {  	v26 =	vadd.f32 v33, v26;
	v18 =	vmul.f32 v18, v28;
	v1 =	vadd.f32 v1, v3;
	v3 =	vld [tilespmem:s25+$0x23D0]  }
0x90: {  	v15 =	vadd.f32 v22, v15;
	v8 =	vadd.f32 v11, v8;
	v11 =	vmul.f32 v12, v31;
	v12 =	vld [tilespmem:s25+$0x53C0]  }
0x91: {  	v4 =	vadd.f32 v4, v7;
	v7 =	vld [tilespmem:s25+$0x23E0];
	v16 =	vadd.f32 v20, v16;
	v19 =	vmul.f32 v19, v32  }
0x92: {  	v14 =	vadd.f32 v14, v15;
	v8 =	vadd.f32 v11, v8;
	v5 =	vmul.f32 v5, v28;
	v11 =	vld [tilespmem:s25+$0x53D0]  }
0x93: {  	v15 =	vadd.f32 v18, v16;
	v16 =	vld [tilespmem:s25+$0x23F0];
	v18 =	vadd.f32 v19, v26;
	v19 =	vmul.f32 v21, v31  }
0x94: {  	v2 =	vadd.f32 v2, v4;
	v4 =	vadd.f32 v5, v8;
	v3 =	vmul.f32 v3, v27;
	v5 =	vld [tilespmem:s25+$0x53E0]  }
0x95: {  	v8 =	vadd.f32 v17, v15;
	v15 =	vadd.f32 v19, v18;
	v12 =	vmul.f32 v12, v28  }
0x96: {  	v10 =	vadd.f32 v10, v14;
	v3 =	vadd.f32 v3, v4;
	v4 =	vmul.f32 v7, v25;
	v7 =	vld [tilespmem:s25+$0x53F0]  }
0x97: {  	v8 =	vadd.f32 v13, v8;
	v12 =	vadd.f32 v12, v15;
	v11 =	vmul.f32 v11, v27  }
0x98: {  	(xrf2) =	vadd.scan.msk.f32 $0xffff, v1;
	v1 =	vadd.f32 v6, v10;
	v3 =	vadd.f32 v4, v3;
	v4 =	vmul.f32 v16, v23  }
0x99: {  	(xrf2) =	vadd.scan.msk.f32 $0xffff, v2;
	v2 =	vadd.f32 v9, v8;
	v6 =	vadd.f32 v11, v12;
	v5 =	vmul.f32 v5, v25  }
0x9a: {  	(xrf2) =	vadd.scan.msk.f32 $0xffff, v1;
	v1 =	vadd.f32 v4, v3  }
0x9b: {  	(xrf2) =	vadd.scan.msk.f32 $0xffff, v2;
	v2 =	vadd.f32 v5, v6;
	v3 =	vmul.f32 v7, v23  }
0x9c: {  	(xrf2) =	vadd.scan.msk.f32 $0xffff, v1  }
0x9d: {  	v1 =	vadd.f32 v3, v2;
	_ =	sdelay $0x1  }
0x9e: {  	(xrf2) =	vadd.scan.msk.f32 $0xffff, v1;
	_ =	sdelay $0x2  }
0x9f: {  	v1, _, _ =	vpop (xrf2)  }
0xa0: {  	v2, _, _ =	vpop (xrf2)  }
0xa1: {  	v3, _, _ =	vpop (xrf2)  }
0xa2: {  	v4, _, _ =	vpop (xrf2)  }
0xa3: {  	v5 =	vmov s4;
	v6, _, _ =	vpop (xrf2)  }
0xa4: {  	v5 =	vand.u32 $0x7F, v5;
	v6 =	vbroadcast v6, $0xF  }
0xa5: {  	v5 =	vbroadcast v5, $0x0;
	v4 =	vbroadcast v4, $0xF  }
0xa6: {  	v3 =	vbroadcast v3, $0xF;
	v6 =	vnsel vm0, $0x0, v6;
	v7, _, _ =	vpop (xrf2)  }
0xa7: {  	v5 =	vor.u32 v0, v5;
	v4 =	vsel vm1, v6, v4;
	v6 =	vbroadcast v7, $0xF  }
0xa8: {  	v2 =	vbroadcast v2, $0xF;
	v3 =	vsel vm2, v4, v3  }
0xa9: {  	v1 =	vbroadcast v1, $0xF;
	v3 =	vsel vm3, v3, v6  }
0xaa: {  	v2 =	vsel vm4, v3, v2  }
0xab: {  	v1 =	vsel vm5, v2, v1  }
0xac: {  	s24 =	simm.s32 $0x80;
	[tilespmem:v5+s18+$0x0] =	vst.idx.msk $0x3f, v1  }
0xad: {  	v4 =	vld [tilespmem:s24+$0x73F0]  }
0xae: {  	v6 =	vld [tilespmem:s24+$0x63F0]  }
0xaf: {  	v7 =	vld [tilespmem:s24+$0x73E0]  }
0xb0: {  	v9 =	vld [tilespmem:s24+$0x63E0]  }
0xb1: {  	v11 =	vld [tilespmem:s24+$0x73D0]  }
0xb2: {  	v10 =	vld [tilespmem:s24+$0x43F0]  }
0xb3: {  	v15 =	vld [tilespmem:s24+$0x63D0]  }
0xb4: {  	v22 =	vld [tilespmem:s24+$0x73C0]  }
0xb5: {  	v12 =	vld [tilespmem:s24+$0x33F0]  }
0xb6: {  	v17 =	vld [tilespmem:s24+$0x43E0]  }
0xb7: {  	v21 =	vld [tilespmem:s24+$0x63C0]  }
0xb8: {  	v24 =	vld [tilespmem:s24+$0x73B0]  }
0xb9: {  	v20 =	vld [tilespmem:s24+$0x33E0]  }
0xba: {  	v23 =	vld [tilespmem:s24+$0x43D0]  }
0xbb: {  	v25 =	vld [tilespmem:s24+$0x63B0]  }
0xbc: {  	v26 =	vld [tilespmem:s24+$0x73A0]  }
0xbd: {  	v27 =	vld [tilespmem:s24+$0x33D0]  }
0xbe: {  	v28 =	vld [tilespmem:s24+$0x63A0]  }
0xbf: {  	v29 =	vld [tilespmem:s24+$0x7380]  }
0xc0: {  	v30 =	vld [tilespmem:s24+$0x7390]  }
0xc1: {  	v31 =	vld [tilespmem:s24+$0x6380]  }
0xc2: {  	v57 =	vld [tilespmem:s24+$0x6390]  }
0xc3: {  	v1 =	vld [tilespmem:s24+$0x3F0]  }
0xc4: {  	v58 =	vld [tilespmem:s24+$0x43A0]  }
0xc5: {  	v2 =	vld [tilespmem:s24+$0x3E0]  }
0xc6: {  	v59 =	vld [tilespmem:s24+$0x5380]  }
0xc7: {  	v3 =	vld [tilespmem:s24+$0x3D0]  }
0xc8: {  	v5 =	vld [tilespmem:s24+$0x3C0];
	v8 =	vmul.f32 v6, v1;
	v13 =	vmul.f32 v4, v1  }
0xc9: {  	v19 =	vld [tilespmem:s24+$0x380];
	v4 =	vmul.f32 v12, v1;
	v6 =	vmul.f32 v10, v1  }
0xca: {  	v18 =	vld [tilespmem:s24+$0x390];
	v14 =	vmul.f32 v9, v2;
	v16 =	vmul.f32 v7, v2  }
0xcb: {  	v60 =	vld [tilespmem:s24+$0x4380];
	v7 =	vmul.f32 v20, v2;
	v10 =	vmul.f32 v17, v2  }
0xcc: {  	v12 =	vld [tilespmem:s24+$0x3A0];
	v17 =	vmul.f32 v15, v3;
	v20 =	vmul.f32 v11, v3  }
0xcd: {  	v9 =	vld [tilespmem:s24+$0x3B0];
	v11 =	vmul.f32 v27, v3;
	v15 =	vmul.f32 v23, v3  }
0xce: {  	v61 =	vld [tilespmem:s24+$0x4390];
	v21 =	vmul.f32 v21, v5;
	v22 =	vmul.f32 v22, v5  }
0xcf: {  	v27 =	vld [tilespmem:s24+$0x5390];
	v62 =	vmul.f32 v29, v19;
	v30 =	vmul.f32 v30, v18  }
0xd0: {  	v63 =	vld [tilespmem:s24+$0x3380];
	v40 =	vmul.f32 v31, v19;
	v32 =	vmul.f32 v57, v18  }
0xd1: {  	v29 =	vld [tilespmem:s24+$0x3390];
	v33 =	vmul.f32 v59, v19;
	v37 =	vadd.f32 v30, v62;
	v26 =	vmul.f32 v26, v12  }
0xd2: {  	v31 =	vmul.f32 v60, v19;
	v30 =	vld [tilespmem:s24+$0x2380];
	v23 =	vmul.f32 v25, v9  }
0xd3: {  	v39 =	vmul.f32 v24, v9;
	v25 =	vmul.f32 v28, v12;
	v28 =	vld [tilespmem:s24+$0x2390];
	v37 =	vadd.f32 v26, v37  }
0xd4: {  	v36 =	vmul.f32 v61, v18;
	v35 =	vadd.f32 v32, v40;
	v34 =	vmul.f32 v27, v18;
	v26 =	vld [tilespmem:s24+$0x43B0]  }
0xd5: {  	s23 =	simm.s32 $0x0;
	s26 =	simm.s32 $0x5380;
	s25 =	simm.s32 $0x400;
	v32 =	vmul.f32 v63, v19;
	v24 =	vmul.f32 v58, v12;
	v27 =	vld [tilespmem:s24+$0x33A0];
	v37 =	vadd.f32 v39, v37  }
.LBB2_2:
0xd6: {  	p0 =	sne.s32 s25, $0x3E00;
	v29 =	vmul.f32 v29, v18;
	v38 =	vld [tilespmem:s24+$0x43C0];
	v33 =	vadd.f32 v34, v33;
	v25 =	vadd.f32 v25, v35  }
0xd7: {  	v19 =	vmul.f32 v30, v19;
	v30 =	vld [tilespmem:s24+$0x33B0];
	v31 =	vadd.f32 v36, v31;
	v22 =	vadd.f32 v22, v37  }
0xd8: {  	v18 =	vmul.f32 v28, v18;
	v28 =	vld [tilespmem:s24+$0x23A0];
	v29 =	vadd.f32 v29, v32;
	v23 =	vadd.f32 v23, v25  }
0xd9: {  	v25 =	vld [tilespmem:s24+$0x33C0];
	v24 =	vadd.f32 v24, v31;
	v26 =	vmul.f32 v26, v9;
	v20 =	vadd.f32 v20, v22  }
0xda: {  	v18 =	vadd.f32 v18, v19;
	v19 =	vld [tilespmem:s24+$0x23B0];
	v22 =	vmul.f32 v27, v12;
	v21 =	vadd.f32 v21, v23  }
0xdb: {  	v23 =	vadd.f32 v26, v24;
	v24 =	vmul.f32 v38, v5;
	v26 =	vld [tilespmem:s24+$0x53A0];
	v16 =	vadd.f32 v16, v20  }
0xdc: {  	v20 =	vld [tilespmem:s24+$0x23C0];
	v22 =	vadd.f32 v22, v29;
	v27 =	vmul.f32 v30, v9;
	v17 =	vadd.f32 v17, v21  }
0xdd: {  	v21 =	vmul.f32 v28, v12;
	v23 =	vadd.f32 v24, v23;
	v24 =	vld [tilespmem:s24+$0x53B0];
	v13 =	vadd.f32 v13, v16  }
0xde: {  	v16 =	vld [tilespmem:s24+$0x23D0];
	v22 =	vadd.f32 v27, v22;
	v25 =	vmul.f32 v25, v5;
	v14 =	vadd.f32 v14, v17  }
0xdf: {  	v17 =	vadd.f32 v21, v18;
	v18 =	vmul.f32 v19, v9;
	v15 =	vadd.f32 v15, v23;
	v19 =	vld [tilespmem:s24+$0x53C0];
	(xrf2) =	vadd.scan.msk.f32 $0xffff, v13  }
0xe0: {  	v13 =	vld [tilespmem:s24+$0x23E0];
	v21 =	vadd.f32 v25, v22;
	v12 =	vmul.f32 v26, v12;
	v8 =	vadd.f32 v8, v14  }
0xe1: {  	v14 =	vadd.f32 v18, v17;
	v17 =	vmul.f32 v20, v5;
	v10 =	vadd.f32 v10, v15;
	v15 =	vld [tilespmem:s24+$0x53D0]  }
0xe2: {  	v18 =	vld [tilespmem:s24+$0x23F0];
	v11 =	vadd.f32 v11, v21;
	v12 =	vadd.f32 v12, v33;
	v9 =	vmul.f32 v24, v9;
	(xrf2) =	vadd.scan.msk.f32 $0xffff, v8  }
0xe3: {  	v8 =	vadd.f32 v17, v14;
	v14 =	vmul.f32 v16, v3;
	v6 =	vadd.f32 v6, v10;
	v10 =	vld [tilespmem:s24+$0x53E0]  }
0xe4: {  	v7 =	vadd.f32 v7, v11;
	v9 =	vadd.f32 v9, v12;
	v5 =	vmul.f32 v19, v5  }
0xe5: {  	v8 =	vadd.f32 v14, v8;
	v11 =	vmul.f32 v13, v2;
	v12 =	vld [tilespmem:s24+$0x53F0];
	(xrf2) =	vadd.scan.msk.f32 $0xffff, v6  }
0xe6: {  	v4 =	vadd.f32 v4, v7;
	v9 =	vadd.f32 v5, v9;
	v3 =	vmul.f32 v15, v3  }
0xe7: {  	v6 =	vadd.f32 v11, v8;
	v7 =	vmul.f32 v18, v1  }
0xe8: {  	v3 =	vadd.f32 v3, v9;
	v2 =	vmul.f32 v10, v2;
	(xrf2) =	vadd.scan.msk.f32 $0xffff, v4  }
0xe9: {  	v4 =	vadd.f32 v7, v6;
	v5, _, _ =	vpop (xrf2)  }
0xea: {  	v3 =	vadd.f32 v2, v3;
	v1 =	vmul.f32 v12, v1  }
0xeb: {  	(xrf2) =	vadd.scan.msk.f32 $0xffff, v4  }
0xec: {  	v3 =	vadd.f32 v1, v3;
	v2, _, _ =	vpop (xrf2);
	_ =	sdelay $0x1  }
0xed: {  	(xrf2) =	vadd.scan.msk.f32 $0xffff, v3  }
0xee: {  	v1, _, _ =	vpop (xrf2);
	_ =	sdelay $0x2  }
0xef: {  	v3, _, _ =	vpop (xrf2);
	_ =	sdelay $0x1  }
0xf0: {  	s23 =	sadd.s32 $0x1, s23  }
0xf1: {  	v4 =	vmov s23;
	v6, _, _ =	vpop (xrf2)  }
0xf2: {  	v4 =	vand.u32 $0x7F, v4;
	v6 =	vbroadcast v6, $0xF  }
0xf3: {  	v4 =	vbroadcast v4, $0x0;
	v3 =	vbroadcast v3, $0xF  }
0xf4: {  	v1 =	vbroadcast v1, $0xF;
	v6 =	vnsel vm0, $0x0, v6;
	v7, _, _ =	vpop (xrf2)  }
0xf5: {  	v4 =	vor.u32 v0, v4;
	v3 =	vsel vm1, v6, v3;
	v6 =	vbroadcast v7, $0xF  }
0xf6: {  	v2 =	vbroadcast v2, $0xF;
	v1 =	vsel vm2, v3, v1  }
0xf7: {  	v3 =	vbroadcast v5, $0xF;
	v1 =	vsel vm3, v1, v6  }
0xf8: {  	v1 =	vsel vm4, v1, v2  }
0xf9: {  	v1 =	vsel vm5, v1, v3  }
0xfa: {  	s24 =	sshra.s32 s25, $0x2;
	[tilespmem:v4+s18+$0x0] =	vst.idx.msk $0x3f, v1  }
0xfb: {  	v4 =	vld [tilespmem:s24+$0x73F0]  }
0xfc: {  	v6 =	vld [tilespmem:s24+$0x63F0]  }
0xfd: {  	v7 =	vld [tilespmem:s24+$0x73E0]  }
0xfe: {  	v9 =	vld [tilespmem:s24+$0x63E0]  }
0xff: {  	v11 =	vld [tilespmem:s24+$0x73D0]  }
0x100: {  	v10 =	vld [tilespmem:s24+$0x43F0]  }
0x101: {  	v15 =	vld [tilespmem:s24+$0x63D0]  }
0x102: {  	v22 =	vld [tilespmem:s24+$0x73C0]  }
0x103: {  	v12 =	vld [tilespmem:s24+$0x33F0]  }
0x104: {  	v17 =	vld [tilespmem:s24+$0x43E0]  }
0x105: {  	v21 =	vld [tilespmem:s24+$0x63C0]  }
0x106: {  	v24 =	vld [tilespmem:s24+$0x73B0]  }
0x107: {  	v20 =	vld [tilespmem:s24+$0x33E0]  }
0x108: {  	v23 =	vld [tilespmem:s24+$0x43D0]  }
0x109: {  	v25 =	vld [tilespmem:s24+$0x63B0]  }
0x10a: {  	v26 =	vld [tilespmem:s24+$0x73A0]  }
0x10b: {  	v27 =	vld [tilespmem:s24+$0x33D0]  }
0x10c: {  	v28 =	vld [tilespmem:s24+$0x63A0]  }
0x10d: {  	v29 =	vld [tilespmem:s24+$0x7380]  }
0x10e: {  	v30 =	vld [tilespmem:s24+$0x7390]  }
0x10f: {  	v31 =	vld [tilespmem:s24+$0x6380]  }
0x110: {  	v32 =	vld [tilespmem:s24+$0x6390]  }
0x111: {  	v1 =	vld [tilespmem:s24+$0x3F0]  }
0x112: {  	v33 =	vld [tilespmem:s24+$0x43A0]  }
0x113: {  	v2 =	vld [tilespmem:s24+$0x3E0]  }
0x114: {  	v34 =	vld [tilespmem:s24+$0x5380]  }
0x115: {  	v3 =	vld [tilespmem:s24+$0x3D0]  }
0x116: {  	v5 =	vld [tilespmem:s24+$0x3C0];
	v8 =	vmul.f32 v6, v1;
	v13 =	vmul.f32 v4, v1  }
0x117: {  	v4 =	vmul.f32 v12, v1;
	v6 =	vmul.f32 v10, v1;
	v19 =	vld [tilespmem:s24+$0x380]  }
0x118: {  	v18 =	vld [tilespmem:s24+$0x390];
	v14 =	vmul.f32 v9, v2;
	v16 =	vmul.f32 v7, v2  }
0x119: {  	v7 =	vmul.f32 v20, v2;
	v10 =	vmul.f32 v17, v2;
	v9 =	vld [tilespmem:s24+$0x3B0]  }
0x11a: {  	v12 =	vld [tilespmem:s24+$0x3A0];
	v17 =	vmul.f32 v15, v3;
	v20 =	vmul.f32 v11, v3  }
0x11b: {  	v11 =	vmul.f32 v27, v3;
	v15 =	vmul.f32 v23, v3;
	v27 =	vld [tilespmem:s24+$0x5390]  }
0x11c: {  	v21 =	vmul.f32 v21, v5;
	v22 =	vmul.f32 v22, v5;
	v35 =	vld [tilespmem:s24+$0x4380]  }
0x11d: {  	v37 =	vmul.f32 v29, v19;
	v36 =	vld [tilespmem:s24+$0x4390];
	v30 =	vmul.f32 v30, v18  }
0x11e: {  	v38 =	vld [tilespmem:s24+$0x3380];
	v23 =	vmul.f32 v25, v9;
	v39 =	vmul.f32 v24, v9  }
.Ltmp0:
0x11f: {  	v29 =	vld [tilespmem:s24+$0x3390];
	v25 =	vmul.f32 v28, v12;
	v37 =	vadd.f32 v30, v37;
	v26 =	vmul.f32 v26, v12;
	(pc) =	sbr.rel @p0 .LBB2_2-.Ltmp0, $4  }
0x120: {  	v40 =	vmul.f32 v31, v19;
	v32 =	vmul.f32 v32, v18;
	v30 =	vld [tilespmem:s24+$0x2380]  }
0x121: {  	v24 =	vmul.f32 v33, v12;
	v33 =	vmul.f32 v34, v19;
	v28 =	vld [tilespmem:s24+$0x2390];
	v37 =	vadd.f32 v26, v37  }
0x122: {  	v34 =	vmul.f32 v27, v18;
	v31 =	vmul.f32 v35, v19;
	v35 =	vadd.f32 v32, v40;
	v26 =	vld [tilespmem:s24+$0x43B0]  }
0x123: {  	s25 =	sadd.s32 $0x200, s25;
	v36 =	vmul.f32 v36, v18;
	v32 =	vmul.f32 v38, v19;
	v27 =	vld [tilespmem:s24+$0x33A0];
	v37 =	vadd.f32 v39, v37  }
0x124: {  	v29 =	vmul.f32 v29, v18;
	v38 =	vld [tilespmem:s24+$0x43C0]  }
0x125: {  	v25 =	vadd.f32 v25, v35;
	v19 =	vmul.f32 v30, v19;
	v30 =	vld [tilespmem:s24+$0x33B0];
	v31 =	vadd.f32 v36, v31  }
0x126: {  	v22 =	vadd.f32 v22, v37;
	v18 =	vmul.f32 v28, v18;
	v28 =	vld [tilespmem:s24+$0x23A0];
	v29 =	vadd.f32 v29, v32  }
0x127: {  	v23 =	vadd.f32 v23, v25;
	v25 =	vld [tilespmem:s24+$0x33C0];
	v24 =	vadd.f32 v24, v31;
	v26 =	vmul.f32 v26, v9  }
0x128: {  	v20 =	vadd.f32 v20, v22;
	v18 =	vadd.f32 v18, v19;
	v19 =	vld [tilespmem:s24+$0x23B0]  }
0x129: {  	v22 =	vmul.f32 v27, v12;
	v21 =	vadd.f32 v21, v23;
	v23 =	vadd.f32 v26, v24;
	v24 =	vld [tilespmem:s24+$0x53A0]  }
0x12a: {  	v33 =	vadd.f32 v34, v33;
	v26 =	vmul.f32 v38, v5;
	v16 =	vadd.f32 v16, v20;
	v20 =	vld [tilespmem:s24+$0x23C0]  }
0x12b: {  	v22 =	vadd.f32 v22, v29;
	v17 =	vadd.f32 v17, v21;
	v21 =	vmul.f32 v28, v12;
	v28 =	vld [tilespmem:s24+$0x53B0]  }
0x12c: {  	v27 =	vmul.f32 v30, v9;
	v23 =	vadd.f32 v26, v23;
	v13 =	vadd.f32 v13, v16;
	v16 =	vld [tilespmem:s24+$0x23D0]  }
0x12d: {  	v25 =	vmul.f32 v25, v5;
	v18 =	vadd.f32 v21, v18;
	v19 =	vmul.f32 v19, v9;
	v21 =	vld [tilespmem:s24+$0x53C0]  }
0x12e: {  	v22 =	vadd.f32 v27, v22;
	v14 =	vadd.f32 v14, v17;
	v17 =	vld [tilespmem:s24+$0x23E0];
	v12 =	vmul.f32 v24, v12  }
0x12f: {  	v15 =	vadd.f32 v15, v23;
	v18 =	vadd.f32 v19, v18;
	v19 =	vmul.f32 v20, v5;
	v20 =	vld [tilespmem:s24+$0x53D0]  }
0x130: {  	v23 =	vld [tilespmem:s24+$0x23F0];
	v22 =	vadd.f32 v25, v22;
	v12 =	vadd.f32 v12, v33;
	v9 =	vmul.f32 v28, v9  }
0x131: {  	v8 =	vadd.f32 v8, v14;
	v16 =	vmul.f32 v16, v3;
	v14 =	vadd.f32 v19, v18;
	v18 =	vld [tilespmem:s24+$0x53E0]  }
0x132: {  	v11 =	vadd.f32 v11, v22;
	v9 =	vadd.f32 v9, v12;
	v5 =	vmul.f32 v21, v5  }
0x133: {  	v10 =	vadd.f32 v10, v15;
	v15 =	vld [tilespmem:s24+$0x53F0];
	v12 =	vadd.f32 v16, v14;
	v14 =	vmul.f32 v17, v2  }
0x134: {  	v7 =	vadd.f32 v7, v11;
	v5 =	vadd.f32 v5, v9;
	v3 =	vmul.f32 v20, v3  }
0x135: {  	(xrf2) =	vadd.scan.msk.f32 $0xffff, v13;
	v6 =	vadd.f32 v6, v10;
	v10 =	vmul.f32 v23, v1;
	v9 =	vadd.f32 v14, v12  }
0x136: {  	(xrf2) =	vadd.scan.msk.f32 $0xffff, v8;
	v4 =	vadd.f32 v4, v7;
	v3 =	vadd.f32 v3, v5;
	v2 =	vmul.f32 v18, v2  }
0x137: {  	(xrf2) =	vadd.scan.msk.f32 $0xffff, v6;
	v5 =	vadd.f32 v10, v9  }
0x138: {  	v1 =	vmul.f32 v15, v1;
	(xrf2) =	vadd.scan.msk.f32 $0xffff, v4;
	v2 =	vadd.f32 v2, v3  }
0x139: {  	(xrf2) =	vadd.scan.msk.f32 $0xffff, v5  }
0x13a: {  	v1 =	vadd.f32 v1, v2;
	_ =	sdelay $0x1  }
0x13b: {  	(xrf2) =	vadd.scan.msk.f32 $0xffff, v1;
	_ =	sdelay $0x2  }
0x13c: {  	v1, _, _ =	vpop (xrf2)  }
0x13d: {  	v2, _, _ =	vpop (xrf2)  }
0x13e: {  	v3, _, _ =	vpop (xrf2)  }
0x13f: {  	s23 =	sadd.s32 $0x1, s23;
	v4, _, _ =	vpop (xrf2)  }
0x140: {  	v5 =	vmov s23;
	v6, _, _ =	vpop (xrf2)  }
0x141: {  	v5 =	vand.u32 $0x7F, v5;
	v6 =	vbroadcast v6, $0xF  }
0x142: {  	v5 =	vbroadcast v5, $0x0;
	v4 =	vbroadcast v4, $0xF  }
0x143: {  	v3 =	vbroadcast v3, $0xF;
	v6 =	vnsel vm0, $0x0, v6;
	v7, _, _ =	vpop (xrf2)  }
0x144: {  	v5 =	vor.u32 v0, v5;
	v4 =	vsel vm1, v6, v4;
	v6 =	vbroadcast v7, $0xF  }
0x145: {  	v2 =	vbroadcast v2, $0xF;
	v3 =	vsel vm2, v4, v3  }
0x146: {  	v1 =	vbroadcast v1, $0xF;
	v3 =	vsel vm3, v3, v6  }
0x147: {  	v2 =	vsel vm4, v3, v2  }
0x148: {  	v1 =	vsel vm5, v2, v1  }
0x149: {  	s25 =	simm.s32 $0x40;
	s24 =	simm.s32 $0x380;
	[tilespmem:v5+s18+$0x0] =	vst.idx.msk $0x3f, v1  }
0x14a: {  	[tilespmem:s24], [sflag:$0x1] =	stream.indirect.gather [hbm4b:s1+s21], $0x80, s25, s21, $0xb8;
	[tilespmem:$0xE780] =	vst v63  }
0x14b: {  	s24 =	simm.s32 $0xC0  }
0x14c: {  	[tilespmem:s30], [sflag:$0x1] =	stream.indirect.gather [hbm4b:s2+s21], $0x80, s24, s21, $0xb8;
	[tilespmem:$0xE780] =	vst v63  }
0x14d: {  	s25 =	simm.s32 $0x3380;
	s30 =	simm.s32 $0x140  }
0x14e: {  	[tilespmem:s25], [sflag:$0x1] =	stream.indirect.gather [hbm4b:s2+s21], $0x80, s30, s21, $0xb8;
	[tilespmem:$0xE780] =	vst v63  }
0x14f: {  	s25 =	simm.s32 $0x4380;
	s30 =	simm.s32 $0x1C0  }
0x150: {  	[tilespmem:s25], [sflag:$0x1] =	stream.indirect.gather [hbm4b:s2+s21], $0x80, s30, s21, $0xb8;
	[tilespmem:$0xE780] =	vst v63  }
0x151: {  	s24 =	simm.s32 $0x240  }
0x152: {  	[tilespmem:s26], [sflag:$0x1] =	stream.indirect.gather [hbm4b:s2+s21], $0x80, s24, s21, $0xb8;
	[tilespmem:$0xE780] =	vst v63  }
0x153: {  	s25 =	simm.s32 $0x2C0  }
0x154: {  	[tilespmem:s0], [sflag:$0x1] =	stream.indirect.gather [hbm4b:s2+s21], $0x80, s25, s21, $0xb8;
	[tilespmem:$0xE780] =	vst v63  }
0x155: {  	s26 =	simm.s32 $0x340  }
0x156: {  	[tilespmem:s28], [sflag:$0x1] =	stream.indirect.gather [hbm4b:s2+s21], $0x80, s26, s21, $0xb8;
	[tilespmem:$0xE780] =	vst v63  }
0x157: {  	_ =	swait.ge [sflag:s20], $0x1000  }
0x158: {  	[sflag:s20] =	ssyncset.done $0x0  }
0x159: {  	[sflag:s20] =	ssyncadd.s32 $0xFFFFF000  }
0x15a: {  	_ =	swait.ge [sflag:s20], $0x1000  }
0x15b: {  	[sflag:s20] =	ssyncset.done $0x0  }
0x15c: {  	[sflag:s20] =	ssyncadd.s32 $0xFFFFF000  }
0x15d: {  	_ =	swait.ge [sflag:s20], $0x1000  }
0x15e: {  	[sflag:s20] =	ssyncset.done $0x0  }
0x15f: {  	[sflag:s20] =	ssyncadd.s32 $0xFFFFF000  }
0x160: {  	_ =	swait.ge [sflag:s20], $0x1000  }
0x161: {  	[sflag:s20] =	ssyncset.done $0x0  }
0x162: {  	[sflag:s20] =	ssyncadd.s32 $0xFFFFF000  }
0x163: {  	_ =	swait.ge [sflag:s20], $0x1000  }
0x164: {  	[sflag:s20] =	ssyncset.done $0x0  }
0x165: {  	[sflag:s20] =	ssyncadd.s32 $0xFFFFF000  }
0x166: {  	_ =	swait.ge [sflag:s20], $0x1000  }
0x167: {  	[sflag:s20] =	ssyncset.done $0x0  }
0x168: {  	[sflag:s20] =	ssyncadd.s32 $0xFFFFF000  }
0x169: {  	_ =	swait.ge [sflag:s20], $0x1000  }
0x16a: {  	[sflag:s20] =	ssyncset.done $0x0  }
0x16b: {  	s30 =	simm.s32 $0x0;
	[sflag:s20] =	ssyncadd.s32 $0xFFFFF000  }
0x16c: {  	v1 =	vld [tilespmem:s30+$0xD3F0]  }
0x16d: {  	v2 =	vld [tilespmem:s30+$0xC3F0]  }
0x16e: {  	v3 =	vld [tilespmem:s30+$0xD3E0]  }
0x16f: {  	v4 =	vld [tilespmem:s30+$0xC3E0]  }
0x170: {  	v5 =	vld [tilespmem:s30+$0xD3D0]  }
0x171: {  	v6 =	vld [tilespmem:s30+$0xA3F0]  }
0x172: {  	v7 =	vld [tilespmem:s30+$0xC3D0]  }
0x173: {  	v8 =	vld [tilespmem:s30+$0xD3C0]  }
0x174: {  	v9 =	vld [tilespmem:s30+$0x93F0]  }
0x175: {  	v10 =	vld [tilespmem:s30+$0xA3E0]  }
0x176: {  	v11 =	vld [tilespmem:s30+$0xC3C0]  }
0x177: {  	v12 =	vld [tilespmem:s30+$0xD3B0]  }
0x178: {  	v13 =	vld [tilespmem:s30+$0x93E0]  }
0x179: {  	v14 =	vld [tilespmem:s30+$0xA3D0]  }
0x17a: {  	v15 =	vld [tilespmem:s30+$0xC3B0]  }
0x17b: {  	v16 =	vld [tilespmem:s30+$0xD3A0]  }
0x17c: {  	v17 =	vld [tilespmem:s30+$0x93D0]  }
0x17d: {  	v18 =	vld [tilespmem:s30+$0xC3A0]  }
0x17e: {  	v19 =	vld [tilespmem:s30+$0xD380]  }
0x17f: {  	v20 =	vld [tilespmem:s30+$0xD390]  }
0x180: {  	v21 =	vld [tilespmem:s30+$0xC380]  }
0x181: {  	v22 =	vld [tilespmem:s30+$0xC390]  }
0x182: {  	v23 =	vld [tilespmem:s30+$0x13F0]  }
0x183: {  	v24 =	vld [tilespmem:s30+$0xA3A0]  }
0x184: {  	v25 =	vld [tilespmem:s30+$0x13E0]  }
0x185: {  	v26 =	vld [tilespmem:s30+$0xB380]  }
0x186: {  	v27 =	vld [tilespmem:s30+$0x13D0]  }
0x187: {  	v28 =	vld [tilespmem:s30+$0x13C0]  }
0x188: {  	v29 =	vld [tilespmem:s30+$0x1380];
	v2 =	vmul.f32 v2, v23  }
0x189: {  	v30 =	vld [tilespmem:s30+$0x1390];
	v1 =	vmul.f32 v1, v23;
	v9 =	vmul.f32 v9, v23  }
0x18a: {  	v31 =	vld [tilespmem:s30+$0x13B0];
	v6 =	vmul.f32 v6, v23;
	v4 =	vmul.f32 v4, v25  }
0x18b: {  	v47 =	vld [tilespmem:s30+$0x13A0];
	v3 =	vmul.f32 v3, v25;
	v13 =	vmul.f32 v13, v25  }
0x18c: {  	v48 =	vld [tilespmem:s30+$0xB390];
	v10 =	vmul.f32 v10, v25;
	v7 =	vmul.f32 v7, v27  }
0x18d: {  	v49 =	vld [tilespmem:s30+$0xA380];
	v5 =	vmul.f32 v5, v27;
	v11 =	vmul.f32 v11, v28  }
0x18e: {  	v50 =	vld [tilespmem:s30+$0xA390];
	v8 =	vmul.f32 v8, v28;
	v19 =	vmul.f32 v19, v29  }
0x18f: {  	v51 =	vld [tilespmem:s30+$0x9380];
	v20 =	vmul.f32 v20, v30;
	v15 =	vmul.f32 v15, v31  }
0x190: {  	v52 =	vld [tilespmem:s30+$0x9390];
	v21 =	vmul.f32 v21, v29;
	v22 =	vmul.f32 v22, v30  }
0x191: {  	v12 =	vmul.f32 v12, v31;
	v16 =	vmul.f32 v16, v47;
	v19 =	vadd.f32 v20, v19;
	v20 =	vld [tilespmem:s30+$0x8380]  }
0x192: {  	v53 =	vld [tilespmem:s30+$0x8390];
	v18 =	vmul.f32 v18, v47;
	v24 =	vmul.f32 v24, v47;
	v21 =	vadd.f32 v22, v21  }
0x193: {  	v54 =	vld [tilespmem:s30+$0xA3B0];
	v26 =	vmul.f32 v26, v29;
	v33 =	vmul.f32 v48, v30;
	v16 =	vadd.f32 v16, v19  }
0x194: {  	v55 =	vld [tilespmem:s30+$0x93A0];
	v35 =	vmul.f32 v50, v30;
	v19 =	vmul.f32 v49, v29;
	v18 =	vadd.f32 v18, v21  }
0x195: {  	v56 =	vld [tilespmem:s30+$0xA3C0];
	v22 =	vmul.f32 v51, v29;
	v12 =	vadd.f32 v12, v16;
	v16 =	vmul.f32 v52, v30  }
0x196: {  	v21 =	vld [tilespmem:s30+$0x93B0];
	v19 =	vadd.f32 v35, v19;
	v15 =	vadd.f32 v15, v18;
	v20 =	vmul.f32 v20, v29  }
0x197: {  	v29 =	vld [tilespmem:s30+$0x83A0];
	v8 =	vadd.f32 v8, v12;
	v12 =	vmul.f32 v53, v30;
	v16 =	vadd.f32 v16, v22  }
0x198: {  	v18 =	vld [tilespmem:s30+$0x93C0];
	v19 =	vadd.f32 v24, v19;
	v22 =	vmul.f32 v54, v31;
	v11 =	vadd.f32 v11, v15  }
0x199: {  	v17 =	vmul.f32 v17, v27;
	v5 =	vadd.f32 v5, v8;
	v8 =	vadd.f32 v12, v20;
	v12 =	vld [tilespmem:s30+$0x83B0]  }
0x19a: {  	v14 =	vmul.f32 v14, v27;
	v20 =	vmul.f32 v55, v47;
	v15 =	vadd.f32 v22, v19;
	v19 =	vld [tilespmem:s30+$0xB3A0]  }
0x19b: {  	v22 =	vmul.f32 v56, v28;
	v7 =	vadd.f32 v7, v11;
	v3 =	vadd.f32 v3, v5;
	v5 =	vld [tilespmem:s30+$0x83C0]  }
0x19c: {  	v16 =	vadd.f32 v20, v16;
	v20 =	vmul.f32 v21, v31;
	v11 =	vmul.f32 v29, v47;
	v21 =	vld [tilespmem:s30+$0xB3B0]  }
0x19d: {  	v26 =	vadd.f32 v33, v26;
	v18 =	vmul.f32 v18, v28;
	v1 =	vadd.f32 v1, v3;
	v3 =	vld [tilespmem:s30+$0x83D0]  }
0x19e: {  	v15 =	vadd.f32 v22, v15;
	v8 =	vadd.f32 v11, v8;
	v11 =	vmul.f32 v12, v31;
	v12 =	vld [tilespmem:s30+$0xB3C0]  }
0x19f: {  	v4 =	vadd.f32 v4, v7;
	v7 =	vld [tilespmem:s30+$0x83E0];
	v16 =	vadd.f32 v20, v16;
	v19 =	vmul.f32 v19, v47  }
0x1a0: {  	v14 =	vadd.f32 v14, v15;
	v8 =	vadd.f32 v11, v8;
	v5 =	vmul.f32 v5, v28;
	v11 =	vld [tilespmem:s30+$0xB3D0]  }
0x1a1: {  	v15 =	vadd.f32 v18, v16;
	v16 =	vld [tilespmem:s30+$0x83F0];
	v18 =	vadd.f32 v19, v26;
	v19 =	vmul.f32 v21, v31  }
0x1a2: {  	v2 =	vadd.f32 v2, v4;
	v4 =	vadd.f32 v5, v8;
	v3 =	vmul.f32 v3, v27;
	v5 =	vld [tilespmem:s30+$0xB3E0]  }
0x1a3: {  	v8 =	vadd.f32 v17, v15;
	v15 =	vadd.f32 v19, v18;
	v12 =	vmul.f32 v12, v28  }
0x1a4: {  	v10 =	vadd.f32 v10, v14;
	v3 =	vadd.f32 v3, v4;
	v4 =	vmul.f32 v7, v25;
	v7 =	vld [tilespmem:s30+$0xB3F0]  }
0x1a5: {  	v8 =	vadd.f32 v13, v8;
	v12 =	vadd.f32 v12, v15;
	v11 =	vmul.f32 v11, v27  }
0x1a6: {  	(xrf2) =	vadd.scan.msk.f32 $0xffff, v1;
	v1 =	vadd.f32 v6, v10;
	v3 =	vadd.f32 v4, v3;
	v4 =	vmul.f32 v16, v23  }
0x1a7: {  	(xrf2) =	vadd.scan.msk.f32 $0xffff, v2;
	v2 =	vadd.f32 v9, v8;
	v6 =	vadd.f32 v11, v12;
	v5 =	vmul.f32 v5, v25  }
0x1a8: {  	(xrf2) =	vadd.scan.msk.f32 $0xffff, v1;
	v1 =	vadd.f32 v4, v3  }
0x1a9: {  	(xrf2) =	vadd.scan.msk.f32 $0xffff, v2;
	v2 =	vadd.f32 v5, v6;
	v3 =	vmul.f32 v7, v23  }
0x1aa: {  	(xrf2) =	vadd.scan.msk.f32 $0xffff, v1  }
0x1ab: {  	v1 =	vadd.f32 v3, v2;
	_ =	sdelay $0x1  }
0x1ac: {  	(xrf2) =	vadd.scan.msk.f32 $0xffff, v1;
	_ =	sdelay $0x2  }
0x1ad: {  	v1, _, _ =	vpop (xrf2)  }
0x1ae: {  	v2, _, _ =	vpop (xrf2)  }
0x1af: {  	s23 =	simm.s32 $0x0;
	v3, _, _ =	vpop (xrf2)  }
0x1b0: {  	v5 =	vmov s23;
	v4, _, _ =	vpop (xrf2)  }
0x1b1: {  	v5 =	vadd.s32 $0x20, v5;
	v6, _, _ =	vpop (xrf2)  }
0x1b2: {  	v5 =	vand.u32 $0x7F, v5;
	v6 =	vbroadcast v6, $0xF  }
0x1b3: {  	v5 =	vbroadcast v5, $0x0;
	v4 =	vbroadcast v4, $0xF  }
0x1b4: {  	v3 =	vbroadcast v3, $0xF;
	v6 =	vnsel vm0, $0x0, v6;
	v7, _, _ =	vpop (xrf2)  }
0x1b5: {  	v5 =	vor.u32 v0, v5;
	v4 =	vsel vm1, v6, v4;
	v6 =	vbroadcast v7, $0xF  }
0x1b6: {  	v2 =	vbroadcast v2, $0xF;
	v3 =	vsel vm2, v4, v3  }
0x1b7: {  	v1 =	vbroadcast v1, $0xF;
	v3 =	vsel vm3, v3, v6  }
0x1b8: {  	v2 =	vsel vm4, v3, v2  }
0x1b9: {  	v1 =	vsel vm5, v2, v1  }
0x1ba: {  	s24 =	simm.s32 $0x80;
	[tilespmem:v5+s18+$0x0] =	vst.idx.msk $0x3f, v1  }
0x1bb: {  	v4 =	vld [tilespmem:s24+$0xD3F0]  }
0x1bc: {  	v6 =	vld [tilespmem:s24+$0xC3F0]  }
0x1bd: {  	v7 =	vld [tilespmem:s24+$0xD3E0]  }
0x1be: {  	v9 =	vld [tilespmem:s24+$0xC3E0]  }
0x1bf: {  	v11 =	vld [tilespmem:s24+$0xD3D0]  }
0x1c0: {  	v10 =	vld [tilespmem:s24+$0xA3F0]  }
0x1c1: {  	v15 =	vld [tilespmem:s24+$0xC3D0]  }
0x1c2: {  	v22 =	vld [tilespmem:s24+$0xD3C0]  }
0x1c3: {  	v12 =	vld [tilespmem:s24+$0x93F0]  }
0x1c4: {  	v17 =	vld [tilespmem:s24+$0xA3E0]  }
0x1c5: {  	v21 =	vld [tilespmem:s24+$0xC3C0]  }
0x1c6: {  	v24 =	vld [tilespmem:s24+$0xD3B0]  }
0x1c7: {  	v20 =	vld [tilespmem:s24+$0x93E0]  }
0x1c8: {  	v23 =	vld [tilespmem:s24+$0xA3D0]  }
0x1c9: {  	v25 =	vld [tilespmem:s24+$0xC3B0]  }
0x1ca: {  	v26 =	vld [tilespmem:s24+$0xD3A0]  }
0x1cb: {  	v27 =	vld [tilespmem:s24+$0x93D0]  }
0x1cc: {  	v28 =	vld [tilespmem:s24+$0xC3A0]  }
0x1cd: {  	v29 =	vld [tilespmem:s24+$0xD380]  }
0x1ce: {  	v30 =	vld [tilespmem:s24+$0xD390]  }
0x1cf: {  	v31 =	vld [tilespmem:s24+$0xC380]  }
0x1d0: {  	v57 =	vld [tilespmem:s24+$0xC390]  }
0x1d1: {  	v1 =	vld [tilespmem:s24+$0x13F0]  }
0x1d2: {  	v58 =	vld [tilespmem:s24+$0xA3A0]  }
0x1d3: {  	v2 =	vld [tilespmem:s24+$0x13E0]  }
0x1d4: {  	v59 =	vld [tilespmem:s24+$0xB380]  }
0x1d5: {  	v3 =	vld [tilespmem:s24+$0x13D0]  }
0x1d6: {  	v5 =	vld [tilespmem:s24+$0x13C0];
	v8 =	vmul.f32 v6, v1;
	v13 =	vmul.f32 v4, v1  }
0x1d7: {  	v19 =	vld [tilespmem:s24+$0x1380];
	v4 =	vmul.f32 v12, v1;
	v6 =	vmul.f32 v10, v1  }
0x1d8: {  	v18 =	vld [tilespmem:s24+$0x1390];
	v14 =	vmul.f32 v9, v2;
	v16 =	vmul.f32 v7, v2  }
0x1d9: {  	v60 =	vld [tilespmem:s24+$0xA380];
	v7 =	vmul.f32 v20, v2;
	v10 =	vmul.f32 v17, v2  }
0x1da: {  	v12 =	vld [tilespmem:s24+$0x13A0];
	v17 =	vmul.f32 v15, v3;
	v20 =	vmul.f32 v11, v3  }
0x1db: {  	v9 =	vld [tilespmem:s24+$0x13B0];
	v11 =	vmul.f32 v27, v3;
	v15 =	vmul.f32 v23, v3  }
0x1dc: {  	v61 =	vld [tilespmem:s24+$0xA390];
	v21 =	vmul.f32 v21, v5;
	v22 =	vmul.f32 v22, v5  }
0x1dd: {  	v27 =	vld [tilespmem:s24+$0xB390];
	v62 =	vmul.f32 v29, v19;
	v30 =	vmul.f32 v30, v18  }
0x1de: {  	v63 =	vld [tilespmem:s24+$0x9380];
	v40 =	vmul.f32 v31, v19;
	v32 =	vmul.f32 v57, v18  }
0x1df: {  	v29 =	vld [tilespmem:s24+$0x9390];
	v33 =	vmul.f32 v59, v19;
	v37 =	vadd.f32 v30, v62;
	v26 =	vmul.f32 v26, v12  }
0x1e0: {  	v31 =	vmul.f32 v60, v19;
	v30 =	vld [tilespmem:s24+$0x8380];
	v23 =	vmul.f32 v25, v9  }
0x1e1: {  	v39 =	vmul.f32 v24, v9;
	v25 =	vmul.f32 v28, v12;
	v28 =	vld [tilespmem:s24+$0x8390];
	v37 =	vadd.f32 v26, v37  }
0x1e2: {  	v36 =	vmul.f32 v61, v18;
	v35 =	vadd.f32 v32, v40;
	v34 =	vmul.f32 v27, v18;
	v26 =	vld [tilespmem:s24+$0xA3B0]  }
0x1e3: {  	s25 =	simm.s32 $0x400;
	v32 =	vmul.f32 v63, v19;
	v24 =	vmul.f32 v58, v12;
	v27 =	vld [tilespmem:s24+$0x93A0];
	v37 =	vadd.f32 v39, v37  }
.LBB2_4:
0x1e4: {  	p0 =	sne.s32 s25, $0x3E00;
	v29 =	vmul.f32 v29, v18;
	v38 =	vld [tilespmem:s24+$0xA3C0];
	v33 =	vadd.f32 v34, v33;
	v25 =	vadd.f32 v25, v35  }
0x1e5: {  	v19 =	vmul.f32 v30, v19;
	v30 =	vld [tilespmem:s24+$0x93B0];
	v31 =	vadd.f32 v36, v31;
	v22 =	vadd.f32 v22, v37  }
0x1e6: {  	v18 =	vmul.f32 v28, v18;
	v28 =	vld [tilespmem:s24+$0x83A0];
	v29 =	vadd.f32 v29, v32;
	v23 =	vadd.f32 v23, v25  }
0x1e7: {  	v25 =	vld [tilespmem:s24+$0x93C0];
	v24 =	vadd.f32 v24, v31;
	v26 =	vmul.f32 v26, v9;
	v20 =	vadd.f32 v20, v22  }
0x1e8: {  	v18 =	vadd.f32 v18, v19;
	v19 =	vld [tilespmem:s24+$0x83B0];
	v22 =	vmul.f32 v27, v12;
	v21 =	vadd.f32 v21, v23  }
0x1e9: {  	v23 =	vadd.f32 v26, v24;
	v24 =	vmul.f32 v38, v5;
	v26 =	vld [tilespmem:s24+$0xB3A0];
	v16 =	vadd.f32 v16, v20  }
0x1ea: {  	v20 =	vld [tilespmem:s24+$0x83C0];
	v22 =	vadd.f32 v22, v29;
	v27 =	vmul.f32 v30, v9;
	v17 =	vadd.f32 v17, v21  }
0x1eb: {  	v21 =	vmul.f32 v28, v12;
	v23 =	vadd.f32 v24, v23;
	v24 =	vld [tilespmem:s24+$0xB3B0];
	v13 =	vadd.f32 v13, v16  }
0x1ec: {  	v16 =	vld [tilespmem:s24+$0x83D0];
	v22 =	vadd.f32 v27, v22;
	v25 =	vmul.f32 v25, v5;
	v14 =	vadd.f32 v14, v17  }
0x1ed: {  	v17 =	vadd.f32 v21, v18;
	v18 =	vmul.f32 v19, v9;
	v15 =	vadd.f32 v15, v23;
	v19 =	vld [tilespmem:s24+$0xB3C0];
	(xrf2) =	vadd.scan.msk.f32 $0xffff, v13  }
0x1ee: {  	v13 =	vld [tilespmem:s24+$0x83E0];
	v21 =	vadd.f32 v25, v22;
	v12 =	vmul.f32 v26, v12;
	v8 =	vadd.f32 v8, v14  }
0x1ef: {  	v14 =	vadd.f32 v18, v17;
	v17 =	vmul.f32 v20, v5;
	v10 =	vadd.f32 v10, v15;
	v15 =	vld [tilespmem:s24+$0xB3D0]  }
0x1f0: {  	v18 =	vld [tilespmem:s24+$0x83F0];
	v11 =	vadd.f32 v11, v21;
	v12 =	vadd.f32 v12, v33;
	v9 =	vmul.f32 v24, v9;
	(xrf2) =	vadd.scan.msk.f32 $0xffff, v8  }
0x1f1: {  	v8 =	vadd.f32 v17, v14;
	v14 =	vmul.f32 v16, v3;
	v6 =	vadd.f32 v6, v10;
	v10 =	vld [tilespmem:s24+$0xB3E0]  }
0x1f2: {  	v7 =	vadd.f32 v7, v11;
	v9 =	vadd.f32 v9, v12;
	v5 =	vmul.f32 v19, v5  }
0x1f3: {  	v8 =	vadd.f32 v14, v8;
	v11 =	vmul.f32 v13, v2;
	v12 =	vld [tilespmem:s24+$0xB3F0];
	(xrf2) =	vadd.scan.msk.f32 $0xffff, v6  }
0x1f4: {  	v4 =	vadd.f32 v4, v7;
	v9 =	vadd.f32 v5, v9;
	v3 =	vmul.f32 v15, v3  }
0x1f5: {  	v6 =	vadd.f32 v11, v8;
	v7 =	vmul.f32 v18, v1  }
0x1f6: {  	v3 =	vadd.f32 v3, v9;
	v2 =	vmul.f32 v10, v2;
	(xrf2) =	vadd.scan.msk.f32 $0xffff, v4  }
0x1f7: {  	v4 =	vadd.f32 v7, v6;
	v5, _, _ =	vpop (xrf2)  }
0x1f8: {  	v3 =	vadd.f32 v2, v3;
	v1 =	vmul.f32 v12, v1  }
0x1f9: {  	(xrf2) =	vadd.scan.msk.f32 $0xffff, v4  }
0x1fa: {  	v3 =	vadd.f32 v1, v3;
	v2, _, _ =	vpop (xrf2);
	_ =	sdelay $0x1  }
0x1fb: {  	(xrf2) =	vadd.scan.msk.f32 $0xffff, v3  }
0x1fc: {  	v1, _, _ =	vpop (xrf2);
	_ =	sdelay $0x2  }
0x1fd: {  	v3, _, _ =	vpop (xrf2)  }
0x1fe: {  	s23 =	sadd.s32 $0x1, s23  }
0x1ff: {  	v4 =	vmov s23  }
0x200: {  	v4 =	vadd.s32 $0x20, v4;
	v6, _, _ =	vpop (xrf2)  }
0x201: {  	v4 =	vand.u32 $0x7F, v4;
	v6 =	vbroadcast v6, $0xF  }
0x202: {  	v4 =	vbroadcast v4, $0x0;
	v3 =	vbroadcast v3, $0xF  }
0x203: {  	v1 =	vbroadcast v1, $0xF;
	v6 =	vnsel vm0, $0x0, v6;
	v7, _, _ =	vpop (xrf2)  }
0x204: {  	v4 =	vor.u32 v0, v4;
	v3 =	vsel vm1, v6, v3;
	v6 =	vbroadcast v7, $0xF  }
0x205: {  	v2 =	vbroadcast v2, $0xF;
	v1 =	vsel vm2, v3, v1  }
0x206: {  	v3 =	vbroadcast v5, $0xF;
	v1 =	vsel vm3, v1, v6  }
0x207: {  	v1 =	vsel vm4, v1, v2  }
0x208: {  	v1 =	vsel vm5, v1, v3  }
0x209: {  	s24 =	sshra.s32 s25, $0x2;
	[tilespmem:v4+s18+$0x0] =	vst.idx.msk $0x3f, v1  }
0x20a: {  	v4 =	vld [tilespmem:s24+$0xD3F0]  }
0x20b: {  	v6 =	vld [tilespmem:s24+$0xC3F0]  }
0x20c: {  	v7 =	vld [tilespmem:s24+$0xD3E0]  }
0x20d: {  	v9 =	vld [tilespmem:s24+$0xC3E0]  }
0x20e: {  	v11 =	vld [tilespmem:s24+$0xD3D0]  }
0x20f: {  	v10 =	vld [tilespmem:s24+$0xA3F0]  }
0x210: {  	v15 =	vld [tilespmem:s24+$0xC3D0]  }
0x211: {  	v22 =	vld [tilespmem:s24+$0xD3C0]  }
0x212: {  	v12 =	vld [tilespmem:s24+$0x93F0]  }
0x213: {  	v17 =	vld [tilespmem:s24+$0xA3E0]  }
0x214: {  	v21 =	vld [tilespmem:s24+$0xC3C0]  }
0x215: {  	v24 =	vld [tilespmem:s24+$0xD3B0]  }
0x216: {  	v20 =	vld [tilespmem:s24+$0x93E0]  }
0x217: {  	v23 =	vld [tilespmem:s24+$0xA3D0]  }
0x218: {  	v25 =	vld [tilespmem:s24+$0xC3B0]  }
0x219: {  	v26 =	vld [tilespmem:s24+$0xD3A0]  }
0x21a: {  	v27 =	vld [tilespmem:s24+$0x93D0]  }
0x21b: {  	v28 =	vld [tilespmem:s24+$0xC3A0]  }
0x21c: {  	v29 =	vld [tilespmem:s24+$0xD380]  }
0x21d: {  	v30 =	vld [tilespmem:s24+$0xD390]  }
0x21e: {  	v31 =	vld [tilespmem:s24+$0xC380]  }
0x21f: {  	v32 =	vld [tilespmem:s24+$0xC390]  }
0x220: {  	v1 =	vld [tilespmem:s24+$0x13F0]  }
0x221: {  	v33 =	vld [tilespmem:s24+$0xA3A0]  }
0x222: {  	v2 =	vld [tilespmem:s24+$0x13E0]  }
0x223: {  	v34 =	vld [tilespmem:s24+$0xB380]  }
0x224: {  	v3 =	vld [tilespmem:s24+$0x13D0]  }
0x225: {  	v5 =	vld [tilespmem:s24+$0x13C0];
	v8 =	vmul.f32 v6, v1;
	v13 =	vmul.f32 v4, v1  }
0x226: {  	v4 =	vmul.f32 v12, v1;
	v6 =	vmul.f32 v10, v1;
	v19 =	vld [tilespmem:s24+$0x1380]  }
0x227: {  	v18 =	vld [tilespmem:s24+$0x1390];
	v14 =	vmul.f32 v9, v2;
	v16 =	vmul.f32 v7, v2  }
0x228: {  	v7 =	vmul.f32 v20, v2;
	v10 =	vmul.f32 v17, v2;
	v9 =	vld [tilespmem:s24+$0x13B0]  }
0x229: {  	v12 =	vld [tilespmem:s24+$0x13A0];
	v17 =	vmul.f32 v15, v3;
	v20 =	vmul.f32 v11, v3  }
0x22a: {  	v11 =	vmul.f32 v27, v3;
	v15 =	vmul.f32 v23, v3;
	v27 =	vld [tilespmem:s24+$0xB390]  }
0x22b: {  	v21 =	vmul.f32 v21, v5;
	v22 =	vmul.f32 v22, v5;
	v35 =	vld [tilespmem:s24+$0xA380]  }
0x22c: {  	v37 =	vmul.f32 v29, v19;
	v36 =	vld [tilespmem:s24+$0xA390];
	v30 =	vmul.f32 v30, v18  }
0x22d: {  	v38 =	vld [tilespmem:s24+$0x9380];
	v23 =	vmul.f32 v25, v9;
	v39 =	vmul.f32 v24, v9  }
.Ltmp1:
0x22e: {  	v29 =	vld [tilespmem:s24+$0x9390];
	v25 =	vmul.f32 v28, v12;
	v37 =	vadd.f32 v30, v37;
	v26 =	vmul.f32 v26, v12;
	(pc) =	sbr.rel @p0 .LBB2_4-.Ltmp1, $4  }
0x22f: {  	v40 =	vmul.f32 v31, v19;
	v32 =	vmul.f32 v32, v18;
	v30 =	vld [tilespmem:s24+$0x8380]  }
0x230: {  	v24 =	vmul.f32 v33, v12;
	v33 =	vmul.f32 v34, v19;
	v28 =	vld [tilespmem:s24+$0x8390];
	v37 =	vadd.f32 v26, v37  }
0x231: {  	v34 =	vmul.f32 v27, v18;
	v31 =	vmul.f32 v35, v19;
	v35 =	vadd.f32 v32, v40;
	v26 =	vld [tilespmem:s24+$0xA3B0]  }
0x232: {  	s25 =	sadd.s32 $0x200, s25;
	v36 =	vmul.f32 v36, v18;
	v32 =	vmul.f32 v38, v19;
	v27 =	vld [tilespmem:s24+$0x93A0];
	v37 =	vadd.f32 v39, v37  }
0x233: {  	v29 =	vmul.f32 v29, v18;
	v38 =	vld [tilespmem:s24+$0xA3C0]  }
0x234: {  	v25 =	vadd.f32 v25, v35;
	v19 =	vmul.f32 v30, v19;
	v30 =	vld [tilespmem:s24+$0x93B0];
	v31 =	vadd.f32 v36, v31  }
0x235: {  	v22 =	vadd.f32 v22, v37;
	v18 =	vmul.f32 v28, v18;
	v28 =	vld [tilespmem:s24+$0x83A0];
	v29 =	vadd.f32 v29, v32  }
0x236: {  	v23 =	vadd.f32 v23, v25;
	v25 =	vld [tilespmem:s24+$0x93C0];
	v24 =	vadd.f32 v24, v31;
	v26 =	vmul.f32 v26, v9  }
0x237: {  	v20 =	vadd.f32 v20, v22;
	v18 =	vadd.f32 v18, v19;
	v19 =	vld [tilespmem:s24+$0x83B0]  }
0x238: {  	v22 =	vmul.f32 v27, v12;
	v21 =	vadd.f32 v21, v23;
	v23 =	vadd.f32 v26, v24;
	v24 =	vld [tilespmem:s24+$0xB3A0]  }
0x239: {  	v33 =	vadd.f32 v34, v33;
	v26 =	vmul.f32 v38, v5;
	v16 =	vadd.f32 v16, v20;
	v20 =	vld [tilespmem:s24+$0x83C0]  }
0x23a: {  	v22 =	vadd.f32 v22, v29;
	v17 =	vadd.f32 v17, v21;
	v21 =	vmul.f32 v28, v12;
	v28 =	vld [tilespmem:s24+$0xB3B0]  }
0x23b: {  	v27 =	vmul.f32 v30, v9;
	v23 =	vadd.f32 v26, v23;
	v13 =	vadd.f32 v13, v16;
	v16 =	vld [tilespmem:s24+$0x83D0]  }
0x23c: {  	v25 =	vmul.f32 v25, v5;
	v18 =	vadd.f32 v21, v18;
	v19 =	vmul.f32 v19, v9;
	v21 =	vld [tilespmem:s24+$0xB3C0]  }
0x23d: {  	v22 =	vadd.f32 v27, v22;
	v14 =	vadd.f32 v14, v17;
	v17 =	vld [tilespmem:s24+$0x83E0];
	v12 =	vmul.f32 v24, v12  }
0x23e: {  	v15 =	vadd.f32 v15, v23;
	v18 =	vadd.f32 v19, v18;
	v19 =	vmul.f32 v20, v5;
	v20 =	vld [tilespmem:s24+$0xB3D0]  }
0x23f: {  	v23 =	vld [tilespmem:s24+$0x83F0];
	v22 =	vadd.f32 v25, v22;
	v12 =	vadd.f32 v12, v33;
	v9 =	vmul.f32 v28, v9  }
0x240: {  	v8 =	vadd.f32 v8, v14;
	v16 =	vmul.f32 v16, v3;
	v14 =	vadd.f32 v19, v18;
	v18 =	vld [tilespmem:s24+$0xB3E0]  }
0x241: {  	v11 =	vadd.f32 v11, v22;
	v9 =	vadd.f32 v9, v12;
	v5 =	vmul.f32 v21, v5  }
0x242: {  	v10 =	vadd.f32 v10, v15;
	v15 =	vld [tilespmem:s24+$0xB3F0];
	v12 =	vadd.f32 v16, v14;
	v14 =	vmul.f32 v17, v2  }
0x243: {  	v7 =	vadd.f32 v7, v11;
	v5 =	vadd.f32 v5, v9;
	v3 =	vmul.f32 v20, v3  }
0x244: {  	(xrf2) =	vadd.scan.msk.f32 $0xffff, v13;
	v6 =	vadd.f32 v6, v10;
	v10 =	vmul.f32 v23, v1;
	v9 =	vadd.f32 v14, v12  }
0x245: {  	(xrf2) =	vadd.scan.msk.f32 $0xffff, v8;
	v4 =	vadd.f32 v4, v7;
	v3 =	vadd.f32 v3, v5;
	v2 =	vmul.f32 v18, v2  }
0x246: {  	(xrf2) =	vadd.scan.msk.f32 $0xffff, v6;
	v5 =	vadd.f32 v10, v9  }
0x247: {  	v1 =	vmul.f32 v15, v1;
	(xrf2) =	vadd.scan.msk.f32 $0xffff, v4;
	v2 =	vadd.f32 v2, v3  }
0x248: {  	(xrf2) =	vadd.scan.msk.f32 $0xffff, v5  }
0x249: {  	v1 =	vadd.f32 v1, v2;
	_ =	sdelay $0x1  }
0x24a: {  	(xrf2) =	vadd.scan.msk.f32 $0xffff, v1;
	_ =	sdelay $0x2  }
0x24b: {  	v1, _, _ =	vpop (xrf2)  }
0x24c: {  	v2, _, _ =	vpop (xrf2)  }
0x24d: {  	s23 =	sadd.s32 $0x1, s23;
	v3, _, _ =	vpop (xrf2)  }
0x24e: {  	v5 =	vmov s23;
	v4, _, _ =	vpop (xrf2)  }
0x24f: {  	v5 =	vadd.s32 $0x20, v5;
	v6, _, _ =	vpop (xrf2)  }
0x250: {  	v5 =	vand.u32 $0x7F, v5;
	v6 =	vbroadcast v6, $0xF  }
0x251: {  	v5 =	vbroadcast v5, $0x0;
	v4 =	vbroadcast v4, $0xF  }
0x252: {  	v3 =	vbroadcast v3, $0xF;
	v6 =	vnsel vm0, $0x0, v6;
	v7, _, _ =	vpop (xrf2)  }
0x253: {  	v5 =	vor.u32 v0, v5;
	v4 =	vsel vm1, v6, v4;
	v6 =	vbroadcast v7, $0xF  }
0x254: {  	v2 =	vbroadcast v2, $0xF;
	v3 =	vsel vm2, v4, v3  }
0x255: {  	v1 =	vbroadcast v1, $0xF;
	v3 =	vsel vm3, v3, v6  }
0x256: {  	v2 =	vsel vm4, v3, v2  }
0x257: {  	v1 =	vsel vm5, v2, v1  }
0x258: {  	s0 =	simm.s32 $0x60;
	[tilespmem:v5+s18+$0x0] =	vst.idx.msk $0x3f, v1  }
0x259: {  	[tilespmem:s29], [sflag:$0x2] =	stream.indirect.gather [hbm4b:s1+s21], $0x80, s0, s21, $0xb8;
	[tilespmem:$0xE780] =	vst v63  }
0x25a: {  	s30 =	simm.s32 $0xE0;
	s29 =	simm.s32 $0x8380  }
0x25b: {  	[tilespmem:s29], [sflag:$0x2] =	stream.indirect.gather [hbm4b:s2+s21], $0x80, s30, s21, $0xb8;
	[tilespmem:$0xE780] =	vst v63  }
0x25c: {  	s24 =	simm.s32 $0x160  }
0x25d: {  	[tilespmem:s31], [sflag:$0x2] =	stream.indirect.gather [hbm4b:s2+s21], $0x80, s24, s21, $0xb8;
	[tilespmem:$0xE780] =	vst v63  }
0x25e: {  	s25 =	simm.s32 $0x1E0  }
0x25f: {  	[tilespmem:s3], [sflag:$0x2] =	stream.indirect.gather [hbm4b:s2+s21], $0x80, s25, s21, $0xb8;
	[tilespmem:$0xE780] =	vst v63  }
0x260: {  	s26 =	simm.s32 $0x260  }
0x261: {  	[tilespmem:s10], [sflag:$0x2] =	stream.indirect.gather [hbm4b:s2+s21], $0x80, s26, s21, $0xb8;
	[tilespmem:$0xE780] =	vst v63  }
0x262: {  	s28 =	simm.s32 $0x2E0  }
0x263: {  	[tilespmem:s12], [sflag:$0x2] =	stream.indirect.gather [hbm4b:s2+s21], $0x80, s28, s21, $0xb8;
	[tilespmem:$0xE780] =	vst v63  }
0x264: {  	s29 =	simm.s32 $0x360  }
0x265: {  	[tilespmem:s14], [sflag:$0x2] =	stream.indirect.gather [hbm4b:s2+s21], $0x80, s29, s21, $0xb8;
	[tilespmem:$0xE780] =	vst v63  }
0x266: {  	_ =	swait.ge [sflag:s16], $0x1000  }
0x267: {  	[sflag:s16] =	ssyncset.done $0x0  }
0x268: {  	[sflag:s16] =	ssyncadd.s32 $0xFFFFF000  }
0x269: {  	_ =	swait.ge [sflag:s16], $0x1000  }
0x26a: {  	[sflag:s16] =	ssyncset.done $0x0  }
0x26b: {  	[sflag:s16] =	ssyncadd.s32 $0xFFFFF000  }
0x26c: {  	_ =	swait.ge [sflag:s16], $0x1000  }
0x26d: {  	[sflag:s16] =	ssyncset.done $0x0  }
0x26e: {  	[sflag:s16] =	ssyncadd.s32 $0xFFFFF000  }
0x26f: {  	_ =	swait.ge [sflag:s16], $0x1000  }
0x270: {  	[sflag:s16] =	ssyncset.done $0x0  }
0x271: {  	[sflag:s16] =	ssyncadd.s32 $0xFFFFF000  }
0x272: {  	_ =	swait.ge [sflag:s16], $0x1000  }
0x273: {  	[sflag:s16] =	ssyncset.done $0x0  }
0x274: {  	[sflag:s16] =	ssyncadd.s32 $0xFFFFF000  }
0x275: {  	_ =	swait.ge [sflag:s16], $0x1000  }
0x276: {  	[sflag:s16] =	ssyncset.done $0x0  }
0x277: {  	[sflag:s16] =	ssyncadd.s32 $0xFFFFF000  }
0x278: {  	_ =	swait.ge [sflag:s16], $0x1000  }
0x279: {  	[sflag:s16] =	ssyncset.done $0x0  }
0x27a: {  	s30 =	simm.s32 $0x0;
	[sflag:s16] =	ssyncadd.s32 $0xFFFFF000  }
0x27b: {  	v1 =	vld [tilespmem:s30+$0x73F0]  }
0x27c: {  	v2 =	vld [tilespmem:s30+$0x63F0]  }
0x27d: {  	v3 =	vld [tilespmem:s30+$0x73E0]  }
0x27e: {  	v4 =	vld [tilespmem:s30+$0x63E0]  }
0x27f: {  	v5 =	vld [tilespmem:s30+$0x73D0]  }
0x280: {  	v6 =	vld [tilespmem:s30+$0x43F0]  }
0x281: {  	v7 =	vld [tilespmem:s30+$0x63D0]  }
0x282: {  	v8 =	vld [tilespmem:s30+$0x73C0]  }
0x283: {  	v9 =	vld [tilespmem:s30+$0x33F0]  }
0x284: {  	v10 =	vld [tilespmem:s30+$0x43E0]  }
0x285: {  	v11 =	vld [tilespmem:s30+$0x63C0]  }
0x286: {  	v12 =	vld [tilespmem:s30+$0x73B0]  }
0x287: {  	v13 =	vld [tilespmem:s30+$0x33E0]  }
0x288: {  	v14 =	vld [tilespmem:s30+$0x43D0]  }
0x289: {  	v15 =	vld [tilespmem:s30+$0x63B0]  }
0x28a: {  	v16 =	vld [tilespmem:s30+$0x73A0]  }
0x28b: {  	v17 =	vld [tilespmem:s30+$0x33D0]  }
0x28c: {  	v18 =	vld [tilespmem:s30+$0x63A0]  }
0x28d: {  	v19 =	vld [tilespmem:s30+$0x7380]  }
0x28e: {  	v20 =	vld [tilespmem:s30+$0x7390]  }
0x28f: {  	v21 =	vld [tilespmem:s30+$0x6380]  }
0x290: {  	v22 =	vld [tilespmem:s30+$0x6390]  }
0x291: {  	v23 =	vld [tilespmem:s30+$0x3F0]  }
0x292: {  	v24 =	vld [tilespmem:s30+$0x43A0]  }
0x293: {  	v25 =	vld [tilespmem:s30+$0x3E0]  }
0x294: {  	v26 =	vld [tilespmem:s30+$0x5380]  }
0x295: {  	v27 =	vld [tilespmem:s30+$0x3D0]  }
0x296: {  	v28 =	vld [tilespmem:s30+$0x3C0]  }
0x297: {  	v29 =	vld [tilespmem:s30+$0x380];
	v2 =	vmul.f32 v2, v23  }
0x298: {  	v30 =	vld [tilespmem:s30+$0x390];
	v1 =	vmul.f32 v1, v23;
	v9 =	vmul.f32 v9, v23  }
0x299: {  	v31 =	vld [tilespmem:s30+$0x3B0];
	v6 =	vmul.f32 v6, v23;
	v4 =	vmul.f32 v4, v25  }
0x29a: {  	v47 =	vld [tilespmem:s30+$0x3A0];
	v3 =	vmul.f32 v3, v25;
	v13 =	vmul.f32 v13, v25  }
0x29b: {  	v48 =	vld [tilespmem:s30+$0x5390];
	v10 =	vmul.f32 v10, v25;
	v7 =	vmul.f32 v7, v27  }
0x29c: {  	v49 =	vld [tilespmem:s30+$0x4380];
	v5 =	vmul.f32 v5, v27;
	v11 =	vmul.f32 v11, v28  }
0x29d: {  	v50 =	vld [tilespmem:s30+$0x4390];
	v8 =	vmul.f32 v8, v28;
	v19 =	vmul.f32 v19, v29  }
0x29e: {  	v51 =	vld [tilespmem:s30+$0x3380];
	v20 =	vmul.f32 v20, v30;
	v15 =	vmul.f32 v15, v31  }
0x29f: {  	v52 =	vld [tilespmem:s30+$0x3390];
	v21 =	vmul.f32 v21, v29;
	v22 =	vmul.f32 v22, v30  }
0x2a0: {  	v12 =	vmul.f32 v12, v31;
	v16 =	vmul.f32 v16, v47;
	v19 =	vadd.f32 v20, v19;
	v20 =	vld [tilespmem:s30+$0x2380]  }
0x2a1: {  	v53 =	vld [tilespmem:s30+$0x2390];
	v18 =	vmul.f32 v18, v47;
	v24 =	vmul.f32 v24, v47;
	v21 =	vadd.f32 v22, v21  }
0x2a2: {  	v54 =	vld [tilespmem:s30+$0x43B0];
	v26 =	vmul.f32 v26, v29;
	v33 =	vmul.f32 v48, v30;
	v16 =	vadd.f32 v16, v19  }
0x2a3: {  	v55 =	vld [tilespmem:s30+$0x33A0];
	v35 =	vmul.f32 v50, v30;
	v19 =	vmul.f32 v49, v29;
	v18 =	vadd.f32 v18, v21  }
0x2a4: {  	v56 =	vld [tilespmem:s30+$0x43C0];
	v22 =	vmul.f32 v51, v29;
	v12 =	vadd.f32 v12, v16;
	v16 =	vmul.f32 v52, v30  }
0x2a5: {  	v21 =	vld [tilespmem:s30+$0x33B0];
	v19 =	vadd.f32 v35, v19;
	v15 =	vadd.f32 v15, v18;
	v20 =	vmul.f32 v20, v29  }
0x2a6: {  	v29 =	vld [tilespmem:s30+$0x23A0];
	v8 =	vadd.f32 v8, v12;
	v12 =	vmul.f32 v53, v30;
	v16 =	vadd.f32 v16, v22  }
0x2a7: {  	v18 =	vld [tilespmem:s30+$0x33C0];
	v19 =	vadd.f32 v24, v19;
	v22 =	vmul.f32 v54, v31;
	v11 =	vadd.f32 v11, v15  }
0x2a8: {  	v17 =	vmul.f32 v17, v27;
	v5 =	vadd.f32 v5, v8;
	v8 =	vadd.f32 v12, v20;
	v12 =	vld [tilespmem:s30+$0x23B0]  }
0x2a9: {  	v14 =	vmul.f32 v14, v27;
	v20 =	vmul.f32 v55, v47;
	v15 =	vadd.f32 v22, v19;
	v19 =	vld [tilespmem:s30+$0x53A0]  }
0x2aa: {  	v22 =	vmul.f32 v56, v28;
	v7 =	vadd.f32 v7, v11;
	v3 =	vadd.f32 v3, v5;
	v5 =	vld [tilespmem:s30+$0x23C0]  }
0x2ab: {  	v16 =	vadd.f32 v20, v16;
	v20 =	vmul.f32 v21, v31;
	v11 =	vmul.f32 v29, v47;
	v21 =	vld [tilespmem:s30+$0x53B0]  }
0x2ac: {  	v26 =	vadd.f32 v33, v26;
	v18 =	vmul.f32 v18, v28;
	v1 =	vadd.f32 v1, v3;
	v3 =	vld [tilespmem:s30+$0x23D0]  }
0x2ad: {  	v15 =	vadd.f32 v22, v15;
	v8 =	vadd.f32 v11, v8;
	v11 =	vmul.f32 v12, v31;
	v12 =	vld [tilespmem:s30+$0x53C0]  }
0x2ae: {  	v4 =	vadd.f32 v4, v7;
	v7 =	vld [tilespmem:s30+$0x23E0];
	v16 =	vadd.f32 v20, v16;
	v19 =	vmul.f32 v19, v47  }
0x2af: {  	v14 =	vadd.f32 v14, v15;
	v8 =	vadd.f32 v11, v8;
	v5 =	vmul.f32 v5, v28;
	v11 =	vld [tilespmem:s30+$0x53D0]  }
0x2b0: {  	v15 =	vadd.f32 v18, v16;
	v16 =	vld [tilespmem:s30+$0x23F0];
	v18 =	vadd.f32 v19, v26;
	v19 =	vmul.f32 v21, v31  }
0x2b1: {  	v2 =	vadd.f32 v2, v4;
	v4 =	vadd.f32 v5, v8;
	v3 =	vmul.f32 v3, v27;
	v5 =	vld [tilespmem:s30+$0x53E0]  }
0x2b2: {  	v8 =	vadd.f32 v17, v15;
	v15 =	vadd.f32 v19, v18;
	v12 =	vmul.f32 v12, v28  }
0x2b3: {  	v10 =	vadd.f32 v10, v14;
	v3 =	vadd.f32 v3, v4;
	v4 =	vmul.f32 v7, v25;
	v7 =	vld [tilespmem:s30+$0x53F0]  }
0x2b4: {  	v8 =	vadd.f32 v13, v8;
	v12 =	vadd.f32 v12, v15;
	v11 =	vmul.f32 v11, v27  }
0x2b5: {  	(xrf2) =	vadd.scan.msk.f32 $0xffff, v1;
	v1 =	vadd.f32 v6, v10;
	v3 =	vadd.f32 v4, v3;
	v4 =	vmul.f32 v16, v23  }
0x2b6: {  	(xrf2) =	vadd.scan.msk.f32 $0xffff, v2;
	v2 =	vadd.f32 v9, v8;
	v6 =	vadd.f32 v11, v12;
	v5 =	vmul.f32 v5, v25  }
0x2b7: {  	(xrf2) =	vadd.scan.msk.f32 $0xffff, v1;
	v1 =	vadd.f32 v4, v3  }
0x2b8: {  	(xrf2) =	vadd.scan.msk.f32 $0xffff, v2;
	v2 =	vadd.f32 v5, v6;
	v3 =	vmul.f32 v7, v23  }
0x2b9: {  	(xrf2) =	vadd.scan.msk.f32 $0xffff, v1  }
0x2ba: {  	v1 =	vadd.f32 v3, v2;
	_ =	sdelay $0x1  }
0x2bb: {  	(xrf2) =	vadd.scan.msk.f32 $0xffff, v1;
	_ =	sdelay $0x2  }
0x2bc: {  	v1, _, _ =	vpop (xrf2)  }
0x2bd: {  	v2, _, _ =	vpop (xrf2)  }
0x2be: {  	s23 =	simm.s32 $0x0;
	v3, _, _ =	vpop (xrf2)  }
0x2bf: {  	v5 =	vmov s23;
	v4, _, _ =	vpop (xrf2)  }
0x2c0: {  	v5 =	vadd.s32 $0x40, v5;
	v6, _, _ =	vpop (xrf2)  }
0x2c1: {  	v5 =	vand.u32 $0x7F, v5;
	v6 =	vbroadcast v6, $0xF  }
0x2c2: {  	v5 =	vbroadcast v5, $0x0;
	v4 =	vbroadcast v4, $0xF  }
0x2c3: {  	v3 =	vbroadcast v3, $0xF;
	v6 =	vnsel vm0, $0x0, v6;
	v7, _, _ =	vpop (xrf2)  }
0x2c4: {  	v5 =	vor.u32 v0, v5;
	v4 =	vsel vm1, v6, v4;
	v6 =	vbroadcast v7, $0xF  }
0x2c5: {  	v2 =	vbroadcast v2, $0xF;
	v3 =	vsel vm2, v4, v3  }
0x2c6: {  	v1 =	vbroadcast v1, $0xF;
	v3 =	vsel vm3, v3, v6  }
0x2c7: {  	v2 =	vsel vm4, v3, v2  }
0x2c8: {  	v1 =	vsel vm5, v2, v1  }
0x2c9: {  	s24 =	simm.s32 $0x80;
	[tilespmem:v5+s18+$0x0] =	vst.idx.msk $0x3f, v1  }
0x2ca: {  	v4 =	vld [tilespmem:s24+$0x73F0]  }
0x2cb: {  	v6 =	vld [tilespmem:s24+$0x63F0]  }
0x2cc: {  	v7 =	vld [tilespmem:s24+$0x73E0]  }
0x2cd: {  	v9 =	vld [tilespmem:s24+$0x63E0]  }
0x2ce: {  	v11 =	vld [tilespmem:s24+$0x73D0]  }
0x2cf: {  	v10 =	vld [tilespmem:s24+$0x43F0]  }
0x2d0: {  	v15 =	vld [tilespmem:s24+$0x63D0]  }
0x2d1: {  	v22 =	vld [tilespmem:s24+$0x73C0]  }
0x2d2: {  	v12 =	vld [tilespmem:s24+$0x33F0]  }
0x2d3: {  	v17 =	vld [tilespmem:s24+$0x43E0]  }
0x2d4: {  	v21 =	vld [tilespmem:s24+$0x63C0]  }
0x2d5: {  	v24 =	vld [tilespmem:s24+$0x73B0]  }
0x2d6: {  	v20 =	vld [tilespmem:s24+$0x33E0]  }
0x2d7: {  	v23 =	vld [tilespmem:s24+$0x43D0]  }
0x2d8: {  	v25 =	vld [tilespmem:s24+$0x63B0]  }
0x2d9: {  	v26 =	vld [tilespmem:s24+$0x73A0]  }
0x2da: {  	v27 =	vld [tilespmem:s24+$0x33D0]  }
0x2db: {  	v28 =	vld [tilespmem:s24+$0x63A0]  }
0x2dc: {  	v29 =	vld [tilespmem:s24+$0x7380]  }
0x2dd: {  	v30 =	vld [tilespmem:s24+$0x7390]  }
0x2de: {  	v31 =	vld [tilespmem:s24+$0x6380]  }
0x2df: {  	v57 =	vld [tilespmem:s24+$0x6390]  }
0x2e0: {  	v1 =	vld [tilespmem:s24+$0x3F0]  }
0x2e1: {  	v58 =	vld [tilespmem:s24+$0x43A0]  }
0x2e2: {  	v2 =	vld [tilespmem:s24+$0x3E0]  }
0x2e3: {  	v59 =	vld [tilespmem:s24+$0x5380]  }
0x2e4: {  	v3 =	vld [tilespmem:s24+$0x3D0]  }
0x2e5: {  	v5 =	vld [tilespmem:s24+$0x3C0];
	v8 =	vmul.f32 v6, v1;
	v13 =	vmul.f32 v4, v1  }
0x2e6: {  	v19 =	vld [tilespmem:s24+$0x380];
	v4 =	vmul.f32 v12, v1;
	v6 =	vmul.f32 v10, v1  }
0x2e7: {  	v18 =	vld [tilespmem:s24+$0x390];
	v14 =	vmul.f32 v9, v2;
	v16 =	vmul.f32 v7, v2  }
0x2e8: {  	v60 =	vld [tilespmem:s24+$0x4380];
	v7 =	vmul.f32 v20, v2;
	v10 =	vmul.f32 v17, v2  }
0x2e9: {  	v12 =	vld [tilespmem:s24+$0x3A0];
	v17 =	vmul.f32 v15, v3;
	v20 =	vmul.f32 v11, v3  }
0x2ea: {  	v9 =	vld [tilespmem:s24+$0x3B0];
	v11 =	vmul.f32 v27, v3;
	v15 =	vmul.f32 v23, v3  }
0x2eb: {  	v61 =	vld [tilespmem:s24+$0x4390];
	v21 =	vmul.f32 v21, v5;
	v22 =	vmul.f32 v22, v5  }
0x2ec: {  	v27 =	vld [tilespmem:s24+$0x5390];
	v62 =	vmul.f32 v29, v19;
	v30 =	vmul.f32 v30, v18  }
0x2ed: {  	v63 =	vld [tilespmem:s24+$0x3380];
	v40 =	vmul.f32 v31, v19;
	v32 =	vmul.f32 v57, v18  }
0x2ee: {  	v29 =	vld [tilespmem:s24+$0x3390];
	v33 =	vmul.f32 v59, v19;
	v37 =	vadd.f32 v30, v62;
	v26 =	vmul.f32 v26, v12  }
0x2ef: {  	v31 =	vmul.f32 v60, v19;
	v30 =	vld [tilespmem:s24+$0x2380];
	v23 =	vmul.f32 v25, v9  }
0x2f0: {  	v39 =	vmul.f32 v24, v9;
	v25 =	vmul.f32 v28, v12;
	v28 =	vld [tilespmem:s24+$0x2390];
	v37 =	vadd.f32 v26, v37  }
0x2f1: {  	v36 =	vmul.f32 v61, v18;
	v35 =	vadd.f32 v32, v40;
	v34 =	vmul.f32 v27, v18;
	v26 =	vld [tilespmem:s24+$0x43B0]  }
0x2f2: {  	s25 =	simm.s32 $0x400;
	v32 =	vmul.f32 v63, v19;
	v24 =	vmul.f32 v58, v12;
	v27 =	vld [tilespmem:s24+$0x33A0];
	v37 =	vadd.f32 v39, v37  }
.LBB2_6:
0x2f3: {  	p0 =	sne.s32 s25, $0x3E00;
	v29 =	vmul.f32 v29, v18;
	v38 =	vld [tilespmem:s24+$0x43C0];
	v33 =	vadd.f32 v34, v33;
	v25 =	vadd.f32 v25, v35  }
0x2f4: {  	v19 =	vmul.f32 v30, v19;
	v30 =	vld [tilespmem:s24+$0x33B0];
	v31 =	vadd.f32 v36, v31;
	v22 =	vadd.f32 v22, v37  }
0x2f5: {  	v18 =	vmul.f32 v28, v18;
	v28 =	vld [tilespmem:s24+$0x23A0];
	v29 =	vadd.f32 v29, v32;
	v23 =	vadd.f32 v23, v25  }
0x2f6: {  	v25 =	vld [tilespmem:s24+$0x33C0];
	v24 =	vadd.f32 v24, v31;
	v26 =	vmul.f32 v26, v9;
	v20 =	vadd.f32 v20, v22  }
0x2f7: {  	v18 =	vadd.f32 v18, v19;
	v19 =	vld [tilespmem:s24+$0x23B0];
	v22 =	vmul.f32 v27, v12;
	v21 =	vadd.f32 v21, v23  }
0x2f8: {  	v23 =	vadd.f32 v26, v24;
	v24 =	vmul.f32 v38, v5;
	v26 =	vld [tilespmem:s24+$0x53A0];
	v16 =	vadd.f32 v16, v20  }
0x2f9: {  	v20 =	vld [tilespmem:s24+$0x23C0];
	v22 =	vadd.f32 v22, v29;
	v27 =	vmul.f32 v30, v9;
	v17 =	vadd.f32 v17, v21  }
0x2fa: {  	v21 =	vmul.f32 v28, v12;
	v23 =	vadd.f32 v24, v23;
	v24 =	vld [tilespmem:s24+$0x53B0];
	v13 =	vadd.f32 v13, v16  }
0x2fb: {  	v16 =	vld [tilespmem:s24+$0x23D0];
	v22 =	vadd.f32 v27, v22;
	v25 =	vmul.f32 v25, v5;
	v14 =	vadd.f32 v14, v17  }
0x2fc: {  	v17 =	vadd.f32 v21, v18;
	v18 =	vmul.f32 v19, v9;
	v15 =	vadd.f32 v15, v23;
	v19 =	vld [tilespmem:s24+$0x53C0];
	(xrf2) =	vadd.scan.msk.f32 $0xffff, v13  }
0x2fd: {  	v13 =	vld [tilespmem:s24+$0x23E0];
	v21 =	vadd.f32 v25, v22;
	v12 =	vmul.f32 v26, v12;
	v8 =	vadd.f32 v8, v14  }
0x2fe: {  	v14 =	vadd.f32 v18, v17;
	v17 =	vmul.f32 v20, v5;
	v10 =	vadd.f32 v10, v15;
	v15 =	vld [tilespmem:s24+$0x53D0]  }
0x2ff: {  	v18 =	vld [tilespmem:s24+$0x23F0];
	v11 =	vadd.f32 v11, v21;
	v12 =	vadd.f32 v12, v33;
	v9 =	vmul.f32 v24, v9;
	(xrf2) =	vadd.scan.msk.f32 $0xffff, v8  }
0x300: {  	v8 =	vadd.f32 v17, v14;
	v14 =	vmul.f32 v16, v3;
	v6 =	vadd.f32 v6, v10;
	v10 =	vld [tilespmem:s24+$0x53E0]  }
0x301: {  	v7 =	vadd.f32 v7, v11;
	v9 =	vadd.f32 v9, v12;
	v5 =	vmul.f32 v19, v5  }
0x302: {  	v8 =	vadd.f32 v14, v8;
	v11 =	vmul.f32 v13, v2;
	v12 =	vld [tilespmem:s24+$0x53F0];
	(xrf2) =	vadd.scan.msk.f32 $0xffff, v6  }
0x303: {  	v4 =	vadd.f32 v4, v7;
	v9 =	vadd.f32 v5, v9;
	v3 =	vmul.f32 v15, v3  }
0x304: {  	v6 =	vadd.f32 v11, v8;
	v7 =	vmul.f32 v18, v1  }
0x305: {  	v3 =	vadd.f32 v3, v9;
	v2 =	vmul.f32 v10, v2;
	(xrf2) =	vadd.scan.msk.f32 $0xffff, v4  }
0x306: {  	v4 =	vadd.f32 v7, v6;
	v5, _, _ =	vpop (xrf2)  }
0x307: {  	v3 =	vadd.f32 v2, v3;
	v1 =	vmul.f32 v12, v1  }
0x308: {  	(xrf2) =	vadd.scan.msk.f32 $0xffff, v4  }
0x309: {  	v3 =	vadd.f32 v1, v3;
	v2, _, _ =	vpop (xrf2);
	_ =	sdelay $0x1  }
0x30a: {  	(xrf2) =	vadd.scan.msk.f32 $0xffff, v3  }
0x30b: {  	v1, _, _ =	vpop (xrf2);
	_ =	sdelay $0x2  }
0x30c: {  	v3, _, _ =	vpop (xrf2)  }
0x30d: {  	s23 =	sadd.s32 $0x1, s23  }
0x30e: {  	v4 =	vmov s23  }
0x30f: {  	v4 =	vadd.s32 $0x40, v4;
	v6, _, _ =	vpop (xrf2)  }
0x310: {  	v4 =	vand.u32 $0x7F, v4;
	v6 =	vbroadcast v6, $0xF  }
0x311: {  	v4 =	vbroadcast v4, $0x0;
	v3 =	vbroadcast v3, $0xF  }
0x312: {  	v1 =	vbroadcast v1, $0xF;
	v6 =	vnsel vm0, $0x0, v6;
	v7, _, _ =	vpop (xrf2)  }
0x313: {  	v4 =	vor.u32 v0, v4;
	v3 =	vsel vm1, v6, v3;
	v6 =	vbroadcast v7, $0xF  }
0x314: {  	v2 =	vbroadcast v2, $0xF;
	v1 =	vsel vm2, v3, v1  }
0x315: {  	v3 =	vbroadcast v5, $0xF;
	v1 =	vsel vm3, v1, v6  }
0x316: {  	v1 =	vsel vm4, v1, v2  }
0x317: {  	v1 =	vsel vm5, v1, v3  }
0x318: {  	s24 =	sshra.s32 s25, $0x2;
	[tilespmem:v4+s18+$0x0] =	vst.idx.msk $0x3f, v1  }
0x319: {  	v4 =	vld [tilespmem:s24+$0x73F0]  }
0x31a: {  	v6 =	vld [tilespmem:s24+$0x63F0]  }
0x31b: {  	v7 =	vld [tilespmem:s24+$0x73E0]  }
0x31c: {  	v9 =	vld [tilespmem:s24+$0x63E0]  }
0x31d: {  	v11 =	vld [tilespmem:s24+$0x73D0]  }
0x31e: {  	v10 =	vld [tilespmem:s24+$0x43F0]  }
0x31f: {  	v15 =	vld [tilespmem:s24+$0x63D0]  }
0x320: {  	v22 =	vld [tilespmem:s24+$0x73C0]  }
0x321: {  	v12 =	vld [tilespmem:s24+$0x33F0]  }
0x322: {  	v17 =	vld [tilespmem:s24+$0x43E0]  }
0x323: {  	v21 =	vld [tilespmem:s24+$0x63C0]  }
0x324: {  	v24 =	vld [tilespmem:s24+$0x73B0]  }
0x325: {  	v20 =	vld [tilespmem:s24+$0x33E0]  }
0x326: {  	v23 =	vld [tilespmem:s24+$0x43D0]  }
0x327: {  	v25 =	vld [tilespmem:s24+$0x63B0]  }
0x328: {  	v26 =	vld [tilespmem:s24+$0x73A0]  }
0x329: {  	v27 =	vld [tilespmem:s24+$0x33D0]  }
0x32a: {  	v28 =	vld [tilespmem:s24+$0x63A0]  }
0x32b: {  	v29 =	vld [tilespmem:s24+$0x7380]  }
0x32c: {  	v30 =	vld [tilespmem:s24+$0x7390]  }
0x32d: {  	v31 =	vld [tilespmem:s24+$0x6380]  }
0x32e: {  	v32 =	vld [tilespmem:s24+$0x6390]  }
0x32f: {  	v1 =	vld [tilespmem:s24+$0x3F0]  }
0x330: {  	v33 =	vld [tilespmem:s24+$0x43A0]  }
0x331: {  	v2 =	vld [tilespmem:s24+$0x3E0]  }
0x332: {  	v34 =	vld [tilespmem:s24+$0x5380]  }
0x333: {  	v3 =	vld [tilespmem:s24+$0x3D0]  }
0x334: {  	v5 =	vld [tilespmem:s24+$0x3C0];
	v8 =	vmul.f32 v6, v1;
	v13 =	vmul.f32 v4, v1  }
0x335: {  	v4 =	vmul.f32 v12, v1;
	v6 =	vmul.f32 v10, v1;
	v19 =	vld [tilespmem:s24+$0x380]  }
0x336: {  	v18 =	vld [tilespmem:s24+$0x390];
	v14 =	vmul.f32 v9, v2;
	v16 =	vmul.f32 v7, v2  }
0x337: {  	v7 =	vmul.f32 v20, v2;
	v10 =	vmul.f32 v17, v2;
	v9 =	vld [tilespmem:s24+$0x3B0]  }
0x338: {  	v12 =	vld [tilespmem:s24+$0x3A0];
	v17 =	vmul.f32 v15, v3;
	v20 =	vmul.f32 v11, v3  }
0x339: {  	v11 =	vmul.f32 v27, v3;
	v15 =	vmul.f32 v23, v3;
	v27 =	vld [tilespmem:s24+$0x5390]  }
0x33a: {  	v21 =	vmul.f32 v21, v5;
	v22 =	vmul.f32 v22, v5;
	v35 =	vld [tilespmem:s24+$0x4380]  }
0x33b: {  	v37 =	vmul.f32 v29, v19;
	v36 =	vld [tilespmem:s24+$0x4390];
	v30 =	vmul.f32 v30, v18  }
0x33c: {  	v38 =	vld [tilespmem:s24+$0x3380];
	v23 =	vmul.f32 v25, v9;
	v39 =	vmul.f32 v24, v9  }
.Ltmp2:
0x33d: {  	v29 =	vld [tilespmem:s24+$0x3390];
	v25 =	vmul.f32 v28, v12;
	v37 =	vadd.f32 v30, v37;
	v26 =	vmul.f32 v26, v12;
	(pc) =	sbr.rel @p0 .LBB2_6-.Ltmp2, $4  }
0x33e: {  	v40 =	vmul.f32 v31, v19;
	v32 =	vmul.f32 v32, v18;
	v30 =	vld [tilespmem:s24+$0x2380]  }
0x33f: {  	v24 =	vmul.f32 v33, v12;
	v33 =	vmul.f32 v34, v19;
	v28 =	vld [tilespmem:s24+$0x2390];
	v37 =	vadd.f32 v26, v37  }
0x340: {  	v34 =	vmul.f32 v27, v18;
	v31 =	vmul.f32 v35, v19;
	v35 =	vadd.f32 v32, v40;
	v26 =	vld [tilespmem:s24+$0x43B0]  }
0x341: {  	s25 =	sadd.s32 $0x200, s25;
	v36 =	vmul.f32 v36, v18;
	v32 =	vmul.f32 v38, v19;
	v27 =	vld [tilespmem:s24+$0x33A0];
	v37 =	vadd.f32 v39, v37  }
0x342: {  	v29 =	vmul.f32 v29, v18;
	v38 =	vld [tilespmem:s24+$0x43C0]  }
0x343: {  	v25 =	vadd.f32 v25, v35;
	v19 =	vmul.f32 v30, v19;
	v30 =	vld [tilespmem:s24+$0x33B0];
	v31 =	vadd.f32 v36, v31  }
0x344: {  	v22 =	vadd.f32 v22, v37;
	v18 =	vmul.f32 v28, v18;
	v28 =	vld [tilespmem:s24+$0x23A0];
	v29 =	vadd.f32 v29, v32  }
0x345: {  	v23 =	vadd.f32 v23, v25;
	v25 =	vld [tilespmem:s24+$0x33C0];
	v24 =	vadd.f32 v24, v31;
	v26 =	vmul.f32 v26, v9  }
0x346: {  	v20 =	vadd.f32 v20, v22;
	v18 =	vadd.f32 v18, v19;
	v19 =	vld [tilespmem:s24+$0x23B0]  }
0x347: {  	v22 =	vmul.f32 v27, v12;
	v21 =	vadd.f32 v21, v23;
	v23 =	vadd.f32 v26, v24;
	v24 =	vld [tilespmem:s24+$0x53A0]  }
0x348: {  	v33 =	vadd.f32 v34, v33;
	v26 =	vmul.f32 v38, v5;
	v16 =	vadd.f32 v16, v20;
	v20 =	vld [tilespmem:s24+$0x23C0]  }
0x349: {  	v22 =	vadd.f32 v22, v29;
	v17 =	vadd.f32 v17, v21;
	v21 =	vmul.f32 v28, v12;
	v28 =	vld [tilespmem:s24+$0x53B0]  }
0x34a: {  	v27 =	vmul.f32 v30, v9;
	v23 =	vadd.f32 v26, v23;
	v13 =	vadd.f32 v13, v16;
	v16 =	vld [tilespmem:s24+$0x23D0]  }
0x34b: {  	v25 =	vmul.f32 v25, v5;
	v18 =	vadd.f32 v21, v18;
	v19 =	vmul.f32 v19, v9;
	v21 =	vld [tilespmem:s24+$0x53C0]  }
0x34c: {  	v22 =	vadd.f32 v27, v22;
	v14 =	vadd.f32 v14, v17;
	v17 =	vld [tilespmem:s24+$0x23E0];
	v12 =	vmul.f32 v24, v12  }
0x34d: {  	v15 =	vadd.f32 v15, v23;
	v18 =	vadd.f32 v19, v18;
	v19 =	vmul.f32 v20, v5;
	v20 =	vld [tilespmem:s24+$0x53D0]  }
0x34e: {  	v23 =	vld [tilespmem:s24+$0x23F0];
	v22 =	vadd.f32 v25, v22;
	v12 =	vadd.f32 v12, v33;
	v9 =	vmul.f32 v28, v9  }
0x34f: {  	v8 =	vadd.f32 v8, v14;
	v16 =	vmul.f32 v16, v3;
	v14 =	vadd.f32 v19, v18;
	v18 =	vld [tilespmem:s24+$0x53E0]  }
0x350: {  	v11 =	vadd.f32 v11, v22;
	v9 =	vadd.f32 v9, v12;
	v5 =	vmul.f32 v21, v5  }
0x351: {  	v10 =	vadd.f32 v10, v15;
	v15 =	vld [tilespmem:s24+$0x53F0];
	v12 =	vadd.f32 v16, v14;
	v14 =	vmul.f32 v17, v2  }
0x352: {  	v7 =	vadd.f32 v7, v11;
	v5 =	vadd.f32 v5, v9;
	v3 =	vmul.f32 v20, v3  }
0x353: {  	(xrf2) =	vadd.scan.msk.f32 $0xffff, v13;
	v6 =	vadd.f32 v6, v10;
	v10 =	vmul.f32 v23, v1;
	v9 =	vadd.f32 v14, v12  }
0x354: {  	(xrf2) =	vadd.scan.msk.f32 $0xffff, v8;
	v4 =	vadd.f32 v4, v7;
	v3 =	vadd.f32 v3, v5;
	v2 =	vmul.f32 v18, v2  }
0x355: {  	(xrf2) =	vadd.scan.msk.f32 $0xffff, v6;
	v5 =	vadd.f32 v10, v9  }
0x356: {  	v1 =	vmul.f32 v15, v1;
	(xrf2) =	vadd.scan.msk.f32 $0xffff, v4;
	v2 =	vadd.f32 v2, v3  }
0x357: {  	(xrf2) =	vadd.scan.msk.f32 $0xffff, v5  }
0x358: {  	v1 =	vadd.f32 v1, v2;
	_ =	sdelay $0x1  }
0x359: {  	(xrf2) =	vadd.scan.msk.f32 $0xffff, v1;
	_ =	sdelay $0x2  }
0x35a: {  	v1, _, _ =	vpop (xrf2)  }
0x35b: {  	v2, _, _ =	vpop (xrf2)  }
0x35c: {  	s23 =	sadd.s32 $0x1, s23;
	v3, _, _ =	vpop (xrf2)  }
0x35d: {  	v5 =	vmov s23;
	v4, _, _ =	vpop (xrf2)  }
0x35e: {  	v5 =	vadd.s32 $0x40, v5;
	v6, _, _ =	vpop (xrf2)  }
0x35f: {  	v5 =	vand.u32 $0x7F, v5;
	v6 =	vbroadcast v6, $0xF  }
0x360: {  	v5 =	vbroadcast v5, $0x0;
	v4 =	vbroadcast v4, $0xF  }
0x361: {  	v3 =	vbroadcast v3, $0xF;
	v6 =	vnsel vm0, $0x0, v6;
	v7, _, _ =	vpop (xrf2)  }
0x362: {  	v5 =	vor.u32 v0, v5;
	v4 =	vsel vm1, v6, v4;
	v6 =	vbroadcast v7, $0xF  }
0x363: {  	v2 =	vbroadcast v2, $0xF;
	v3 =	vsel vm2, v4, v3  }
0x364: {  	v1 =	vbroadcast v1, $0xF;
	v3 =	vsel vm3, v3, v6  }
0x365: {  	v2 =	vsel vm4, v3, v2  }
0x366: {  	v1 =	vsel vm5, v2, v1  }
0x367: {  	[tilespmem:v5+s18+$0x0] =	vst.idx.msk $0x3f, v1  }
0x368: {  	_ =	swait.ge [sflag:s20], $0x1000  }
0x369: {  	[sflag:s20] =	ssyncset.done $0x0  }
0x36a: {  	[sflag:s20] =	ssyncadd.s32 $0xFFFFF000  }
0x36b: {  	_ =	swait.ge [sflag:s20], $0x1000  }
0x36c: {  	[sflag:s20] =	ssyncset.done $0x0  }
0x36d: {  	[sflag:s20] =	ssyncadd.s32 $0xFFFFF000  }
0x36e: {  	_ =	swait.ge [sflag:s20], $0x1000  }
0x36f: {  	[sflag:s20] =	ssyncset.done $0x0  }
0x370: {  	[sflag:s20] =	ssyncadd.s32 $0xFFFFF000  }
0x371: {  	_ =	swait.ge [sflag:s20], $0x1000  }
0x372: {  	[sflag:s20] =	ssyncset.done $0x0  }
0x373: {  	[sflag:s20] =	ssyncadd.s32 $0xFFFFF000  }
0x374: {  	_ =	swait.ge [sflag:s20], $0x1000  }
0x375: {  	[sflag:s20] =	ssyncset.done $0x0  }
0x376: {  	[sflag:s20] =	ssyncadd.s32 $0xFFFFF000  }
0x377: {  	_ =	swait.ge [sflag:s20], $0x1000  }
0x378: {  	[sflag:s20] =	ssyncset.done $0x0  }
0x379: {  	[sflag:s20] =	ssyncadd.s32 $0xFFFFF000  }
0x37a: {  	_ =	swait.ge [sflag:s20], $0x1000  }
0x37b: {  	[sflag:s20] =	ssyncset.done $0x0  }
0x37c: {  	s30 =	simm.s32 $0x0;
	[sflag:s20] =	ssyncadd.s32 $0xFFFFF000  }
0x37d: {  	v1 =	vld [tilespmem:s30+$0xD3F0]  }
0x37e: {  	v2 =	vld [tilespmem:s30+$0xC3F0]  }
0x37f: {  	v3 =	vld [tilespmem:s30+$0xD3E0]  }
0x380: {  	v4 =	vld [tilespmem:s30+$0xC3E0]  }
0x381: {  	v5 =	vld [tilespmem:s30+$0xD3D0]  }
0x382: {  	v6 =	vld [tilespmem:s30+$0xA3F0]  }
0x383: {  	v7 =	vld [tilespmem:s30+$0xC3D0]  }
0x384: {  	v8 =	vld [tilespmem:s30+$0xD3C0]  }
0x385: {  	v9 =	vld [tilespmem:s30+$0x93F0]  }
0x386: {  	v10 =	vld [tilespmem:s30+$0xA3E0]  }
0x387: {  	v11 =	vld [tilespmem:s30+$0xC3C0]  }
0x388: {  	v12 =	vld [tilespmem:s30+$0xD3B0]  }
0x389: {  	v13 =	vld [tilespmem:s30+$0x93E0]  }
0x38a: {  	v14 =	vld [tilespmem:s30+$0xA3D0]  }
0x38b: {  	v15 =	vld [tilespmem:s30+$0xC3B0]  }
0x38c: {  	v16 =	vld [tilespmem:s30+$0xD3A0]  }
0x38d: {  	v17 =	vld [tilespmem:s30+$0x93D0]  }
0x38e: {  	v18 =	vld [tilespmem:s30+$0xC3A0]  }
0x38f: {  	v19 =	vld [tilespmem:s30+$0xD380]  }
0x390: {  	v20 =	vld [tilespmem:s30+$0xD390]  }
0x391: {  	v21 =	vld [tilespmem:s30+$0xC380]  }
0x392: {  	v22 =	vld [tilespmem:s30+$0xC390]  }
0x393: {  	v23 =	vld [tilespmem:s30+$0x13F0]  }
0x394: {  	v24 =	vld [tilespmem:s30+$0xA3A0]  }
0x395: {  	v25 =	vld [tilespmem:s30+$0x13E0]  }
0x396: {  	v26 =	vld [tilespmem:s30+$0xB380]  }
0x397: {  	v27 =	vld [tilespmem:s30+$0x13D0]  }
0x398: {  	v28 =	vld [tilespmem:s30+$0x13C0]  }
0x399: {  	v29 =	vld [tilespmem:s30+$0x1380];
	v2 =	vmul.f32 v2, v23  }
0x39a: {  	v30 =	vld [tilespmem:s30+$0x1390];
	v1 =	vmul.f32 v1, v23;
	v9 =	vmul.f32 v9, v23  }
0x39b: {  	v31 =	vld [tilespmem:s30+$0x13B0];
	v6 =	vmul.f32 v6, v23;
	v4 =	vmul.f32 v4, v25  }
0x39c: {  	v47 =	vld [tilespmem:s30+$0x13A0];
	v3 =	vmul.f32 v3, v25;
	v13 =	vmul.f32 v13, v25  }
0x39d: {  	v48 =	vld [tilespmem:s30+$0xB390];
	v10 =	vmul.f32 v10, v25;
	v7 =	vmul.f32 v7, v27  }
0x39e: {  	v49 =	vld [tilespmem:s30+$0xA380];
	v5 =	vmul.f32 v5, v27;
	v11 =	vmul.f32 v11, v28  }
0x39f: {  	v50 =	vld [tilespmem:s30+$0xA390];
	v8 =	vmul.f32 v8, v28;
	v19 =	vmul.f32 v19, v29  }
0x3a0: {  	v51 =	vld [tilespmem:s30+$0x9380];
	v20 =	vmul.f32 v20, v30;
	v15 =	vmul.f32 v15, v31  }
0x3a1: {  	v52 =	vld [tilespmem:s30+$0x9390];
	v21 =	vmul.f32 v21, v29;
	v22 =	vmul.f32 v22, v30  }
0x3a2: {  	v12 =	vmul.f32 v12, v31;
	v16 =	vmul.f32 v16, v47;
	v19 =	vadd.f32 v20, v19;
	v20 =	vld [tilespmem:s30+$0x8380]  }
0x3a3: {  	v53 =	vld [tilespmem:s30+$0x8390];
	v18 =	vmul.f32 v18, v47;
	v24 =	vmul.f32 v24, v47;
	v21 =	vadd.f32 v22, v21  }
0x3a4: {  	v54 =	vld [tilespmem:s30+$0xA3B0];
	v26 =	vmul.f32 v26, v29;
	v33 =	vmul.f32 v48, v30;
	v16 =	vadd.f32 v16, v19  }
0x3a5: {  	v55 =	vld [tilespmem:s30+$0x93A0];
	v35 =	vmul.f32 v50, v30;
	v19 =	vmul.f32 v49, v29;
	v18 =	vadd.f32 v18, v21  }
0x3a6: {  	v56 =	vld [tilespmem:s30+$0xA3C0];
	v22 =	vmul.f32 v51, v29;
	v12 =	vadd.f32 v12, v16;
	v16 =	vmul.f32 v52, v30  }
0x3a7: {  	v21 =	vld [tilespmem:s30+$0x93B0];
	v19 =	vadd.f32 v35, v19;
	v15 =	vadd.f32 v15, v18;
	v20 =	vmul.f32 v20, v29  }
0x3a8: {  	v29 =	vld [tilespmem:s30+$0x83A0];
	v8 =	vadd.f32 v8, v12;
	v12 =	vmul.f32 v53, v30;
	v16 =	vadd.f32 v16, v22  }
0x3a9: {  	v18 =	vld [tilespmem:s30+$0x93C0];
	v19 =	vadd.f32 v24, v19;
	v22 =	vmul.f32 v54, v31;
	v11 =	vadd.f32 v11, v15  }
0x3aa: {  	v17 =	vmul.f32 v17, v27;
	v5 =	vadd.f32 v5, v8;
	v8 =	vadd.f32 v12, v20;
	v12 =	vld [tilespmem:s30+$0x83B0]  }
0x3ab: {  	v14 =	vmul.f32 v14, v27;
	v20 =	vmul.f32 v55, v47;
	v15 =	vadd.f32 v22, v19;
	v19 =	vld [tilespmem:s30+$0xB3A0]  }
0x3ac: {  	v22 =	vmul.f32 v56, v28;
	v7 =	vadd.f32 v7, v11;
	v3 =	vadd.f32 v3, v5;
	v5 =	vld [tilespmem:s30+$0x83C0]  }
0x3ad: {  	v16 =	vadd.f32 v20, v16;
	v20 =	vmul.f32 v21, v31;
	v11 =	vmul.f32 v29, v47;
	v21 =	vld [tilespmem:s30+$0xB3B0]  }
0x3ae: {  	v26 =	vadd.f32 v33, v26;
	v18 =	vmul.f32 v18, v28;
	v1 =	vadd.f32 v1, v3;
	v3 =	vld [tilespmem:s30+$0x83D0]  }
0x3af: {  	v15 =	vadd.f32 v22, v15;
	v8 =	vadd.f32 v11, v8;
	v11 =	vmul.f32 v12, v31;
	v12 =	vld [tilespmem:s30+$0xB3C0]  }
0x3b0: {  	v4 =	vadd.f32 v4, v7;
	v7 =	vld [tilespmem:s30+$0x83E0];
	v16 =	vadd.f32 v20, v16;
	v19 =	vmul.f32 v19, v47  }
0x3b1: {  	v14 =	vadd.f32 v14, v15;
	v8 =	vadd.f32 v11, v8;
	v5 =	vmul.f32 v5, v28;
	v11 =	vld [tilespmem:s30+$0xB3D0]  }
0x3b2: {  	v15 =	vadd.f32 v18, v16;
	v16 =	vld [tilespmem:s30+$0x83F0];
	v18 =	vadd.f32 v19, v26;
	v19 =	vmul.f32 v21, v31  }
0x3b3: {  	v2 =	vadd.f32 v2, v4;
	v4 =	vadd.f32 v5, v8;
	v3 =	vmul.f32 v3, v27;
	v5 =	vld [tilespmem:s30+$0xB3E0]  }
0x3b4: {  	v8 =	vadd.f32 v17, v15;
	v15 =	vadd.f32 v19, v18;
	v12 =	vmul.f32 v12, v28  }
0x3b5: {  	v10 =	vadd.f32 v10, v14;
	v3 =	vadd.f32 v3, v4;
	v4 =	vmul.f32 v7, v25;
	v7 =	vld [tilespmem:s30+$0xB3F0]  }
0x3b6: {  	v8 =	vadd.f32 v13, v8;
	v12 =	vadd.f32 v12, v15;
	v11 =	vmul.f32 v11, v27  }
0x3b7: {  	(xrf2) =	vadd.scan.msk.f32 $0xffff, v1;
	v1 =	vadd.f32 v6, v10;
	v3 =	vadd.f32 v4, v3;
	v4 =	vmul.f32 v16, v23  }
0x3b8: {  	(xrf2) =	vadd.scan.msk.f32 $0xffff, v2;
	v2 =	vadd.f32 v9, v8;
	v6 =	vadd.f32 v11, v12;
	v5 =	vmul.f32 v5, v25  }
0x3b9: {  	(xrf2) =	vadd.scan.msk.f32 $0xffff, v1;
	v1 =	vadd.f32 v4, v3  }
0x3ba: {  	(xrf2) =	vadd.scan.msk.f32 $0xffff, v2;
	v2 =	vadd.f32 v5, v6;
	v3 =	vmul.f32 v7, v23  }
0x3bb: {  	(xrf2) =	vadd.scan.msk.f32 $0xffff, v1  }
0x3bc: {  	v1 =	vadd.f32 v3, v2;
	_ =	sdelay $0x1  }
0x3bd: {  	(xrf2) =	vadd.scan.msk.f32 $0xffff, v1;
	_ =	sdelay $0x2  }
0x3be: {  	v1, _, _ =	vpop (xrf2)  }
0x3bf: {  	v2, _, _ =	vpop (xrf2)  }
0x3c0: {  	s23 =	simm.s32 $0x0;
	v3, _, _ =	vpop (xrf2)  }
0x3c1: {  	v5 =	vmov s23;
	v4, _, _ =	vpop (xrf2)  }
0x3c2: {  	v5 =	vadd.s32 $0x60, v5;
	v6, _, _ =	vpop (xrf2)  }
0x3c3: {  	v5 =	vand.u32 $0x7F, v5;
	v6 =	vbroadcast v6, $0xF  }
0x3c4: {  	v5 =	vbroadcast v5, $0x0;
	v4 =	vbroadcast v4, $0xF  }
0x3c5: {  	v3 =	vbroadcast v3, $0xF;
	v6 =	vnsel vm0, $0x0, v6;
	v7, _, _ =	vpop (xrf2)  }
0x3c6: {  	v5 =	vor.u32 v0, v5;
	v4 =	vsel vm1, v6, v4;
	v6 =	vbroadcast v7, $0xF  }
0x3c7: {  	v2 =	vbroadcast v2, $0xF;
	v3 =	vsel vm2, v4, v3  }
0x3c8: {  	v1 =	vbroadcast v1, $0xF;
	v3 =	vsel vm3, v3, v6  }
0x3c9: {  	v2 =	vsel vm4, v3, v2  }
0x3ca: {  	v1 =	vsel vm5, v2, v1  }
0x3cb: {  	s24 =	simm.s32 $0x80;
	[tilespmem:v5+s18+$0x0] =	vst.idx.msk $0x3f, v1  }
0x3cc: {  	v4 =	vld [tilespmem:s24+$0xD3F0]  }
0x3cd: {  	v6 =	vld [tilespmem:s24+$0xC3F0]  }
0x3ce: {  	v7 =	vld [tilespmem:s24+$0xD3E0]  }
0x3cf: {  	v9 =	vld [tilespmem:s24+$0xC3E0]  }
0x3d0: {  	v11 =	vld [tilespmem:s24+$0xD3D0]  }
0x3d1: {  	v10 =	vld [tilespmem:s24+$0xA3F0]  }
0x3d2: {  	v15 =	vld [tilespmem:s24+$0xC3D0]  }
0x3d3: {  	v22 =	vld [tilespmem:s24+$0xD3C0]  }
0x3d4: {  	v12 =	vld [tilespmem:s24+$0x93F0]  }
0x3d5: {  	v17 =	vld [tilespmem:s24+$0xA3E0]  }
0x3d6: {  	v21 =	vld [tilespmem:s24+$0xC3C0]  }
0x3d7: {  	v24 =	vld [tilespmem:s24+$0xD3B0]  }
0x3d8: {  	v20 =	vld [tilespmem:s24+$0x93E0]  }
0x3d9: {  	v23 =	vld [tilespmem:s24+$0xA3D0]  }
0x3da: {  	v25 =	vld [tilespmem:s24+$0xC3B0]  }
0x3db: {  	v26 =	vld [tilespmem:s24+$0xD3A0]  }
0x3dc: {  	v27 =	vld [tilespmem:s24+$0x93D0]  }
0x3dd: {  	v28 =	vld [tilespmem:s24+$0xC3A0]  }
0x3de: {  	v29 =	vld [tilespmem:s24+$0xD380]  }
0x3df: {  	v30 =	vld [tilespmem:s24+$0xD390]  }
0x3e0: {  	v31 =	vld [tilespmem:s24+$0xC380]  }
0x3e1: {  	v57 =	vld [tilespmem:s24+$0xC390]  }
0x3e2: {  	v1 =	vld [tilespmem:s24+$0x13F0]  }
0x3e3: {  	v58 =	vld [tilespmem:s24+$0xA3A0]  }
0x3e4: {  	v2 =	vld [tilespmem:s24+$0x13E0]  }
0x3e5: {  	v59 =	vld [tilespmem:s24+$0xB380]  }
0x3e6: {  	v3 =	vld [tilespmem:s24+$0x13D0]  }
0x3e7: {  	v5 =	vld [tilespmem:s24+$0x13C0];
	v8 =	vmul.f32 v6, v1;
	v13 =	vmul.f32 v4, v1  }
0x3e8: {  	v19 =	vld [tilespmem:s24+$0x1380];
	v4 =	vmul.f32 v12, v1;
	v6 =	vmul.f32 v10, v1  }
0x3e9: {  	v18 =	vld [tilespmem:s24+$0x1390];
	v14 =	vmul.f32 v9, v2;
	v16 =	vmul.f32 v7, v2  }
0x3ea: {  	v60 =	vld [tilespmem:s24+$0xA380];
	v7 =	vmul.f32 v20, v2;
	v10 =	vmul.f32 v17, v2  }
0x3eb: {  	v12 =	vld [tilespmem:s24+$0x13A0];
	v17 =	vmul.f32 v15, v3;
	v20 =	vmul.f32 v11, v3  }
0x3ec: {  	v9 =	vld [tilespmem:s24+$0x13B0];
	v11 =	vmul.f32 v27, v3;
	v15 =	vmul.f32 v23, v3  }
0x3ed: {  	v61 =	vld [tilespmem:s24+$0xA390];
	v21 =	vmul.f32 v21, v5;
	v22 =	vmul.f32 v22, v5  }
0x3ee: {  	v27 =	vld [tilespmem:s24+$0xB390];
	v62 =	vmul.f32 v29, v19;
	v30 =	vmul.f32 v30, v18  }
0x3ef: {  	v63 =	vld [tilespmem:s24+$0x9380];
	v40 =	vmul.f32 v31, v19;
	v32 =	vmul.f32 v57, v18  }
0x3f0: {  	v29 =	vld [tilespmem:s24+$0x9390];
	v33 =	vmul.f32 v59, v19;
	v37 =	vadd.f32 v30, v62;
	v26 =	vmul.f32 v26, v12  }
0x3f1: {  	v31 =	vmul.f32 v60, v19;
	v30 =	vld [tilespmem:s24+$0x8380];
	v23 =	vmul.f32 v25, v9  }
0x3f2: {  	v39 =	vmul.f32 v24, v9;
	v25 =	vmul.f32 v28, v12;
	v28 =	vld [tilespmem:s24+$0x8390];
	v37 =	vadd.f32 v26, v37  }
0x3f3: {  	v36 =	vmul.f32 v61, v18;
	v35 =	vadd.f32 v32, v40;
	v34 =	vmul.f32 v27, v18;
	v26 =	vld [tilespmem:s24+$0xA3B0]  }
0x3f4: {  	s25 =	simm.s32 $0x400;
	v32 =	vmul.f32 v63, v19;
	v24 =	vmul.f32 v58, v12;
	v27 =	vld [tilespmem:s24+$0x93A0];
	v37 =	vadd.f32 v39, v37  }
.LBB2_8:
0x3f5: {  	p0 =	sne.s32 s25, $0x3E00;
	v29 =	vmul.f32 v29, v18;
	v38 =	vld [tilespmem:s24+$0xA3C0];
	v33 =	vadd.f32 v34, v33;
	v25 =	vadd.f32 v25, v35  }
0x3f6: {  	v19 =	vmul.f32 v30, v19;
	v30 =	vld [tilespmem:s24+$0x93B0];
	v31 =	vadd.f32 v36, v31;
	v22 =	vadd.f32 v22, v37  }
0x3f7: {  	v18 =	vmul.f32 v28, v18;
	v28 =	vld [tilespmem:s24+$0x83A0];
	v29 =	vadd.f32 v29, v32;
	v23 =	vadd.f32 v23, v25  }
0x3f8: {  	v25 =	vld [tilespmem:s24+$0x93C0];
	v24 =	vadd.f32 v24, v31;
	v26 =	vmul.f32 v26, v9;
	v20 =	vadd.f32 v20, v22  }
0x3f9: {  	v18 =	vadd.f32 v18, v19;
	v19 =	vld [tilespmem:s24+$0x83B0];
	v22 =	vmul.f32 v27, v12;
	v21 =	vadd.f32 v21, v23  }
0x3fa: {  	v23 =	vadd.f32 v26, v24;
	v24 =	vmul.f32 v38, v5;
	v26 =	vld [tilespmem:s24+$0xB3A0];
	v16 =	vadd.f32 v16, v20  }
0x3fb: {  	v20 =	vld [tilespmem:s24+$0x83C0];
	v22 =	vadd.f32 v22, v29;
	v27 =	vmul.f32 v30, v9;
	v17 =	vadd.f32 v17, v21  }
0x3fc: {  	v21 =	vmul.f32 v28, v12;
	v23 =	vadd.f32 v24, v23;
	v24 =	vld [tilespmem:s24+$0xB3B0];
	v13 =	vadd.f32 v13, v16  }
0x3fd: {  	v16 =	vld [tilespmem:s24+$0x83D0];
	v22 =	vadd.f32 v27, v22;
	v25 =	vmul.f32 v25, v5;
	v14 =	vadd.f32 v14, v17  }
0x3fe: {  	v17 =	vadd.f32 v21, v18;
	v18 =	vmul.f32 v19, v9;
	v15 =	vadd.f32 v15, v23;
	v19 =	vld [tilespmem:s24+$0xB3C0];
	(xrf2) =	vadd.scan.msk.f32 $0xffff, v13  }
0x3ff: {  	v13 =	vld [tilespmem:s24+$0x83E0];
	v21 =	vadd.f32 v25, v22;
	v12 =	vmul.f32 v26, v12;
	v8 =	vadd.f32 v8, v14  }
0x400: {  	v14 =	vadd.f32 v18, v17;
	v17 =	vmul.f32 v20, v5;
	v10 =	vadd.f32 v10, v15;
	v15 =	vld [tilespmem:s24+$0xB3D0]  }
0x401: {  	v18 =	vld [tilespmem:s24+$0x83F0];
	v11 =	vadd.f32 v11, v21;
	v12 =	vadd.f32 v12, v33;
	v9 =	vmul.f32 v24, v9;
	(xrf2) =	vadd.scan.msk.f32 $0xffff, v8  }
0x402: {  	v8 =	vadd.f32 v17, v14;
	v14 =	vmul.f32 v16, v3;
	v6 =	vadd.f32 v6, v10;
	v10 =	vld [tilespmem:s24+$0xB3E0]  }
0x403: {  	v7 =	vadd.f32 v7, v11;
	v9 =	vadd.f32 v9, v12;
	v5 =	vmul.f32 v19, v5  }
0x404: {  	v8 =	vadd.f32 v14, v8;
	v11 =	vmul.f32 v13, v2;
	v12 =	vld [tilespmem:s24+$0xB3F0];
	(xrf2) =	vadd.scan.msk.f32 $0xffff, v6  }
0x405: {  	v4 =	vadd.f32 v4, v7;
	v9 =	vadd.f32 v5, v9;
	v3 =	vmul.f32 v15, v3  }
0x406: {  	v6 =	vadd.f32 v11, v8;
	v7 =	vmul.f32 v18, v1  }
0x407: {  	v3 =	vadd.f32 v3, v9;
	v2 =	vmul.f32 v10, v2;
	(xrf2) =	vadd.scan.msk.f32 $0xffff, v4  }
0x408: {  	v4 =	vadd.f32 v7, v6;
	v5, _, _ =	vpop (xrf2)  }
0x409: {  	v3 =	vadd.f32 v2, v3;
	v1 =	vmul.f32 v12, v1  }
0x40a: {  	(xrf2) =	vadd.scan.msk.f32 $0xffff, v4  }
0x40b: {  	v3 =	vadd.f32 v1, v3;
	v2, _, _ =	vpop (xrf2);
	_ =	sdelay $0x1  }
0x40c: {  	(xrf2) =	vadd.scan.msk.f32 $0xffff, v3  }
0x40d: {  	v1, _, _ =	vpop (xrf2);
	_ =	sdelay $0x2  }
0x40e: {  	v3, _, _ =	vpop (xrf2)  }
0x40f: {  	s23 =	sadd.s32 $0x1, s23  }
0x410: {  	v4 =	vmov s23  }
0x411: {  	v4 =	vadd.s32 $0x60, v4;
	v6, _, _ =	vpop (xrf2)  }
0x412: {  	v4 =	vand.u32 $0x7F, v4;
	v6 =	vbroadcast v6, $0xF  }
0x413: {  	v4 =	vbroadcast v4, $0x0;
	v3 =	vbroadcast v3, $0xF  }
0x414: {  	v1 =	vbroadcast v1, $0xF;
	v6 =	vnsel vm0, $0x0, v6;
	v7, _, _ =	vpop (xrf2)  }
0x415: {  	v4 =	vor.u32 v0, v4;
	v3 =	vsel vm1, v6, v3;
	v6 =	vbroadcast v7, $0xF  }
0x416: {  	v2 =	vbroadcast v2, $0xF;
	v1 =	vsel vm2, v3, v1  }
0x417: {  	v3 =	vbroadcast v5, $0xF;
	v1 =	vsel vm3, v1, v6  }
0x418: {  	v1 =	vsel vm4, v1, v2  }
0x419: {  	v1 =	vsel vm5, v1, v3  }
0x41a: {  	s24 =	sshra.s32 s25, $0x2;
	[tilespmem:v4+s18+$0x0] =	vst.idx.msk $0x3f, v1  }
0x41b: {  	v4 =	vld [tilespmem:s24+$0xD3F0]  }
0x41c: {  	v6 =	vld [tilespmem:s24+$0xC3F0]  }
0x41d: {  	v7 =	vld [tilespmem:s24+$0xD3E0]  }
0x41e: {  	v9 =	vld [tilespmem:s24+$0xC3E0]  }
0x41f: {  	v11 =	vld [tilespmem:s24+$0xD3D0]  }
0x420: {  	v10 =	vld [tilespmem:s24+$0xA3F0]  }
0x421: {  	v15 =	vld [tilespmem:s24+$0xC3D0]  }
0x422: {  	v22 =	vld [tilespmem:s24+$0xD3C0]  }
0x423: {  	v12 =	vld [tilespmem:s24+$0x93F0]  }
0x424: {  	v17 =	vld [tilespmem:s24+$0xA3E0]  }
0x425: {  	v21 =	vld [tilespmem:s24+$0xC3C0]  }
0x426: {  	v24 =	vld [tilespmem:s24+$0xD3B0]  }
0x427: {  	v20 =	vld [tilespmem:s24+$0x93E0]  }
0x428: {  	v23 =	vld [tilespmem:s24+$0xA3D0]  }
0x429: {  	v25 =	vld [tilespmem:s24+$0xC3B0]  }
0x42a: {  	v26 =	vld [tilespmem:s24+$0xD3A0]  }
0x42b: {  	v27 =	vld [tilespmem:s24+$0x93D0]  }
0x42c: {  	v28 =	vld [tilespmem:s24+$0xC3A0]  }
0x42d: {  	v29 =	vld [tilespmem:s24+$0xD380]  }
0x42e: {  	v30 =	vld [tilespmem:s24+$0xD390]  }
0x42f: {  	v31 =	vld [tilespmem:s24+$0xC380]  }
0x430: {  	v32 =	vld [tilespmem:s24+$0xC390]  }
0x431: {  	v1 =	vld [tilespmem:s24+$0x13F0]  }
0x432: {  	v33 =	vld [tilespmem:s24+$0xA3A0]  }
0x433: {  	v2 =	vld [tilespmem:s24+$0x13E0]  }
0x434: {  	v34 =	vld [tilespmem:s24+$0xB380]  }
0x435: {  	v3 =	vld [tilespmem:s24+$0x13D0]  }
0x436: {  	v5 =	vld [tilespmem:s24+$0x13C0];
	v8 =	vmul.f32 v6, v1;
	v13 =	vmul.f32 v4, v1  }
0x437: {  	v4 =	vmul.f32 v12, v1;
	v6 =	vmul.f32 v10, v1;
	v19 =	vld [tilespmem:s24+$0x1380]  }
0x438: {  	v18 =	vld [tilespmem:s24+$0x1390];
	v14 =	vmul.f32 v9, v2;
	v16 =	vmul.f32 v7, v2  }
0x439: {  	v7 =	vmul.f32 v20, v2;
	v10 =	vmul.f32 v17, v2;
	v9 =	vld [tilespmem:s24+$0x13B0]  }
0x43a: {  	v12 =	vld [tilespmem:s24+$0x13A0];
	v17 =	vmul.f32 v15, v3;
	v20 =	vmul.f32 v11, v3  }
0x43b: {  	v11 =	vmul.f32 v27, v3;
	v15 =	vmul.f32 v23, v3;
	v27 =	vld [tilespmem:s24+$0xB390]  }
0x43c: {  	v21 =	vmul.f32 v21, v5;
	v22 =	vmul.f32 v22, v5;
	v35 =	vld [tilespmem:s24+$0xA380]  }
0x43d: {  	v37 =	vmul.f32 v29, v19;
	v36 =	vld [tilespmem:s24+$0xA390];
	v30 =	vmul.f32 v30, v18  }
0x43e: {  	v38 =	vld [tilespmem:s24+$0x9380];
	v23 =	vmul.f32 v25, v9;
	v39 =	vmul.f32 v24, v9  }
.Ltmp3:
0x43f: {  	v29 =	vld [tilespmem:s24+$0x9390];
	v25 =	vmul.f32 v28, v12;
	v37 =	vadd.f32 v30, v37;
	v26 =	vmul.f32 v26, v12;
	(pc) =	sbr.rel @p0 .LBB2_8-.Ltmp3, $4  }
0x440: {  	v40 =	vmul.f32 v31, v19;
	v32 =	vmul.f32 v32, v18;
	v30 =	vld [tilespmem:s24+$0x8380]  }
0x441: {  	v24 =	vmul.f32 v33, v12;
	v33 =	vmul.f32 v34, v19;
	v28 =	vld [tilespmem:s24+$0x8390];
	v37 =	vadd.f32 v26, v37  }
0x442: {  	v34 =	vmul.f32 v27, v18;
	v31 =	vmul.f32 v35, v19;
	v35 =	vadd.f32 v32, v40;
	v26 =	vld [tilespmem:s24+$0xA3B0]  }
0x443: {  	s25 =	sadd.s32 $0x200, s25;
	v36 =	vmul.f32 v36, v18;
	v32 =	vmul.f32 v38, v19;
	v27 =	vld [tilespmem:s24+$0x93A0];
	v37 =	vadd.f32 v39, v37  }
0x444: {  	v38 =	vld [tilespmem:s24+$0xA3C0]  }
0x445: {  	v29 =	vmul.f32 v29, v18;
	v33 =	vadd.f32 v34, v33;
	v25 =	vadd.f32 v25, v35;
	v61 =	vld [tilespmem:s24+$0x93B0]  }
0x446: {  	v63 =	vld [tilespmem:s24+$0x83A0];
	v19 =	vmul.f32 v30, v19;
	v31 =	vadd.f32 v36, v31;
	v22 =	vadd.f32 v22, v37  }
0x447: {  	v34 =	vld [tilespmem:s24+$0x83B0];
	v62 =	vmul.f32 v28, v18;
	v29 =	vadd.f32 v29, v32;
	v23 =	vadd.f32 v23, v25  }
0x448: {  	v37 =	vld [tilespmem:s24+$0xB3A0];
	v24 =	vadd.f32 v24, v31;
	v26 =	vmul.f32 v26, v9;
	v20 =	vadd.f32 v20, v22  }
0x449: {  	v32 =	vld [tilespmem:s24+$0x93C0];
	v18 =	vadd.f32 v62, v19;
	v35 =	vmul.f32 v27, v12;
	v21 =	vadd.f32 v21, v23  }
0x44a: {  	v39 =	vld [tilespmem:s24+$0x83C0];
	v36 =	vadd.f32 v26, v24;
	v38 =	vmul.f32 v38, v5;
	v16 =	vadd.f32 v16, v20  }
0x44b: {  	v42 =	vld [tilespmem:s24+$0xB3B0];
	v40 =	vmul.f32 v61, v9;
	v41 =	vmul.f32 v63, v12;
	v22 =	vadd.f32 v35, v29  }
0x44c: {  	v43 =	vld [tilespmem:s24+$0x83D0];
	v19 =	vmul.f32 v34, v9;
	v17 =	vadd.f32 v17, v21;
	v23 =	vadd.f32 v38, v36  }
0x44d: {  	v44 =	vld [tilespmem:s24+$0xB3C0];
	v46 =	vmul.f32 v37, v12;
	v13 =	vadd.f32 v13, v16;
	v18 =	vadd.f32 v41, v18  }
0x44e: {  	v45 =	vld [tilespmem:s24+$0x83E0];
	v25 =	vmul.f32 v32, v5;
	v22 =	vadd.f32 v40, v22;
	v14 =	vadd.f32 v14, v17  }
0x44f: {  	v48 =	vld [tilespmem:s24+$0xB3D0];
	v47 =	vmul.f32 v39, v5;
	v12 =	vadd.f32 v46, v33;
	v18 =	vadd.f32 v19, v18  }
0x450: {  	v49 =	vld [tilespmem:s24+$0x83F0];
	v50 =	vmul.f32 v42, v9;
	v15 =	vadd.f32 v15, v23;
	v22 =	vadd.f32 v25, v22  }
0x451: {  	v52 =	vld [tilespmem:s24+$0xB3E0];
	v16 =	vmul.f32 v43, v3;
	v8 =	vadd.f32 v8, v14;
	v51 =	vadd.f32 v47, v18  }
0x452: {  	v53 =	vmul.f32 v44, v5;
	v9 =	vadd.f32 v50, v12;
	v11 =	vadd.f32 v11, v22  }
0x453: {  	v56 =	vld [tilespmem:s24+$0xB3F0];
	v55 =	vmul.f32 v45, v2;
	v10 =	vadd.f32 v10, v15;
	v54 =	vadd.f32 v16, v51  }
0x454: {  	v3 =	vmul.f32 v48, v3;
	v5 =	vadd.f32 v53, v9;
	v7 =	vadd.f32 v7, v11  }
0x455: {  	v58 =	vmul.f32 v49, v1;
	(xrf2) =	vadd.scan.msk.f32 $0xffff, v13;
	v6 =	vadd.f32 v6, v10;
	v57 =	vadd.f32 v55, v54  }
0x456: {  	v2 =	vmul.f32 v52, v2;
	(xrf2) =	vadd.scan.msk.f32 $0xffff, v8;
	v3 =	vadd.f32 v3, v5;
	v4 =	vadd.f32 v4, v7  }
0x457: {  	(xrf2) =	vadd.scan.msk.f32 $0xffff, v6;
	v59 =	vadd.f32 v58, v57  }
0x458: {  	v1 =	vmul.f32 v56, v1;
	v2 =	vadd.f32 v2, v3;
	(xrf2) =	vadd.scan.msk.f32 $0xffff, v4  }
0x459: {  	(xrf2) =	vadd.scan.msk.f32 $0xffff, v59  }
0x45a: {  	v1 =	vadd.f32 v1, v2;
	_ =	sdelay $0x1  }
0x45b: {  	(xrf2) =	vadd.scan.msk.f32 $0xffff, v1;
	_ =	sdelay $0x2  }
0x45c: {  	v1, _, _ =	vpop (xrf2)  }
0x45d: {  	v2, _, _ =	vpop (xrf2)  }
0x45e: {  	s23 =	sadd.s32 $0x1, s23;
	v3, _, _ =	vpop (xrf2)  }
0x45f: {  	v60 =	vmov s23;
	v4, _, _ =	vpop (xrf2)  }
0x460: {  	v5 =	vadd.s32 $0x60, v60;
	v61, _, _ =	vpop (xrf2)  }
0x461: {  	v5 =	vand.u32 $0x7F, v5;
	v6 =	vbroadcast v61, $0xF  }
0x462: {  	v5 =	vbroadcast v5, $0x0;
	v4 =	vbroadcast v4, $0xF  }
0x463: {  	v3 =	vbroadcast v3, $0xF;
	v62, _, _ =	vpop (xrf2);
	v6 =	vnsel vm0, $0x0, v6  }
0x464: {  	v5 =	vor.u32 v0, v5;
	v63 =	vbroadcast v62, $0xF;
	v4 =	vsel vm1, v6, v4  }
0x465: {  	v2 =	vbroadcast v2, $0xF;
	v3 =	vsel vm2, v4, v3  }
0x466: {  	v1 =	vbroadcast v1, $0xF;
	v3 =	vsel vm3, v3, v63  }
0x467: {  	v2 =	vsel vm4, v3, v2  }
0x468: {  	s22 =	sadd.s32 $0x1, s22;
	v1 =	vsel vm5, v2, v1  }
0x469: {  	s0 =	simm.s32 $0x400;
	s30 =	simm.s32 $0x8000;
	p0 =	sne.s32 s22, s8;
	[tilespmem:v5+s18+$0x0] =	vst.idx.msk $0x3f, v1  }
0x46a: {  	[hbm4b:s7+s0] =	stream.strided.scatter [tilespmem:s18], [sflag:$0x3], $0x0, s30, s0, $0x38;
	[tilespmem:$0xE780] =	vst v63  }
.Ltmp4:
0x46b: {  	_ = 	snop;
	(pc) =	sbr.rel @p0 .LBB2_1-.Ltmp4, $4  }
0x46c: {  	[hbm4b:s7+s4] =	stream.linear.scatter [tilespmem:s18], [sflag:$0x3], $0x300, $0x38;
	[tilespmem:$0xE780] =	vst v63  }
0x46d: {  	_ =	swait.ge [sflag:s9], $0x300  }
0x46e: {  	[sflag:s9] =	ssyncset.done $0x0  }
0x46f: {  	[sflag:s9] =	ssyncadd.s32 $0xFFFFFD00  }
0x470: {  	_ =	sfence.sel $0x180000  }
0x471: {  	[bflag:$0x0] =	sbarrier.arrive $0xFFFF  }
0x472: {  	_ =	strace $0x90000047  }
0x473: {  	s0 =	stileid.u32;
	[bflag:$0x2] =	sbarrier.arrive $0xFFFF  }
0x474: {  	p0 =	sne.s32 s0, $0x0;
	s0 =	rddreg [dreg:$0x5]  }
0x475: {  	s0 =	sadd.s32 @!p0 $0x100000, s0  }
0x476: {  	[sflag:s0] =	ssyncadd.tile.s32 @!p0 $0x1;
	_ =	shalt  }
.Lfunc_end2:
_tile_overlayer_lowered:
.L_overlay_start_2:
0x477: {  	(tag) =	ssettag $0x2  }
0x478: {  	s0 =	rddreg [dreg:$0x0];
	s2 =	stileid.u32  }
0x479: {  	s1 =	rddreg [dreg:$0x1];
	p0 =	sne.s32 s2, $0x0  }
0x47a: {  	s3 =	rddreg [dreg:$0x2];
	[bflag:$0x3] =	sbarrier.arrive $0xFFFF;
	s2 =	simm.s32 @!p0 $0x1C03  }
0x47b: {  	[timem:s3], [sflag:s2] =	dma.local @!p0 [hbm:s0], s1  }
0x47c: {  	s0 =	simm.s32 @!p0 $0x3  }
0x47d: {  	_ =	swait.ge @!p0 [sflag:s0], s1  }
0x47e: {  	s1 =	ssub.s32 @!p0 $0x0, s1;
	[sflag:s0] =	ssyncset.done @!p0 $0x0  }
0x47f: {  	[sflag:s0] =	ssyncadd.s32 @!p0 s1  }
0x480: {  	[bflag:$0x3] =	sbarrier.arrive $0xFFFF  }
0x481: {  	_ =	shalt  }

</sc_bundles>
